<compile_context>
chip_gen: v7x
topology: tpu7x:2x2x1
jax: 0.10.2.dev20260603
libtpu: 0.0.44.dev20260713+nightly
codegen_flags: <defaults>
</compile_context>

<pallas_src>
import functools

import jax
import jax.numpy as jnp
from jax import lax
from jax.experimental import pallas as pl
from jax.experimental.pallas import tpu as pltpu
from jax.experimental.pallas import tpu_sc as plsc

NC = 2
NS = 16
NW = NC * NS
CHUNK = 128


def _make_sc_deg(T, n_pad, rps, H):
    mesh = plsc.VectorSubcoreMesh(core_axis_name="c", subcore_axis_name="s")

    @functools.partial(
        pl.kernel,
        mesh=mesh,
        out_type=jax.ShapeDtypeStruct((NC, n_pad, H), jnp.float32),
        scratch_types=[
            pltpu.VMEM((T, CHUNK), jnp.int32),
            pltpu.VMEM((CHUNK, H), jnp.float32),
            pltpu.VMEM_SHARED((n_pad, H), jnp.float32),
            pltpu.SemaphoreType.DMA,
        ],
    )
    def deg_kernel(dst3, ones_hbm, zeros_hbm, degp, didx, ones_v, deg_sh,
                   sem):
        c = lax.axis_index("c")
        s = lax.axis_index("s")
        wid = c * NS + s
        pltpu.sync_copy(zeros_hbm, ones_v)
        for z in range(rps // CHUNK):
            pltpu.sync_copy(ones_v, deg_sh.at[pl.ds(s * rps + z * CHUNK,
                                                    CHUNK)])
        pltpu.sync_copy(dst3.at[wid], didx)
        pltpu.sync_copy(ones_hbm, ones_v)
        plsc.subcore_barrier()

        pltpu.async_copy(ones_v, deg_sh.at[didx.at[0]], sem, add=True)

        def body(t, carry):
            pltpu.async_copy(ones_v, deg_sh.at[didx.at[t]], sem, add=True)
            pltpu.make_async_copy(ones_v, deg_sh.at[didx.at[t - 1]],
                                  sem).wait()
            return carry

        lax.fori_loop(1, T, body, 0)
        pltpu.make_async_copy(ones_v, deg_sh.at[didx.at[T - 1]], sem).wait()
        plsc.subcore_barrier()
        pltpu.sync_copy(deg_sh.at[pl.ds(s * rps, rps)],
                        degp.at[c, pl.ds(s * rps, rps)])

    return deg_kernel


def _make_sc_layer(T, n_pad, rps, H):
    mesh = plsc.VectorSubcoreMesh(core_axis_name="c", subcore_axis_name="s")

    assert T % 4 == 0
    TH = T // 2

    @functools.partial(
        pl.kernel,
        mesh=mesh,
        out_type=jax.ShapeDtypeStruct((NC, n_pad, H), jnp.float32),
        scratch_types=[
            pltpu.VMEM((TH, CHUNK), jnp.int32),
            pltpu.VMEM((TH, CHUNK), jnp.int32),
            pltpu.VMEM((CHUNK, H), jnp.float32),
            pltpu.VMEM((CHUNK, H), jnp.float32),
            pltpu.VMEM_SHARED((n_pad, H), jnp.float32),
            pltpu.SemaphoreType.DMA,
            pltpu.SemaphoreType.DMA,
        ],
    )
    def layer_kernel(hs, src3, dst3, zeros_hbm, aggp, sidx, didx, msg_a,
                     msg_b, agg_sh, sem_a, sem_b):
        c = lax.axis_index("c")
        s = lax.axis_index("s")
        wid = c * NS + s
        pltpu.async_copy(src3.at[wid, pl.ds(0, TH)], sidx, sem_a)
        pltpu.async_copy(dst3.at[wid, pl.ds(0, TH)], didx, sem_b)
        pltpu.sync_copy(zeros_hbm, msg_b)
        for z in range(rps // CHUNK):
            pltpu.sync_copy(msg_b, agg_sh.at[pl.ds(s * rps + z * CHUNK,
                                                   CHUNK)])
        pltpu.make_async_copy(src3.at[wid, pl.ds(0, TH)], sidx, sem_a).wait()
        pltpu.make_async_copy(dst3.at[wid, pl.ds(0, TH)], didx, sem_b).wait()
        plsc.subcore_barrier()

        for half in range(2):
            if half:
                pltpu.sync_copy(src3.at[wid, pl.ds(half * TH, TH)], sidx)
                pltpu.sync_copy(dst3.at[wid, pl.ds(half * TH, TH)], didx)

            HB = CHUNK // 2

            def gather(t, msg, sem):
                pltpu.async_copy(hs.at[sidx.at[t, pl.ds(0, HB)]],
                                 msg.at[pl.ds(0, HB)], sem)
                pltpu.async_copy(hs.at[sidx.at[t, pl.ds(HB, HB)]],
                                 msg.at[pl.ds(HB, HB)], sem)

            def gwait(t, msg, sem):
                pltpu.make_async_copy(hs.at[sidx.at[t, pl.ds(0, HB)]],
                                      msg.at[pl.ds(0, HB)], sem).wait()
                pltpu.make_async_copy(hs.at[sidx.at[t, pl.ds(HB, HB)]],
                                      msg.at[pl.ds(HB, HB)], sem).wait()

            gather(0, msg_a, sem_a)

            def body(p, carry):
                t0 = 2 * p
                gwait(t0, msg_a, sem_a)
                gather(t0 + 1, msg_b, sem_b)
                pltpu.sync_copy(msg_a, agg_sh.at[didx.at[t0]], add=True)
                tn = jnp.minimum(t0 + 2, TH - 2)
                gather(tn, msg_a, sem_a)
                gwait(t0 + 1, msg_b, sem_b)
                pltpu.sync_copy(msg_b, agg_sh.at[didx.at[t0 + 1]], add=True)
                return carry

            lax.fori_loop(0, TH // 2, body, 0)
            gwait(TH - 2, msg_a, sem_a)

        plsc.subcore_barrier()
        pltpu.sync_copy(agg_sh.at[pl.ds(s * rps, rps)],
                        aggp.at[c, pl.ds(s * rps, rps)])

    return layer_kernel


def _tc_prep(x0, x1, degp, el, ev, n_pad, br, in_dim, H):
    grid = (n_pad // br,)

    def body(x0_ref, x1_ref, degp_ref, el_ref, ev_ref, hs_ref, isd_ref,
             sde_ref):
        io = lax.broadcasted_iota(jnp.int32, (br, in_dim), 1)
        oh0 = (x0_ref[...][:, None] == io).astype(jnp.float32)
        oh1 = (x1_ref[...][:, None] == io).astype(jnp.float32)
        h = (jnp.dot(oh0, el_ref[...], preferred_element_type=jnp.float32,
                     precision=lax.Precision.HIGHEST)
             + jnp.dot(oh1, ev_ref[...], preferred_element_type=jnp.float32,
                       precision=lax.Precision.HIGHEST))
        deg = jnp.maximum(degp_ref[0, :, 0:1] + degp_ref[1, :, 0:1], 1.0)
        isd = lax.rsqrt(deg)
        hs_ref[...] = h * isd
        isd_ref[...] = isd[:, 0]
        sde_ref[...] = jnp.sqrt(deg)[:, 0]

    return pl.pallas_call(
        body,
        grid=grid,
        in_specs=[
            pl.BlockSpec((br,), lambda i: (i,)),
            pl.BlockSpec((br,), lambda i: (i,)),
            pl.BlockSpec((NC, br, H), lambda i: (0, i, 0)),
            pl.BlockSpec((in_dim, H), lambda i: (0, 0)),
            pl.BlockSpec((in_dim, H), lambda i: (0, 0)),
        ],
        out_specs=[
            pl.BlockSpec((br, H), lambda i: (i, 0)),
            pl.BlockSpec((br,), lambda i: (i,)),
            pl.BlockSpec((br,), lambda i: (i,)),
        ],
        out_shape=[
            jax.ShapeDtypeStruct((n_pad, H), jnp.float32),
            jax.ShapeDtypeStruct((n_pad,), jnp.float32),
            jax.ShapeDtypeStruct((n_pad,), jnp.float32),
        ],
    )(x0, x1, degp, el, ev)


def _layer_math(aggp_ref, hs_ref, isd_ref, sde_ref, w_ref, b_ref, g_ref,
                bb_ref):
    isd = isd_ref[...][:, None]
    agg = (aggp_ref[0] + aggp_ref[1]) * isd
    nh = jnp.dot(agg, w_ref[...], preferred_element_type=jnp.float32,
                 precision=lax.Precision.HIGHEST) + b_ref[...]
    nh = jnp.maximum(nh, 0.0)
    h2 = hs_ref[...] * sde_ref[...][:, None] + nh
    mu = jnp.mean(h2, axis=-1, keepdims=True)
    d = h2 - mu
    var = jnp.mean(d * d, axis=-1, keepdims=True)
    hn = d * lax.rsqrt(var + 1e-5) * g_ref[...] + bb_ref[...]
    return hn, isd


def _tc_layer(aggp, hs, isd, sde, w, b, g, bb, n_pad, br, H):
    grid = (n_pad // br,)

    def body(aggp_ref, hs_ref, isd_ref, sde_ref, w_ref, b_ref, g_ref, bb_ref,
             hs2_ref):
        hn, isd_c = _layer_math(aggp_ref, hs_ref, isd_ref, sde_ref, w_ref,
                                b_ref, g_ref, bb_ref)
        hs2_ref[...] = hn * isd_c

    return pl.pallas_call(
        body,
        grid=grid,
        in_specs=[
            pl.BlockSpec((NC, br, H), lambda i: (0, i, 0)),
            pl.BlockSpec((br, H), lambda i: (i, 0)),
            pl.BlockSpec((br,), lambda i: (i,)),
            pl.BlockSpec((br,), lambda i: (i,)),
            pl.BlockSpec((H, H), lambda i: (0, 0)),
            pl.BlockSpec((H,), lambda i: (0,)),
            pl.BlockSpec((H,), lambda i: (0,)),
            pl.BlockSpec((H,), lambda i: (0,)),
        ],
        out_specs=pl.BlockSpec((br, H), lambda i: (i, 0)),
        out_shape=jax.ShapeDtypeStruct((n_pad, H), jnp.float32),
    )(aggp, hs, isd, sde, w, b, g, bb)


def _tc_final(aggp, hs, isd, sde, w, b, g, bb, wo, bo, maskf, n_pad, br, H,
              out_dim):
    grid = (n_pad // br,)

    def body(aggp_ref, hs_ref, isd_ref, sde_ref, w_ref, b_ref, g_ref, bb_ref,
             wo_ref, bo_ref, m_ref, out_ref):
        hn, _ = _layer_math(aggp_ref, hs_ref, isd_ref, sde_ref, w_ref, b_ref,
                            g_ref, bb_ref)
        out = jnp.dot(hn, wo_ref[...], preferred_element_type=jnp.float32,
                      precision=lax.Precision.HIGHEST) + bo_ref[...]
        out_ref[...] = out * m_ref[...][:, None]

    return pl.pallas_call(
        body,
        grid=grid,
        in_specs=[
            pl.BlockSpec((NC, br, H), lambda i: (0, i, 0)),
            pl.BlockSpec((br, H), lambda i: (i, 0)),
            pl.BlockSpec((br,), lambda i: (i,)),
            pl.BlockSpec((br,), lambda i: (i,)),
            pl.BlockSpec((H, H), lambda i: (0, 0)),
            pl.BlockSpec((H,), lambda i: (0,)),
            pl.BlockSpec((H,), lambda i: (0,)),
            pl.BlockSpec((H,), lambda i: (0,)),
            pl.BlockSpec((H, out_dim), lambda i: (0, 0)),
            pl.BlockSpec((out_dim,), lambda i: (0,)),
            pl.BlockSpec((br,), lambda i: (i,)),
        ],
        out_specs=pl.BlockSpec((br, out_dim), lambda i: (i, 0)),
        out_shape=jax.ShapeDtypeStruct((n_pad, out_dim), jnp.float32),
    )(aggp, hs, isd, sde, w, b, g, bb, wo, bo, maskf)


def kernel(x, edge_index, root_mask, embed_label, embed_value, W, b, ln_scale,
           ln_bias, W_out, b_out):
    N = x.shape[0]
    E = edge_index.shape[1]
    in_dim, H = embed_label.shape
    L = W.shape[0]
    out_dim = W_out.shape[1]

    rps = -(-N // (NS * 64)) * 64
    n_pad = rps * NS
    if n_pad == N:
        rps += 64
        n_pad = rps * NS
    T = -(-E // (NW * CHUNK))
    T = -(-T // 4) * 4
    e_pad = NW * T * CHUNK
    br = 1024 if n_pad % 1024 == 0 else rps
    assert n_pad % br == 0

    src = edge_index[0].astype(jnp.int32)
    dst = edge_index[1].astype(jnp.int32)
    pid = jnp.arange(e_pad - E, dtype=jnp.int32)
    pad_src = jnp.minimum(pid & 8191, N - 1)
    pad_dst = N + (pid & 127)
    assert n_pad - N >= 128
    src3 = jnp.concatenate([src, pad_src]).reshape(NW, T, CHUNK)
    dst3 = jnp.concatenate([dst, pad_dst]).reshape(NW, T, CHUNK)

    assert rps % CHUNK == 0
    onesH = jnp.ones((CHUNK, H), jnp.float32)
    zerosH = jnp.zeros((CHUNK, H), jnp.float32)
    x_pad = jnp.pad(x.astype(jnp.int32), ((0, n_pad - N), (0, 0)))
    maskf = jnp.pad(root_mask.astype(jnp.float32), (0, n_pad - N))

    sc_deg = _make_sc_deg(T, n_pad, rps, H)
    sc_layer = _make_sc_layer(T, n_pad, rps, H)

    degp = sc_deg(dst3, onesH, zerosH)
    hs, isd, sde = _tc_prep(x_pad[:, 0], x_pad[:, 1], degp, embed_label,
                            embed_value, n_pad, br, in_dim, H)
    for i in range(L - 1):
        aggp = sc_layer(hs, src3, dst3, zerosH)
        hs = _tc_layer(aggp, hs, isd, sde, W[i], b[i], ln_scale[i],
                       ln_bias[i], n_pad, br, H)
    aggp = sc_layer(hs, src3, dst3, zerosH)
    out = _tc_final(aggp, hs, isd, sde, W[L - 1], b[L - 1], ln_scale[L - 1],
                    ln_bias[L - 1], W_out, b_out, maskf, n_pad, br, H,
                    out_dim)
    return out[:N]

# --- scband reference (transcript-rebuilt; emitter-appended) ---
"""Pipeline reference for scband-graph-model-7679401525764 (READ-ONLY COPY).

The authoritative reference and input builder live on the scoring server;
editing this copy changes nothing except your own understanding.
"""

import jax, jax.numpy as jnp
import numpy as np

N = 10000
E = 320000
H = 128
L = 4
IN_DIM = 64
OUT_DIM = 32


def setup_inputs(seed: int = 0) -> dict:
    key = jax.random.key(seed)
    ks = jax.random.split(key, 8)
    x = jax.random.randint(ks[0], (N, 2), 0, IN_DIM)
    edge_index = jax.random.randint(ks[1], (2, E), 0, N)
    root_mask = jnp.ones((N,), dtype=bool)
    embed_label = jax.random.normal(ks[2], (IN_DIM, H), dtype=jnp.float32)
    embed_value = jax.random.normal(ks[3], (IN_DIM, H), dtype=jnp.float32)
    W = jax.random.normal(ks[4], (L, H, H), dtype=jnp.float32) * 0.05
    b = jnp.zeros((L, H), dtype=jnp.float32)
    ln_scale = jnp.ones((L, H), dtype=jnp.float32)
    ln_bias = jnp.zeros((L, H), dtype=jnp.float32)
    W_out = jax.random.normal(ks[5], (H, OUT_DIM), dtype=jnp.float32) * 0.05
    b_out = jnp.zeros((OUT_DIM,), dtype=jnp.float32)
    return {"x": x, "edge_index": edge_index, "root_mask": root_mask,
            "embed_label": embed_label, "embed_value": embed_value,
            "W": W, "b": b, "ln_scale": ln_scale, "ln_bias": ln_bias,
            "W_out": W_out, "b_out": b_out}


def _layer_norm(h, scale, bias):
    mu = jnp.mean(h, axis=-1, keepdims=True)
    var = jnp.mean((h - mu) ** 2, axis=-1, keepdims=True)
    return (h - mu) / jnp.sqrt(var + 1e-5) * scale + bias


def reference(x, edge_index, root_mask, embed_label, embed_value, W, b, ln_scale, ln_bias, W_out, b_out):
    # Tree task: label/value embedding lookups (SparseCore gather)
    h = embed_label[x[:, 0]] + embed_value[x[:, 1]]
    src = edge_index[0]
    dst = edge_index[1]
    # GCN symmetric normalization
    deg = jax.ops.segment_sum(jnp.ones((E,), dtype=jnp.float32), dst, num_segments=N)
    deg = jnp.maximum(deg, 1.0)
    inv_sqrt_deg = 1.0 / jnp.sqrt(deg)
    norm = inv_sqrt_deg[src] * inv_sqrt_deg[dst]
    for i in range(L):
        msg = h[src] * norm[:, None]                       # gather over edges
        agg = jax.ops.segment_sum(msg, dst, num_segments=N)  # scatter-add to dst nodes
        new_h = agg @ W[i] + b[i]
        new_h = jax.nn.relu(new_h)          # use_activation
        h = h + new_h                        # use_residual
        h = _layer_norm(h, ln_scale[i], ln_bias[i])  # use_layer_norm
    out = h @ W_out + b_out
    return jnp.where(root_mask[:, None], out, 0.0)

if __name__ == "__main__":
    import jax
    _d = setup_inputs()
    print(jax.jit(kernel)(*tuple(_d.values())))

</pallas_src>

<mosaic_0001>
#map = affine_map<(d0, d1) -> (0, 0)>
#map1 = affine_map<(d0, d1) -> (0, 0, 0)>
module attributes {stable_mosaic.version = 14 : i64} {
  func.func @layer_kernel(%arg0: i32, %arg1: i32, %arg2: memref<10240x128xf32, #tpu.memory_space<hbm>>, %arg3: memref<32x80x128xi32, #tpu.memory_space<hbm>>, %arg4: memref<32x80x128xi32, #tpu.memory_space<hbm>>, %arg5: memref<128x128xf32, #tpu.memory_space<hbm>>, %arg6: memref<2x10240x128xf32, #tpu.memory_space<hbm>>, %arg7: memref<40x128xi32, #tpu.memory_space<vmem>>, %arg8: memref<40x128xi32, #tpu.memory_space<vmem>>, %arg9: memref<128x128xf32, #tpu.memory_space<vmem>>, %arg10: memref<128x128xf32, #tpu.memory_space<vmem>>, %arg11: memref<10240x128xf32, #tpu.memory_space<vmem_shared>>, %arg12: memref<!tpu.dma_semaphore, #tpu.memory_space<semaphore_mem>>, %arg13: memref<!tpu.dma_semaphore, #tpu.memory_space<semaphore_mem>>) attributes {dimension_semantics = [#tpu.dimension_semantics<core_parallel>, #tpu.dimension_semantics<subcore_parallel>], iteration_bounds = array<i64: 2, 16>, scalar_prefetch = 0 : i64, scratch_operands = 7 : i64, tpu.core_type = #tpu.core_type<sc_vector_subcore>, window_params = [{transform_indices = #map}, {transform_indices = #map1}, {transform_indices = #map1}, {transform_indices = #map}, {transform_indices = #map1}]} {
    %mul3A = arith.constant 16 : i32
    %mul3A_0 = arith.muli %arg0, %mul3A : i32
    %add3A = arith.addi %mul3A_0, %arg1 : i32
    %dma_start3A = arith.constant 0 : i32
    %dma_start3A_1 = arith.constant 0 : i32
    %dma_start3A_2 = tpu.memref_slice %arg3[%add3A, %dma_start3A, %dma_start3A_1] : memref<32x80x128xi32, #tpu.memory_space<hbm>> -> memref<1x40x128xi32, #tpu.memory_space<hbm>>
    %dma_start3A_3 = tpu.memref_squeeze %dma_start3A_2 : memref<1x40x128xi32, #tpu.memory_space<hbm>> -> memref<40x128xi32, #tpu.memory_space<hbm>>
    %dma_start3A_4 = arith.constant 0 : i32
    %dma_start3A_5 = arith.constant 0 : i32
    %dma_start3A_6 = tpu.memref_slice %arg3[%add3A, %dma_start3A_4, %dma_start3A_5] : memref<32x80x128xi32, #tpu.memory_space<hbm>> -> memref<1x40x128xi32, #tpu.memory_space<hbm>>
    %dma_start3A_7 = tpu.memref_squeeze %dma_start3A_6 : memref<1x40x128xi32, #tpu.memory_space<hbm>> -> memref<40x128xi32, #tpu.memory_space<hbm>>
    tpu.enqueue_dma source(%dma_start3A_7 : memref<40x128xi32, #tpu.memory_space<hbm>>) target(%arg7 : memref<40x128xi32, #tpu.memory_space<vmem>>) target_semaphore(%arg12 : memref<!tpu.dma_semaphore, #tpu.memory_space<semaphore_mem>>)
    %dma_start3A_8 = arith.constant 0 : i32
    %dma_start3A_9 = arith.constant 0 : i32
    %dma_start3A_10 = tpu.memref_slice %arg4[%add3A, %dma_start3A_8, %dma_start3A_9] : memref<32x80x128xi32, #tpu.memory_space<hbm>> -> memref<1x40x128xi32, #tpu.memory_space<hbm>>
    %dma_start3A_11 = tpu.memref_squeeze %dma_start3A_10 : memref<1x40x128xi32, #tpu.memory_space<hbm>> -> memref<40x128xi32, #tpu.memory_space<hbm>>
    %dma_start3A_12 = arith.constant 0 : i32
    %dma_start3A_13 = arith.constant 0 : i32
    %dma_start3A_14 = tpu.memref_slice %arg4[%add3A, %dma_start3A_12, %dma_start3A_13] : memref<32x80x128xi32, #tpu.memory_space<hbm>> -> memref<1x40x128xi32, #tpu.memory_space<hbm>>
    %dma_start3A_15 = tpu.memref_squeeze %dma_start3A_14 : memref<1x40x128xi32, #tpu.memory_space<hbm>> -> memref<40x128xi32, #tpu.memory_space<hbm>>
    tpu.enqueue_dma source(%dma_start3A_15 : memref<40x128xi32, #tpu.memory_space<hbm>>) target(%arg8 : memref<40x128xi32, #tpu.memory_space<vmem>>) target_semaphore(%arg13 : memref<!tpu.dma_semaphore, #tpu.memory_space<semaphore_mem>>)
    "tpu.region"() ({
      %run_scoped3A = tpu.sem_alloc : memref<!tpu.dma_semaphore, #tpu.memory_space<semaphore_mem>>
      tpu.enqueue_dma source(%arg5 : memref<128x128xf32, #tpu.memory_space<hbm>>) target(%arg10 : memref<128x128xf32, #tpu.memory_space<vmem>>) target_semaphore(%run_scoped3A : memref<!tpu.dma_semaphore, #tpu.memory_space<semaphore_mem>>)
      tpu.wait_dma2 semaphore(%run_scoped3A : memref<!tpu.dma_semaphore, #tpu.memory_space<semaphore_mem>>) src(%arg5 : memref<128x128xf32, #tpu.memory_space<hbm>>) dst(%arg10 : memref<128x128xf32, #tpu.memory_space<vmem>>)
      tpu.yield
    }) : () -> ()
    %mul3A_16 = arith.constant 640 : i32
    %mul3A_17 = arith.muli %arg1, %mul3A_16 : i32
    %add3A_18 = arith.constant 0 : i32
    %add3A_19 = arith.addi %mul3A_17, %add3A_18 : i32
    "tpu.region"() ({
      %run_scoped3A = tpu.sem_alloc : memref<!tpu.dma_semaphore, #tpu.memory_space<semaphore_mem>>
      %dma_start3A_147 = arith.constant 0 : i32
      %dma_start3A_148 = tpu.memref_slice %arg11[%add3A_19, %dma_start3A_147] : memref<10240x128xf32, #tpu.memory_space<vmem_shared>> -> memref<128x128xf32, #tpu.memory_space<vmem_shared>>
      %dma_start3A_149 = arith.constant 0 : i32
      %dma_start3A_150 = tpu.memref_slice %arg11[%add3A_19, %dma_start3A_149] : memref<10240x128xf32, #tpu.memory_space<vmem_shared>> -> memref<128x128xf32, #tpu.memory_space<vmem_shared>>
      tpu.enqueue_dma source(%arg10 : memref<128x128xf32, #tpu.memory_space<vmem>>) target(%dma_start3A_150 : memref<128x128xf32, #tpu.memory_space<vmem_shared>>) target_semaphore(%run_scoped3A : memref<!tpu.dma_semaphore, #tpu.memory_space<semaphore_mem>>)
      %dma_wait3A_151 = arith.constant 0 : i32
      %dma_wait3A_152 = tpu.memref_slice %arg11[%add3A_19, %dma_wait3A_151] : memref<10240x128xf32, #tpu.memory_space<vmem_shared>> -> memref<128x128xf32, #tpu.memory_space<vmem_shared>>
      %dma_wait3A_153 = arith.constant 0 : i32
      %dma_wait3A_154 = tpu.memref_slice %arg11[%add3A_19, %dma_wait3A_153] : memref<10240x128xf32, #tpu.memory_space<vmem_shared>> -> memref<128x128xf32, #tpu.memory_space<vmem_shared>>
      tpu.wait_dma2 semaphore(%run_scoped3A : memref<!tpu.dma_semaphore, #tpu.memory_space<semaphore_mem>>) src(%arg10 : memref<128x128xf32, #tpu.memory_space<vmem>>) dst(%dma_wait3A_154 : memref<128x128xf32, #tpu.memory_space<vmem_shared>>)
      tpu.yield
    }) : () -> ()
    %mul3A_20 = arith.constant 640 : i32
    %mul3A_21 = arith.muli %arg1, %mul3A_20 : i32
    %add3A_22 = arith.constant 128 : i32
    %add3A_23 = arith.addi %mul3A_21, %add3A_22 : i32
    "tpu.region"() ({
      %run_scoped3A = tpu.sem_alloc : memref<!tpu.dma_semaphore, #tpu.memory_space<semaphore_mem>>
      %dma_start3A_147 = arith.constant 0 : i32
      %dma_start3A_148 = tpu.memref_slice %arg11[%add3A_23, %dma_start3A_147] : memref<10240x128xf32, #tpu.memory_space<vmem_shared>> -> memref<128x128xf32, #tpu.memory_space<vmem_shared>>
      %dma_start3A_149 = arith.constant 0 : i32
      %dma_start3A_150 = tpu.memref_slice %arg11[%add3A_23, %dma_start3A_149] : memref<10240x128xf32, #tpu.memory_space<vmem_shared>> -> memref<128x128xf32, #tpu.memory_space<vmem_shared>>
      tpu.enqueue_dma source(%arg10 : memref<128x128xf32, #tpu.memory_space<vmem>>) target(%dma_start3A_150 : memref<128x128xf32, #tpu.memory_space<vmem_shared>>) target_semaphore(%run_scoped3A : memref<!tpu.dma_semaphore, #tpu.memory_space<semaphore_mem>>)
      %dma_wait3A_151 = arith.constant 0 : i32
      %dma_wait3A_152 = tpu.memref_slice %arg11[%add3A_23, %dma_wait3A_151] : memref<10240x128xf32, #tpu.memory_space<vmem_shared>> -> memref<128x128xf32, #tpu.memory_space<vmem_shared>>
      %dma_wait3A_153 = arith.constant 0 : i32
      %dma_wait3A_154 = tpu.memref_slice %arg11[%add3A_23, %dma_wait3A_153] : memref<10240x128xf32, #tpu.memory_space<vmem_shared>> -> memref<128x128xf32, #tpu.memory_space<vmem_shared>>
      tpu.wait_dma2 semaphore(%run_scoped3A : memref<!tpu.dma_semaphore, #tpu.memory_space<semaphore_mem>>) src(%arg10 : memref<128x128xf32, #tpu.memory_space<vmem>>) dst(%dma_wait3A_154 : memref<128x128xf32, #tpu.memory_space<vmem_shared>>)
      tpu.yield
    }) : () -> ()
    %mul3A_24 = arith.constant 640 : i32
    %mul3A_25 = arith.muli %arg1, %mul3A_24 : i32
    %add3A_26 = arith.constant 256 : i32
    %add3A_27 = arith.addi %mul3A_25, %add3A_26 : i32
    "tpu.region"() ({
      %run_scoped3A = tpu.sem_alloc : memref<!tpu.dma_semaphore, #tpu.memory_space<semaphore_mem>>
      %dma_start3A_147 = arith.constant 0 : i32
      %dma_start3A_148 = tpu.memref_slice %arg11[%add3A_27, %dma_start3A_147] : memref<10240x128xf32, #tpu.memory_space<vmem_shared>> -> memref<128x128xf32, #tpu.memory_space<vmem_shared>>
      %dma_start3A_149 = arith.constant 0 : i32
      %dma_start3A_150 = tpu.memref_slice %arg11[%add3A_27, %dma_start3A_149] : memref<10240x128xf32, #tpu.memory_space<vmem_shared>> -> memref<128x128xf32, #tpu.memory_space<vmem_shared>>
      tpu.enqueue_dma source(%arg10 : memref<128x128xf32, #tpu.memory_space<vmem>>) target(%dma_start3A_150 : memref<128x128xf32, #tpu.memory_space<vmem_shared>>) target_semaphore(%run_scoped3A : memref<!tpu.dma_semaphore, #tpu.memory_space<semaphore_mem>>)
      %dma_wait3A_151 = arith.constant 0 : i32
      %dma_wait3A_152 = tpu.memref_slice %arg11[%add3A_27, %dma_wait3A_151] : memref<10240x128xf32, #tpu.memory_space<vmem_shared>> -> memref<128x128xf32, #tpu.memory_space<vmem_shared>>
      %dma_wait3A_153 = arith.constant 0 : i32
      %dma_wait3A_154 = tpu.memref_slice %arg11[%add3A_27, %dma_wait3A_153] : memref<10240x128xf32, #tpu.memory_space<vmem_shared>> -> memref<128x128xf32, #tpu.memory_space<vmem_shared>>
      tpu.wait_dma2 semaphore(%run_scoped3A : memref<!tpu.dma_semaphore, #tpu.memory_space<semaphore_mem>>) src(%arg10 : memref<128x128xf32, #tpu.memory_space<vmem>>) dst(%dma_wait3A_154 : memref<128x128xf32, #tpu.memory_space<vmem_shared>>)
      tpu.yield
    }) : () -> ()
    %mul3A_28 = arith.constant 640 : i32
    %mul3A_29 = arith.muli %arg1, %mul3A_28 : i32
    %add3A_30 = arith.constant 384 : i32
    %add3A_31 = arith.addi %mul3A_29, %add3A_30 : i32
    "tpu.region"() ({
      %run_scoped3A = tpu.sem_alloc : memref<!tpu.dma_semaphore, #tpu.memory_space<semaphore_mem>>
      %dma_start3A_147 = arith.constant 0 : i32
      %dma_start3A_148 = tpu.memref_slice %arg11[%add3A_31, %dma_start3A_147] : memref<10240x128xf32, #tpu.memory_space<vmem_shared>> -> memref<128x128xf32, #tpu.memory_space<vmem_shared>>
      %dma_start3A_149 = arith.constant 0 : i32
      %dma_start3A_150 = tpu.memref_slice %arg11[%add3A_31, %dma_start3A_149] : memref<10240x128xf32, #tpu.memory_space<vmem_shared>> -> memref<128x128xf32, #tpu.memory_space<vmem_shared>>
      tpu.enqueue_dma source(%arg10 : memref<128x128xf32, #tpu.memory_space<vmem>>) target(%dma_start3A_150 : memref<128x128xf32, #tpu.memory_space<vmem_shared>>) target_semaphore(%run_scoped3A : memref<!tpu.dma_semaphore, #tpu.memory_space<semaphore_mem>>)
      %dma_wait3A_151 = arith.constant 0 : i32
      %dma_wait3A_152 = tpu.memref_slice %arg11[%add3A_31, %dma_wait3A_151] : memref<10240x128xf32, #tpu.memory_space<vmem_shared>> -> memref<128x128xf32, #tpu.memory_space<vmem_shared>>
      %dma_wait3A_153 = arith.constant 0 : i32
      %dma_wait3A_154 = tpu.memref_slice %arg11[%add3A_31, %dma_wait3A_153] : memref<10240x128xf32, #tpu.memory_space<vmem_shared>> -> memref<128x128xf32, #tpu.memory_space<vmem_shared>>
      tpu.wait_dma2 semaphore(%run_scoped3A : memref<!tpu.dma_semaphore, #tpu.memory_space<semaphore_mem>>) src(%arg10 : memref<128x128xf32, #tpu.memory_space<vmem>>) dst(%dma_wait3A_154 : memref<128x128xf32, #tpu.memory_space<vmem_shared>>)
      tpu.yield
    }) : () -> ()
    %mul3A_32 = arith.constant 640 : i32
    %mul3A_33 = arith.muli %arg1, %mul3A_32 : i32
    %add3A_34 = arith.constant 512 : i32
    %add3A_35 = arith.addi %mul3A_33, %add3A_34 : i32
    "tpu.region"() ({
      %run_scoped3A = tpu.sem_alloc : memref<!tpu.dma_semaphore, #tpu.memory_space<semaphore_mem>>
      %dma_start3A_147 = arith.constant 0 : i32
      %dma_start3A_148 = tpu.memref_slice %arg11[%add3A_35, %dma_start3A_147] : memref<10240x128xf32, #tpu.memory_space<vmem_shared>> -> memref<128x128xf32, #tpu.memory_space<vmem_shared>>
      %dma_start3A_149 = arith.constant 0 : i32
      %dma_start3A_150 = tpu.memref_slice %arg11[%add3A_35, %dma_start3A_149] : memref<10240x128xf32, #tpu.memory_space<vmem_shared>> -> memref<128x128xf32, #tpu.memory_space<vmem_shared>>
      tpu.enqueue_dma source(%arg10 : memref<128x128xf32, #tpu.memory_space<vmem>>) target(%dma_start3A_150 : memref<128x128xf32, #tpu.memory_space<vmem_shared>>) target_semaphore(%run_scoped3A : memref<!tpu.dma_semaphore, #tpu.memory_space<semaphore_mem>>)
      %dma_wait3A_151 = arith.constant 0 : i32
      %dma_wait3A_152 = tpu.memref_slice %arg11[%add3A_35, %dma_wait3A_151] : memref<10240x128xf32, #tpu.memory_space<vmem_shared>> -> memref<128x128xf32, #tpu.memory_space<vmem_shared>>
      %dma_wait3A_153 = arith.constant 0 : i32
      %dma_wait3A_154 = tpu.memref_slice %arg11[%add3A_35, %dma_wait3A_153] : memref<10240x128xf32, #tpu.memory_space<vmem_shared>> -> memref<128x128xf32, #tpu.memory_space<vmem_shared>>
      tpu.wait_dma2 semaphore(%run_scoped3A : memref<!tpu.dma_semaphore, #tpu.memory_space<semaphore_mem>>) src(%arg10 : memref<128x128xf32, #tpu.memory_space<vmem>>) dst(%dma_wait3A_154 : memref<128x128xf32, #tpu.memory_space<vmem_shared>>)
      tpu.yield
    }) : () -> ()
    %dma_wait3A = arith.constant 0 : i32
    %dma_wait3A_36 = arith.constant 0 : i32
    %dma_wait3A_37 = tpu.memref_slice %arg3[%add3A, %dma_wait3A, %dma_wait3A_36] : memref<32x80x128xi32, #tpu.memory_space<hbm>> -> memref<1x40x128xi32, #tpu.memory_space<hbm>>
    %dma_wait3A_38 = tpu.memref_squeeze %dma_wait3A_37 : memref<1x40x128xi32, #tpu.memory_space<hbm>> -> memref<40x128xi32, #tpu.memory_space<hbm>>
    %dma_wait3A_39 = arith.constant 0 : i32
    %dma_wait3A_40 = arith.constant 0 : i32
    %dma_wait3A_41 = tpu.memref_slice %arg3[%add3A, %dma_wait3A_39, %dma_wait3A_40] : memref<32x80x128xi32, #tpu.memory_space<hbm>> -> memref<1x40x128xi32, #tpu.memory_space<hbm>>
    %dma_wait3A_42 = tpu.memref_squeeze %dma_wait3A_41 : memref<1x40x128xi32, #tpu.memory_space<hbm>> -> memref<40x128xi32, #tpu.memory_space<hbm>>
    tpu.wait_dma2 semaphore(%arg12 : memref<!tpu.dma_semaphore, #tpu.memory_space<semaphore_mem>>) src(%dma_wait3A_42 : memref<40x128xi32, #tpu.memory_space<hbm>>) dst(%arg7 : memref<40x128xi32, #tpu.memory_space<vmem>>)
    %dma_wait3A_43 = arith.constant 0 : i32
    %dma_wait3A_44 = arith.constant 0 : i32
    %dma_wait3A_45 = tpu.memref_slice %arg4[%add3A, %dma_wait3A_43, %dma_wait3A_44] : memref<32x80x128xi32, #tpu.memory_space<hbm>> -> memref<1x40x128xi32, #tpu.memory_space<hbm>>
    %dma_wait3A_46 = tpu.memref_squeeze %dma_wait3A_45 : memref<1x40x128xi32, #tpu.memory_space<hbm>> -> memref<40x128xi32, #tpu.memory_space<hbm>>
    %dma_wait3A_47 = arith.constant 0 : i32
    %dma_wait3A_48 = arith.constant 0 : i32
    %dma_wait3A_49 = tpu.memref_slice %arg4[%add3A, %dma_wait3A_47, %dma_wait3A_48] : memref<32x80x128xi32, #tpu.memory_space<hbm>> -> memref<1x40x128xi32, #tpu.memory_space<hbm>>
    %dma_wait3A_50 = tpu.memref_squeeze %dma_wait3A_49 : memref<1x40x128xi32, #tpu.memory_space<hbm>> -> memref<40x128xi32, #tpu.memory_space<hbm>>
    tpu.wait_dma2 semaphore(%arg13 : memref<!tpu.dma_semaphore, #tpu.memory_space<semaphore_mem>>) src(%dma_wait3A_50 : memref<40x128xi32, #tpu.memory_space<hbm>>) dst(%arg8 : memref<40x128xi32, #tpu.memory_space<vmem>>)
    %barrier3A = arith.constant 0 : index
    tpu.barrier barrier_id(%barrier3A)
    %dma_start3A_51 = arith.constant 0 : i32
    %dma_start3A_52 = arith.constant 0 : i32
    %dma_start3A_53 = arith.constant 0 : i32
    %dma_start3A_54 = tpu.memref_slice %arg9[%dma_start3A_52, %dma_start3A_53] : memref<128x128xf32, #tpu.memory_space<vmem>> -> memref<64x128xf32, #tpu.memory_space<vmem>>
    %dma_start3A_55 = arith.constant 0 : i32
    %dma_start3A_56 = tpu.memref_slice %arg7[%dma_start3A_51, %dma_start3A_55] : memref<40x128xi32, #tpu.memory_space<vmem>> -> memref<1x64xi32, #tpu.memory_space<vmem>>
    %dma_start3A_57 = tpu.memref_squeeze %dma_start3A_56 : memref<1x64xi32, #tpu.memory_space<vmem>> -> memref<64xi32, #tpu.memory_space<vmem>>
    %dma_start3A_58 = arith.constant 0 : i32
    %dma_start3A_59 = arith.constant 0 : i32
    %dma_start3A_60 = tpu.memref_slice %arg2[%dma_start3A_58, %dma_start3A_59] : memref<10240x128xf32, #tpu.memory_space<hbm>> -> memref<10240x128xf32, #tpu.memory_space<hbm>>
    tpu.enqueue_indirect_dma source(%dma_start3A_60 : memref<10240x128xf32, #tpu.memory_space<hbm>>) target(%dma_start3A_54 : memref<64x128xf32, #tpu.memory_space<vmem>>) offsets(%dma_start3A_57 : memref<64xi32, #tpu.memory_space<vmem>>) semaphore(%arg12 : memref<!tpu.dma_semaphore, #tpu.memory_space<semaphore_mem>>)
    %dma_start3A_61 = arith.constant 0 : i32
    %dma_start3A_62 = arith.constant 64 : i32
    %dma_start3A_63 = arith.constant 0 : i32
    %dma_start3A_64 = tpu.memref_slice %arg9[%dma_start3A_62, %dma_start3A_63] : memref<128x128xf32, #tpu.memory_space<vmem>> -> memref<64x128xf32, #tpu.memory_space<vmem>>
    %dma_start3A_65 = arith.constant 64 : i32
    %dma_start3A_66 = tpu.memref_slice %arg7[%dma_start3A_61, %dma_start3A_65] : memref<40x128xi32, #tpu.memory_space<vmem>> -> memref<1x64xi32, #tpu.memory_space<vmem>>
    %dma_start3A_67 = tpu.memref_squeeze %dma_start3A_66 : memref<1x64xi32, #tpu.memory_space<vmem>> -> memref<64xi32, #tpu.memory_space<vmem>>
    %dma_start3A_68 = arith.constant 0 : i32
    %dma_start3A_69 = arith.constant 0 : i32
    %dma_start3A_70 = tpu.memref_slice %arg2[%dma_start3A_68, %dma_start3A_69] : memref<10240x128xf32, #tpu.memory_space<hbm>> -> memref<10240x128xf32, #tpu.memory_space<hbm>>
    tpu.enqueue_indirect_dma source(%dma_start3A_70 : memref<10240x128xf32, #tpu.memory_space<hbm>>) target(%dma_start3A_64 : memref<64x128xf32, #tpu.memory_space<vmem>>) offsets(%dma_start3A_67 : memref<64xi32, #tpu.memory_space<vmem>>) semaphore(%arg12 : memref<!tpu.dma_semaphore, #tpu.memory_space<semaphore_mem>>)
    %scan3A = arith.constant 0 : i32
    %scan3A_71 = arith.constant 0 : i32
    %scan3A_72 = arith.constant 20 : i32
    %scan3A_73 = arith.addi %scan3A_71, %scan3A_72 : i32
    %scan3A_74 = arith.constant 1 : i32
    scf.for %scan3A_147 = %scan3A_71 to %scan3A_73 step %scan3A_74  : i32 {
      %mul3A_148 = arith.constant 2 : i32
      %mul3A_149 = arith.muli %mul3A_148, %scan3A_147 : i32
      %dma_wait3A_150 = arith.constant 0 : i32
      %dma_wait3A_151 = arith.constant 0 : i32
      %dma_wait3A_152 = tpu.memref_slice %arg9[%dma_wait3A_150, %dma_wait3A_151] : memref<128x128xf32, #tpu.memory_space<vmem>> -> memref<64x128xf32, #tpu.memory_space<vmem>>
      %dma_wait3A_153 = arith.constant 0 : i32
      %dma_wait3A_154 = tpu.memref_slice %arg7[%mul3A_149, %dma_wait3A_153] : memref<40x128xi32, #tpu.memory_space<vmem>> -> memref<1x64xi32, #tpu.memory_space<vmem>>
      %dma_wait3A_155 = tpu.memref_squeeze %dma_wait3A_154 : memref<1x64xi32, #tpu.memory_space<vmem>> -> memref<64xi32, #tpu.memory_space<vmem>>
      %dma_wait3A_156 = arith.constant 0 : i32
      %dma_wait3A_157 = arith.constant 0 : i32
      %dma_wait3A_158 = tpu.memref_slice %arg2[%dma_wait3A_156, %dma_wait3A_157] : memref<10240x128xf32, #tpu.memory_space<hbm>> -> memref<10240x128xf32, #tpu.memory_space<hbm>>
      tpu.wait_indirect_dma semaphore(%arg12 : memref<!tpu.dma_semaphore, #tpu.memory_space<semaphore_mem>>) src(%dma_wait3A_158 : memref<10240x128xf32, #tpu.memory_space<hbm>>) dst(%dma_wait3A_152 : memref<64x128xf32, #tpu.memory_space<vmem>>)
      %dma_wait3A_159 = arith.constant 64 : i32
      %dma_wait3A_160 = arith.constant 0 : i32
      %dma_wait3A_161 = tpu.memref_slice %arg9[%dma_wait3A_159, %dma_wait3A_160] : memref<128x128xf32, #tpu.memory_space<vmem>> -> memref<64x128xf32, #tpu.memory_space<vmem>>
      %dma_wait3A_162 = arith.constant 64 : i32
      %dma_wait3A_163 = tpu.memref_slice %arg7[%mul3A_149, %dma_wait3A_162] : memref<40x128xi32, #tpu.memory_space<vmem>> -> memref<1x64xi32, #tpu.memory_space<vmem>>
      %dma_wait3A_164 = tpu.memref_squeeze %dma_wait3A_163 : memref<1x64xi32, #tpu.memory_space<vmem>> -> memref<64xi32, #tpu.memory_space<vmem>>
      %dma_wait3A_165 = arith.constant 0 : i32
      %dma_wait3A_166 = arith.constant 0 : i32
      %dma_wait3A_167 = tpu.memref_slice %arg2[%dma_wait3A_165, %dma_wait3A_166] : memref<10240x128xf32, #tpu.memory_space<hbm>> -> memref<10240x128xf32, #tpu.memory_space<hbm>>
      tpu.wait_indirect_dma semaphore(%arg12 : memref<!tpu.dma_semaphore, #tpu.memory_space<semaphore_mem>>) src(%dma_wait3A_167 : memref<10240x128xf32, #tpu.memory_space<hbm>>) dst(%dma_wait3A_161 : memref<64x128xf32, #tpu.memory_space<vmem>>)
      %add3A_168 = arith.constant 1 : i32
      %add3A_169 = arith.addi %mul3A_149, %add3A_168 : i32
      %dma_start3A_170 = arith.constant 0 : i32
      %dma_start3A_171 = arith.constant 0 : i32
      %dma_start3A_172 = tpu.memref_slice %arg10[%dma_start3A_170, %dma_start3A_171] : memref<128x128xf32, #tpu.memory_space<vmem>> -> memref<64x128xf32, #tpu.memory_space<vmem>>
      %dma_start3A_173 = arith.constant 0 : i32
      %dma_start3A_174 = tpu.memref_slice %arg7[%add3A_169, %dma_start3A_173] : memref<40x128xi32, #tpu.memory_space<vmem>> -> memref<1x64xi32, #tpu.memory_space<vmem>>
      %dma_start3A_175 = tpu.memref_squeeze %dma_start3A_174 : memref<1x64xi32, #tpu.memory_space<vmem>> -> memref<64xi32, #tpu.memory_space<vmem>>
      %dma_start3A_176 = arith.constant 0 : i32
      %dma_start3A_177 = arith.constant 0 : i32
      %dma_start3A_178 = tpu.memref_slice %arg2[%dma_start3A_176, %dma_start3A_177] : memref<10240x128xf32, #tpu.memory_space<hbm>> -> memref<10240x128xf32, #tpu.memory_space<hbm>>
      tpu.enqueue_indirect_dma source(%dma_start3A_178 : memref<10240x128xf32, #tpu.memory_space<hbm>>) target(%dma_start3A_172 : memref<64x128xf32, #tpu.memory_space<vmem>>) offsets(%dma_start3A_175 : memref<64xi32, #tpu.memory_space<vmem>>) semaphore(%arg13 : memref<!tpu.dma_semaphore, #tpu.memory_space<semaphore_mem>>)
      %dma_start3A_179 = arith.constant 64 : i32
      %dma_start3A_180 = arith.constant 0 : i32
      %dma_start3A_181 = tpu.memref_slice %arg10[%dma_start3A_179, %dma_start3A_180] : memref<128x128xf32, #tpu.memory_space<vmem>> -> memref<64x128xf32, #tpu.memory_space<vmem>>
      %dma_start3A_182 = arith.constant 64 : i32
      %dma_start3A_183 = tpu.memref_slice %arg7[%add3A_169, %dma_start3A_182] : memref<40x128xi32, #tpu.memory_space<vmem>> -> memref<1x64xi32, #tpu.memory_space<vmem>>
      %dma_start3A_184 = tpu.memref_squeeze %dma_start3A_183 : memref<1x64xi32, #tpu.memory_space<vmem>> -> memref<64xi32, #tpu.memory_space<vmem>>
      %dma_start3A_185 = arith.constant 0 : i32
      %dma_start3A_186 = arith.constant 0 : i32
      %dma_start3A_187 = tpu.memref_slice %arg2[%dma_start3A_185, %dma_start3A_186] : memref<10240x128xf32, #tpu.memory_space<hbm>> -> memref<10240x128xf32, #tpu.memory_space<hbm>>
      tpu.enqueue_indirect_dma source(%dma_start3A_187 : memref<10240x128xf32, #tpu.memory_space<hbm>>) target(%dma_start3A_181 : memref<64x128xf32, #tpu.memory_space<vmem>>) offsets(%dma_start3A_184 : memref<64xi32, #tpu.memory_space<vmem>>) semaphore(%arg13 : memref<!tpu.dma_semaphore, #tpu.memory_space<semaphore_mem>>)
      "tpu.region"() ({
        %run_scoped3A = tpu.sem_alloc : memref<!tpu.dma_semaphore, #tpu.memory_space<semaphore_mem>>
        %dma_start3A_231 = arith.constant 0 : i32
        %dma_start3A_232 = tpu.memref_slice %arg8[%mul3A_149, %dma_start3A_231] : memref<40x128xi32, #tpu.memory_space<vmem>> -> memref<1x128xi32, #tpu.memory_space<vmem>>
        %dma_start3A_233 = tpu.memref_squeeze %dma_start3A_232 : memref<1x128xi32, #tpu.memory_space<vmem>> -> memref<128xi32, #tpu.memory_space<vmem>>
        %dma_start3A_234 = arith.constant 0 : i32
        %dma_start3A_235 = arith.constant 0 : i32
        %dma_start3A_236 = tpu.memref_slice %arg11[%dma_start3A_234, %dma_start3A_235] : memref<10240x128xf32, #tpu.memory_space<vmem_shared>> -> memref<10240x128xf32, #tpu.memory_space<vmem_shared>>
        tpu.enqueue_indirect_dma source(%arg9 : memref<128x128xf32, #tpu.memory_space<vmem>>) target(%dma_start3A_236 : memref<10240x128xf32, #tpu.memory_space<vmem_shared>>) offsets(%dma_start3A_233 : memref<128xi32, #tpu.memory_space<vmem>>) semaphore(%run_scoped3A : memref<!tpu.dma_semaphore, #tpu.memory_space<semaphore_mem>>) {add = true}
        %dma_wait3A_237 = arith.constant 0 : i32
        %dma_wait3A_238 = tpu.memref_slice %arg8[%mul3A_149, %dma_wait3A_237] : memref<40x128xi32, #tpu.memory_space<vmem>> -> memref<1x128xi32, #tpu.memory_space<vmem>>
        %dma_wait3A_239 = tpu.memref_squeeze %dma_wait3A_238 : memref<1x128xi32, #tpu.memory_space<vmem>> -> memref<128xi32, #tpu.memory_space<vmem>>
        %dma_wait3A_240 = arith.constant 0 : i32
        %dma_wait3A_241 = arith.constant 0 : i32
        %dma_wait3A_242 = tpu.memref_slice %arg11[%dma_wait3A_240, %dma_wait3A_241] : memref<10240x128xf32, #tpu.memory_space<vmem_shared>> -> memref<10240x128xf32, #tpu.memory_space<vmem_shared>>
        tpu.wait_indirect_dma semaphore(%run_scoped3A : memref<!tpu.dma_semaphore, #tpu.memory_space<semaphore_mem>>) src(%arg9 : memref<128x128xf32, #tpu.memory_space<vmem>>) dst(%dma_wait3A_242 : memref<10240x128xf32, #tpu.memory_space<vmem_shared>>)
        tpu.yield
      }) : () -> ()
      %add3A_188 = arith.constant 2 : i32
      %add3A_189 = arith.addi %mul3A_149, %add3A_188 : i32
      %min3A = arith.constant 38 : i32
      %min3A_190 = arith.minsi %add3A_189, %min3A : i32
      %dma_start3A_191 = arith.constant 0 : i32
      %dma_start3A_192 = arith.constant 0 : i32
      %dma_start3A_193 = tpu.memref_slice %arg9[%dma_start3A_191, %dma_start3A_192] : memref<128x128xf32, #tpu.memory_space<vmem>> -> memref<64x128xf32, #tpu.memory_space<vmem>>
      %dma_start3A_194 = arith.constant 0 : i32
      %dma_start3A_195 = tpu.memref_slice %arg7[%min3A_190, %dma_start3A_194] : memref<40x128xi32, #tpu.memory_space<vmem>> -> memref<1x64xi32, #tpu.memory_space<vmem>>
      %dma_start3A_196 = tpu.memref_squeeze %dma_start3A_195 : memref<1x64xi32, #tpu.memory_space<vmem>> -> memref<64xi32, #tpu.memory_space<vmem>>
      %dma_start3A_197 = arith.constant 0 : i32
      %dma_start3A_198 = arith.constant 0 : i32
      %dma_start3A_199 = tpu.memref_slice %arg2[%dma_start3A_197, %dma_start3A_198] : memref<10240x128xf32, #tpu.memory_space<hbm>> -> memref<10240x128xf32, #tpu.memory_space<hbm>>
      tpu.enqueue_indirect_dma source(%dma_start3A_199 : memref<10240x128xf32, #tpu.memory_space<hbm>>) target(%dma_start3A_193 : memref<64x128xf32, #tpu.memory_space<vmem>>) offsets(%dma_start3A_196 : memref<64xi32, #tpu.memory_space<vmem>>) semaphore(%arg12 : memref<!tpu.dma_semaphore, #tpu.memory_space<semaphore_mem>>)
      %dma_start3A_200 = arith.constant 64 : i32
      %dma_start3A_201 = arith.constant 0 : i32
      %dma_start3A_202 = tpu.memref_slice %arg9[%dma_start3A_200, %dma_start3A_201] : memref<128x128xf32, #tpu.memory_space<vmem>> -> memref<64x128xf32, #tpu.memory_space<vmem>>
      %dma_start3A_203 = arith.constant 64 : i32
      %dma_start3A_204 = tpu.memref_slice %arg7[%min3A_190, %dma_start3A_203] : memref<40x128xi32, #tpu.memory_space<vmem>> -> memref<1x64xi32, #tpu.memory_space<vmem>>
      %dma_start3A_205 = tpu.memref_squeeze %dma_start3A_204 : memref<1x64xi32, #tpu.memory_space<vmem>> -> memref<64xi32, #tpu.memory_space<vmem>>
      %dma_start3A_206 = arith.constant 0 : i32
      %dma_start3A_207 = arith.constant 0 : i32
      %dma_start3A_208 = tpu.memref_slice %arg2[%dma_start3A_206, %dma_start3A_207] : memref<10240x128xf32, #tpu.memory_space<hbm>> -> memref<10240x128xf32, #tpu.memory_space<hbm>>
      tpu.enqueue_indirect_dma source(%dma_start3A_208 : memref<10240x128xf32, #tpu.memory_space<hbm>>) target(%dma_start3A_202 : memref<64x128xf32, #tpu.memory_space<vmem>>) offsets(%dma_start3A_205 : memref<64xi32, #tpu.memory_space<vmem>>) semaphore(%arg12 : memref<!tpu.dma_semaphore, #tpu.memory_space<semaphore_mem>>)
      %add3A_209 = arith.constant 1 : i32
      %add3A_210 = arith.addi %mul3A_149, %add3A_209 : i32
      %dma_wait3A_211 = arith.constant 0 : i32
      %dma_wait3A_212 = arith.constant 0 : i32
      %dma_wait3A_213 = tpu.memref_slice %arg10[%dma_wait3A_211, %dma_wait3A_212] : memref<128x128xf32, #tpu.memory_space<vmem>> -> memref<64x128xf32, #tpu.memory_space<vmem>>
      %dma_wait3A_214 = arith.constant 0 : i32
      %dma_wait3A_215 = tpu.memref_slice %arg7[%add3A_210, %dma_wait3A_214] : memref<40x128xi32, #tpu.memory_space<vmem>> -> memref<1x64xi32, #tpu.memory_space<vmem>>
      %dma_wait3A_216 = tpu.memref_squeeze %dma_wait3A_215 : memref<1x64xi32, #tpu.memory_space<vmem>> -> memref<64xi32, #tpu.memory_space<vmem>>
      %dma_wait3A_217 = arith.constant 0 : i32
      %dma_wait3A_218 = arith.constant 0 : i32
      %dma_wait3A_219 = tpu.memref_slice %arg2[%dma_wait3A_217, %dma_wait3A_218] : memref<10240x128xf32, #tpu.memory_space<hbm>> -> memref<10240x128xf32, #tpu.memory_space<hbm>>
      tpu.wait_indirect_dma semaphore(%arg13 : memref<!tpu.dma_semaphore, #tpu.memory_space<semaphore_mem>>) src(%dma_wait3A_219 : memref<10240x128xf32, #tpu.memory_space<hbm>>) dst(%dma_wait3A_213 : memref<64x128xf32, #tpu.memory_space<vmem>>)
      %dma_wait3A_220 = arith.constant 64 : i32
      %dma_wait3A_221 = arith.constant 0 : i32
      %dma_wait3A_222 = tpu.memref_slice %arg10[%dma_wait3A_220, %dma_wait3A_221] : memref<128x128xf32, #tpu.memory_space<vmem>> -> memref<64x128xf32, #tpu.memory_space<vmem>>
      %dma_wait3A_223 = arith.constant 64 : i32
      %dma_wait3A_224 = tpu.memref_slice %arg7[%add3A_210, %dma_wait3A_223] : memref<40x128xi32, #tpu.memory_space<vmem>> -> memref<1x64xi32, #tpu.memory_space<vmem>>
      %dma_wait3A_225 = tpu.memref_squeeze %dma_wait3A_224 : memref<1x64xi32, #tpu.memory_space<vmem>> -> memref<64xi32, #tpu.memory_space<vmem>>
      %dma_wait3A_226 = arith.constant 0 : i32
      %dma_wait3A_227 = arith.constant 0 : i32
      %dma_wait3A_228 = tpu.memref_slice %arg2[%dma_wait3A_226, %dma_wait3A_227] : memref<10240x128xf32, #tpu.memory_space<hbm>> -> memref<10240x128xf32, #tpu.memory_space<hbm>>
      tpu.wait_indirect_dma semaphore(%arg13 : memref<!tpu.dma_semaphore, #tpu.memory_space<semaphore_mem>>) src(%dma_wait3A_228 : memref<10240x128xf32, #tpu.memory_space<hbm>>) dst(%dma_wait3A_222 : memref<64x128xf32, #tpu.memory_space<vmem>>)
      %add3A_229 = arith.constant 1 : i32
      %add3A_230 = arith.addi %mul3A_149, %add3A_229 : i32
      "tpu.region"() ({
        %run_scoped3A = tpu.sem_alloc : memref<!tpu.dma_semaphore, #tpu.memory_space<semaphore_mem>>
        %dma_start3A_231 = arith.constant 0 : i32
        %dma_start3A_232 = tpu.memref_slice %arg8[%add3A_230, %dma_start3A_231] : memref<40x128xi32, #tpu.memory_space<vmem>> -> memref<1x128xi32, #tpu.memory_space<vmem>>
        %dma_start3A_233 = tpu.memref_squeeze %dma_start3A_232 : memref<1x128xi32, #tpu.memory_space<vmem>> -> memref<128xi32, #tpu.memory_space<vmem>>
        %dma_start3A_234 = arith.constant 0 : i32
        %dma_start3A_235 = arith.constant 0 : i32
        %dma_start3A_236 = tpu.memref_slice %arg11[%dma_start3A_234, %dma_start3A_235] : memref<10240x128xf32, #tpu.memory_space<vmem_shared>> -> memref<10240x128xf32, #tpu.memory_space<vmem_shared>>
        tpu.enqueue_indirect_dma source(%arg10 : memref<128x128xf32, #tpu.memory_space<vmem>>) target(%dma_start3A_236 : memref<10240x128xf32, #tpu.memory_space<vmem_shared>>) offsets(%dma_start3A_233 : memref<128xi32, #tpu.memory_space<vmem>>) semaphore(%run_scoped3A : memref<!tpu.dma_semaphore, #tpu.memory_space<semaphore_mem>>) {add = true}
        %dma_wait3A_237 = arith.constant 0 : i32
        %dma_wait3A_238 = tpu.memref_slice %arg8[%add3A_230, %dma_wait3A_237] : memref<40x128xi32, #tpu.memory_space<vmem>> -> memref<1x128xi32, #tpu.memory_space<vmem>>
        %dma_wait3A_239 = tpu.memref_squeeze %dma_wait3A_238 : memref<1x128xi32, #tpu.memory_space<vmem>> -> memref<128xi32, #tpu.memory_space<vmem>>
        %dma_wait3A_240 = arith.constant 0 : i32
        %dma_wait3A_241 = arith.constant 0 : i32
        %dma_wait3A_242 = tpu.memref_slice %arg11[%dma_wait3A_240, %dma_wait3A_241] : memref<10240x128xf32, #tpu.memory_space<vmem_shared>> -> memref<10240x128xf32, #tpu.memory_space<vmem_shared>>
        tpu.wait_indirect_dma semaphore(%run_scoped3A : memref<!tpu.dma_semaphore, #tpu.memory_space<semaphore_mem>>) src(%arg10 : memref<128x128xf32, #tpu.memory_space<vmem>>) dst(%dma_wait3A_242 : memref<10240x128xf32, #tpu.memory_space<vmem_shared>>)
        tpu.yield
      }) : () -> ()
    }
    %scan3A_75 = arith.constant 20 : i32
    %dma_wait3A_76 = arith.constant 38 : i32
    %dma_wait3A_77 = arith.constant 0 : i32
    %dma_wait3A_78 = arith.constant 0 : i32
    %dma_wait3A_79 = tpu.memref_slice %arg9[%dma_wait3A_77, %dma_wait3A_78] : memref<128x128xf32, #tpu.memory_space<vmem>> -> memref<64x128xf32, #tpu.memory_space<vmem>>
    %dma_wait3A_80 = arith.constant 0 : i32
    %dma_wait3A_81 = tpu.memref_slice %arg7[%dma_wait3A_76, %dma_wait3A_80] : memref<40x128xi32, #tpu.memory_space<vmem>> -> memref<1x64xi32, #tpu.memory_space<vmem>>
    %dma_wait3A_82 = tpu.memref_squeeze %dma_wait3A_81 : memref<1x64xi32, #tpu.memory_space<vmem>> -> memref<64xi32, #tpu.memory_space<vmem>>
    %dma_wait3A_83 = arith.constant 0 : i32
    %dma_wait3A_84 = arith.constant 0 : i32
    %dma_wait3A_85 = tpu.memref_slice %arg2[%dma_wait3A_83, %dma_wait3A_84] : memref<10240x128xf32, #tpu.memory_space<hbm>> -> memref<10240x128xf32, #tpu.memory_space<hbm>>
    tpu.wait_indirect_dma semaphore(%arg12 : memref<!tpu.dma_semaphore, #tpu.memory_space<semaphore_mem>>) src(%dma_wait3A_85 : memref<10240x128xf32, #tpu.memory_space<hbm>>) dst(%dma_wait3A_79 : memref<64x128xf32, #tpu.memory_space<vmem>>)
    %dma_wait3A_86 = arith.constant 38 : i32
    %dma_wait3A_87 = arith.constant 64 : i32
    %dma_wait3A_88 = arith.constant 0 : i32
    %dma_wait3A_89 = tpu.memref_slice %arg9[%dma_wait3A_87, %dma_wait3A_88] : memref<128x128xf32, #tpu.memory_space<vmem>> -> memref<64x128xf32, #tpu.memory_space<vmem>>
    %dma_wait3A_90 = arith.constant 64 : i32
    %dma_wait3A_91 = tpu.memref_slice %arg7[%dma_wait3A_86, %dma_wait3A_90] : memref<40x128xi32, #tpu.memory_space<vmem>> -> memref<1x64xi32, #tpu.memory_space<vmem>>
    %dma_wait3A_92 = tpu.memref_squeeze %dma_wait3A_91 : memref<1x64xi32, #tpu.memory_space<vmem>> -> memref<64xi32, #tpu.memory_space<vmem>>
    %dma_wait3A_93 = arith.constant 0 : i32
    %dma_wait3A_94 = arith.constant 0 : i32
    %dma_wait3A_95 = tpu.memref_slice %arg2[%dma_wait3A_93, %dma_wait3A_94] : memref<10240x128xf32, #tpu.memory_space<hbm>> -> memref<10240x128xf32, #tpu.memory_space<hbm>>
    tpu.wait_indirect_dma semaphore(%arg12 : memref<!tpu.dma_semaphore, #tpu.memory_space<semaphore_mem>>) src(%dma_wait3A_95 : memref<10240x128xf32, #tpu.memory_space<hbm>>) dst(%dma_wait3A_89 : memref<64x128xf32, #tpu.memory_space<vmem>>)
    "tpu.region"() ({
      %run_scoped3A = tpu.sem_alloc : memref<!tpu.dma_semaphore, #tpu.memory_space<semaphore_mem>>
      %dma_start3A_147 = arith.constant 40 : i32
      %dma_start3A_148 = arith.constant 0 : i32
      %dma_start3A_149 = tpu.memref_slice %arg3[%add3A, %dma_start3A_147, %dma_start3A_148] : memref<32x80x128xi32, #tpu.memory_space<hbm>> -> memref<1x40x128xi32, #tpu.memory_space<hbm>>
      %dma_start3A_150 = tpu.memref_squeeze %dma_start3A_149 : memref<1x40x128xi32, #tpu.memory_space<hbm>> -> memref<40x128xi32, #tpu.memory_space<hbm>>
      %dma_start3A_151 = arith.constant 40 : i32
      %dma_start3A_152 = arith.constant 0 : i32
      %dma_start3A_153 = tpu.memref_slice %arg3[%add3A, %dma_start3A_151, %dma_start3A_152] : memref<32x80x128xi32, #tpu.memory_space<hbm>> -> memref<1x40x128xi32, #tpu.memory_space<hbm>>
      %dma_start3A_154 = tpu.memref_squeeze %dma_start3A_153 : memref<1x40x128xi32, #tpu.memory_space<hbm>> -> memref<40x128xi32, #tpu.memory_space<hbm>>
      tpu.enqueue_dma source(%dma_start3A_154 : memref<40x128xi32, #tpu.memory_space<hbm>>) target(%arg7 : memref<40x128xi32, #tpu.memory_space<vmem>>) target_semaphore(%run_scoped3A : memref<!tpu.dma_semaphore, #tpu.memory_space<semaphore_mem>>)
      %dma_wait3A_155 = arith.constant 40 : i32
      %dma_wait3A_156 = arith.constant 0 : i32
      %dma_wait3A_157 = tpu.memref_slice %arg3[%add3A, %dma_wait3A_155, %dma_wait3A_156] : memref<32x80x128xi32, #tpu.memory_space<hbm>> -> memref<1x40x128xi32, #tpu.memory_space<hbm>>
      %dma_wait3A_158 = tpu.memref_squeeze %dma_wait3A_157 : memref<1x40x128xi32, #tpu.memory_space<hbm>> -> memref<40x128xi32, #tpu.memory_space<hbm>>
      %dma_wait3A_159 = arith.constant 40 : i32
      %dma_wait3A_160 = arith.constant 0 : i32
      %dma_wait3A_161 = tpu.memref_slice %arg3[%add3A, %dma_wait3A_159, %dma_wait3A_160] : memref<32x80x128xi32, #tpu.memory_space<hbm>> -> memref<1x40x128xi32, #tpu.memory_space<hbm>>
      %dma_wait3A_162 = tpu.memref_squeeze %dma_wait3A_161 : memref<1x40x128xi32, #tpu.memory_space<hbm>> -> memref<40x128xi32, #tpu.memory_space<hbm>>
      tpu.wait_dma2 semaphore(%run_scoped3A : memref<!tpu.dma_semaphore, #tpu.memory_space<semaphore_mem>>) src(%dma_wait3A_162 : memref<40x128xi32, #tpu.memory_space<hbm>>) dst(%arg7 : memref<40x128xi32, #tpu.memory_space<vmem>>)
      tpu.yield
    }) : () -> ()
    "tpu.region"() ({
      %run_scoped3A = tpu.sem_alloc : memref<!tpu.dma_semaphore, #tpu.memory_space<semaphore_mem>>
      %dma_start3A_147 = arith.constant 40 : i32
      %dma_start3A_148 = arith.constant 0 : i32
      %dma_start3A_149 = tpu.memref_slice %arg4[%add3A, %dma_start3A_147, %dma_start3A_148] : memref<32x80x128xi32, #tpu.memory_space<hbm>> -> memref<1x40x128xi32, #tpu.memory_space<hbm>>
      %dma_start3A_150 = tpu.memref_squeeze %dma_start3A_149 : memref<1x40x128xi32, #tpu.memory_space<hbm>> -> memref<40x128xi32, #tpu.memory_space<hbm>>
      %dma_start3A_151 = arith.constant 40 : i32
      %dma_start3A_152 = arith.constant 0 : i32
      %dma_start3A_153 = tpu.memref_slice %arg4[%add3A, %dma_start3A_151, %dma_start3A_152] : memref<32x80x128xi32, #tpu.memory_space<hbm>> -> memref<1x40x128xi32, #tpu.memory_space<hbm>>
      %dma_start3A_154 = tpu.memref_squeeze %dma_start3A_153 : memref<1x40x128xi32, #tpu.memory_space<hbm>> -> memref<40x128xi32, #tpu.memory_space<hbm>>
      tpu.enqueue_dma source(%dma_start3A_154 : memref<40x128xi32, #tpu.memory_space<hbm>>) target(%arg8 : memref<40x128xi32, #tpu.memory_space<vmem>>) target_semaphore(%run_scoped3A : memref<!tpu.dma_semaphore, #tpu.memory_space<semaphore_mem>>)
      %dma_wait3A_155 = arith.constant 40 : i32
      %dma_wait3A_156 = arith.constant 0 : i32
      %dma_wait3A_157 = tpu.memref_slice %arg4[%add3A, %dma_wait3A_155, %dma_wait3A_156] : memref<32x80x128xi32, #tpu.memory_space<hbm>> -> memref<1x40x128xi32, #tpu.memory_space<hbm>>
      %dma_wait3A_158 = tpu.memref_squeeze %dma_wait3A_157 : memref<1x40x128xi32, #tpu.memory_space<hbm>> -> memref<40x128xi32, #tpu.memory_space<hbm>>
      %dma_wait3A_159 = arith.constant 40 : i32
      %dma_wait3A_160 = arith.constant 0 : i32
      %dma_wait3A_161 = tpu.memref_slice %arg4[%add3A, %dma_wait3A_159, %dma_wait3A_160] : memref<32x80x128xi32, #tpu.memory_space<hbm>> -> memref<1x40x128xi32, #tpu.memory_space<hbm>>
      %dma_wait3A_162 = tpu.memref_squeeze %dma_wait3A_161 : memref<1x40x128xi32, #tpu.memory_space<hbm>> -> memref<40x128xi32, #tpu.memory_space<hbm>>
      tpu.wait_dma2 semaphore(%run_scoped3A : memref<!tpu.dma_semaphore, #tpu.memory_space<semaphore_mem>>) src(%dma_wait3A_162 : memref<40x128xi32, #tpu.memory_space<hbm>>) dst(%arg8 : memref<40x128xi32, #tpu.memory_space<vmem>>)
      tpu.yield
    }) : () -> ()
    %dma_start3A_96 = arith.constant 0 : i32
    %dma_start3A_97 = arith.constant 0 : i32
    %dma_start3A_98 = arith.constant 0 : i32
    %dma_start3A_99 = tpu.memref_slice %arg9[%dma_start3A_97, %dma_start3A_98] : memref<128x128xf32, #tpu.memory_space<vmem>> -> memref<64x128xf32, #tpu.memory_space<vmem>>
    %dma_start3A_100 = arith.constant 0 : i32
    %dma_start3A_101 = tpu.memref_slice %arg7[%dma_start3A_96, %dma_start3A_100] : memref<40x128xi32, #tpu.memory_space<vmem>> -> memref<1x64xi32, #tpu.memory_space<vmem>>
    %dma_start3A_102 = tpu.memref_squeeze %dma_start3A_101 : memref<1x64xi32, #tpu.memory_space<vmem>> -> memref<64xi32, #tpu.memory_space<vmem>>
    %dma_start3A_103 = arith.constant 0 : i32
    %dma_start3A_104 = arith.constant 0 : i32
    %dma_start3A_105 = tpu.memref_slice %arg2[%dma_start3A_103, %dma_start3A_104] : memref<10240x128xf32, #tpu.memory_space<hbm>> -> memref<10240x128xf32, #tpu.memory_space<hbm>>
    tpu.enqueue_indirect_dma source(%dma_start3A_105 : memref<10240x128xf32, #tpu.memory_space<hbm>>) target(%dma_start3A_99 : memref<64x128xf32, #tpu.memory_space<vmem>>) offsets(%dma_start3A_102 : memref<64xi32, #tpu.memory_space<vmem>>) semaphore(%arg12 : memref<!tpu.dma_semaphore, #tpu.memory_space<semaphore_mem>>)
    %dma_start3A_106 = arith.constant 0 : i32
    %dma_start3A_107 = arith.constant 64 : i32
    %dma_start3A_108 = arith.constant 0 : i32
    %dma_start3A_109 = tpu.memref_slice %arg9[%dma_start3A_107, %dma_start3A_108] : memref<128x128xf32, #tpu.memory_space<vmem>> -> memref<64x128xf32, #tpu.memory_space<vmem>>
    %dma_start3A_110 = arith.constant 64 : i32
    %dma_start3A_111 = tpu.memref_slice %arg7[%dma_start3A_106, %dma_start3A_110] : memref<40x128xi32, #tpu.memory_space<vmem>> -> memref<1x64xi32, #tpu.memory_space<vmem>>
    %dma_start3A_112 = tpu.memref_squeeze %dma_start3A_111 : memref<1x64xi32, #tpu.memory_space<vmem>> -> memref<64xi32, #tpu.memory_space<vmem>>
    %dma_start3A_113 = arith.constant 0 : i32
    %dma_start3A_114 = arith.constant 0 : i32
    %dma_start3A_115 = tpu.memref_slice %arg2[%dma_start3A_113, %dma_start3A_114] : memref<10240x128xf32, #tpu.memory_space<hbm>> -> memref<10240x128xf32, #tpu.memory_space<hbm>>
    tpu.enqueue_indirect_dma source(%dma_start3A_115 : memref<10240x128xf32, #tpu.memory_space<hbm>>) target(%dma_start3A_109 : memref<64x128xf32, #tpu.memory_space<vmem>>) offsets(%dma_start3A_112 : memref<64xi32, #tpu.memory_space<vmem>>) semaphore(%arg12 : memref<!tpu.dma_semaphore, #tpu.memory_space<semaphore_mem>>)
    %scan3A_116 = arith.constant 0 : i32
    %scan3A_117 = arith.constant 0 : i32
    %scan3A_118 = arith.constant 20 : i32
    %scan3A_119 = arith.addi %scan3A_117, %scan3A_118 : i32
    %scan3A_120 = arith.constant 1 : i32
    scf.for %scan3A_147 = %scan3A_117 to %scan3A_119 step %scan3A_120  : i32 {
      %mul3A_148 = arith.constant 2 : i32
      %mul3A_149 = arith.muli %mul3A_148, %scan3A_147 : i32
      %dma_wait3A_150 = arith.constant 0 : i32
      %dma_wait3A_151 = arith.constant 0 : i32
      %dma_wait3A_152 = tpu.memref_slice %arg9[%dma_wait3A_150, %dma_wait3A_151] : memref<128x128xf32, #tpu.memory_space<vmem>> -> memref<64x128xf32, #tpu.memory_space<vmem>>
      %dma_wait3A_153 = arith.constant 0 : i32
      %dma_wait3A_154 = tpu.memref_slice %arg7[%mul3A_149, %dma_wait3A_153] : memref<40x128xi32, #tpu.memory_space<vmem>> -> memref<1x64xi32, #tpu.memory_space<vmem>>
      %dma_wait3A_155 = tpu.memref_squeeze %dma_wait3A_154 : memref<1x64xi32, #tpu.memory_space<vmem>> -> memref<64xi32, #tpu.memory_space<vmem>>
      %dma_wait3A_156 = arith.constant 0 : i32
      %dma_wait3A_157 = arith.constant 0 : i32
      %dma_wait3A_158 = tpu.memref_slice %arg2[%dma_wait3A_156, %dma_wait3A_157] : memref<10240x128xf32, #tpu.memory_space<hbm>> -> memref<10240x128xf32, #tpu.memory_space<hbm>>
      tpu.wait_indirect_dma semaphore(%arg12 : memref<!tpu.dma_semaphore, #tpu.memory_space<semaphore_mem>>) src(%dma_wait3A_158 : memref<10240x128xf32, #tpu.memory_space<hbm>>) dst(%dma_wait3A_152 : memref<64x128xf32, #tpu.memory_space<vmem>>)
      %dma_wait3A_159 = arith.constant 64 : i32
      %dma_wait3A_160 = arith.constant 0 : i32
      %dma_wait3A_161 = tpu.memref_slice %arg9[%dma_wait3A_159, %dma_wait3A_160] : memref<128x128xf32, #tpu.memory_space<vmem>> -> memref<64x128xf32, #tpu.memory_space<vmem>>
      %dma_wait3A_162 = arith.constant 64 : i32
      %dma_wait3A_163 = tpu.memref_slice %arg7[%mul3A_149, %dma_wait3A_162] : memref<40x128xi32, #tpu.memory_space<vmem>> -> memref<1x64xi32, #tpu.memory_space<vmem>>
      %dma_wait3A_164 = tpu.memref_squeeze %dma_wait3A_163 : memref<1x64xi32, #tpu.memory_space<vmem>> -> memref<64xi32, #tpu.memory_space<vmem>>
      %dma_wait3A_165 = arith.constant 0 : i32
      %dma_wait3A_166 = arith.constant 0 : i32
      %dma_wait3A_167 = tpu.memref_slice %arg2[%dma_wait3A_165, %dma_wait3A_166] : memref<10240x128xf32, #tpu.memory_space<hbm>> -> memref<10240x128xf32, #tpu.memory_space<hbm>>
      tpu.wait_indirect_dma semaphore(%arg12 : memref<!tpu.dma_semaphore, #tpu.memory_space<semaphore_mem>>) src(%dma_wait3A_167 : memref<10240x128xf32, #tpu.memory_space<hbm>>) dst(%dma_wait3A_161 : memref<64x128xf32, #tpu.memory_space<vmem>>)
      %add3A_168 = arith.constant 1 : i32
      %add3A_169 = arith.addi %mul3A_149, %add3A_168 : i32
      %dma_start3A_170 = arith.constant 0 : i32
      %dma_start3A_171 = arith.constant 0 : i32
      %dma_start3A_172 = tpu.memref_slice %arg10[%dma_start3A_170, %dma_start3A_171] : memref<128x128xf32, #tpu.memory_space<vmem>> -> memref<64x128xf32, #tpu.memory_space<vmem>>
      %dma_start3A_173 = arith.constant 0 : i32
      %dma_start3A_174 = tpu.memref_slice %arg7[%add3A_169, %dma_start3A_173] : memref<40x128xi32, #tpu.memory_space<vmem>> -> memref<1x64xi32, #tpu.memory_space<vmem>>
      %dma_start3A_175 = tpu.memref_squeeze %dma_start3A_174 : memref<1x64xi32, #tpu.memory_space<vmem>> -> memref<64xi32, #tpu.memory_space<vmem>>
      %dma_start3A_176 = arith.constant 0 : i32
      %dma_start3A_177 = arith.constant 0 : i32
      %dma_start3A_178 = tpu.memref_slice %arg2[%dma_start3A_176, %dma_start3A_177] : memref<10240x128xf32, #tpu.memory_space<hbm>> -> memref<10240x128xf32, #tpu.memory_space<hbm>>
      tpu.enqueue_indirect_dma source(%dma_start3A_178 : memref<10240x128xf32, #tpu.memory_space<hbm>>) target(%dma_start3A_172 : memref<64x128xf32, #tpu.memory_space<vmem>>) offsets(%dma_start3A_175 : memref<64xi32, #tpu.memory_space<vmem>>) semaphore(%arg13 : memref<!tpu.dma_semaphore, #tpu.memory_space<semaphore_mem>>)
      %dma_start3A_179 = arith.constant 64 : i32
      %dma_start3A_180 = arith.constant 0 : i32
      %dma_start3A_181 = tpu.memref_slice %arg10[%dma_start3A_179, %dma_start3A_180] : memref<128x128xf32, #tpu.memory_space<vmem>> -> memref<64x128xf32, #tpu.memory_space<vmem>>
      %dma_start3A_182 = arith.constant 64 : i32
      %dma_start3A_183 = tpu.memref_slice %arg7[%add3A_169, %dma_start3A_182] : memref<40x128xi32, #tpu.memory_space<vmem>> -> memref<1x64xi32, #tpu.memory_space<vmem>>
      %dma_start3A_184 = tpu.memref_squeeze %dma_start3A_183 : memref<1x64xi32, #tpu.memory_space<vmem>> -> memref<64xi32, #tpu.memory_space<vmem>>
      %dma_start3A_185 = arith.constant 0 : i32
      %dma_start3A_186 = arith.constant 0 : i32
      %dma_start3A_187 = tpu.memref_slice %arg2[%dma_start3A_185, %dma_start3A_186] : memref<10240x128xf32, #tpu.memory_space<hbm>> -> memref<10240x128xf32, #tpu.memory_space<hbm>>
      tpu.enqueue_indirect_dma source(%dma_start3A_187 : memref<10240x128xf32, #tpu.memory_space<hbm>>) target(%dma_start3A_181 : memref<64x128xf32, #tpu.memory_space<vmem>>) offsets(%dma_start3A_184 : memref<64xi32, #tpu.memory_space<vmem>>) semaphore(%arg13 : memref<!tpu.dma_semaphore, #tpu.memory_space<semaphore_mem>>)
      "tpu.region"() ({
        %run_scoped3A = tpu.sem_alloc : memref<!tpu.dma_semaphore, #tpu.memory_space<semaphore_mem>>
        %dma_start3A_231 = arith.constant 0 : i32
        %dma_start3A_232 = tpu.memref_slice %arg8[%mul3A_149, %dma_start3A_231] : memref<40x128xi32, #tpu.memory_space<vmem>> -> memref<1x128xi32, #tpu.memory_space<vmem>>
        %dma_start3A_233 = tpu.memref_squeeze %dma_start3A_232 : memref<1x128xi32, #tpu.memory_space<vmem>> -> memref<128xi32, #tpu.memory_space<vmem>>
        %dma_start3A_234 = arith.constant 0 : i32
        %dma_start3A_235 = arith.constant 0 : i32
        %dma_start3A_236 = tpu.memref_slice %arg11[%dma_start3A_234, %dma_start3A_235] : memref<10240x128xf32, #tpu.memory_space<vmem_shared>> -> memref<10240x128xf32, #tpu.memory_space<vmem_shared>>
        tpu.enqueue_indirect_dma source(%arg9 : memref<128x128xf32, #tpu.memory_space<vmem>>) target(%dma_start3A_236 : memref<10240x128xf32, #tpu.memory_space<vmem_shared>>) offsets(%dma_start3A_233 : memref<128xi32, #tpu.memory_space<vmem>>) semaphore(%run_scoped3A : memref<!tpu.dma_semaphore, #tpu.memory_space<semaphore_mem>>) {add = true}
        %dma_wait3A_237 = arith.constant 0 : i32
        %dma_wait3A_238 = tpu.memref_slice %arg8[%mul3A_149, %dma_wait3A_237] : memref<40x128xi32, #tpu.memory_space<vmem>> -> memref<1x128xi32, #tpu.memory_space<vmem>>
        %dma_wait3A_239 = tpu.memref_squeeze %dma_wait3A_238 : memref<1x128xi32, #tpu.memory_space<vmem>> -> memref<128xi32, #tpu.memory_space<vmem>>
        %dma_wait3A_240 = arith.constant 0 : i32
        %dma_wait3A_241 = arith.constant 0 : i32
        %dma_wait3A_242 = tpu.memref_slice %arg11[%dma_wait3A_240, %dma_wait3A_241] : memref<10240x128xf32, #tpu.memory_space<vmem_shared>> -> memref<10240x128xf32, #tpu.memory_space<vmem_shared>>
        tpu.wait_indirect_dma semaphore(%run_scoped3A : memref<!tpu.dma_semaphore, #tpu.memory_space<semaphore_mem>>) src(%arg9 : memref<128x128xf32, #tpu.memory_space<vmem>>) dst(%dma_wait3A_242 : memref<10240x128xf32, #tpu.memory_space<vmem_shared>>)
        tpu.yield
      }) : () -> ()
      %add3A_188 = arith.constant 2 : i32
      %add3A_189 = arith.addi %mul3A_149, %add3A_188 : i32
      %min3A = arith.constant 38 : i32
      %min3A_190 = arith.minsi %add3A_189, %min3A : i32
      %dma_start3A_191 = arith.constant 0 : i32
      %dma_start3A_192 = arith.constant 0 : i32
      %dma_start3A_193 = tpu.memref_slice %arg9[%dma_start3A_191, %dma_start3A_192] : memref<128x128xf32, #tpu.memory_space<vmem>> -> memref<64x128xf32, #tpu.memory_space<vmem>>
      %dma_start3A_194 = arith.constant 0 : i32
      %dma_start3A_195 = tpu.memref_slice %arg7[%min3A_190, %dma_start3A_194] : memref<40x128xi32, #tpu.memory_space<vmem>> -> memref<1x64xi32, #tpu.memory_space<vmem>>
      %dma_start3A_196 = tpu.memref_squeeze %dma_start3A_195 : memref<1x64xi32, #tpu.memory_space<vmem>> -> memref<64xi32, #tpu.memory_space<vmem>>
      %dma_start3A_197 = arith.constant 0 : i32
      %dma_start3A_198 = arith.constant 0 : i32
      %dma_start3A_199 = tpu.memref_slice %arg2[%dma_start3A_197, %dma_start3A_198] : memref<10240x128xf32, #tpu.memory_space<hbm>> -> memref<10240x128xf32, #tpu.memory_space<hbm>>
      tpu.enqueue_indirect_dma source(%dma_start3A_199 : memref<10240x128xf32, #tpu.memory_space<hbm>>) target(%dma_start3A_193 : memref<64x128xf32, #tpu.memory_space<vmem>>) offsets(%dma_start3A_196 : memref<64xi32, #tpu.memory_space<vmem>>) semaphore(%arg12 : memref<!tpu.dma_semaphore, #tpu.memory_space<semaphore_mem>>)
      %dma_start3A_200 = arith.constant 64 : i32
      %dma_start3A_201 = arith.constant 0 : i32
      %dma_start3A_202 = tpu.memref_slice %arg9[%dma_start3A_200, %dma_start3A_201] : memref<128x128xf32, #tpu.memory_space<vmem>> -> memref<64x128xf32, #tpu.memory_space<vmem>>
      %dma_start3A_203 = arith.constant 64 : i32
      %dma_start3A_204 = tpu.memref_slice %arg7[%min3A_190, %dma_start3A_203] : memref<40x128xi32, #tpu.memory_space<vmem>> -> memref<1x64xi32, #tpu.memory_space<vmem>>
      %dma_start3A_205 = tpu.memref_squeeze %dma_start3A_204 : memref<1x64xi32, #tpu.memory_space<vmem>> -> memref<64xi32, #tpu.memory_space<vmem>>
      %dma_start3A_206 = arith.constant 0 : i32
      %dma_start3A_207 = arith.constant 0 : i32
      %dma_start3A_208 = tpu.memref_slice %arg2[%dma_start3A_206, %dma_start3A_207] : memref<10240x128xf32, #tpu.memory_space<hbm>> -> memref<10240x128xf32, #tpu.memory_space<hbm>>
      tpu.enqueue_indirect_dma source(%dma_start3A_208 : memref<10240x128xf32, #tpu.memory_space<hbm>>) target(%dma_start3A_202 : memref<64x128xf32, #tpu.memory_space<vmem>>) offsets(%dma_start3A_205 : memref<64xi32, #tpu.memory_space<vmem>>) semaphore(%arg12 : memref<!tpu.dma_semaphore, #tpu.memory_space<semaphore_mem>>)
      %add3A_209 = arith.constant 1 : i32
      %add3A_210 = arith.addi %mul3A_149, %add3A_209 : i32
      %dma_wait3A_211 = arith.constant 0 : i32
      %dma_wait3A_212 = arith.constant 0 : i32
      %dma_wait3A_213 = tpu.memref_slice %arg10[%dma_wait3A_211, %dma_wait3A_212] : memref<128x128xf32, #tpu.memory_space<vmem>> -> memref<64x128xf32, #tpu.memory_space<vmem>>
      %dma_wait3A_214 = arith.constant 0 : i32
      %dma_wait3A_215 = tpu.memref_slice %arg7[%add3A_210, %dma_wait3A_214] : memref<40x128xi32, #tpu.memory_space<vmem>> -> memref<1x64xi32, #tpu.memory_space<vmem>>
      %dma_wait3A_216 = tpu.memref_squeeze %dma_wait3A_215 : memref<1x64xi32, #tpu.memory_space<vmem>> -> memref<64xi32, #tpu.memory_space<vmem>>
      %dma_wait3A_217 = arith.constant 0 : i32
      %dma_wait3A_218 = arith.constant 0 : i32
      %dma_wait3A_219 = tpu.memref_slice %arg2[%dma_wait3A_217, %dma_wait3A_218] : memref<10240x128xf32, #tpu.memory_space<hbm>> -> memref<10240x128xf32, #tpu.memory_space<hbm>>
      tpu.wait_indirect_dma semaphore(%arg13 : memref<!tpu.dma_semaphore, #tpu.memory_space<semaphore_mem>>) src(%dma_wait3A_219 : memref<10240x128xf32, #tpu.memory_space<hbm>>) dst(%dma_wait3A_213 : memref<64x128xf32, #tpu.memory_space<vmem>>)
      %dma_wait3A_220 = arith.constant 64 : i32
      %dma_wait3A_221 = arith.constant 0 : i32
      %dma_wait3A_222 = tpu.memref_slice %arg10[%dma_wait3A_220, %dma_wait3A_221] : memref<128x128xf32, #tpu.memory_space<vmem>> -> memref<64x128xf32, #tpu.memory_space<vmem>>
      %dma_wait3A_223 = arith.constant 64 : i32
      %dma_wait3A_224 = tpu.memref_slice %arg7[%add3A_210, %dma_wait3A_223] : memref<40x128xi32, #tpu.memory_space<vmem>> -> memref<1x64xi32, #tpu.memory_space<vmem>>
      %dma_wait3A_225 = tpu.memref_squeeze %dma_wait3A_224 : memref<1x64xi32, #tpu.memory_space<vmem>> -> memref<64xi32, #tpu.memory_space<vmem>>
      %dma_wait3A_226 = arith.constant 0 : i32
      %dma_wait3A_227 = arith.constant 0 : i32
      %dma_wait3A_228 = tpu.memref_slice %arg2[%dma_wait3A_226, %dma_wait3A_227] : memref<10240x128xf32, #tpu.memory_space<hbm>> -> memref<10240x128xf32, #tpu.memory_space<hbm>>
      tpu.wait_indirect_dma semaphore(%arg13 : memref<!tpu.dma_semaphore, #tpu.memory_space<semaphore_mem>>) src(%dma_wait3A_228 : memref<10240x128xf32, #tpu.memory_space<hbm>>) dst(%dma_wait3A_222 : memref<64x128xf32, #tpu.memory_space<vmem>>)
      %add3A_229 = arith.constant 1 : i32
      %add3A_230 = arith.addi %mul3A_149, %add3A_229 : i32
      "tpu.region"() ({
        %run_scoped3A = tpu.sem_alloc : memref<!tpu.dma_semaphore, #tpu.memory_space<semaphore_mem>>
        %dma_start3A_231 = arith.constant 0 : i32
        %dma_start3A_232 = tpu.memref_slice %arg8[%add3A_230, %dma_start3A_231] : memref<40x128xi32, #tpu.memory_space<vmem>> -> memref<1x128xi32, #tpu.memory_space<vmem>>
        %dma_start3A_233 = tpu.memref_squeeze %dma_start3A_232 : memref<1x128xi32, #tpu.memory_space<vmem>> -> memref<128xi32, #tpu.memory_space<vmem>>
        %dma_start3A_234 = arith.constant 0 : i32
        %dma_start3A_235 = arith.constant 0 : i32
        %dma_start3A_236 = tpu.memref_slice %arg11[%dma_start3A_234, %dma_start3A_235] : memref<10240x128xf32, #tpu.memory_space<vmem_shared>> -> memref<10240x128xf32, #tpu.memory_space<vmem_shared>>
        tpu.enqueue_indirect_dma source(%arg10 : memref<128x128xf32, #tpu.memory_space<vmem>>) target(%dma_start3A_236 : memref<10240x128xf32, #tpu.memory_space<vmem_shared>>) offsets(%dma_start3A_233 : memref<128xi32, #tpu.memory_space<vmem>>) semaphore(%run_scoped3A : memref<!tpu.dma_semaphore, #tpu.memory_space<semaphore_mem>>) {add = true}
        %dma_wait3A_237 = arith.constant 0 : i32
        %dma_wait3A_238 = tpu.memref_slice %arg8[%add3A_230, %dma_wait3A_237] : memref<40x128xi32, #tpu.memory_space<vmem>> -> memref<1x128xi32, #tpu.memory_space<vmem>>
        %dma_wait3A_239 = tpu.memref_squeeze %dma_wait3A_238 : memref<1x128xi32, #tpu.memory_space<vmem>> -> memref<128xi32, #tpu.memory_space<vmem>>
        %dma_wait3A_240 = arith.constant 0 : i32
        %dma_wait3A_241 = arith.constant 0 : i32
        %dma_wait3A_242 = tpu.memref_slice %arg11[%dma_wait3A_240, %dma_wait3A_241] : memref<10240x128xf32, #tpu.memory_space<vmem_shared>> -> memref<10240x128xf32, #tpu.memory_space<vmem_shared>>
        tpu.wait_indirect_dma semaphore(%run_scoped3A : memref<!tpu.dma_semaphore, #tpu.memory_space<semaphore_mem>>) src(%arg10 : memref<128x128xf32, #tpu.memory_space<vmem>>) dst(%dma_wait3A_242 : memref<10240x128xf32, #tpu.memory_space<vmem_shared>>)
        tpu.yield
      }) : () -> ()
    }
    %scan3A_121 = arith.constant 20 : i32
    %dma_wait3A_122 = arith.constant 38 : i32
    %dma_wait3A_123 = arith.constant 0 : i32
    %dma_wait3A_124 = arith.constant 0 : i32
    %dma_wait3A_125 = tpu.memref_slice %arg9[%dma_wait3A_123, %dma_wait3A_124] : memref<128x128xf32, #tpu.memory_space<vmem>> -> memref<64x128xf32, #tpu.memory_space<vmem>>
    %dma_wait3A_126 = arith.constant 0 : i32
    %dma_wait3A_127 = tpu.memref_slice %arg7[%dma_wait3A_122, %dma_wait3A_126] : memref<40x128xi32, #tpu.memory_space<vmem>> -> memref<1x64xi32, #tpu.memory_space<vmem>>
    %dma_wait3A_128 = tpu.memref_squeeze %dma_wait3A_127 : memref<1x64xi32, #tpu.memory_space<vmem>> -> memref<64xi32, #tpu.memory_space<vmem>>
    %dma_wait3A_129 = arith.constant 0 : i32
    %dma_wait3A_130 = arith.constant 0 : i32
    %dma_wait3A_131 = tpu.memref_slice %arg2[%dma_wait3A_129, %dma_wait3A_130] : memref<10240x128xf32, #tpu.memory_space<hbm>> -> memref<10240x128xf32, #tpu.memory_space<hbm>>
    tpu.wait_indirect_dma semaphore(%arg12 : memref<!tpu.dma_semaphore, #tpu.memory_space<semaphore_mem>>) src(%dma_wait3A_131 : memref<10240x128xf32, #tpu.memory_space<hbm>>) dst(%dma_wait3A_125 : memref<64x128xf32, #tpu.memory_space<vmem>>)
    %dma_wait3A_132 = arith.constant 38 : i32
    %dma_wait3A_133 = arith.constant 64 : i32
    %dma_wait3A_134 = arith.constant 0 : i32
    %dma_wait3A_135 = tpu.memref_slice %arg9[%dma_wait3A_133, %dma_wait3A_134] : memref<128x128xf32, #tpu.memory_space<vmem>> -> memref<64x128xf32, #tpu.memory_space<vmem>>
    %dma_wait3A_136 = arith.constant 64 : i32
    %dma_wait3A_137 = tpu.memref_slice %arg7[%dma_wait3A_132, %dma_wait3A_136] : memref<40x128xi32, #tpu.memory_space<vmem>> -> memref<1x64xi32, #tpu.memory_space<vmem>>
    %dma_wait3A_138 = tpu.memref_squeeze %dma_wait3A_137 : memref<1x64xi32, #tpu.memory_space<vmem>> -> memref<64xi32, #tpu.memory_space<vmem>>
    %dma_wait3A_139 = arith.constant 0 : i32
    %dma_wait3A_140 = arith.constant 0 : i32
    %dma_wait3A_141 = tpu.memref_slice %arg2[%dma_wait3A_139, %dma_wait3A_140] : memref<10240x128xf32, #tpu.memory_space<hbm>> -> memref<10240x128xf32, #tpu.memory_space<hbm>>
    tpu.wait_indirect_dma semaphore(%arg12 : memref<!tpu.dma_semaphore, #tpu.memory_space<semaphore_mem>>) src(%dma_wait3A_141 : memref<10240x128xf32, #tpu.memory_space<hbm>>) dst(%dma_wait3A_135 : memref<64x128xf32, #tpu.memory_space<vmem>>)
    %barrier3A_142 = arith.constant 0 : index
    tpu.barrier barrier_id(%barrier3A_142)
    %mul3A_143 = arith.constant 640 : i32
    %mul3A_144 = arith.muli %arg1, %mul3A_143 : i32
    %mul3A_145 = arith.constant 640 : i32
    %mul3A_146 = arith.muli %arg1, %mul3A_145 : i32
    "tpu.region"() ({
      %run_scoped3A = tpu.sem_alloc : memref<!tpu.dma_semaphore, #tpu.memory_space<semaphore_mem>>
      %dma_start3A_147 = arith.constant 0 : i32
      %dma_start3A_148 = tpu.memref_slice %arg6[%arg0, %mul3A_146, %dma_start3A_147] : memref<2x10240x128xf32, #tpu.memory_space<hbm>> -> memref<1x640x128xf32, #tpu.memory_space<hbm>>
      %dma_start3A_149 = tpu.memref_squeeze %dma_start3A_148 : memref<1x640x128xf32, #tpu.memory_space<hbm>> -> memref<640x128xf32, #tpu.memory_space<hbm>>
      %dma_start3A_150 = arith.constant 0 : i32
      %dma_start3A_151 = tpu.memref_slice %arg11[%mul3A_144, %dma_start3A_150] : memref<10240x128xf32, #tpu.memory_space<vmem_shared>> -> memref<640x128xf32, #tpu.memory_space<vmem_shared>>
      tpu.enqueue_dma source(%dma_start3A_151 : memref<640x128xf32, #tpu.memory_space<vmem_shared>>) target(%dma_start3A_149 : memref<640x128xf32, #tpu.memory_space<hbm>>) target_semaphore(%run_scoped3A : memref<!tpu.dma_semaphore, #tpu.memory_space<semaphore_mem>>)
      %dma_wait3A_152 = arith.constant 0 : i32
      %dma_wait3A_153 = tpu.memref_slice %arg6[%arg0, %mul3A_146, %dma_wait3A_152] : memref<2x10240x128xf32, #tpu.memory_space<hbm>> -> memref<1x640x128xf32, #tpu.memory_space<hbm>>
      %dma_wait3A_154 = tpu.memref_squeeze %dma_wait3A_153 : memref<1x640x128xf32, #tpu.memory_space<hbm>> -> memref<640x128xf32, #tpu.memory_space<hbm>>
      %dma_wait3A_155 = arith.constant 0 : i32
      %dma_wait3A_156 = tpu.memref_slice %arg11[%mul3A_144, %dma_wait3A_155] : memref<10240x128xf32, #tpu.memory_space<vmem_shared>> -> memref<640x128xf32, #tpu.memory_space<vmem_shared>>
      tpu.wait_dma2 semaphore(%run_scoped3A : memref<!tpu.dma_semaphore, #tpu.memory_space<semaphore_mem>>) src(%dma_wait3A_156 : memref<640x128xf32, #tpu.memory_space<vmem_shared>>) dst(%dma_wait3A_154 : memref<640x128xf32, #tpu.memory_space<hbm>>)
      tpu.yield
    }) : () -> ()
    return
  }
}

#map = affine_map<(d0, d1) -> (0, 0, 0)>
#map1 = affine_map<(d0, d1) -> (0, 0)>
module attributes {stable_mosaic.version = 14 : i64} {
  func.func @deg_kernel(%arg0: i32, %arg1: i32, %arg2: memref<32x80x128xi32, #tpu.memory_space<hbm>>, %arg3: memref<128x128xf32, #tpu.memory_space<hbm>>, %arg4: memref<128x128xf32, #tpu.memory_space<hbm>>, %arg5: memref<2x10240x128xf32, #tpu.memory_space<hbm>>, %arg6: memref<80x128xi32, #tpu.memory_space<vmem>>, %arg7: memref<128x128xf32, #tpu.memory_space<vmem>>, %arg8: memref<10240x128xf32, #tpu.memory_space<vmem_shared>>, %arg9: memref<!tpu.dma_semaphore, #tpu.memory_space<semaphore_mem>>) attributes {dimension_semantics = [#tpu.dimension_semantics<core_parallel>, #tpu.dimension_semantics<subcore_parallel>], iteration_bounds = array<i64: 2, 16>, scalar_prefetch = 0 : i64, scratch_operands = 4 : i64, tpu.core_type = #tpu.core_type<sc_vector_subcore>, window_params = [{transform_indices = #map}, {transform_indices = #map1}, {transform_indices = #map1}, {transform_indices = #map}]} {
    %mul3A = arith.constant 16 : i32
    %mul3A_0 = arith.muli %arg0, %mul3A : i32
    %add3A = arith.addi %mul3A_0, %arg1 : i32
    "tpu.region"() ({
      %run_scoped3A = tpu.sem_alloc : memref<!tpu.dma_semaphore, #tpu.memory_space<semaphore_mem>>
      tpu.enqueue_dma source(%arg4 : memref<128x128xf32, #tpu.memory_space<hbm>>) target(%arg7 : memref<128x128xf32, #tpu.memory_space<vmem>>) target_semaphore(%run_scoped3A : memref<!tpu.dma_semaphore, #tpu.memory_space<semaphore_mem>>)
      tpu.wait_dma2 semaphore(%run_scoped3A : memref<!tpu.dma_semaphore, #tpu.memory_space<semaphore_mem>>) src(%arg4 : memref<128x128xf32, #tpu.memory_space<hbm>>) dst(%arg7 : memref<128x128xf32, #tpu.memory_space<vmem>>)
      tpu.yield
    }) : () -> ()
    %mul3A_1 = arith.constant 640 : i32
    %mul3A_2 = arith.muli %arg1, %mul3A_1 : i32
    %add3A_3 = arith.constant 0 : i32
    %add3A_4 = arith.addi %mul3A_2, %add3A_3 : i32
    "tpu.region"() ({
      %run_scoped3A = tpu.sem_alloc : memref<!tpu.dma_semaphore, #tpu.memory_space<semaphore_mem>>
      %dma_start3A_43 = arith.constant 0 : i32
      %dma_start3A_44 = tpu.memref_slice %arg8[%add3A_4, %dma_start3A_43] : memref<10240x128xf32, #tpu.memory_space<vmem_shared>> -> memref<128x128xf32, #tpu.memory_space<vmem_shared>>
      %dma_start3A_45 = arith.constant 0 : i32
      %dma_start3A_46 = tpu.memref_slice %arg8[%add3A_4, %dma_start3A_45] : memref<10240x128xf32, #tpu.memory_space<vmem_shared>> -> memref<128x128xf32, #tpu.memory_space<vmem_shared>>
      tpu.enqueue_dma source(%arg7 : memref<128x128xf32, #tpu.memory_space<vmem>>) target(%dma_start3A_46 : memref<128x128xf32, #tpu.memory_space<vmem_shared>>) target_semaphore(%run_scoped3A : memref<!tpu.dma_semaphore, #tpu.memory_space<semaphore_mem>>)
      %dma_wait3A_47 = arith.constant 0 : i32
      %dma_wait3A_48 = tpu.memref_slice %arg8[%add3A_4, %dma_wait3A_47] : memref<10240x128xf32, #tpu.memory_space<vmem_shared>> -> memref<128x128xf32, #tpu.memory_space<vmem_shared>>
      %dma_wait3A_49 = arith.constant 0 : i32
      %dma_wait3A_50 = tpu.memref_slice %arg8[%add3A_4, %dma_wait3A_49] : memref<10240x128xf32, #tpu.memory_space<vmem_shared>> -> memref<128x128xf32, #tpu.memory_space<vmem_shared>>
      tpu.wait_dma2 semaphore(%run_scoped3A : memref<!tpu.dma_semaphore, #tpu.memory_space<semaphore_mem>>) src(%arg7 : memref<128x128xf32, #tpu.memory_space<vmem>>) dst(%dma_wait3A_50 : memref<128x128xf32, #tpu.memory_space<vmem_shared>>)
      tpu.yield
    }) : () -> ()
    %mul3A_5 = arith.constant 640 : i32
    %mul3A_6 = arith.muli %arg1, %mul3A_5 : i32
    %add3A_7 = arith.constant 128 : i32
    %add3A_8 = arith.addi %mul3A_6, %add3A_7 : i32
    "tpu.region"() ({
      %run_scoped3A = tpu.sem_alloc : memref<!tpu.dma_semaphore, #tpu.memory_space<semaphore_mem>>
      %dma_start3A_43 = arith.constant 0 : i32
      %dma_start3A_44 = tpu.memref_slice %arg8[%add3A_8, %dma_start3A_43] : memref<10240x128xf32, #tpu.memory_space<vmem_shared>> -> memref<128x128xf32, #tpu.memory_space<vmem_shared>>
      %dma_start3A_45 = arith.constant 0 : i32
      %dma_start3A_46 = tpu.memref_slice %arg8[%add3A_8, %dma_start3A_45] : memref<10240x128xf32, #tpu.memory_space<vmem_shared>> -> memref<128x128xf32, #tpu.memory_space<vmem_shared>>
      tpu.enqueue_dma source(%arg7 : memref<128x128xf32, #tpu.memory_space<vmem>>) target(%dma_start3A_46 : memref<128x128xf32, #tpu.memory_space<vmem_shared>>) target_semaphore(%run_scoped3A : memref<!tpu.dma_semaphore, #tpu.memory_space<semaphore_mem>>)
      %dma_wait3A_47 = arith.constant 0 : i32
      %dma_wait3A_48 = tpu.memref_slice %arg8[%add3A_8, %dma_wait3A_47] : memref<10240x128xf32, #tpu.memory_space<vmem_shared>> -> memref<128x128xf32, #tpu.memory_space<vmem_shared>>
      %dma_wait3A_49 = arith.constant 0 : i32
      %dma_wait3A_50 = tpu.memref_slice %arg8[%add3A_8, %dma_wait3A_49] : memref<10240x128xf32, #tpu.memory_space<vmem_shared>> -> memref<128x128xf32, #tpu.memory_space<vmem_shared>>
      tpu.wait_dma2 semaphore(%run_scoped3A : memref<!tpu.dma_semaphore, #tpu.memory_space<semaphore_mem>>) src(%arg7 : memref<128x128xf32, #tpu.memory_space<vmem>>) dst(%dma_wait3A_50 : memref<128x128xf32, #tpu.memory_space<vmem_shared>>)
      tpu.yield
    }) : () -> ()
    %mul3A_9 = arith.constant 640 : i32
    %mul3A_10 = arith.muli %arg1, %mul3A_9 : i32
    %add3A_11 = arith.constant 256 : i32
    %add3A_12 = arith.addi %mul3A_10, %add3A_11 : i32
    "tpu.region"() ({
      %run_scoped3A = tpu.sem_alloc : memref<!tpu.dma_semaphore, #tpu.memory_space<semaphore_mem>>
      %dma_start3A_43 = arith.constant 0 : i32
      %dma_start3A_44 = tpu.memref_slice %arg8[%add3A_12, %dma_start3A_43] : memref<10240x128xf32, #tpu.memory_space<vmem_shared>> -> memref<128x128xf32, #tpu.memory_space<vmem_shared>>
      %dma_start3A_45 = arith.constant 0 : i32
      %dma_start3A_46 = tpu.memref_slice %arg8[%add3A_12, %dma_start3A_45] : memref<10240x128xf32, #tpu.memory_space<vmem_shared>> -> memref<128x128xf32, #tpu.memory_space<vmem_shared>>
      tpu.enqueue_dma source(%arg7 : memref<128x128xf32, #tpu.memory_space<vmem>>) target(%dma_start3A_46 : memref<128x128xf32, #tpu.memory_space<vmem_shared>>) target_semaphore(%run_scoped3A : memref<!tpu.dma_semaphore, #tpu.memory_space<semaphore_mem>>)
      %dma_wait3A_47 = arith.constant 0 : i32
      %dma_wait3A_48 = tpu.memref_slice %arg8[%add3A_12, %dma_wait3A_47] : memref<10240x128xf32, #tpu.memory_space<vmem_shared>> -> memref<128x128xf32, #tpu.memory_space<vmem_shared>>
      %dma_wait3A_49 = arith.constant 0 : i32
      %dma_wait3A_50 = tpu.memref_slice %arg8[%add3A_12, %dma_wait3A_49] : memref<10240x128xf32, #tpu.memory_space<vmem_shared>> -> memref<128x128xf32, #tpu.memory_space<vmem_shared>>
      tpu.wait_dma2 semaphore(%run_scoped3A : memref<!tpu.dma_semaphore, #tpu.memory_space<semaphore_mem>>) src(%arg7 : memref<128x128xf32, #tpu.memory_space<vmem>>) dst(%dma_wait3A_50 : memref<128x128xf32, #tpu.memory_space<vmem_shared>>)
      tpu.yield
    }) : () -> ()
    %mul3A_13 = arith.constant 640 : i32
    %mul3A_14 = arith.muli %arg1, %mul3A_13 : i32
    %add3A_15 = arith.constant 384 : i32
    %add3A_16 = arith.addi %mul3A_14, %add3A_15 : i32
    "tpu.region"() ({
      %run_scoped3A = tpu.sem_alloc : memref<!tpu.dma_semaphore, #tpu.memory_space<semaphore_mem>>
      %dma_start3A_43 = arith.constant 0 : i32
      %dma_start3A_44 = tpu.memref_slice %arg8[%add3A_16, %dma_start3A_43] : memref<10240x128xf32, #tpu.memory_space<vmem_shared>> -> memref<128x128xf32, #tpu.memory_space<vmem_shared>>
      %dma_start3A_45 = arith.constant 0 : i32
      %dma_start3A_46 = tpu.memref_slice %arg8[%add3A_16, %dma_start3A_45] : memref<10240x128xf32, #tpu.memory_space<vmem_shared>> -> memref<128x128xf32, #tpu.memory_space<vmem_shared>>
      tpu.enqueue_dma source(%arg7 : memref<128x128xf32, #tpu.memory_space<vmem>>) target(%dma_start3A_46 : memref<128x128xf32, #tpu.memory_space<vmem_shared>>) target_semaphore(%run_scoped3A : memref<!tpu.dma_semaphore, #tpu.memory_space<semaphore_mem>>)
      %dma_wait3A_47 = arith.constant 0 : i32
      %dma_wait3A_48 = tpu.memref_slice %arg8[%add3A_16, %dma_wait3A_47] : memref<10240x128xf32, #tpu.memory_space<vmem_shared>> -> memref<128x128xf32, #tpu.memory_space<vmem_shared>>
      %dma_wait3A_49 = arith.constant 0 : i32
      %dma_wait3A_50 = tpu.memref_slice %arg8[%add3A_16, %dma_wait3A_49] : memref<10240x128xf32, #tpu.memory_space<vmem_shared>> -> memref<128x128xf32, #tpu.memory_space<vmem_shared>>
      tpu.wait_dma2 semaphore(%run_scoped3A : memref<!tpu.dma_semaphore, #tpu.memory_space<semaphore_mem>>) src(%arg7 : memref<128x128xf32, #tpu.memory_space<vmem>>) dst(%dma_wait3A_50 : memref<128x128xf32, #tpu.memory_space<vmem_shared>>)
      tpu.yield
    }) : () -> ()
    %mul3A_17 = arith.constant 640 : i32
    %mul3A_18 = arith.muli %arg1, %mul3A_17 : i32
    %add3A_19 = arith.constant 512 : i32
    %add3A_20 = arith.addi %mul3A_18, %add3A_19 : i32
    "tpu.region"() ({
      %run_scoped3A = tpu.sem_alloc : memref<!tpu.dma_semaphore, #tpu.memory_space<semaphore_mem>>
      %dma_start3A_43 = arith.constant 0 : i32
      %dma_start3A_44 = tpu.memref_slice %arg8[%add3A_20, %dma_start3A_43] : memref<10240x128xf32, #tpu.memory_space<vmem_shared>> -> memref<128x128xf32, #tpu.memory_space<vmem_shared>>
      %dma_start3A_45 = arith.constant 0 : i32
      %dma_start3A_46 = tpu.memref_slice %arg8[%add3A_20, %dma_start3A_45] : memref<10240x128xf32, #tpu.memory_space<vmem_shared>> -> memref<128x128xf32, #tpu.memory_space<vmem_shared>>
      tpu.enqueue_dma source(%arg7 : memref<128x128xf32, #tpu.memory_space<vmem>>) target(%dma_start3A_46 : memref<128x128xf32, #tpu.memory_space<vmem_shared>>) target_semaphore(%run_scoped3A : memref<!tpu.dma_semaphore, #tpu.memory_space<semaphore_mem>>)
      %dma_wait3A_47 = arith.constant 0 : i32
      %dma_wait3A_48 = tpu.memref_slice %arg8[%add3A_20, %dma_wait3A_47] : memref<10240x128xf32, #tpu.memory_space<vmem_shared>> -> memref<128x128xf32, #tpu.memory_space<vmem_shared>>
      %dma_wait3A_49 = arith.constant 0 : i32
      %dma_wait3A_50 = tpu.memref_slice %arg8[%add3A_20, %dma_wait3A_49] : memref<10240x128xf32, #tpu.memory_space<vmem_shared>> -> memref<128x128xf32, #tpu.memory_space<vmem_shared>>
      tpu.wait_dma2 semaphore(%run_scoped3A : memref<!tpu.dma_semaphore, #tpu.memory_space<semaphore_mem>>) src(%arg7 : memref<128x128xf32, #tpu.memory_space<vmem>>) dst(%dma_wait3A_50 : memref<128x128xf32, #tpu.memory_space<vmem_shared>>)
      tpu.yield
    }) : () -> ()
    "tpu.region"() ({
      %run_scoped3A = tpu.sem_alloc : memref<!tpu.dma_semaphore, #tpu.memory_space<semaphore_mem>>
      %dma_start3A_43 = arith.constant 0 : i32
      %dma_start3A_44 = arith.constant 0 : i32
      %dma_start3A_45 = tpu.memref_slice %arg2[%add3A, %dma_start3A_43, %dma_start3A_44] : memref<32x80x128xi32, #tpu.memory_space<hbm>> -> memref<1x80x128xi32, #tpu.memory_space<hbm>>
      %dma_start3A_46 = tpu.memref_squeeze %dma_start3A_45 : memref<1x80x128xi32, #tpu.memory_space<hbm>> -> memref<80x128xi32, #tpu.memory_space<hbm>>
      %dma_start3A_47 = arith.constant 0 : i32
      %dma_start3A_48 = arith.constant 0 : i32
      %dma_start3A_49 = tpu.memref_slice %arg2[%add3A, %dma_start3A_47, %dma_start3A_48] : memref<32x80x128xi32, #tpu.memory_space<hbm>> -> memref<1x80x128xi32, #tpu.memory_space<hbm>>
      %dma_start3A_50 = tpu.memref_squeeze %dma_start3A_49 : memref<1x80x128xi32, #tpu.memory_space<hbm>> -> memref<80x128xi32, #tpu.memory_space<hbm>>
      tpu.enqueue_dma source(%dma_start3A_50 : memref<80x128xi32, #tpu.memory_space<hbm>>) target(%arg6 : memref<80x128xi32, #tpu.memory_space<vmem>>) target_semaphore(%run_scoped3A : memref<!tpu.dma_semaphore, #tpu.memory_space<semaphore_mem>>)
      %dma_wait3A_51 = arith.constant 0 : i32
      %dma_wait3A_52 = arith.constant 0 : i32
      %dma_wait3A_53 = tpu.memref_slice %arg2[%add3A, %dma_wait3A_51, %dma_wait3A_52] : memref<32x80x128xi32, #tpu.memory_space<hbm>> -> memref<1x80x128xi32, #tpu.memory_space<hbm>>
      %dma_wait3A_54 = tpu.memref_squeeze %dma_wait3A_53 : memref<1x80x128xi32, #tpu.memory_space<hbm>> -> memref<80x128xi32, #tpu.memory_space<hbm>>
      %dma_wait3A_55 = arith.constant 0 : i32
      %dma_wait3A_56 = arith.constant 0 : i32
      %dma_wait3A_57 = tpu.memref_slice %arg2[%add3A, %dma_wait3A_55, %dma_wait3A_56] : memref<32x80x128xi32, #tpu.memory_space<hbm>> -> memref<1x80x128xi32, #tpu.memory_space<hbm>>
      %dma_wait3A_58 = tpu.memref_squeeze %dma_wait3A_57 : memref<1x80x128xi32, #tpu.memory_space<hbm>> -> memref<80x128xi32, #tpu.memory_space<hbm>>
      tpu.wait_dma2 semaphore(%run_scoped3A : memref<!tpu.dma_semaphore, #tpu.memory_space<semaphore_mem>>) src(%dma_wait3A_58 : memref<80x128xi32, #tpu.memory_space<hbm>>) dst(%arg6 : memref<80x128xi32, #tpu.memory_space<vmem>>)
      tpu.yield
    }) : () -> ()
    "tpu.region"() ({
      %run_scoped3A = tpu.sem_alloc : memref<!tpu.dma_semaphore, #tpu.memory_space<semaphore_mem>>
      tpu.enqueue_dma source(%arg3 : memref<128x128xf32, #tpu.memory_space<hbm>>) target(%arg7 : memref<128x128xf32, #tpu.memory_space<vmem>>) target_semaphore(%run_scoped3A : memref<!tpu.dma_semaphore, #tpu.memory_space<semaphore_mem>>)
      tpu.wait_dma2 semaphore(%run_scoped3A : memref<!tpu.dma_semaphore, #tpu.memory_space<semaphore_mem>>) src(%arg3 : memref<128x128xf32, #tpu.memory_space<hbm>>) dst(%arg7 : memref<128x128xf32, #tpu.memory_space<vmem>>)
      tpu.yield
    }) : () -> ()
    %barrier3A = arith.constant 0 : index
    tpu.barrier barrier_id(%barrier3A)
    %dma_start3A = arith.constant 0 : i32
    %dma_start3A_21 = arith.constant 0 : i32
    %dma_start3A_22 = tpu.memref_slice %arg6[%dma_start3A, %dma_start3A_21] : memref<80x128xi32, #tpu.memory_space<vmem>> -> memref<1x128xi32, #tpu.memory_space<vmem>>
    %dma_start3A_23 = tpu.memref_squeeze %dma_start3A_22 : memref<1x128xi32, #tpu.memory_space<vmem>> -> memref<128xi32, #tpu.memory_space<vmem>>
    %dma_start3A_24 = arith.constant 0 : i32
    %dma_start3A_25 = arith.constant 0 : i32
    %dma_start3A_26 = tpu.memref_slice %arg8[%dma_start3A_24, %dma_start3A_25] : memref<10240x128xf32, #tpu.memory_space<vmem_shared>> -> memref<10240x128xf32, #tpu.memory_space<vmem_shared>>
    tpu.enqueue_indirect_dma source(%arg7 : memref<128x128xf32, #tpu.memory_space<vmem>>) target(%dma_start3A_26 : memref<10240x128xf32, #tpu.memory_space<vmem_shared>>) offsets(%dma_start3A_23 : memref<128xi32, #tpu.memory_space<vmem>>) semaphore(%arg9 : memref<!tpu.dma_semaphore, #tpu.memory_space<semaphore_mem>>) {add = true}
    %scan3A = arith.constant 0 : i32
    %scan3A_27 = arith.constant 1 : i32
    %scan3A_28 = arith.constant 79 : i32
    %scan3A_29 = arith.addi %scan3A_27, %scan3A_28 : i32
    %scan3A_30 = arith.constant 1 : i32
    scf.for %scan3A_43 = %scan3A_27 to %scan3A_29 step %scan3A_30  : i32 {
      %dma_start3A_44 = arith.constant 0 : i32
      %dma_start3A_45 = tpu.memref_slice %arg6[%scan3A_43, %dma_start3A_44] : memref<80x128xi32, #tpu.memory_space<vmem>> -> memref<1x128xi32, #tpu.memory_space<vmem>>
      %dma_start3A_46 = tpu.memref_squeeze %dma_start3A_45 : memref<1x128xi32, #tpu.memory_space<vmem>> -> memref<128xi32, #tpu.memory_space<vmem>>
      %dma_start3A_47 = arith.constant 0 : i32
      %dma_start3A_48 = arith.constant 0 : i32
      %dma_start3A_49 = tpu.memref_slice %arg8[%dma_start3A_47, %dma_start3A_48] : memref<10240x128xf32, #tpu.memory_space<vmem_shared>> -> memref<10240x128xf32, #tpu.memory_space<vmem_shared>>
      tpu.enqueue_indirect_dma source(%arg7 : memref<128x128xf32, #tpu.memory_space<vmem>>) target(%dma_start3A_49 : memref<10240x128xf32, #tpu.memory_space<vmem_shared>>) offsets(%dma_start3A_46 : memref<128xi32, #tpu.memory_space<vmem>>) semaphore(%arg9 : memref<!tpu.dma_semaphore, #tpu.memory_space<semaphore_mem>>) {add = true}
      %sub3A = arith.constant 1 : i32
      %sub3A_50 = arith.subi %scan3A_43, %sub3A : i32
      %dma_wait3A_51 = arith.constant 0 : i32
      %dma_wait3A_52 = tpu.memref_slice %arg6[%sub3A_50, %dma_wait3A_51] : memref<80x128xi32, #tpu.memory_space<vmem>> -> memref<1x128xi32, #tpu.memory_space<vmem>>
      %dma_wait3A_53 = tpu.memref_squeeze %dma_wait3A_52 : memref<1x128xi32, #tpu.memory_space<vmem>> -> memref<128xi32, #tpu.memory_space<vmem>>
      %dma_wait3A_54 = arith.constant 0 : i32
      %dma_wait3A_55 = arith.constant 0 : i32
      %dma_wait3A_56 = tpu.memref_slice %arg8[%dma_wait3A_54, %dma_wait3A_55] : memref<10240x128xf32, #tpu.memory_space<vmem_shared>> -> memref<10240x128xf32, #tpu.memory_space<vmem_shared>>
      tpu.wait_indirect_dma semaphore(%arg9 : memref<!tpu.dma_semaphore, #tpu.memory_space<semaphore_mem>>) src(%arg7 : memref<128x128xf32, #tpu.memory_space<vmem>>) dst(%dma_wait3A_56 : memref<10240x128xf32, #tpu.memory_space<vmem_shared>>)
    }
    %scan3A_31 = arith.constant 79 : i32
    %dma_wait3A = arith.constant 79 : i32
    %dma_wait3A_32 = arith.constant 0 : i32
    %dma_wait3A_33 = tpu.memref_slice %arg6[%dma_wait3A, %dma_wait3A_32] : memref<80x128xi32, #tpu.memory_space<vmem>> -> memref<1x128xi32, #tpu.memory_space<vmem>>
    %dma_wait3A_34 = tpu.memref_squeeze %dma_wait3A_33 : memref<1x128xi32, #tpu.memory_space<vmem>> -> memref<128xi32, #tpu.memory_space<vmem>>
    %dma_wait3A_35 = arith.constant 0 : i32
    %dma_wait3A_36 = arith.constant 0 : i32
    %dma_wait3A_37 = tpu.memref_slice %arg8[%dma_wait3A_35, %dma_wait3A_36] : memref<10240x128xf32, #tpu.memory_space<vmem_shared>> -> memref<10240x128xf32, #tpu.memory_space<vmem_shared>>
    tpu.wait_indirect_dma semaphore(%arg9 : memref<!tpu.dma_semaphore, #tpu.memory_space<semaphore_mem>>) src(%arg7 : memref<128x128xf32, #tpu.memory_space<vmem>>) dst(%dma_wait3A_37 : memref<10240x128xf32, #tpu.memory_space<vmem_shared>>)
    %barrier3A_38 = arith.constant 0 : index
    tpu.barrier barrier_id(%barrier3A_38)
    %mul3A_39 = arith.constant 640 : i32
    %mul3A_40 = arith.muli %arg1, %mul3A_39 : i32
    %mul3A_41 = arith.constant 640 : i32
    %mul3A_42 = arith.muli %arg1, %mul3A_41 : i32
    "tpu.region"() ({
      %run_scoped3A = tpu.sem_alloc : memref<!tpu.dma_semaphore, #tpu.memory_space<semaphore_mem>>
      %dma_start3A_43 = arith.constant 0 : i32
      %dma_start3A_44 = tpu.memref_slice %arg5[%arg0, %mul3A_42, %dma_start3A_43] : memref<2x10240x128xf32, #tpu.memory_space<hbm>> -> memref<1x640x128xf32, #tpu.memory_space<hbm>>
      %dma_start3A_45 = tpu.memref_squeeze %dma_start3A_44 : memref<1x640x128xf32, #tpu.memory_space<hbm>> -> memref<640x128xf32, #tpu.memory_space<hbm>>
      %dma_start3A_46 = arith.constant 0 : i32
      %dma_start3A_47 = tpu.memref_slice %arg8[%mul3A_40, %dma_start3A_46] : memref<10240x128xf32, #tpu.memory_space<vmem_shared>> -> memref<640x128xf32, #tpu.memory_space<vmem_shared>>
      tpu.enqueue_dma source(%dma_start3A_47 : memref<640x128xf32, #tpu.memory_space<vmem_shared>>) target(%dma_start3A_45 : memref<640x128xf32, #tpu.memory_space<hbm>>) target_semaphore(%run_scoped3A : memref<!tpu.dma_semaphore, #tpu.memory_space<semaphore_mem>>)
      %dma_wait3A_48 = arith.constant 0 : i32
      %dma_wait3A_49 = tpu.memref_slice %arg5[%arg0, %mul3A_42, %dma_wait3A_48] : memref<2x10240x128xf32, #tpu.memory_space<hbm>> -> memref<1x640x128xf32, #tpu.memory_space<hbm>>
      %dma_wait3A_50 = tpu.memref_squeeze %dma_wait3A_49 : memref<1x640x128xf32, #tpu.memory_space<hbm>> -> memref<640x128xf32, #tpu.memory_space<hbm>>
      %dma_wait3A_51 = arith.constant 0 : i32
      %dma_wait3A_52 = tpu.memref_slice %arg8[%mul3A_40, %dma_wait3A_51] : memref<10240x128xf32, #tpu.memory_space<vmem_shared>> -> memref<640x128xf32, #tpu.memory_space<vmem_shared>>
      tpu.wait_dma2 semaphore(%run_scoped3A : memref<!tpu.dma_semaphore, #tpu.memory_space<semaphore_mem>>) src(%dma_wait3A_52 : memref<640x128xf32, #tpu.memory_space<vmem_shared>>) dst(%dma_wait3A_50 : memref<640x128xf32, #tpu.memory_space<hbm>>)
      tpu.yield
    }) : () -> ()
    return
  }
}

#map = affine_map<(d0, d1) -> (0, 0)>
#map1 = affine_map<(d0, d1) -> (0, 0, 0)>
module attributes {stable_mosaic.version = 14 : i64} {
  func.func @layer_kernel(%arg0: i32, %arg1: i32, %arg2: memref<10240x128xf32, #tpu.memory_space<hbm>>, %arg3: memref<32x80x128xi32, #tpu.memory_space<hbm>>, %arg4: memref<32x80x128xi32, #tpu.memory_space<hbm>>, %arg5: memref<128x128xf32, #tpu.memory_space<hbm>>, %arg6: memref<2x10240x128xf32, #tpu.memory_space<hbm>>, %arg7: memref<40x128xi32, #tpu.memory_space<vmem>>, %arg8: memref<40x128xi32, #tpu.memory_space<vmem>>, %arg9: memref<128x128xf32, #tpu.memory_space<vmem>>, %arg10: memref<128x128xf32, #tpu.memory_space<vmem>>, %arg11: memref<10240x128xf32, #tpu.memory_space<vmem_shared>>, %arg12: memref<!tpu.dma_semaphore, #tpu.memory_space<semaphore_mem>>, %arg13: memref<!tpu.dma_semaphore, #tpu.memory_space<semaphore_mem>>) attributes {dimension_semantics = [#tpu.dimension_semantics<core_parallel>, #tpu.dimension_semantics<subcore_parallel>], iteration_bounds = array<i64: 2, 16>, scalar_prefetch = 0 : i64, scratch_operands = 7 : i64, tpu.core_type = #tpu.core_type<sc_vector_subcore>, window_params = [{transform_indices = #map}, {transform_indices = #map1}, {transform_indices = #map1}, {transform_indices = #map}, {transform_indices = #map1}]} {
    %mul3A = arith.constant 16 : i32
    %mul3A_0 = arith.muli %arg0, %mul3A : i32
    %add3A = arith.addi %mul3A_0, %arg1 : i32
    %dma_start3A = arith.constant 0 : i32
    %dma_start3A_1 = arith.constant 0 : i32
    %dma_start3A_2 = tpu.memref_slice %arg3[%add3A, %dma_start3A, %dma_start3A_1] : memref<32x80x128xi32, #tpu.memory_space<hbm>> -> memref<1x40x128xi32, #tpu.memory_space<hbm>>
    %dma_start3A_3 = tpu.memref_squeeze %dma_start3A_2 : memref<1x40x128xi32, #tpu.memory_space<hbm>> -> memref<40x128xi32, #tpu.memory_space<hbm>>
    %dma_start3A_4 = arith.constant 0 : i32
    %dma_start3A_5 = arith.constant 0 : i32
    %dma_start3A_6 = tpu.memref_slice %arg3[%add3A, %dma_start3A_4, %dma_start3A_5] : memref<32x80x128xi32, #tpu.memory_space<hbm>> -> memref<1x40x128xi32, #tpu.memory_space<hbm>>
    %dma_start3A_7 = tpu.memref_squeeze %dma_start3A_6 : memref<1x40x128xi32, #tpu.memory_space<hbm>> -> memref<40x128xi32, #tpu.memory_space<hbm>>
    tpu.enqueue_dma source(%dma_start3A_7 : memref<40x128xi32, #tpu.memory_space<hbm>>) target(%arg7 : memref<40x128xi32, #tpu.memory_space<vmem>>) target_semaphore(%arg12 : memref<!tpu.dma_semaphore, #tpu.memory_space<semaphore_mem>>)
    %dma_start3A_8 = arith.constant 0 : i32
    %dma_start3A_9 = arith.constant 0 : i32
    %dma_start3A_10 = tpu.memref_slice %arg4[%add3A, %dma_start3A_8, %dma_start3A_9] : memref<32x80x128xi32, #tpu.memory_space<hbm>> -> memref<1x40x128xi32, #tpu.memory_space<hbm>>
    %dma_start3A_11 = tpu.memref_squeeze %dma_start3A_10 : memref<1x40x128xi32, #tpu.memory_space<hbm>> -> memref<40x128xi32, #tpu.memory_space<hbm>>
    %dma_start3A_12 = arith.constant 0 : i32
    %dma_start3A_13 = arith.constant 0 : i32
    %dma_start3A_14 = tpu.memref_slice %arg4[%add3A, %dma_start3A_12, %dma_start3A_13] : memref<32x80x128xi32, #tpu.memory_space<hbm>> -> memref<1x40x128xi32, #tpu.memory_space<hbm>>
    %dma_start3A_15 = tpu.memref_squeeze %dma_start3A_14 : memref<1x40x128xi32, #tpu.memory_space<hbm>> -> memref<40x128xi32, #tpu.memory_space<hbm>>
    tpu.enqueue_dma source(%dma_start3A_15 : memref<40x128xi32, #tpu.memory_space<hbm>>) target(%arg8 : memref<40x128xi32, #tpu.memory_space<vmem>>) target_semaphore(%arg13 : memref<!tpu.dma_semaphore, #tpu.memory_space<semaphore_mem>>)
    "tpu.region"() ({
      %run_scoped3A = tpu.sem_alloc : memref<!tpu.dma_semaphore, #tpu.memory_space<semaphore_mem>>
      tpu.enqueue_dma source(%arg5 : memref<128x128xf32, #tpu.memory_space<hbm>>) target(%arg10 : memref<128x128xf32, #tpu.memory_space<vmem>>) target_semaphore(%run_scoped3A : memref<!tpu.dma_semaphore, #tpu.memory_space<semaphore_mem>>)
      tpu.wait_dma2 semaphore(%run_scoped3A : memref<!tpu.dma_semaphore, #tpu.memory_space<semaphore_mem>>) src(%arg5 : memref<128x128xf32, #tpu.memory_space<hbm>>) dst(%arg10 : memref<128x128xf32, #tpu.memory_space<vmem>>)
      tpu.yield
    }) : () -> ()
    %mul3A_16 = arith.constant 640 : i32
    %mul3A_17 = arith.muli %arg1, %mul3A_16 : i32
    %add3A_18 = arith.constant 0 : i32
    %add3A_19 = arith.addi %mul3A_17, %add3A_18 : i32
    "tpu.region"() ({
      %run_scoped3A = tpu.sem_alloc : memref<!tpu.dma_semaphore, #tpu.memory_space<semaphore_mem>>
      %dma_start3A_147 = arith.constant 0 : i32
      %dma_start3A_148 = tpu.memref_slice %arg11[%add3A_19, %dma_start3A_147] : memref<10240x128xf32, #tpu.memory_space<vmem_shared>> -> memref<128x128xf32, #tpu.memory_space<vmem_shared>>
      %dma_start3A_149 = arith.constant 0 : i32
      %dma_start3A_150 = tpu.memref_slice %arg11[%add3A_19, %dma_start3A_149] : memref<10240x128xf32, #tpu.memory_space<vmem_shared>> -> memref<128x128xf32, #tpu.memory_space<vmem_shared>>
      tpu.enqueue_dma source(%arg10 : memref<128x128xf32, #tpu.memory_space<vmem>>) target(%dma_start3A_150 : memref<128x128xf32, #tpu.memory_space<vmem_shared>>) target_semaphore(%run_scoped3A : memref<!tpu.dma_semaphore, #tpu.memory_space<semaphore_mem>>)
      %dma_wait3A_151 = arith.constant 0 : i32
      %dma_wait3A_152 = tpu.memref_slice %arg11[%add3A_19, %dma_wait3A_151] : memref<10240x128xf32, #tpu.memory_space<vmem_shared>> -> memref<128x128xf32, #tpu.memory_space<vmem_shared>>
      %dma_wait3A_153 = arith.constant 0 : i32
      %dma_wait3A_154 = tpu.memref_slice %arg11[%add3A_19, %dma_wait3A_153] : memref<10240x128xf32, #tpu.memory_space<vmem_shared>> -> memref<128x128xf32, #tpu.memory_space<vmem_shared>>
      tpu.wait_dma2 semaphore(%run_scoped3A : memref<!tpu.dma_semaphore, #tpu.memory_space<semaphore_mem>>) src(%arg10 : memref<128x128xf32, #tpu.memory_space<vmem>>) dst(%dma_wait3A_154 : memref<128x128xf32, #tpu.memory_space<vmem_shared>>)
      tpu.yield
    }) : () -> ()
    %mul3A_20 = arith.constant 640 : i32
    %mul3A_21 = arith.muli %arg1, %mul3A_20 : i32
    %add3A_22 = arith.constant 128 : i32
    %add3A_23 = arith.addi %mul3A_21, %add3A_22 : i32
    "tpu.region"() ({
      %run_scoped3A = tpu.sem_alloc : memref<!tpu.dma_semaphore, #tpu.memory_space<semaphore_mem>>
      %dma_start3A_147 = arith.constant 0 : i32
      %dma_start3A_148 = tpu.memref_slice %arg11[%add3A_23, %dma_start3A_147] : memref<10240x128xf32, #tpu.memory_space<vmem_shared>> -> memref<128x128xf32, #tpu.memory_space<vmem_shared>>
      %dma_start3A_149 = arith.constant 0 : i32
      %dma_start3A_150 = tpu.memref_slice %arg11[%add3A_23, %dma_start3A_149] : memref<10240x128xf32, #tpu.memory_space<vmem_shared>> -> memref<128x128xf32, #tpu.memory_space<vmem_shared>>
      tpu.enqueue_dma source(%arg10 : memref<128x128xf32, #tpu.memory_space<vmem>>) target(%dma_start3A_150 : memref<128x128xf32, #tpu.memory_space<vmem_shared>>) target_semaphore(%run_scoped3A : memref<!tpu.dma_semaphore, #tpu.memory_space<semaphore_mem>>)
      %dma_wait3A_151 = arith.constant 0 : i32
      %dma_wait3A_152 = tpu.memref_slice %arg11[%add3A_23, %dma_wait3A_151] : memref<10240x128xf32, #tpu.memory_space<vmem_shared>> -> memref<128x128xf32, #tpu.memory_space<vmem_shared>>
      %dma_wait3A_153 = arith.constant 0 : i32
      %dma_wait3A_154 = tpu.memref_slice %arg11[%add3A_23, %dma_wait3A_153] : memref<10240x128xf32, #tpu.memory_space<vmem_shared>> -> memref<128x128xf32, #tpu.memory_space<vmem_shared>>
      tpu.wait_dma2 semaphore(%run_scoped3A : memref<!tpu.dma_semaphore, #tpu.memory_space<semaphore_mem>>) src(%arg10 : memref<128x128xf32, #tpu.memory_space<vmem>>) dst(%dma_wait3A_154 : memref<128x128xf32, #tpu.memory_space<vmem_shared>>)
      tpu.yield
    }) : () -> ()
    %mul3A_24 = arith.constant 640 : i32
    %mul3A_25 = arith.muli %arg1, %mul3A_24 : i32
    %add3A_26 = arith.constant 256 : i32
    %add3A_27 = arith.addi %mul3A_25, %add3A_26 : i32
    "tpu.region"() ({
      %run_scoped3A = tpu.sem_alloc : memref<!tpu.dma_semaphore, #tpu.memory_space<semaphore_mem>>
      %dma_start3A_147 = arith.constant 0 : i32
      %dma_start3A_148 = tpu.memref_slice %arg11[%add3A_27, %dma_start3A_147] : memref<10240x128xf32, #tpu.memory_space<vmem_shared>> -> memref<128x128xf32, #tpu.memory_space<vmem_shared>>
      %dma_start3A_149 = arith.constant 0 : i32
      %dma_start3A_150 = tpu.memref_slice %arg11[%add3A_27, %dma_start3A_149] : memref<10240x128xf32, #tpu.memory_space<vmem_shared>> -> memref<128x128xf32, #tpu.memory_space<vmem_shared>>
      tpu.enqueue_dma source(%arg10 : memref<128x128xf32, #tpu.memory_space<vmem>>) target(%dma_start3A_150 : memref<128x128xf32, #tpu.memory_space<vmem_shared>>) target_semaphore(%run_scoped3A : memref<!tpu.dma_semaphore, #tpu.memory_space<semaphore_mem>>)
      %dma_wait3A_151 = arith.constant 0 : i32
      %dma_wait3A_152 = tpu.memref_slice %arg11[%add3A_27, %dma_wait3A_151] : memref<10240x128xf32, #tpu.memory_space<vmem_shared>> -> memref<128x128xf32, #tpu.memory_space<vmem_shared>>
      %dma_wait3A_153 = arith.constant 0 : i32
      %dma_wait3A_154 = tpu.memref_slice %arg11[%add3A_27, %dma_wait3A_153] : memref<10240x128xf32, #tpu.memory_space<vmem_shared>> -> memref<128x128xf32, #tpu.memory_space<vmem_shared>>
      tpu.wait_dma2 semaphore(%run_scoped3A : memref<!tpu.dma_semaphore, #tpu.memory_space<semaphore_mem>>) src(%arg10 : memref<128x128xf32, #tpu.memory_space<vmem>>) dst(%dma_wait3A_154 : memref<128x128xf32, #tpu.memory_space<vmem_shared>>)
      tpu.yield
    }) : () -> ()
    %mul3A_28 = arith.constant 640 : i32
    %mul3A_29 = arith.muli %arg1, %mul3A_28 : i32
    %add3A_30 = arith.constant 384 : i32
    %add3A_31 = arith.addi %mul3A_29, %add3A_30 : i32
    "tpu.region"() ({
      %run_scoped3A = tpu.sem_alloc : memref<!tpu.dma_semaphore, #tpu.memory_space<semaphore_mem>>
      %dma_start3A_147 = arith.constant 0 : i32
      %dma_start3A_148 = tpu.memref_slice %arg11[%add3A_31, %dma_start3A_147] : memref<10240x128xf32, #tpu.memory_space<vmem_shared>> -> memref<128x128xf32, #tpu.memory_space<vmem_shared>>
      %dma_start3A_149 = arith.constant 0 : i32
      %dma_start3A_150 = tpu.memref_slice %arg11[%add3A_31, %dma_start3A_149] : memref<10240x128xf32, #tpu.memory_space<vmem_shared>> -> memref<128x128xf32, #tpu.memory_space<vmem_shared>>
      tpu.enqueue_dma source(%arg10 : memref<128x128xf32, #tpu.memory_space<vmem>>) target(%dma_start3A_150 : memref<128x128xf32, #tpu.memory_space<vmem_shared>>) target_semaphore(%run_scoped3A : memref<!tpu.dma_semaphore, #tpu.memory_space<semaphore_mem>>)
      %dma_wait3A_151 = arith.constant 0 : i32
      %dma_wait3A_152 = tpu.memref_slice %arg11[%add3A_31, %dma_wait3A_151] : memref<10240x128xf32, #tpu.memory_space<vmem_shared>> -> memref<128x128xf32, #tpu.memory_space<vmem_shared>>
      %dma_wait3A_153 = arith.constant 0 : i32
      %dma_wait3A_154 = tpu.memref_slice %arg11[%add3A_31, %dma_wait3A_153] : memref<10240x128xf32, #tpu.memory_space<vmem_shared>> -> memref<128x128xf32, #tpu.memory_space<vmem_shared>>
      tpu.wait_dma2 semaphore(%run_scoped3A : memref<!tpu.dma_semaphore, #tpu.memory_space<semaphore_mem>>) src(%arg10 : memref<128x128xf32, #tpu.memory_space<vmem>>) dst(%dma_wait3A_154 : memref<128x128xf32, #tpu.memory_space<vmem_shared>>)
      tpu.yield
    }) : () -> ()
    %mul3A_32 = arith.constant 640 : i32
    %mul3A_33 = arith.muli %arg1, %mul3A_32 : i32
    %add3A_34 = arith.constant 512 : i32
    %add3A_35 = arith.addi %mul3A_33, %add3A_34 : i32
    "tpu.region"() ({
      %run_scoped3A = tpu.sem_alloc : memref<!tpu.dma_semaphore, #tpu.memory_space<semaphore_mem>>
      %dma_start3A_147 = arith.constant 0 : i32
      %dma_start3A_148 = tpu.memref_slice %arg11[%add3A_35, %dma_start3A_147] : memref<10240x128xf32, #tpu.memory_space<vmem_shared>> -> memref<128x128xf32, #tpu.memory_space<vmem_shared>>
      %dma_start3A_149 = arith.constant 0 : i32
      %dma_start3A_150 = tpu.memref_slice %arg11[%add3A_35, %dma_start3A_149] : memref<10240x128xf32, #tpu.memory_space<vmem_shared>> -> memref<128x128xf32, #tpu.memory_space<vmem_shared>>
      tpu.enqueue_dma source(%arg10 : memref<128x128xf32, #tpu.memory_space<vmem>>) target(%dma_start3A_150 : memref<128x128xf32, #tpu.memory_space<vmem_shared>>) target_semaphore(%run_scoped3A : memref<!tpu.dma_semaphore, #tpu.memory_space<semaphore_mem>>)
      %dma_wait3A_151 = arith.constant 0 : i32
      %dma_wait3A_152 = tpu.memref_slice %arg11[%add3A_35, %dma_wait3A_151] : memref<10240x128xf32, #tpu.memory_space<vmem_shared>> -> memref<128x128xf32, #tpu.memory_space<vmem_shared>>
      %dma_wait3A_153 = arith.constant 0 : i32
      %dma_wait3A_154 = tpu.memref_slice %arg11[%add3A_35, %dma_wait3A_153] : memref<10240x128xf32, #tpu.memory_space<vmem_shared>> -> memref<128x128xf32, #tpu.memory_space<vmem_shared>>
      tpu.wait_dma2 semaphore(%run_scoped3A : memref<!tpu.dma_semaphore, #tpu.memory_space<semaphore_mem>>) src(%arg10 : memref<128x128xf32, #tpu.memory_space<vmem>>) dst(%dma_wait3A_154 : memref<128x128xf32, #tpu.memory_space<vmem_shared>>)
      tpu.yield
    }) : () -> ()
    %dma_wait3A = arith.constant 0 : i32
    %dma_wait3A_36 = arith.constant 0 : i32
    %dma_wait3A_37 = tpu.memref_slice %arg3[%add3A, %dma_wait3A, %dma_wait3A_36] : memref<32x80x128xi32, #tpu.memory_space<hbm>> -> memref<1x40x128xi32, #tpu.memory_space<hbm>>
    %dma_wait3A_38 = tpu.memref_squeeze %dma_wait3A_37 : memref<1x40x128xi32, #tpu.memory_space<hbm>> -> memref<40x128xi32, #tpu.memory_space<hbm>>
    %dma_wait3A_39 = arith.constant 0 : i32
    %dma_wait3A_40 = arith.constant 0 : i32
    %dma_wait3A_41 = tpu.memref_slice %arg3[%add3A, %dma_wait3A_39, %dma_wait3A_40] : memref<32x80x128xi32, #tpu.memory_space<hbm>> -> memref<1x40x128xi32, #tpu.memory_space<hbm>>
    %dma_wait3A_42 = tpu.memref_squeeze %dma_wait3A_41 : memref<1x40x128xi32, #tpu.memory_space<hbm>> -> memref<40x128xi32, #tpu.memory_space<hbm>>
    tpu.wait_dma2 semaphore(%arg12 : memref<!tpu.dma_semaphore, #tpu.memory_space<semaphore_mem>>) src(%dma_wait3A_42 : memref<40x128xi32, #tpu.memory_space<hbm>>) dst(%arg7 : memref<40x128xi32, #tpu.memory_space<vmem>>)
    %dma_wait3A_43 = arith.constant 0 : i32
    %dma_wait3A_44 = arith.constant 0 : i32
    %dma_wait3A_45 = tpu.memref_slice %arg4[%add3A, %dma_wait3A_43, %dma_wait3A_44] : memref<32x80x128xi32, #tpu.memory_space<hbm>> -> memref<1x40x128xi32, #tpu.memory_space<hbm>>
    %dma_wait3A_46 = tpu.memref_squeeze %dma_wait3A_45 : memref<1x40x128xi32, #tpu.memory_space<hbm>> -> memref<40x128xi32, #tpu.memory_space<hbm>>
    %dma_wait3A_47 = arith.constant 0 : i32
    %dma_wait3A_48 = arith.constant 0 : i32
    %dma_wait3A_49 = tpu.memref_slice %arg4[%add3A, %dma_wait3A_47, %dma_wait3A_48] : memref<32x80x128xi32, #tpu.memory_space<hbm>> -> memref<1x40x128xi32, #tpu.memory_space<hbm>>
    %dma_wait3A_50 = tpu.memref_squeeze %dma_wait3A_49 : memref<1x40x128xi32, #tpu.memory_space<hbm>> -> memref<40x128xi32, #tpu.memory_space<hbm>>
    tpu.wait_dma2 semaphore(%arg13 : memref<!tpu.dma_semaphore, #tpu.memory_space<semaphore_mem>>) src(%dma_wait3A_50 : memref<40x128xi32, #tpu.memory_space<hbm>>) dst(%arg8 : memref<40x128xi32, #tpu.memory_space<vmem>>)
    %barrier3A = arith.constant 0 : index
    tpu.barrier barrier_id(%barrier3A)
    %dma_start3A_51 = arith.constant 0 : i32
    %dma_start3A_52 = arith.constant 0 : i32
    %dma_start3A_53 = arith.constant 0 : i32
    %dma_start3A_54 = tpu.memref_slice %arg9[%dma_start3A_52, %dma_start3A_53] : memref<128x128xf32, #tpu.memory_space<vmem>> -> memref<64x128xf32, #tpu.memory_space<vmem>>
    %dma_start3A_55 = arith.constant 0 : i32
    %dma_start3A_56 = tpu.memref_slice %arg7[%dma_start3A_51, %dma_start3A_55] : memref<40x128xi32, #tpu.memory_space<vmem>> -> memref<1x64xi32, #tpu.memory_space<vmem>>
    %dma_start3A_57 = tpu.memref_squeeze %dma_start3A_56 : memref<1x64xi32, #tpu.memory_space<vmem>> -> memref<64xi32, #tpu.memory_space<vmem>>
    %dma_start3A_58 = arith.constant 0 : i32
    %dma_start3A_59 = arith.constant 0 : i32
    %dma_start3A_60 = tpu.memref_slice %arg2[%dma_start3A_58, %dma_start3A_59] : memref<10240x128xf32, #tpu.memory_space<hbm>> -> memref<10240x128xf32, #tpu.memory_space<hbm>>
    tpu.enqueue_indirect_dma source(%dma_start3A_60 : memref<10240x128xf32, #tpu.memory_space<hbm>>) target(%dma_start3A_54 : memref<64x128xf32, #tpu.memory_space<vmem>>) offsets(%dma_start3A_57 : memref<64xi32, #tpu.memory_space<vmem>>) semaphore(%arg12 : memref<!tpu.dma_semaphore, #tpu.memory_space<semaphore_mem>>)
    %dma_start3A_61 = arith.constant 0 : i32
    %dma_start3A_62 = arith.constant 64 : i32
    %dma_start3A_63 = arith.constant 0 : i32
    %dma_start3A_64 = tpu.memref_slice %arg9[%dma_start3A_62, %dma_start3A_63] : memref<128x128xf32, #tpu.memory_space<vmem>> -> memref<64x128xf32, #tpu.memory_space<vmem>>
    %dma_start3A_65 = arith.constant 64 : i32
    %dma_start3A_66 = tpu.memref_slice %arg7[%dma_start3A_61, %dma_start3A_65] : memref<40x128xi32, #tpu.memory_space<vmem>> -> memref<1x64xi32, #tpu.memory_space<vmem>>
    %dma_start3A_67 = tpu.memref_squeeze %dma_start3A_66 : memref<1x64xi32, #tpu.memory_space<vmem>> -> memref<64xi32, #tpu.memory_space<vmem>>
    %dma_start3A_68 = arith.constant 0 : i32
    %dma_start3A_69 = arith.constant 0 : i32
    %dma_start3A_70 = tpu.memref_slice %arg2[%dma_start3A_68, %dma_start3A_69] : memref<10240x128xf32, #tpu.memory_space<hbm>> -> memref<10240x128xf32, #tpu.memory_space<hbm>>
    tpu.enqueue_indirect_dma source(%dma_start3A_70 : memref<10240x128xf32, #tpu.memory_space<hbm>>) target(%dma_start3A_64 : memref<64x128xf32, #tpu.memory_space<vmem>>) offsets(%dma_start3A_67 : memref<64xi32, #tpu.memory_space<vmem>>) semaphore(%arg12 : memref<!tpu.dma_semaphore, #tpu.memory_space<semaphore_mem>>)
    %scan3A = arith.constant 0 : i32
    %scan3A_71 = arith.constant 0 : i32
    %scan3A_72 = arith.constant 20 : i32
    %scan3A_73 = arith.addi %scan3A_71, %scan3A_72 : i32
    %scan3A_74 = arith.constant 1 : i32
    scf.for %scan3A_147 = %scan3A_71 to %scan3A_73 step %scan3A_74  : i32 {
      %mul3A_148 = arith.constant 2 : i32
      %mul3A_149 = arith.muli %mul3A_148, %scan3A_147 : i32
      %dma_wait3A_150 = arith.constant 0 : i32
      %dma_wait3A_151 = arith.constant 0 : i32
      %dma_wait3A_152 = tpu.memref_slice %arg9[%dma_wait3A_150, %dma_wait3A_151] : memref<128x128xf32, #tpu.memory_space<vmem>> -> memref<64x128xf32, #tpu.memory_space<vmem>>
      %dma_wait3A_153 = arith.constant 0 : i32
      %dma_wait3A_154 = tpu.memref_slice %arg7[%mul3A_149, %dma_wait3A_153] : memref<40x128xi32, #tpu.memory_space<vmem>> -> memref<1x64xi32, #tpu.memory_space<vmem>>
      %dma_wait3A_155 = tpu.memref_squeeze %dma_wait3A_154 : memref<1x64xi32, #tpu.memory_space<vmem>> -> memref<64xi32, #tpu.memory_space<vmem>>
      %dma_wait3A_156 = arith.constant 0 : i32
      %dma_wait3A_157 = arith.constant 0 : i32
      %dma_wait3A_158 = tpu.memref_slice %arg2[%dma_wait3A_156, %dma_wait3A_157] : memref<10240x128xf32, #tpu.memory_space<hbm>> -> memref<10240x128xf32, #tpu.memory_space<hbm>>
      tpu.wait_indirect_dma semaphore(%arg12 : memref<!tpu.dma_semaphore, #tpu.memory_space<semaphore_mem>>) src(%dma_wait3A_158 : memref<10240x128xf32, #tpu.memory_space<hbm>>) dst(%dma_wait3A_152 : memref<64x128xf32, #tpu.memory_space<vmem>>)
      %dma_wait3A_159 = arith.constant 64 : i32
      %dma_wait3A_160 = arith.constant 0 : i32
      %dma_wait3A_161 = tpu.memref_slice %arg9[%dma_wait3A_159, %dma_wait3A_160] : memref<128x128xf32, #tpu.memory_space<vmem>> -> memref<64x128xf32, #tpu.memory_space<vmem>>
      %dma_wait3A_162 = arith.constant 64 : i32
      %dma_wait3A_163 = tpu.memref_slice %arg7[%mul3A_149, %dma_wait3A_162] : memref<40x128xi32, #tpu.memory_space<vmem>> -> memref<1x64xi32, #tpu.memory_space<vmem>>
      %dma_wait3A_164 = tpu.memref_squeeze %dma_wait3A_163 : memref<1x64xi32, #tpu.memory_space<vmem>> -> memref<64xi32, #tpu.memory_space<vmem>>
      %dma_wait3A_165 = arith.constant 0 : i32
      %dma_wait3A_166 = arith.constant 0 : i32
      %dma_wait3A_167 = tpu.memref_slice %arg2[%dma_wait3A_165, %dma_wait3A_166] : memref<10240x128xf32, #tpu.memory_space<hbm>> -> memref<10240x128xf32, #tpu.memory_space<hbm>>
      tpu.wait_indirect_dma semaphore(%arg12 : memref<!tpu.dma_semaphore, #tpu.memory_space<semaphore_mem>>) src(%dma_wait3A_167 : memref<10240x128xf32, #tpu.memory_space<hbm>>) dst(%dma_wait3A_161 : memref<64x128xf32, #tpu.memory_space<vmem>>)
      %add3A_168 = arith.constant 1 : i32
      %add3A_169 = arith.addi %mul3A_149, %add3A_168 : i32
      %dma_start3A_170 = arith.constant 0 : i32
      %dma_start3A_171 = arith.constant 0 : i32
      %dma_start3A_172 = tpu.memref_slice %arg10[%dma_start3A_170, %dma_start3A_171] : memref<128x128xf32, #tpu.memory_space<vmem>> -> memref<64x128xf32, #tpu.memory_space<vmem>>
      %dma_start3A_173 = arith.constant 0 : i32
      %dma_start3A_174 = tpu.memref_slice %arg7[%add3A_169, %dma_start3A_173] : memref<40x128xi32, #tpu.memory_space<vmem>> -> memref<1x64xi32, #tpu.memory_space<vmem>>
      %dma_start3A_175 = tpu.memref_squeeze %dma_start3A_174 : memref<1x64xi32, #tpu.memory_space<vmem>> -> memref<64xi32, #tpu.memory_space<vmem>>
      %dma_start3A_176 = arith.constant 0 : i32
      %dma_start3A_177 = arith.constant 0 : i32
      %dma_start3A_178 = tpu.memref_slice %arg2[%dma_start3A_176, %dma_start3A_177] : memref<10240x128xf32, #tpu.memory_space<hbm>> -> memref<10240x128xf32, #tpu.memory_space<hbm>>
      tpu.enqueue_indirect_dma source(%dma_start3A_178 : memref<10240x128xf32, #tpu.memory_space<hbm>>) target(%dma_start3A_172 : memref<64x128xf32, #tpu.memory_space<vmem>>) offsets(%dma_start3A_175 : memref<64xi32, #tpu.memory_space<vmem>>) semaphore(%arg13 : memref<!tpu.dma_semaphore, #tpu.memory_space<semaphore_mem>>)
      %dma_start3A_179 = arith.constant 64 : i32
      %dma_start3A_180 = arith.constant 0 : i32
      %dma_start3A_181 = tpu.memref_slice %arg10[%dma_start3A_179, %dma_start3A_180] : memref<128x128xf32, #tpu.memory_space<vmem>> -> memref<64x128xf32, #tpu.memory_space<vmem>>
      %dma_start3A_182 = arith.constant 64 : i32
      %dma_start3A_183 = tpu.memref_slice %arg7[%add3A_169, %dma_start3A_182] : memref<40x128xi32, #tpu.memory_space<vmem>> -> memref<1x64xi32, #tpu.memory_space<vmem>>
      %dma_start3A_184 = tpu.memref_squeeze %dma_start3A_183 : memref<1x64xi32, #tpu.memory_space<vmem>> -> memref<64xi32, #tpu.memory_space<vmem>>
      %dma_start3A_185 = arith.constant 0 : i32
      %dma_start3A_186 = arith.constant 0 : i32
      %dma_start3A_187 = tpu.memref_slice %arg2[%dma_start3A_185, %dma_start3A_186] : memref<10240x128xf32, #tpu.memory_space<hbm>> -> memref<10240x128xf32, #tpu.memory_space<hbm>>
      tpu.enqueue_indirect_dma source(%dma_start3A_187 : memref<10240x128xf32, #tpu.memory_space<hbm>>) target(%dma_start3A_181 : memref<64x128xf32, #tpu.memory_space<vmem>>) offsets(%dma_start3A_184 : memref<64xi32, #tpu.memory_space<vmem>>) semaphore(%arg13 : memref<!tpu.dma_semaphore, #tpu.memory_space<semaphore_mem>>)
      "tpu.region"() ({
        %run_scoped3A = tpu.sem_alloc : memref<!tpu.dma_semaphore, #tpu.memory_space<semaphore_mem>>
        %dma_start3A_231 = arith.constant 0 : i32
        %dma_start3A_232 = tpu.memref_slice %arg8[%mul3A_149, %dma_start3A_231] : memref<40x128xi32, #tpu.memory_space<vmem>> -> memref<1x128xi32, #tpu.memory_space<vmem>>
        %dma_start3A_233 = tpu.memref_squeeze %dma_start3A_232 : memref<1x128xi32, #tpu.memory_space<vmem>> -> memref<128xi32, #tpu.memory_space<vmem>>
        %dma_start3A_234 = arith.constant 0 : i32
        %dma_start3A_235 = arith.constant 0 : i32
        %dma_start3A_236 = tpu.memref_slice %arg11[%dma_start3A_234, %dma_start3A_235] : memref<10240x128xf32, #tpu.memory_space<vmem_shared>> -> memref<10240x128xf32, #tpu.memory_space<vmem_shared>>
        tpu.enqueue_indirect_dma source(%arg9 : memref<128x128xf32, #tpu.memory_space<vmem>>) target(%dma_start3A_236 : memref<10240x128xf32, #tpu.memory_space<vmem_shared>>) offsets(%dma_start3A_233 : memref<128xi32, #tpu.memory_space<vmem>>) semaphore(%run_scoped3A : memref<!tpu.dma_semaphore, #tpu.memory_space<semaphore_mem>>) {add = true}
        %dma_wait3A_237 = arith.constant 0 : i32
        %dma_wait3A_238 = tpu.memref_slice %arg8[%mul3A_149, %dma_wait3A_237] : memref<40x128xi32, #tpu.memory_space<vmem>> -> memref<1x128xi32, #tpu.memory_space<vmem>>
        %dma_wait3A_239 = tpu.memref_squeeze %dma_wait3A_238 : memref<1x128xi32, #tpu.memory_space<vmem>> -> memref<128xi32, #tpu.memory_space<vmem>>
        %dma_wait3A_240 = arith.constant 0 : i32
        %dma_wait3A_241 = arith.constant 0 : i32
        %dma_wait3A_242 = tpu.memref_slice %arg11[%dma_wait3A_240, %dma_wait3A_241] : memref<10240x128xf32, #tpu.memory_space<vmem_shared>> -> memref<10240x128xf32, #tpu.memory_space<vmem_shared>>
        tpu.wait_indirect_dma semaphore(%run_scoped3A : memref<!tpu.dma_semaphore, #tpu.memory_space<semaphore_mem>>) src(%arg9 : memref<128x128xf32, #tpu.memory_space<vmem>>) dst(%dma_wait3A_242 : memref<10240x128xf32, #tpu.memory_space<vmem_shared>>)
        tpu.yield
      }) : () -> ()
      %add3A_188 = arith.constant 2 : i32
      %add3A_189 = arith.addi %mul3A_149, %add3A_188 : i32
      %min3A = arith.constant 38 : i32
      %min3A_190 = arith.minsi %add3A_189, %min3A : i32
      %dma_start3A_191 = arith.constant 0 : i32
      %dma_start3A_192 = arith.constant 0 : i32
      %dma_start3A_193 = tpu.memref_slice %arg9[%dma_start3A_191, %dma_start3A_192] : memref<128x128xf32, #tpu.memory_space<vmem>> -> memref<64x128xf32, #tpu.memory_space<vmem>>
      %dma_start3A_194 = arith.constant 0 : i32
      %dma_start3A_195 = tpu.memref_slice %arg7[%min3A_190, %dma_start3A_194] : memref<40x128xi32, #tpu.memory_space<vmem>> -> memref<1x64xi32, #tpu.memory_space<vmem>>
      %dma_start3A_196 = tpu.memref_squeeze %dma_start3A_195 : memref<1x64xi32, #tpu.memory_space<vmem>> -> memref<64xi32, #tpu.memory_space<vmem>>
      %dma_start3A_197 = arith.constant 0 : i32
      %dma_start3A_198 = arith.constant 0 : i32
      %dma_start3A_199 = tpu.memref_slice %arg2[%dma_start3A_197, %dma_start3A_198] : memref<10240x128xf32, #tpu.memory_space<hbm>> -> memref<10240x128xf32, #tpu.memory_space<hbm>>
      tpu.enqueue_indirect_dma source(%dma_start3A_199 : memref<10240x128xf32, #tpu.memory_space<hbm>>) target(%dma_start3A_193 : memref<64x128xf32, #tpu.memory_space<vmem>>) offsets(%dma_start3A_196 : memref<64xi32, #tpu.memory_space<vmem>>) semaphore(%arg12 : memref<!tpu.dma_semaphore, #tpu.memory_space<semaphore_mem>>)
      %dma_start3A_200 = arith.constant 64 : i32
      %dma_start3A_201 = arith.constant 0 : i32
      %dma_start3A_202 = tpu.memref_slice %arg9[%dma_start3A_200, %dma_start3A_201] : memref<128x128xf32, #tpu.memory_space<vmem>> -> memref<64x128xf32, #tpu.memory_space<vmem>>
      %dma_start3A_203 = arith.constant 64 : i32
      %dma_start3A_204 = tpu.memref_slice %arg7[%min3A_190, %dma_start3A_203] : memref<40x128xi32, #tpu.memory_space<vmem>> -> memref<1x64xi32, #tpu.memory_space<vmem>>
      %dma_start3A_205 = tpu.memref_squeeze %dma_start3A_204 : memref<1x64xi32, #tpu.memory_space<vmem>> -> memref<64xi32, #tpu.memory_space<vmem>>
      %dma_start3A_206 = arith.constant 0 : i32
      %dma_start3A_207 = arith.constant 0 : i32
      %dma_start3A_208 = tpu.memref_slice %arg2[%dma_start3A_206, %dma_start3A_207] : memref<10240x128xf32, #tpu.memory_space<hbm>> -> memref<10240x128xf32, #tpu.memory_space<hbm>>
      tpu.enqueue_indirect_dma source(%dma_start3A_208 : memref<10240x128xf32, #tpu.memory_space<hbm>>) target(%dma_start3A_202 : memref<64x128xf32, #tpu.memory_space<vmem>>) offsets(%dma_start3A_205 : memref<64xi32, #tpu.memory_space<vmem>>) semaphore(%arg12 : memref<!tpu.dma_semaphore, #tpu.memory_space<semaphore_mem>>)
      %add3A_209 = arith.constant 1 : i32
      %add3A_210 = arith.addi %mul3A_149, %add3A_209 : i32
      %dma_wait3A_211 = arith.constant 0 : i32
      %dma_wait3A_212 = arith.constant 0 : i32
      %dma_wait3A_213 = tpu.memref_slice %arg10[%dma_wait3A_211, %dma_wait3A_212] : memref<128x128xf32, #tpu.memory_space<vmem>> -> memref<64x128xf32, #tpu.memory_space<vmem>>
      %dma_wait3A_214 = arith.constant 0 : i32
      %dma_wait3A_215 = tpu.memref_slice %arg7[%add3A_210, %dma_wait3A_214] : memref<40x128xi32, #tpu.memory_space<vmem>> -> memref<1x64xi32, #tpu.memory_space<vmem>>
      %dma_wait3A_216 = tpu.memref_squeeze %dma_wait3A_215 : memref<1x64xi32, #tpu.memory_space<vmem>> -> memref<64xi32, #tpu.memory_space<vmem>>
      %dma_wait3A_217 = arith.constant 0 : i32
      %dma_wait3A_218 = arith.constant 0 : i32
      %dma_wait3A_219 = tpu.memref_slice %arg2[%dma_wait3A_217, %dma_wait3A_218] : memref<10240x128xf32, #tpu.memory_space<hbm>> -> memref<10240x128xf32, #tpu.memory_space<hbm>>
      tpu.wait_indirect_dma semaphore(%arg13 : memref<!tpu.dma_semaphore, #tpu.memory_space<semaphore_mem>>) src(%dma_wait3A_219 : memref<10240x128xf32, #tpu.memory_space<hbm>>) dst(%dma_wait3A_213 : memref<64x128xf32, #tpu.memory_space<vmem>>)
      %dma_wait3A_220 = arith.constant 64 : i32
      %dma_wait3A_221 = arith.constant 0 : i32
      %dma_wait3A_222 = tpu.memref_slice %arg10[%dma_wait3A_220, %dma_wait3A_221] : memref<128x128xf32, #tpu.memory_space<vmem>> -> memref<64x128xf32, #tpu.memory_space<vmem>>
      %dma_wait3A_223 = arith.constant 64 : i32
      %dma_wait3A_224 = tpu.memref_slice %arg7[%add3A_210, %dma_wait3A_223] : memref<40x128xi32, #tpu.memory_space<vmem>> -> memref<1x64xi32, #tpu.memory_space<vmem>>
      %dma_wait3A_225 = tpu.memref_squeeze %dma_wait3A_224 : memref<1x64xi32, #tpu.memory_space<vmem>> -> memref<64xi32, #tpu.memory_space<vmem>>
      %dma_wait3A_226 = arith.constant 0 : i32
      %dma_wait3A_227 = arith.constant 0 : i32
      %dma_wait3A_228 = tpu.memref_slice %arg2[%dma_wait3A_226, %dma_wait3A_227] : memref<10240x128xf32, #tpu.memory_space<hbm>> -> memref<10240x128xf32, #tpu.memory_space<hbm>>
      tpu.wait_indirect_dma semaphore(%arg13 : memref<!tpu.dma_semaphore, #tpu.memory_space<semaphore_mem>>) src(%dma_wait3A_228 : memref<10240x128xf32, #tpu.memory_space<hbm>>) dst(%dma_wait3A_222 : memref<64x128xf32, #tpu.memory_space<vmem>>)
      %add3A_229 = arith.constant 1 : i32
      %add3A_230 = arith.addi %mul3A_149, %add3A_229 : i32
      "tpu.region"() ({
        %run_scoped3A = tpu.sem_alloc : memref<!tpu.dma_semaphore, #tpu.memory_space<semaphore_mem>>
        %dma_start3A_231 = arith.constant 0 : i32
        %dma_start3A_232 = tpu.memref_slice %arg8[%add3A_230, %dma_start3A_231] : memref<40x128xi32, #tpu.memory_space<vmem>> -> memref<1x128xi32, #tpu.memory_space<vmem>>
        %dma_start3A_233 = tpu.memref_squeeze %dma_start3A_232 : memref<1x128xi32, #tpu.memory_space<vmem>> -> memref<128xi32, #tpu.memory_space<vmem>>
        %dma_start3A_234 = arith.constant 0 : i32
        %dma_start3A_235 = arith.constant 0 : i32
        %dma_start3A_236 = tpu.memref_slice %arg11[%dma_start3A_234, %dma_start3A_235] : memref<10240x128xf32, #tpu.memory_space<vmem_shared>> -> memref<10240x128xf32, #tpu.memory_space<vmem_shared>>
        tpu.enqueue_indirect_dma source(%arg10 : memref<128x128xf32, #tpu.memory_space<vmem>>) target(%dma_start3A_236 : memref<10240x128xf32, #tpu.memory_space<vmem_shared>>) offsets(%dma_start3A_233 : memref<128xi32, #tpu.memory_space<vmem>>) semaphore(%run_scoped3A : memref<!tpu.dma_semaphore, #tpu.memory_space<semaphore_mem>>) {add = true}
        %dma_wait3A_237 = arith.constant 0 : i32
        %dma_wait3A_238 = tpu.memref_slice %arg8[%add3A_230, %dma_wait3A_237] : memref<40x128xi32, #tpu.memory_space<vmem>> -> memref<1x128xi32, #tpu.memory_space<vmem>>
        %dma_wait3A_239 = tpu.memref_squeeze %dma_wait3A_238 : memref<1x128xi32, #tpu.memory_space<vmem>> -> memref<128xi32, #tpu.memory_space<vmem>>
        %dma_wait3A_240 = arith.constant 0 : i32
        %dma_wait3A_241 = arith.constant 0 : i32
        %dma_wait3A_242 = tpu.memref_slice %arg11[%dma_wait3A_240, %dma_wait3A_241] : memref<10240x128xf32, #tpu.memory_space<vmem_shared>> -> memref<10240x128xf32, #tpu.memory_space<vmem_shared>>
        tpu.wait_indirect_dma semaphore(%run_scoped3A : memref<!tpu.dma_semaphore, #tpu.memory_space<semaphore_mem>>) src(%arg10 : memref<128x128xf32, #tpu.memory_space<vmem>>) dst(%dma_wait3A_242 : memref<10240x128xf32, #tpu.memory_space<vmem_shared>>)
        tpu.yield
      }) : () -> ()
    }
    %scan3A_75 = arith.constant 20 : i32
    %dma_wait3A_76 = arith.constant 38 : i32
    %dma_wait3A_77 = arith.constant 0 : i32
    %dma_wait3A_78 = arith.constant 0 : i32
    %dma_wait3A_79 = tpu.memref_slice %arg9[%dma_wait3A_77, %dma_wait3A_78] : memref<128x128xf32, #tpu.memory_space<vmem>> -> memref<64x128xf32, #tpu.memory_space<vmem>>
    %dma_wait3A_80 = arith.constant 0 : i32
    %dma_wait3A_81 = tpu.memref_slice %arg7[%dma_wait3A_76, %dma_wait3A_80] : memref<40x128xi32, #tpu.memory_space<vmem>> -> memref<1x64xi32, #tpu.memory_space<vmem>>
    %dma_wait3A_82 = tpu.memref_squeeze %dma_wait3A_81 : memref<1x64xi32, #tpu.memory_space<vmem>> -> memref<64xi32, #tpu.memory_space<vmem>>
    %dma_wait3A_83 = arith.constant 0 : i32
    %dma_wait3A_84 = arith.constant 0 : i32
    %dma_wait3A_85 = tpu.memref_slice %arg2[%dma_wait3A_83, %dma_wait3A_84] : memref<10240x128xf32, #tpu.memory_space<hbm>> -> memref<10240x128xf32, #tpu.memory_space<hbm>>
    tpu.wait_indirect_dma semaphore(%arg12 : memref<!tpu.dma_semaphore, #tpu.memory_space<semaphore_mem>>) src(%dma_wait3A_85 : memref<10240x128xf32, #tpu.memory_space<hbm>>) dst(%dma_wait3A_79 : memref<64x128xf32, #tpu.memory_space<vmem>>)
    %dma_wait3A_86 = arith.constant 38 : i32
    %dma_wait3A_87 = arith.constant 64 : i32
    %dma_wait3A_88 = arith.constant 0 : i32
    %dma_wait3A_89 = tpu.memref_slice %arg9[%dma_wait3A_87, %dma_wait3A_88] : memref<128x128xf32, #tpu.memory_space<vmem>> -> memref<64x128xf32, #tpu.memory_space<vmem>>
    %dma_wait3A_90 = arith.constant 64 : i32
    %dma_wait3A_91 = tpu.memref_slice %arg7[%dma_wait3A_86, %dma_wait3A_90] : memref<40x128xi32, #tpu.memory_space<vmem>> -> memref<1x64xi32, #tpu.memory_space<vmem>>
    %dma_wait3A_92 = tpu.memref_squeeze %dma_wait3A_91 : memref<1x64xi32, #tpu.memory_space<vmem>> -> memref<64xi32, #tpu.memory_space<vmem>>
    %dma_wait3A_93 = arith.constant 0 : i32
    %dma_wait3A_94 = arith.constant 0 : i32
    %dma_wait3A_95 = tpu.memref_slice %arg2[%dma_wait3A_93, %dma_wait3A_94] : memref<10240x128xf32, #tpu.memory_space<hbm>> -> memref<10240x128xf32, #tpu.memory_space<hbm>>
    tpu.wait_indirect_dma semaphore(%arg12 : memref<!tpu.dma_semaphore, #tpu.memory_space<semaphore_mem>>) src(%dma_wait3A_95 : memref<10240x128xf32, #tpu.memory_space<hbm>>) dst(%dma_wait3A_89 : memref<64x128xf32, #tpu.memory_space<vmem>>)
    "tpu.region"() ({
      %run_scoped3A = tpu.sem_alloc : memref<!tpu.dma_semaphore, #tpu.memory_space<semaphore_mem>>
      %dma_start3A_147 = arith.constant 40 : i32
      %dma_start3A_148 = arith.constant 0 : i32
      %dma_start3A_149 = tpu.memref_slice %arg3[%add3A, %dma_start3A_147, %dma_start3A_148] : memref<32x80x128xi32, #tpu.memory_space<hbm>> -> memref<1x40x128xi32, #tpu.memory_space<hbm>>
      %dma_start3A_150 = tpu.memref_squeeze %dma_start3A_149 : memref<1x40x128xi32, #tpu.memory_space<hbm>> -> memref<40x128xi32, #tpu.memory_space<hbm>>
      %dma_start3A_151 = arith.constant 40 : i32
      %dma_start3A_152 = arith.constant 0 : i32
      %dma_start3A_153 = tpu.memref_slice %arg3[%add3A, %dma_start3A_151, %dma_start3A_152] : memref<32x80x128xi32, #tpu.memory_space<hbm>> -> memref<1x40x128xi32, #tpu.memory_space<hbm>>
      %dma_start3A_154 = tpu.memref_squeeze %dma_start3A_153 : memref<1x40x128xi32, #tpu.memory_space<hbm>> -> memref<40x128xi32, #tpu.memory_space<hbm>>
      tpu.enqueue_dma source(%dma_start3A_154 : memref<40x128xi32, #tpu.memory_space<hbm>>) target(%arg7 : memref<40x128xi32, #tpu.memory_space<vmem>>) target_semaphore(%run_scoped3A : memref<!tpu.dma_semaphore, #tpu.memory_space<semaphore_mem>>)
      %dma_wait3A_155 = arith.constant 40 : i32
      %dma_wait3A_156 = arith.constant 0 : i32
      %dma_wait3A_157 = tpu.memref_slice %arg3[%add3A, %dma_wait3A_155, %dma_wait3A_156] : memref<32x80x128xi32, #tpu.memory_space<hbm>> -> memref<1x40x128xi32, #tpu.memory_space<hbm>>
      %dma_wait3A_158 = tpu.memref_squeeze %dma_wait3A_157 : memref<1x40x128xi32, #tpu.memory_space<hbm>> -> memref<40x128xi32, #tpu.memory_space<hbm>>
      %dma_wait3A_159 = arith.constant 40 : i32
      %dma_wait3A_160 = arith.constant 0 : i32
      %dma_wait3A_161 = tpu.memref_slice %arg3[%add3A, %dma_wait3A_159, %dma_wait3A_160] : memref<32x80x128xi32, #tpu.memory_space<hbm>> -> memref<1x40x128xi32, #tpu.memory_space<hbm>>
      %dma_wait3A_162 = tpu.memref_squeeze %dma_wait3A_161 : memref<1x40x128xi32, #tpu.memory_space<hbm>> -> memref<40x128xi32, #tpu.memory_space<hbm>>
      tpu.wait_dma2 semaphore(%run_scoped3A : memref<!tpu.dma_semaphore, #tpu.memory_space<semaphore_mem>>) src(%dma_wait3A_162 : memref<40x128xi32, #tpu.memory_space<hbm>>) dst(%arg7 : memref<40x128xi32, #tpu.memory_space<vmem>>)
      tpu.yield
    }) : () -> ()
    "tpu.region"() ({
      %run_scoped3A = tpu.sem_alloc : memref<!tpu.dma_semaphore, #tpu.memory_space<semaphore_mem>>
      %dma_start3A_147 = arith.constant 40 : i32
      %dma_start3A_148 = arith.constant 0 : i32
      %dma_start3A_149 = tpu.memref_slice %arg4[%add3A, %dma_start3A_147, %dma_start3A_148] : memref<32x80x128xi32, #tpu.memory_space<hbm>> -> memref<1x40x128xi32, #tpu.memory_space<hbm>>
      %dma_start3A_150 = tpu.memref_squeeze %dma_start3A_149 : memref<1x40x128xi32, #tpu.memory_space<hbm>> -> memref<40x128xi32, #tpu.memory_space<hbm>>
      %dma_start3A_151 = arith.constant 40 : i32
      %dma_start3A_152 = arith.constant 0 : i32
      %dma_start3A_153 = tpu.memref_slice %arg4[%add3A, %dma_start3A_151, %dma_start3A_152] : memref<32x80x128xi32, #tpu.memory_space<hbm>> -> memref<1x40x128xi32, #tpu.memory_space<hbm>>
      %dma_start3A_154 = tpu.memref_squeeze %dma_start3A_153 : memref<1x40x128xi32, #tpu.memory_space<hbm>> -> memref<40x128xi32, #tpu.memory_space<hbm>>
      tpu.enqueue_dma source(%dma_start3A_154 : memref<40x128xi32, #tpu.memory_space<hbm>>) target(%arg8 : memref<40x128xi32, #tpu.memory_space<vmem>>) target_semaphore(%run_scoped3A : memref<!tpu.dma_semaphore, #tpu.memory_space<semaphore_mem>>)
      %dma_wait3A_155 = arith.constant 40 : i32
      %dma_wait3A_156 = arith.constant 0 : i32
      %dma_wait3A_157 = tpu.memref_slice %arg4[%add3A, %dma_wait3A_155, %dma_wait3A_156] : memref<32x80x128xi32, #tpu.memory_space<hbm>> -> memref<1x40x128xi32, #tpu.memory_space<hbm>>
      %dma_wait3A_158 = tpu.memref_squeeze %dma_wait3A_157 : memref<1x40x128xi32, #tpu.memory_space<hbm>> -> memref<40x128xi32, #tpu.memory_space<hbm>>
      %dma_wait3A_159 = arith.constant 40 : i32
      %dma_wait3A_160 = arith.constant 0 : i32
      %dma_wait3A_161 = tpu.memref_slice %arg4[%add3A, %dma_wait3A_159, %dma_wait3A_160] : memref<32x80x128xi32, #tpu.memory_space<hbm>> -> memref<1x40x128xi32, #tpu.memory_space<hbm>>
      %dma_wait3A_162 = tpu.memref_squeeze %dma_wait3A_161 : memref<1x40x128xi32, #tpu.memory_space<hbm>> -> memref<40x128xi32, #tpu.memory_space<hbm>>
      tpu.wait_dma2 semaphore(%run_scoped3A : memref<!tpu.dma_semaphore, #tpu.memory_space<semaphore_mem>>) src(%dma_wait3A_162 : memref<40x128xi32, #tpu.memory_space<hbm>>) dst(%arg8 : memref<40x128xi32, #tpu.memory_space<vmem>>)
      tpu.yield
    }) : () -> ()
    %dma_start3A_96 = arith.constant 0 : i32
    %dma_start3A_97 = arith.constant 0 : i32
    %dma_start3A_98 = arith.constant 0 : i32
    %dma_start3A_99 = tpu.memref_slice %arg9[%dma_start3A_97, %dma_start3A_98] : memref<128x128xf32, #tpu.memory_space<vmem>> -> memref<64x128xf32, #tpu.memory_space<vmem>>
    %dma_start3A_100 = arith.constant 0 : i32
    %dma_start3A_101 = tpu.memref_slice %arg7[%dma_start3A_96, %dma_start3A_100] : memref<40x128xi32, #tpu.memory_space<vmem>> -> memref<1x64xi32, #tpu.memory_space<vmem>>
    %dma_start3A_102 = tpu.memref_squeeze %dma_start3A_101 : memref<1x64xi32, #tpu.memory_space<vmem>> -> memref<64xi32, #tpu.memory_space<vmem>>
    %dma_start3A_103 = arith.constant 0 : i32
    %dma_start3A_104 = arith.constant 0 : i32
    %dma_start3A_105 = tpu.memref_slice %arg2[%dma_start3A_103, %dma_start3A_104] : memref<10240x128xf32, #tpu.memory_space<hbm>> -> memref<10240x128xf32, #tpu.memory_space<hbm>>
    tpu.enqueue_indirect_dma source(%dma_start3A_105 : memref<10240x128xf32, #tpu.memory_space<hbm>>) target(%dma_start3A_99 : memref<64x128xf32, #tpu.memory_space<vmem>>) offsets(%dma_start3A_102 : memref<64xi32, #tpu.memory_space<vmem>>) semaphore(%arg12 : memref<!tpu.dma_semaphore, #tpu.memory_space<semaphore_mem>>)
    %dma_start3A_106 = arith.constant 0 : i32
    %dma_start3A_107 = arith.constant 64 : i32
    %dma_start3A_108 = arith.constant 0 : i32
    %dma_start3A_109 = tpu.memref_slice %arg9[%dma_start3A_107, %dma_start3A_108] : memref<128x128xf32, #tpu.memory_space<vmem>> -> memref<64x128xf32, #tpu.memory_space<vmem>>
    %dma_start3A_110 = arith.constant 64 : i32
    %dma_start3A_111 = tpu.memref_slice %arg7[%dma_start3A_106, %dma_start3A_110] : memref<40x128xi32, #tpu.memory_space<vmem>> -> memref<1x64xi32, #tpu.memory_space<vmem>>
    %dma_start3A_112 = tpu.memref_squeeze %dma_start3A_111 : memref<1x64xi32, #tpu.memory_space<vmem>> -> memref<64xi32, #tpu.memory_space<vmem>>
    %dma_start3A_113 = arith.constant 0 : i32
    %dma_start3A_114 = arith.constant 0 : i32
    %dma_start3A_115 = tpu.memref_slice %arg2[%dma_start3A_113, %dma_start3A_114] : memref<10240x128xf32, #tpu.memory_space<hbm>> -> memref<10240x128xf32, #tpu.memory_space<hbm>>
    tpu.enqueue_indirect_dma source(%dma_start3A_115 : memref<10240x128xf32, #tpu.memory_space<hbm>>) target(%dma_start3A_109 : memref<64x128xf32, #tpu.memory_space<vmem>>) offsets(%dma_start3A_112 : memref<64xi32, #tpu.memory_space<vmem>>) semaphore(%arg12 : memref<!tpu.dma_semaphore, #tpu.memory_space<semaphore_mem>>)
    %scan3A_116 = arith.constant 0 : i32
    %scan3A_117 = arith.constant 0 : i32
    %scan3A_118 = arith.constant 20 : i32
    %scan3A_119 = arith.addi %scan3A_117, %scan3A_118 : i32
    %scan3A_120 = arith.constant 1 : i32
    scf.for %scan3A_147 = %scan3A_117 to %scan3A_119 step %scan3A_120  : i32 {
      %mul3A_148 = arith.constant 2 : i32
      %mul3A_149 = arith.muli %mul3A_148, %scan3A_147 : i32
      %dma_wait3A_150 = arith.constant 0 : i32
      %dma_wait3A_151 = arith.constant 0 : i32
      %dma_wait3A_152 = tpu.memref_slice %arg9[%dma_wait3A_150, %dma_wait3A_151] : memref<128x128xf32, #tpu.memory_space<vmem>> -> memref<64x128xf32, #tpu.memory_space<vmem>>
      %dma_wait3A_153 = arith.constant 0 : i32
      %dma_wait3A_154 = tpu.memref_slice %arg7[%mul3A_149, %dma_wait3A_153] : memref<40x128xi32, #tpu.memory_space<vmem>> -> memref<1x64xi32, #tpu.memory_space<vmem>>
      %dma_wait3A_155 = tpu.memref_squeeze %dma_wait3A_154 : memref<1x64xi32, #tpu.memory_space<vmem>> -> memref<64xi32, #tpu.memory_space<vmem>>
      %dma_wait3A_156 = arith.constant 0 : i32
      %dma_wait3A_157 = arith.constant 0 : i32
      %dma_wait3A_158 = tpu.memref_slice %arg2[%dma_wait3A_156, %dma_wait3A_157] : memref<10240x128xf32, #tpu.memory_space<hbm>> -> memref<10240x128xf32, #tpu.memory_space<hbm>>
      tpu.wait_indirect_dma semaphore(%arg12 : memref<!tpu.dma_semaphore, #tpu.memory_space<semaphore_mem>>) src(%dma_wait3A_158 : memref<10240x128xf32, #tpu.memory_space<hbm>>) dst(%dma_wait3A_152 : memref<64x128xf32, #tpu.memory_space<vmem>>)
      %dma_wait3A_159 = arith.constant 64 : i32
      %dma_wait3A_160 = arith.constant 0 : i32
      %dma_wait3A_161 = tpu.memref_slice %arg9[%dma_wait3A_159, %dma_wait3A_160] : memref<128x128xf32, #tpu.memory_space<vmem>> -> memref<64x128xf32, #tpu.memory_space<vmem>>
      %dma_wait3A_162 = arith.constant 64 : i32
      %dma_wait3A_163 = tpu.memref_slice %arg7[%mul3A_149, %dma_wait3A_162] : memref<40x128xi32, #tpu.memory_space<vmem>> -> memref<1x64xi32, #tpu.memory_space<vmem>>
      %dma_wait3A_164 = tpu.memref_squeeze %dma_wait3A_163 : memref<1x64xi32, #tpu.memory_space<vmem>> -> memref<64xi32, #tpu.memory_space<vmem>>
      %dma_wait3A_165 = arith.constant 0 : i32
      %dma_wait3A_166 = arith.constant 0 : i32
      %dma_wait3A_167 = tpu.memref_slice %arg2[%dma_wait3A_165, %dma_wait3A_166] : memref<10240x128xf32, #tpu.memory_space<hbm>> -> memref<10240x128xf32, #tpu.memory_space<hbm>>
      tpu.wait_indirect_dma semaphore(%arg12 : memref<!tpu.dma_semaphore, #tpu.memory_space<semaphore_mem>>) src(%dma_wait3A_167 : memref<10240x128xf32, #tpu.memory_space<hbm>>) dst(%dma_wait3A_161 : memref<64x128xf32, #tpu.memory_space<vmem>>)
      %add3A_168 = arith.constant 1 : i32
      %add3A_169 = arith.addi %mul3A_149, %add3A_168 : i32
      %dma_start3A_170 = arith.constant 0 : i32
      %dma_start3A_171 = arith.constant 0 : i32
      %dma_start3A_172 = tpu.memref_slice %arg10[%dma_start3A_170, %dma_start3A_171] : memref<128x128xf32, #tpu.memory_space<vmem>> -> memref<64x128xf32, #tpu.memory_space<vmem>>
      %dma_start3A_173 = arith.constant 0 : i32
      %dma_start3A_174 = tpu.memref_slice %arg7[%add3A_169, %dma_start3A_173] : memref<40x128xi32, #tpu.memory_space<vmem>> -> memref<1x64xi32, #tpu.memory_space<vmem>>
      %dma_start3A_175 = tpu.memref_squeeze %dma_start3A_174 : memref<1x64xi32, #tpu.memory_space<vmem>> -> memref<64xi32, #tpu.memory_space<vmem>>
      %dma_start3A_176 = arith.constant 0 : i32
      %dma_start3A_177 = arith.constant 0 : i32
      %dma_start3A_178 = tpu.memref_slice %arg2[%dma_start3A_176, %dma_start3A_177] : memref<10240x128xf32, #tpu.memory_space<hbm>> -> memref<10240x128xf32, #tpu.memory_space<hbm>>
      tpu.enqueue_indirect_dma source(%dma_start3A_178 : memref<10240x128xf32, #tpu.memory_space<hbm>>) target(%dma_start3A_172 : memref<64x128xf32, #tpu.memory_space<vmem>>) offsets(%dma_start3A_175 : memref<64xi32, #tpu.memory_space<vmem>>) semaphore(%arg13 : memref<!tpu.dma_semaphore, #tpu.memory_space<semaphore_mem>>)
      %dma_start3A_179 = arith.constant 64 : i32
      %dma_start3A_180 = arith.constant 0 : i32
      %dma_start3A_181 = tpu.memref_slice %arg10[%dma_start3A_179, %dma_start3A_180] : memref<128x128xf32, #tpu.memory_space<vmem>> -> memref<64x128xf32, #tpu.memory_space<vmem>>
      %dma_start3A_182 = arith.constant 64 : i32
      %dma_start3A_183 = tpu.memref_slice %arg7[%add3A_169, %dma_start3A_182] : memref<40x128xi32, #tpu.memory_space<vmem>> -> memref<1x64xi32, #tpu.memory_space<vmem>>
      %dma_start3A_184 = tpu.memref_squeeze %dma_start3A_183 : memref<1x64xi32, #tpu.memory_space<vmem>> -> memref<64xi32, #tpu.memory_space<vmem>>
      %dma_start3A_185 = arith.constant 0 : i32
      %dma_start3A_186 = arith.constant 0 : i32
      %dma_start3A_187 = tpu.memref_slice %arg2[%dma_start3A_185, %dma_start3A_186] : memref<10240x128xf32, #tpu.memory_space<hbm>> -> memref<10240x128xf32, #tpu.memory_space<hbm>>
      tpu.enqueue_indirect_dma source(%dma_start3A_187 : memref<10240x128xf32, #tpu.memory_space<hbm>>) target(%dma_start3A_181 : memref<64x128xf32, #tpu.memory_space<vmem>>) offsets(%dma_start3A_184 : memref<64xi32, #tpu.memory_space<vmem>>) semaphore(%arg13 : memref<!tpu.dma_semaphore, #tpu.memory_space<semaphore_mem>>)
      "tpu.region"() ({
        %run_scoped3A = tpu.sem_alloc : memref<!tpu.dma_semaphore, #tpu.memory_space<semaphore_mem>>
        %dma_start3A_231 = arith.constant 0 : i32
        %dma_start3A_232 = tpu.memref_slice %arg8[%mul3A_149, %dma_start3A_231] : memref<40x128xi32, #tpu.memory_space<vmem>> -> memref<1x128xi32, #tpu.memory_space<vmem>>
        %dma_start3A_233 = tpu.memref_squeeze %dma_start3A_232 : memref<1x128xi32, #tpu.memory_space<vmem>> -> memref<128xi32, #tpu.memory_space<vmem>>
        %dma_start3A_234 = arith.constant 0 : i32
        %dma_start3A_235 = arith.constant 0 : i32
        %dma_start3A_236 = tpu.memref_slice %arg11[%dma_start3A_234, %dma_start3A_235] : memref<10240x128xf32, #tpu.memory_space<vmem_shared>> -> memref<10240x128xf32, #tpu.memory_space<vmem_shared>>
        tpu.enqueue_indirect_dma source(%arg9 : memref<128x128xf32, #tpu.memory_space<vmem>>) target(%dma_start3A_236 : memref<10240x128xf32, #tpu.memory_space<vmem_shared>>) offsets(%dma_start3A_233 : memref<128xi32, #tpu.memory_space<vmem>>) semaphore(%run_scoped3A : memref<!tpu.dma_semaphore, #tpu.memory_space<semaphore_mem>>) {add = true}
        %dma_wait3A_237 = arith.constant 0 : i32
        %dma_wait3A_238 = tpu.memref_slice %arg8[%mul3A_149, %dma_wait3A_237] : memref<40x128xi32, #tpu.memory_space<vmem>> -> memref<1x128xi32, #tpu.memory_space<vmem>>
        %dma_wait3A_239 = tpu.memref_squeeze %dma_wait3A_238 : memref<1x128xi32, #tpu.memory_space<vmem>> -> memref<128xi32, #tpu.memory_space<vmem>>
        %dma_wait3A_240 = arith.constant 0 : i32
        %dma_wait3A_241 = arith.constant 0 : i32
        %dma_wait3A_242 = tpu.memref_slice %arg11[%dma_wait3A_240, %dma_wait3A_241] : memref<10240x128xf32, #tpu.memory_space<vmem_shared>> -> memref<10240x128xf32, #tpu.memory_space<vmem_shared>>
        tpu.wait_indirect_dma semaphore(%run_scoped3A : memref<!tpu.dma_semaphore, #tpu.memory_space<semaphore_mem>>) src(%arg9 : memref<128x128xf32, #tpu.memory_space<vmem>>) dst(%dma_wait3A_242 : memref<10240x128xf32, #tpu.memory_space<vmem_shared>>)
        tpu.yield
      }) : () -> ()
      %add3A_188 = arith.constant 2 : i32
      %add3A_189 = arith.addi %mul3A_149, %add3A_188 : i32
      %min3A = arith.constant 38 : i32
      %min3A_190 = arith.minsi %add3A_189, %min3A : i32
      %dma_start3A_191 = arith.constant 0 : i32
      %dma_start3A_192 = arith.constant 0 : i32
      %dma_start3A_193 = tpu.memref_slice %arg9[%dma_start3A_191, %dma_start3A_192] : memref<128x128xf32, #tpu.memory_space<vmem>> -> memref<64x128xf32, #tpu.memory_space<vmem>>
      %dma_start3A_194 = arith.constant 0 : i32
      %dma_start3A_195 = tpu.memref_slice %arg7[%min3A_190, %dma_start3A_194] : memref<40x128xi32, #tpu.memory_space<vmem>> -> memref<1x64xi32, #tpu.memory_space<vmem>>
      %dma_start3A_196 = tpu.memref_squeeze %dma_start3A_195 : memref<1x64xi32, #tpu.memory_space<vmem>> -> memref<64xi32, #tpu.memory_space<vmem>>
      %dma_start3A_197 = arith.constant 0 : i32
      %dma_start3A_198 = arith.constant 0 : i32
      %dma_start3A_199 = tpu.memref_slice %arg2[%dma_start3A_197, %dma_start3A_198] : memref<10240x128xf32, #tpu.memory_space<hbm>> -> memref<10240x128xf32, #tpu.memory_space<hbm>>
      tpu.enqueue_indirect_dma source(%dma_start3A_199 : memref<10240x128xf32, #tpu.memory_space<hbm>>) target(%dma_start3A_193 : memref<64x128xf32, #tpu.memory_space<vmem>>) offsets(%dma_start3A_196 : memref<64xi32, #tpu.memory_space<vmem>>) semaphore(%arg12 : memref<!tpu.dma_semaphore, #tpu.memory_space<semaphore_mem>>)
      %dma_start3A_200 = arith.constant 64 : i32
      %dma_start3A_201 = arith.constant 0 : i32
      %dma_start3A_202 = tpu.memref_slice %arg9[%dma_start3A_200, %dma_start3A_201] : memref<128x128xf32, #tpu.memory_space<vmem>> -> memref<64x128xf32, #tpu.memory_space<vmem>>
      %dma_start3A_203 = arith.constant 64 : i32
      %dma_start3A_204 = tpu.memref_slice %arg7[%min3A_190, %dma_start3A_203] : memref<40x128xi32, #tpu.memory_space<vmem>> -> memref<1x64xi32, #tpu.memory_space<vmem>>
      %dma_start3A_205 = tpu.memref_squeeze %dma_start3A_204 : memref<1x64xi32, #tpu.memory_space<vmem>> -> memref<64xi32, #tpu.memory_space<vmem>>
      %dma_start3A_206 = arith.constant 0 : i32
      %dma_start3A_207 = arith.constant 0 : i32
      %dma_start3A_208 = tpu.memref_slice %arg2[%dma_start3A_206, %dma_start3A_207] : memref<10240x128xf32, #tpu.memory_space<hbm>> -> memref<10240x128xf32, #tpu.memory_space<hbm>>
      tpu.enqueue_indirect_dma source(%dma_start3A_208 : memref<10240x128xf32, #tpu.memory_space<hbm>>) target(%dma_start3A_202 : memref<64x128xf32, #tpu.memory_space<vmem>>) offsets(%dma_start3A_205 : memref<64xi32, #tpu.memory_space<vmem>>) semaphore(%arg12 : memref<!tpu.dma_semaphore, #tpu.memory_space<semaphore_mem>>)
      %add3A_209 = arith.constant 1 : i32
      %add3A_210 = arith.addi %mul3A_149, %add3A_209 : i32
      %dma_wait3A_211 = arith.constant 0 : i32
      %dma_wait3A_212 = arith.constant 0 : i32
      %dma_wait3A_213 = tpu.memref_slice %arg10[%dma_wait3A_211, %dma_wait3A_212] : memref<128x128xf32, #tpu.memory_space<vmem>> -> memref<64x128xf32, #tpu.memory_space<vmem>>
      %dma_wait3A_214 = arith.constant 0 : i32
      %dma_wait3A_215 = tpu.memref_slice %arg7[%add3A_210, %dma_wait3A_214] : memref<40x128xi32, #tpu.memory_space<vmem>> -> memref<1x64xi32, #tpu.memory_space<vmem>>
      %dma_wait3A_216 = tpu.memref_squeeze %dma_wait3A_215 : memref<1x64xi32, #tpu.memory_space<vmem>> -> memref<64xi32, #tpu.memory_space<vmem>>
      %dma_wait3A_217 = arith.constant 0 : i32
      %dma_wait3A_218 = arith.constant 0 : i32
      %dma_wait3A_219 = tpu.memref_slice %arg2[%dma_wait3A_217, %dma_wait3A_218] : memref<10240x128xf32, #tpu.memory_space<hbm>> -> memref<10240x128xf32, #tpu.memory_space<hbm>>
      tpu.wait_indirect_dma semaphore(%arg13 : memref<!tpu.dma_semaphore, #tpu.memory_space<semaphore_mem>>) src(%dma_wait3A_219 : memref<10240x128xf32, #tpu.memory_space<hbm>>) dst(%dma_wait3A_213 : memref<64x128xf32, #tpu.memory_space<vmem>>)
      %dma_wait3A_220 = arith.constant 64 : i32
      %dma_wait3A_221 = arith.constant 0 : i32
      %dma_wait3A_222 = tpu.memref_slice %arg10[%dma_wait3A_220, %dma_wait3A_221] : memref<128x128xf32, #tpu.memory_space<vmem>> -> memref<64x128xf32, #tpu.memory_space<vmem>>
      %dma_wait3A_223 = arith.constant 64 : i32
      %dma_wait3A_224 = tpu.memref_slice %arg7[%add3A_210, %dma_wait3A_223] : memref<40x128xi32, #tpu.memory_space<vmem>> -> memref<1x64xi32, #tpu.memory_space<vmem>>
      %dma_wait3A_225 = tpu.memref_squeeze %dma_wait3A_224 : memref<1x64xi32, #tpu.memory_space<vmem>> -> memref<64xi32, #tpu.memory_space<vmem>>
      %dma_wait3A_226 = arith.constant 0 : i32
      %dma_wait3A_227 = arith.constant 0 : i32
      %dma_wait3A_228 = tpu.memref_slice %arg2[%dma_wait3A_226, %dma_wait3A_227] : memref<10240x128xf32, #tpu.memory_space<hbm>> -> memref<10240x128xf32, #tpu.memory_space<hbm>>
      tpu.wait_indirect_dma semaphore(%arg13 : memref<!tpu.dma_semaphore, #tpu.memory_space<semaphore_mem>>) src(%dma_wait3A_228 : memref<10240x128xf32, #tpu.memory_space<hbm>>) dst(%dma_wait3A_222 : memref<64x128xf32, #tpu.memory_space<vmem>>)
      %add3A_229 = arith.constant 1 : i32
      %add3A_230 = arith.addi %mul3A_149, %add3A_229 : i32
      "tpu.region"() ({
        %run_scoped3A = tpu.sem_alloc : memref<!tpu.dma_semaphore, #tpu.memory_space<semaphore_mem>>
        %dma_start3A_231 = arith.constant 0 : i32
        %dma_start3A_232 = tpu.memref_slice %arg8[%add3A_230, %dma_start3A_231] : memref<40x128xi32, #tpu.memory_space<vmem>> -> memref<1x128xi32, #tpu.memory_space<vmem>>
        %dma_start3A_233 = tpu.memref_squeeze %dma_start3A_232 : memref<1x128xi32, #tpu.memory_space<vmem>> -> memref<128xi32, #tpu.memory_space<vmem>>
        %dma_start3A_234 = arith.constant 0 : i32
        %dma_start3A_235 = arith.constant 0 : i32
        %dma_start3A_236 = tpu.memref_slice %arg11[%dma_start3A_234, %dma_start3A_235] : memref<10240x128xf32, #tpu.memory_space<vmem_shared>> -> memref<10240x128xf32, #tpu.memory_space<vmem_shared>>
        tpu.enqueue_indirect_dma source(%arg10 : memref<128x128xf32, #tpu.memory_space<vmem>>) target(%dma_start3A_236 : memref<10240x128xf32, #tpu.memory_space<vmem_shared>>) offsets(%dma_start3A_233 : memref<128xi32, #tpu.memory_space<vmem>>) semaphore(%run_scoped3A : memref<!tpu.dma_semaphore, #tpu.memory_space<semaphore_mem>>) {add = true}
        %dma_wait3A_237 = arith.constant 0 : i32
        %dma_wait3A_238 = tpu.memref_slice %arg8[%add3A_230, %dma_wait3A_237] : memref<40x128xi32, #tpu.memory_space<vmem>> -> memref<1x128xi32, #tpu.memory_space<vmem>>
        %dma_wait3A_239 = tpu.memref_squeeze %dma_wait3A_238 : memref<1x128xi32, #tpu.memory_space<vmem>> -> memref<128xi32, #tpu.memory_space<vmem>>
        %dma_wait3A_240 = arith.constant 0 : i32
        %dma_wait3A_241 = arith.constant 0 : i32
        %dma_wait3A_242 = tpu.memref_slice %arg11[%dma_wait3A_240, %dma_wait3A_241] : memref<10240x128xf32, #tpu.memory_space<vmem_shared>> -> memref<10240x128xf32, #tpu.memory_space<vmem_shared>>
        tpu.wait_indirect_dma semaphore(%run_scoped3A : memref<!tpu.dma_semaphore, #tpu.memory_space<semaphore_mem>>) src(%arg10 : memref<128x128xf32, #tpu.memory_space<vmem>>) dst(%dma_wait3A_242 : memref<10240x128xf32, #tpu.memory_space<vmem_shared>>)
        tpu.yield
      }) : () -> ()
    }
    %scan3A_121 = arith.constant 20 : i32
    %dma_wait3A_122 = arith.constant 38 : i32
    %dma_wait3A_123 = arith.constant 0 : i32
    %dma_wait3A_124 = arith.constant 0 : i32
    %dma_wait3A_125 = tpu.memref_slice %arg9[%dma_wait3A_123, %dma_wait3A_124] : memref<128x128xf32, #tpu.memory_space<vmem>> -> memref<64x128xf32, #tpu.memory_space<vmem>>
    %dma_wait3A_126 = arith.constant 0 : i32
    %dma_wait3A_127 = tpu.memref_slice %arg7[%dma_wait3A_122, %dma_wait3A_126] : memref<40x128xi32, #tpu.memory_space<vmem>> -> memref<1x64xi32, #tpu.memory_space<vmem>>
    %dma_wait3A_128 = tpu.memref_squeeze %dma_wait3A_127 : memref<1x64xi32, #tpu.memory_space<vmem>> -> memref<64xi32, #tpu.memory_space<vmem>>
    %dma_wait3A_129 = arith.constant 0 : i32
    %dma_wait3A_130 = arith.constant 0 : i32
    %dma_wait3A_131 = tpu.memref_slice %arg2[%dma_wait3A_129, %dma_wait3A_130] : memref<10240x128xf32, #tpu.memory_space<hbm>> -> memref<10240x128xf32, #tpu.memory_space<hbm>>
    tpu.wait_indirect_dma semaphore(%arg12 : memref<!tpu.dma_semaphore, #tpu.memory_space<semaphore_mem>>) src(%dma_wait3A_131 : memref<10240x128xf32, #tpu.memory_space<hbm>>) dst(%dma_wait3A_125 : memref<64x128xf32, #tpu.memory_space<vmem>>)
    %dma_wait3A_132 = arith.constant 38 : i32
    %dma_wait3A_133 = arith.constant 64 : i32
    %dma_wait3A_134 = arith.constant 0 : i32
    %dma_wait3A_135 = tpu.memref_slice %arg9[%dma_wait3A_133, %dma_wait3A_134] : memref<128x128xf32, #tpu.memory_space<vmem>> -> memref<64x128xf32, #tpu.memory_space<vmem>>
    %dma_wait3A_136 = arith.constant 64 : i32
    %dma_wait3A_137 = tpu.memref_slice %arg7[%dma_wait3A_132, %dma_wait3A_136] : memref<40x128xi32, #tpu.memory_space<vmem>> -> memref<1x64xi32, #tpu.memory_space<vmem>>
    %dma_wait3A_138 = tpu.memref_squeeze %dma_wait3A_137 : memref<1x64xi32, #tpu.memory_space<vmem>> -> memref<64xi32, #tpu.memory_space<vmem>>
    %dma_wait3A_139 = arith.constant 0 : i32
    %dma_wait3A_140 = arith.constant 0 : i32
    %dma_wait3A_141 = tpu.memref_slice %arg2[%dma_wait3A_139, %dma_wait3A_140] : memref<10240x128xf32, #tpu.memory_space<hbm>> -> memref<10240x128xf32, #tpu.memory_space<hbm>>
    tpu.wait_indirect_dma semaphore(%arg12 : memref<!tpu.dma_semaphore, #tpu.memory_space<semaphore_mem>>) src(%dma_wait3A_141 : memref<10240x128xf32, #tpu.memory_space<hbm>>) dst(%dma_wait3A_135 : memref<64x128xf32, #tpu.memory_space<vmem>>)
    %barrier3A_142 = arith.constant 0 : index
    tpu.barrier barrier_id(%barrier3A_142)
    %mul3A_143 = arith.constant 640 : i32
    %mul3A_144 = arith.muli %arg1, %mul3A_143 : i32
    %mul3A_145 = arith.constant 640 : i32
    %mul3A_146 = arith.muli %arg1, %mul3A_145 : i32
    "tpu.region"() ({
      %run_scoped3A = tpu.sem_alloc : memref<!tpu.dma_semaphore, #tpu.memory_space<semaphore_mem>>
      %dma_start3A_147 = arith.constant 0 : i32
      %dma_start3A_148 = tpu.memref_slice %arg6[%arg0, %mul3A_146, %dma_start3A_147] : memref<2x10240x128xf32, #tpu.memory_space<hbm>> -> memref<1x640x128xf32, #tpu.memory_space<hbm>>
      %dma_start3A_149 = tpu.memref_squeeze %dma_start3A_148 : memref<1x640x128xf32, #tpu.memory_space<hbm>> -> memref<640x128xf32, #tpu.memory_space<hbm>>
      %dma_start3A_150 = arith.constant 0 : i32
      %dma_start3A_151 = tpu.memref_slice %arg11[%mul3A_144, %dma_start3A_150] : memref<10240x128xf32, #tpu.memory_space<vmem_shared>> -> memref<640x128xf32, #tpu.memory_space<vmem_shared>>
      tpu.enqueue_dma source(%dma_start3A_151 : memref<640x128xf32, #tpu.memory_space<vmem_shared>>) target(%dma_start3A_149 : memref<640x128xf32, #tpu.memory_space<hbm>>) target_semaphore(%run_scoped3A : memref<!tpu.dma_semaphore, #tpu.memory_space<semaphore_mem>>)
      %dma_wait3A_152 = arith.constant 0 : i32
      %dma_wait3A_153 = tpu.memref_slice %arg6[%arg0, %mul3A_146, %dma_wait3A_152] : memref<2x10240x128xf32, #tpu.memory_space<hbm>> -> memref<1x640x128xf32, #tpu.memory_space<hbm>>
      %dma_wait3A_154 = tpu.memref_squeeze %dma_wait3A_153 : memref<1x640x128xf32, #tpu.memory_space<hbm>> -> memref<640x128xf32, #tpu.memory_space<hbm>>
      %dma_wait3A_155 = arith.constant 0 : i32
      %dma_wait3A_156 = tpu.memref_slice %arg11[%mul3A_144, %dma_wait3A_155] : memref<10240x128xf32, #tpu.memory_space<vmem_shared>> -> memref<640x128xf32, #tpu.memory_space<vmem_shared>>
      tpu.wait_dma2 semaphore(%run_scoped3A : memref<!tpu.dma_semaphore, #tpu.memory_space<semaphore_mem>>) src(%dma_wait3A_156 : memref<640x128xf32, #tpu.memory_space<vmem_shared>>) dst(%dma_wait3A_154 : memref<640x128xf32, #tpu.memory_space<hbm>>)
      tpu.yield
    }) : () -> ()
    return
  }
}

#map = affine_map<(d0, d1) -> (0, 0)>
#map1 = affine_map<(d0, d1) -> (0, 0, 0)>
module attributes {stable_mosaic.version = 14 : i64} {
  func.func @layer_kernel(%arg0: i32, %arg1: i32, %arg2: memref<10240x128xf32, #tpu.memory_space<hbm>>, %arg3: memref<32x80x128xi32, #tpu.memory_space<hbm>>, %arg4: memref<32x80x128xi32, #tpu.memory_space<hbm>>, %arg5: memref<128x128xf32, #tpu.memory_space<hbm>>, %arg6: memref<2x10240x128xf32, #tpu.memory_space<hbm>>, %arg7: memref<40x128xi32, #tpu.memory_space<vmem>>, %arg8: memref<40x128xi32, #tpu.memory_space<vmem>>, %arg9: memref<128x128xf32, #tpu.memory_space<vmem>>, %arg10: memref<128x128xf32, #tpu.memory_space<vmem>>, %arg11: memref<10240x128xf32, #tpu.memory_space<vmem_shared>>, %arg12: memref<!tpu.dma_semaphore, #tpu.memory_space<semaphore_mem>>, %arg13: memref<!tpu.dma_semaphore, #tpu.memory_space<semaphore_mem>>) attributes {dimension_semantics = [#tpu.dimension_semantics<core_parallel>, #tpu.dimension_semantics<subcore_parallel>], iteration_bounds = array<i64: 2, 16>, scalar_prefetch = 0 : i64, scratch_operands = 7 : i64, tpu.core_type = #tpu.core_type<sc_vector_subcore>, window_params = [{transform_indices = #map}, {transform_indices = #map1}, {transform_indices = #map1}, {transform_indices = #map}, {transform_indices = #map1}]} {
    %mul3A = arith.constant 16 : i32
    %mul3A_0 = arith.muli %arg0, %mul3A : i32
    %add3A = arith.addi %mul3A_0, %arg1 : i32
    %dma_start3A = arith.constant 0 : i32
    %dma_start3A_1 = arith.constant 0 : i32
    %dma_start3A_2 = tpu.memref_slice %arg3[%add3A, %dma_start3A, %dma_start3A_1] : memref<32x80x128xi32, #tpu.memory_space<hbm>> -> memref<1x40x128xi32, #tpu.memory_space<hbm>>
    %dma_start3A_3 = tpu.memref_squeeze %dma_start3A_2 : memref<1x40x128xi32, #tpu.memory_space<hbm>> -> memref<40x128xi32, #tpu.memory_space<hbm>>
    %dma_start3A_4 = arith.constant 0 : i32
    %dma_start3A_5 = arith.constant 0 : i32
    %dma_start3A_6 = tpu.memref_slice %arg3[%add3A, %dma_start3A_4, %dma_start3A_5] : memref<32x80x128xi32, #tpu.memory_space<hbm>> -> memref<1x40x128xi32, #tpu.memory_space<hbm>>
    %dma_start3A_7 = tpu.memref_squeeze %dma_start3A_6 : memref<1x40x128xi32, #tpu.memory_space<hbm>> -> memref<40x128xi32, #tpu.memory_space<hbm>>
    tpu.enqueue_dma source(%dma_start3A_7 : memref<40x128xi32, #tpu.memory_space<hbm>>) target(%arg7 : memref<40x128xi32, #tpu.memory_space<vmem>>) target_semaphore(%arg12 : memref<!tpu.dma_semaphore, #tpu.memory_space<semaphore_mem>>)
    %dma_start3A_8 = arith.constant 0 : i32
    %dma_start3A_9 = arith.constant 0 : i32
    %dma_start3A_10 = tpu.memref_slice %arg4[%add3A, %dma_start3A_8, %dma_start3A_9] : memref<32x80x128xi32, #tpu.memory_space<hbm>> -> memref<1x40x128xi32, #tpu.memory_space<hbm>>
    %dma_start3A_11 = tpu.memref_squeeze %dma_start3A_10 : memref<1x40x128xi32, #tpu.memory_space<hbm>> -> memref<40x128xi32, #tpu.memory_space<hbm>>
    %dma_start3A_12 = arith.constant 0 : i32
    %dma_start3A_13 = arith.constant 0 : i32
    %dma_start3A_14 = tpu.memref_slice %arg4[%add3A, %dma_start3A_12, %dma_start3A_13] : memref<32x80x128xi32, #tpu.memory_space<hbm>> -> memref<1x40x128xi32, #tpu.memory_space<hbm>>
    %dma_start3A_15 = tpu.memref_squeeze %dma_start3A_14 : memref<1x40x128xi32, #tpu.memory_space<hbm>> -> memref<40x128xi32, #tpu.memory_space<hbm>>
    tpu.enqueue_dma source(%dma_start3A_15 : memref<40x128xi32, #tpu.memory_space<hbm>>) target(%arg8 : memref<40x128xi32, #tpu.memory_space<vmem>>) target_semaphore(%arg13 : memref<!tpu.dma_semaphore, #tpu.memory_space<semaphore_mem>>)
    "tpu.region"() ({
      %run_scoped3A = tpu.sem_alloc : memref<!tpu.dma_semaphore, #tpu.memory_space<semaphore_mem>>
      tpu.enqueue_dma source(%arg5 : memref<128x128xf32, #tpu.memory_space<hbm>>) target(%arg10 : memref<128x128xf32, #tpu.memory_space<vmem>>) target_semaphore(%run_scoped3A : memref<!tpu.dma_semaphore, #tpu.memory_space<semaphore_mem>>)
      tpu.wait_dma2 semaphore(%run_scoped3A : memref<!tpu.dma_semaphore, #tpu.memory_space<semaphore_mem>>) src(%arg5 : memref<128x128xf32, #tpu.memory_space<hbm>>) dst(%arg10 : memref<128x128xf32, #tpu.memory_space<vmem>>)
      tpu.yield
    }) : () -> ()
    %mul3A_16 = arith.constant 640 : i32
    %mul3A_17 = arith.muli %arg1, %mul3A_16 : i32
    %add3A_18 = arith.constant 0 : i32
    %add3A_19 = arith.addi %mul3A_17, %add3A_18 : i32
    "tpu.region"() ({
      %run_scoped3A = tpu.sem_alloc : memref<!tpu.dma_semaphore, #tpu.memory_space<semaphore_mem>>
      %dma_start3A_147 = arith.constant 0 : i32
      %dma_start3A_148 = tpu.memref_slice %arg11[%add3A_19, %dma_start3A_147] : memref<10240x128xf32, #tpu.memory_space<vmem_shared>> -> memref<128x128xf32, #tpu.memory_space<vmem_shared>>
      %dma_start3A_149 = arith.constant 0 : i32
      %dma_start3A_150 = tpu.memref_slice %arg11[%add3A_19, %dma_start3A_149] : memref<10240x128xf32, #tpu.memory_space<vmem_shared>> -> memref<128x128xf32, #tpu.memory_space<vmem_shared>>
      tpu.enqueue_dma source(%arg10 : memref<128x128xf32, #tpu.memory_space<vmem>>) target(%dma_start3A_150 : memref<128x128xf32, #tpu.memory_space<vmem_shared>>) target_semaphore(%run_scoped3A : memref<!tpu.dma_semaphore, #tpu.memory_space<semaphore_mem>>)
      %dma_wait3A_151 = arith.constant 0 : i32
      %dma_wait3A_152 = tpu.memref_slice %arg11[%add3A_19, %dma_wait3A_151] : memref<10240x128xf32, #tpu.memory_space<vmem_shared>> -> memref<128x128xf32, #tpu.memory_space<vmem_shared>>
      %dma_wait3A_153 = arith.constant 0 : i32
      %dma_wait3A_154 = tpu.memref_slice %arg11[%add3A_19, %dma_wait3A_153] : memref<10240x128xf32, #tpu.memory_space<vmem_shared>> -> memref<128x128xf32, #tpu.memory_space<vmem_shared>>
      tpu.wait_dma2 semaphore(%run_scoped3A : memref<!tpu.dma_semaphore, #tpu.memory_space<semaphore_mem>>) src(%arg10 : memref<128x128xf32, #tpu.memory_space<vmem>>) dst(%dma_wait3A_154 : memref<128x128xf32, #tpu.memory_space<vmem_shared>>)
      tpu.yield
    }) : () -> ()
    %mul3A_20 = arith.constant 640 : i32
    %mul3A_21 = arith.muli %arg1, %mul3A_20 : i32
    %add3A_22 = arith.constant 128 : i32
    %add3A_23 = arith.addi %mul3A_21, %add3A_22 : i32
    "tpu.region"() ({
      %run_scoped3A = tpu.sem_alloc : memref<!tpu.dma_semaphore, #tpu.memory_space<semaphore_mem>>
      %dma_start3A_147 = arith.constant 0 : i32
      %dma_start3A_148 = tpu.memref_slice %arg11[%add3A_23, %dma_start3A_147] : memref<10240x128xf32, #tpu.memory_space<vmem_shared>> -> memref<128x128xf32, #tpu.memory_space<vmem_shared>>
      %dma_start3A_149 = arith.constant 0 : i32
      %dma_start3A_150 = tpu.memref_slice %arg11[%add3A_23, %dma_start3A_149] : memref<10240x128xf32, #tpu.memory_space<vmem_shared>> -> memref<128x128xf32, #tpu.memory_space<vmem_shared>>
      tpu.enqueue_dma source(%arg10 : memref<128x128xf32, #tpu.memory_space<vmem>>) target(%dma_start3A_150 : memref<128x128xf32, #tpu.memory_space<vmem_shared>>) target_semaphore(%run_scoped3A : memref<!tpu.dma_semaphore, #tpu.memory_space<semaphore_mem>>)
      %dma_wait3A_151 = arith.constant 0 : i32
      %dma_wait3A_152 = tpu.memref_slice %arg11[%add3A_23, %dma_wait3A_151] : memref<10240x128xf32, #tpu.memory_space<vmem_shared>> -> memref<128x128xf32, #tpu.memory_space<vmem_shared>>
      %dma_wait3A_153 = arith.constant 0 : i32
      %dma_wait3A_154 = tpu.memref_slice %arg11[%add3A_23, %dma_wait3A_153] : memref<10240x128xf32, #tpu.memory_space<vmem_shared>> -> memref<128x128xf32, #tpu.memory_space<vmem_shared>>
      tpu.wait_dma2 semaphore(%run_scoped3A : memref<!tpu.dma_semaphore, #tpu.memory_space<semaphore_mem>>) src(%arg10 : memref<128x128xf32, #tpu.memory_space<vmem>>) dst(%dma_wait3A_154 : memref<128x128xf32, #tpu.memory_space<vmem_shared>>)
      tpu.yield
    }) : () -> ()
    %mul3A_24 = arith.constant 640 : i32
    %mul3A_25 = arith.muli %arg1, %mul3A_24 : i32
    %add3A_26 = arith.constant 256 : i32
    %add3A_27 = arith.addi %mul3A_25, %add3A_26 : i32
    "tpu.region"() ({
      %run_scoped3A = tpu.sem_alloc : memref<!tpu.dma_semaphore, #tpu.memory_space<semaphore_mem>>
      %dma_start3A_147 = arith.constant 0 : i32
      %dma_start3A_148 = tpu.memref_slice %arg11[%add3A_27, %dma_start3A_147] : memref<10240x128xf32, #tpu.memory_space<vmem_shared>> -> memref<128x128xf32, #tpu.memory_space<vmem_shared>>
      %dma_start3A_149 = arith.constant 0 : i32
      %dma_start3A_150 = tpu.memref_slice %arg11[%add3A_27, %dma_start3A_149] : memref<10240x128xf32, #tpu.memory_space<vmem_shared>> -> memref<128x128xf32, #tpu.memory_space<vmem_shared>>
      tpu.enqueue_dma source(%arg10 : memref<128x128xf32, #tpu.memory_space<vmem>>) target(%dma_start3A_150 : memref<128x128xf32, #tpu.memory_space<vmem_shared>>) target_semaphore(%run_scoped3A : memref<!tpu.dma_semaphore, #tpu.memory_space<semaphore_mem>>)
      %dma_wait3A_151 = arith.constant 0 : i32
      %dma_wait3A_152 = tpu.memref_slice %arg11[%add3A_27, %dma_wait3A_151] : memref<10240x128xf32, #tpu.memory_space<vmem_shared>> -> memref<128x128xf32, #tpu.memory_space<vmem_shared>>
      %dma_wait3A_153 = arith.constant 0 : i32
      %dma_wait3A_154 = tpu.memref_slice %arg11[%add3A_27, %dma_wait3A_153] : memref<10240x128xf32, #tpu.memory_space<vmem_shared>> -> memref<128x128xf32, #tpu.memory_space<vmem_shared>>
      tpu.wait_dma2 semaphore(%run_scoped3A : memref<!tpu.dma_semaphore, #tpu.memory_space<semaphore_mem>>) src(%arg10 : memref<128x128xf32, #tpu.memory_space<vmem>>) dst(%dma_wait3A_154 : memref<128x128xf32, #tpu.memory_space<vmem_shared>>)
      tpu.yield
    }) : () -> ()
    %mul3A_28 = arith.constant 640 : i32
    %mul3A_29 = arith.muli %arg1, %mul3A_28 : i32
    %add3A_30 = arith.constant 384 : i32
    %add3A_31 = arith.addi %mul3A_29, %add3A_30 : i32
    "tpu.region"() ({
      %run_scoped3A = tpu.sem_alloc : memref<!tpu.dma_semaphore, #tpu.memory_space<semaphore_mem>>
      %dma_start3A_147 = arith.constant 0 : i32
      %dma_start3A_148 = tpu.memref_slice %arg11[%add3A_31, %dma_start3A_147] : memref<10240x128xf32, #tpu.memory_space<vmem_shared>> -> memref<128x128xf32, #tpu.memory_space<vmem_shared>>
      %dma_start3A_149 = arith.constant 0 : i32
      %dma_start3A_150 = tpu.memref_slice %arg11[%add3A_31, %dma_start3A_149] : memref<10240x128xf32, #tpu.memory_space<vmem_shared>> -> memref<128x128xf32, #tpu.memory_space<vmem_shared>>
      tpu.enqueue_dma source(%arg10 : memref<128x128xf32, #tpu.memory_space<vmem>>) target(%dma_start3A_150 : memref<128x128xf32, #tpu.memory_space<vmem_shared>>) target_semaphore(%run_scoped3A : memref<!tpu.dma_semaphore, #tpu.memory_space<semaphore_mem>>)
      %dma_wait3A_151 = arith.constant 0 : i32
      %dma_wait3A_152 = tpu.memref_slice %arg11[%add3A_31, %dma_wait3A_151] : memref<10240x128xf32, #tpu.memory_space<vmem_shared>> -> memref<128x128xf32, #tpu.memory_space<vmem_shared>>
      %dma_wait3A_153 = arith.constant 0 : i32
      %dma_wait3A_154 = tpu.memref_slice %arg11[%add3A_31, %dma_wait3A_153] : memref<10240x128xf32, #tpu.memory_space<vmem_shared>> -> memref<128x128xf32, #tpu.memory_space<vmem_shared>>
      tpu.wait_dma2 semaphore(%run_scoped3A : memref<!tpu.dma_semaphore, #tpu.memory_space<semaphore_mem>>) src(%arg10 : memref<128x128xf32, #tpu.memory_space<vmem>>) dst(%dma_wait3A_154 : memref<128x128xf32, #tpu.memory_space<vmem_shared>>)
      tpu.yield
    }) : () -> ()
    %mul3A_32 = arith.constant 640 : i32
    %mul3A_33 = arith.muli %arg1, %mul3A_32 : i32
    %add3A_34 = arith.constant 512 : i32
    %add3A_35 = arith.addi %mul3A_33, %add3A_34 : i32
    "tpu.region"() ({
      %run_scoped3A = tpu.sem_alloc : memref<!tpu.dma_semaphore, #tpu.memory_space<semaphore_mem>>
      %dma_start3A_147 = arith.constant 0 : i32
      %dma_start3A_148 = tpu.memref_slice %arg11[%add3A_35, %dma_start3A_147] : memref<10240x128xf32, #tpu.memory_space<vmem_shared>> -> memref<128x128xf32, #tpu.memory_space<vmem_shared>>
      %dma_start3A_149 = arith.constant 0 : i32
      %dma_start3A_150 = tpu.memref_slice %arg11[%add3A_35, %dma_start3A_149] : memref<10240x128xf32, #tpu.memory_space<vmem_shared>> -> memref<128x128xf32, #tpu.memory_space<vmem_shared>>
      tpu.enqueue_dma source(%arg10 : memref<128x128xf32, #tpu.memory_space<vmem>>) target(%dma_start3A_150 : memref<128x128xf32, #tpu.memory_space<vmem_shared>>) target_semaphore(%run_scoped3A : memref<!tpu.dma_semaphore, #tpu.memory_space<semaphore_mem>>)
      %dma_wait3A_151 = arith.constant 0 : i32
      %dma_wait3A_152 = tpu.memref_slice %arg11[%add3A_35, %dma_wait3A_151] : memref<10240x128xf32, #tpu.memory_space<vmem_shared>> -> memref<128x128xf32, #tpu.memory_space<vmem_shared>>
      %dma_wait3A_153 = arith.constant 0 : i32
      %dma_wait3A_154 = tpu.memref_slice %arg11[%add3A_35, %dma_wait3A_153] : memref<10240x128xf32, #tpu.memory_space<vmem_shared>> -> memref<128x128xf32, #tpu.memory_space<vmem_shared>>
      tpu.wait_dma2 semaphore(%run_scoped3A : memref<!tpu.dma_semaphore, #tpu.memory_space<semaphore_mem>>) src(%arg10 : memref<128x128xf32, #tpu.memory_space<vmem>>) dst(%dma_wait3A_154 : memref<128x128xf32, #tpu.memory_space<vmem_shared>>)
      tpu.yield
    }) : () -> ()
    %dma_wait3A = arith.constant 0 : i32
    %dma_wait3A_36 = arith.constant 0 : i32
    %dma_wait3A_37 = tpu.memref_slice %arg3[%add3A, %dma_wait3A, %dma_wait3A_36] : memref<32x80x128xi32, #tpu.memory_space<hbm>> -> memref<1x40x128xi32, #tpu.memory_space<hbm>>
    %dma_wait3A_38 = tpu.memref_squeeze %dma_wait3A_37 : memref<1x40x128xi32, #tpu.memory_space<hbm>> -> memref<40x128xi32, #tpu.memory_space<hbm>>
    %dma_wait3A_39 = arith.constant 0 : i32
    %dma_wait3A_40 = arith.constant 0 : i32
    %dma_wait3A_41 = tpu.memref_slice %arg3[%add3A, %dma_wait3A_39, %dma_wait3A_40] : memref<32x80x128xi32, #tpu.memory_space<hbm>> -> memref<1x40x128xi32, #tpu.memory_space<hbm>>
    %dma_wait3A_42 = tpu.memref_squeeze %dma_wait3A_41 : memref<1x40x128xi32, #tpu.memory_space<hbm>> -> memref<40x128xi32, #tpu.memory_space<hbm>>
    tpu.wait_dma2 semaphore(%arg12 : memref<!tpu.dma_semaphore, #tpu.memory_space<semaphore_mem>>) src(%dma_wait3A_42 : memref<40x128xi32, #tpu.memory_space<hbm>>) dst(%arg7 : memref<40x128xi32, #tpu.memory_space<vmem>>)
    %dma_wait3A_43 = arith.constant 0 : i32
    %dma_wait3A_44 = arith.constant 0 : i32
    %dma_wait3A_45 = tpu.memref_slice %arg4[%add3A, %dma_wait3A_43, %dma_wait3A_44] : memref<32x80x128xi32, #tpu.memory_space<hbm>> -> memref<1x40x128xi32, #tpu.memory_space<hbm>>
    %dma_wait3A_46 = tpu.memref_squeeze %dma_wait3A_45 : memref<1x40x128xi32, #tpu.memory_space<hbm>> -> memref<40x128xi32, #tpu.memory_space<hbm>>
    %dma_wait3A_47 = arith.constant 0 : i32
    %dma_wait3A_48 = arith.constant 0 : i32
    %dma_wait3A_49 = tpu.memref_slice %arg4[%add3A, %dma_wait3A_47, %dma_wait3A_48] : memref<32x80x128xi32, #tpu.memory_space<hbm>> -> memref<1x40x128xi32, #tpu.memory_space<hbm>>
    %dma_wait3A_50 = tpu.memref_squeeze %dma_wait3A_49 : memref<1x40x128xi32, #tpu.memory_space<hbm>> -> memref<40x128xi32, #tpu.memory_space<hbm>>
    tpu.wait_dma2 semaphore(%arg13 : memref<!tpu.dma_semaphore, #tpu.memory_space<semaphore_mem>>) src(%dma_wait3A_50 : memref<40x128xi32, #tpu.memory_space<hbm>>) dst(%arg8 : memref<40x128xi32, #tpu.memory_space<vmem>>)
    %barrier3A = arith.constant 0 : index
    tpu.barrier barrier_id(%barrier3A)
    %dma_start3A_51 = arith.constant 0 : i32
    %dma_start3A_52 = arith.constant 0 : i32
    %dma_start3A_53 = arith.constant 0 : i32
    %dma_start3A_54 = tpu.memref_slice %arg9[%dma_start3A_52, %dma_start3A_53] : memref<128x128xf32, #tpu.memory_space<vmem>> -> memref<64x128xf32, #tpu.memory_space<vmem>>
    %dma_start3A_55 = arith.constant 0 : i32
    %dma_start3A_56 = tpu.memref_slice %arg7[%dma_start3A_51, %dma_start3A_55] : memref<40x128xi32, #tpu.memory_space<vmem>> -> memref<1x64xi32, #tpu.memory_space<vmem>>
    %dma_start3A_57 = tpu.memref_squeeze %dma_start3A_56 : memref<1x64xi32, #tpu.memory_space<vmem>> -> memref<64xi32, #tpu.memory_space<vmem>>
    %dma_start3A_58 = arith.constant 0 : i32
    %dma_start3A_59 = arith.constant 0 : i32
    %dma_start3A_60 = tpu.memref_slice %arg2[%dma_start3A_58, %dma_start3A_59] : memref<10240x128xf32, #tpu.memory_space<hbm>> -> memref<10240x128xf32, #tpu.memory_space<hbm>>
    tpu.enqueue_indirect_dma source(%dma_start3A_60 : memref<10240x128xf32, #tpu.memory_space<hbm>>) target(%dma_start3A_54 : memref<64x128xf32, #tpu.memory_space<vmem>>) offsets(%dma_start3A_57 : memref<64xi32, #tpu.memory_space<vmem>>) semaphore(%arg12 : memref<!tpu.dma_semaphore, #tpu.memory_space<semaphore_mem>>)
    %dma_start3A_61 = arith.constant 0 : i32
    %dma_start3A_62 = arith.constant 64 : i32
    %dma_start3A_63 = arith.constant 0 : i32
    %dma_start3A_64 = tpu.memref_slice %arg9[%dma_start3A_62, %dma_start3A_63] : memref<128x128xf32, #tpu.memory_space<vmem>> -> memref<64x128xf32, #tpu.memory_space<vmem>>
    %dma_start3A_65 = arith.constant 64 : i32
    %dma_start3A_66 = tpu.memref_slice %arg7[%dma_start3A_61, %dma_start3A_65] : memref<40x128xi32, #tpu.memory_space<vmem>> -> memref<1x64xi32, #tpu.memory_space<vmem>>
    %dma_start3A_67 = tpu.memref_squeeze %dma_start3A_66 : memref<1x64xi32, #tpu.memory_space<vmem>> -> memref<64xi32, #tpu.memory_space<vmem>>
    %dma_start3A_68 = arith.constant 0 : i32
    %dma_start3A_69 = arith.constant 0 : i32
    %dma_start3A_70 = tpu.memref_slice %arg2[%dma_start3A_68, %dma_start3A_69] : memref<10240x128xf32, #tpu.memory_space<hbm>> -> memref<10240x128xf32, #tpu.memory_space<hbm>>
    tpu.enqueue_indirect_dma source(%dma_start3A_70 : memref<10240x128xf32, #tpu.memory_space<hbm>>) target(%dma_start3A_64 : memref<64x128xf32, #tpu.memory_space<vmem>>) offsets(%dma_start3A_67 : memref<64xi32, #tpu.memory_space<vmem>>) semaphore(%arg12 : memref<!tpu.dma_semaphore, #tpu.memory_space<semaphore_mem>>)
    %scan3A = arith.constant 0 : i32
    %scan3A_71 = arith.constant 0 : i32
    %scan3A_72 = arith.constant 20 : i32
    %scan3A_73 = arith.addi %scan3A_71, %scan3A_72 : i32
    %scan3A_74 = arith.constant 1 : i32
    scf.for %scan3A_147 = %scan3A_71 to %scan3A_73 step %scan3A_74  : i32 {
      %mul3A_148 = arith.constant 2 : i32
      %mul3A_149 = arith.muli %mul3A_148, %scan3A_147 : i32
      %dma_wait3A_150 = arith.constant 0 : i32
      %dma_wait3A_151 = arith.constant 0 : i32
      %dma_wait3A_152 = tpu.memref_slice %arg9[%dma_wait3A_150, %dma_wait3A_151] : memref<128x128xf32, #tpu.memory_space<vmem>> -> memref<64x128xf32, #tpu.memory_space<vmem>>
      %dma_wait3A_153 = arith.constant 0 : i32
      %dma_wait3A_154 = tpu.memref_slice %arg7[%mul3A_149, %dma_wait3A_153] : memref<40x128xi32, #tpu.memory_space<vmem>> -> memref<1x64xi32, #tpu.memory_space<vmem>>
      %dma_wait3A_155 = tpu.memref_squeeze %dma_wait3A_154 : memref<1x64xi32, #tpu.memory_space<vmem>> -> memref<64xi32, #tpu.memory_space<vmem>>
      %dma_wait3A_156 = arith.constant 0 : i32
      %dma_wait3A_157 = arith.constant 0 : i32
      %dma_wait3A_158 = tpu.memref_slice %arg2[%dma_wait3A_156, %dma_wait3A_157] : memref<10240x128xf32, #tpu.memory_space<hbm>> -> memref<10240x128xf32, #tpu.memory_space<hbm>>
      tpu.wait_indirect_dma semaphore(%arg12 : memref<!tpu.dma_semaphore, #tpu.memory_space<semaphore_mem>>) src(%dma_wait3A_158 : memref<10240x128xf32, #tpu.memory_space<hbm>>) dst(%dma_wait3A_152 : memref<64x128xf32, #tpu.memory_space<vmem>>)
      %dma_wait3A_159 = arith.constant 64 : i32
      %dma_wait3A_160 = arith.constant 0 : i32
      %dma_wait3A_161 = tpu.memref_slice %arg9[%dma_wait3A_159, %dma_wait3A_160] : memref<128x128xf32, #tpu.memory_space<vmem>> -> memref<64x128xf32, #tpu.memory_space<vmem>>
      %dma_wait3A_162 = arith.constant 64 : i32
      %dma_wait3A_163 = tpu.memref_slice %arg7[%mul3A_149, %dma_wait3A_162] : memref<40x128xi32, #tpu.memory_space<vmem>> -> memref<1x64xi32, #tpu.memory_space<vmem>>
      %dma_wait3A_164 = tpu.memref_squeeze %dma_wait3A_163 : memref<1x64xi32, #tpu.memory_space<vmem>> -> memref<64xi32, #tpu.memory_space<vmem>>
      %dma_wait3A_165 = arith.constant 0 : i32
      %dma_wait3A_166 = arith.constant 0 : i32
      %dma_wait3A_167 = tpu.memref_slice %arg2[%dma_wait3A_165, %dma_wait3A_166] : memref<10240x128xf32, #tpu.memory_space<hbm>> -> memref<10240x128xf32, #tpu.memory_space<hbm>>
      tpu.wait_indirect_dma semaphore(%arg12 : memref<!tpu.dma_semaphore, #tpu.memory_space<semaphore_mem>>) src(%dma_wait3A_167 : memref<10240x128xf32, #tpu.memory_space<hbm>>) dst(%dma_wait3A_161 : memref<64x128xf32, #tpu.memory_space<vmem>>)
      %add3A_168 = arith.constant 1 : i32
      %add3A_169 = arith.addi %mul3A_149, %add3A_168 : i32
      %dma_start3A_170 = arith.constant 0 : i32
      %dma_start3A_171 = arith.constant 0 : i32
      %dma_start3A_172 = tpu.memref_slice %arg10[%dma_start3A_170, %dma_start3A_171] : memref<128x128xf32, #tpu.memory_space<vmem>> -> memref<64x128xf32, #tpu.memory_space<vmem>>
      %dma_start3A_173 = arith.constant 0 : i32
      %dma_start3A_174 = tpu.memref_slice %arg7[%add3A_169, %dma_start3A_173] : memref<40x128xi32, #tpu.memory_space<vmem>> -> memref<1x64xi32, #tpu.memory_space<vmem>>
      %dma_start3A_175 = tpu.memref_squeeze %dma_start3A_174 : memref<1x64xi32, #tpu.memory_space<vmem>> -> memref<64xi32, #tpu.memory_space<vmem>>
      %dma_start3A_176 = arith.constant 0 : i32
      %dma_start3A_177 = arith.constant 0 : i32
      %dma_start3A_178 = tpu.memref_slice %arg2[%dma_start3A_176, %dma_start3A_177] : memref<10240x128xf32, #tpu.memory_space<hbm>> -> memref<10240x128xf32, #tpu.memory_space<hbm>>
      tpu.enqueue_indirect_dma source(%dma_start3A_178 : memref<10240x128xf32, #tpu.memory_space<hbm>>) target(%dma_start3A_172 : memref<64x128xf32, #tpu.memory_space<vmem>>) offsets(%dma_start3A_175 : memref<64xi32, #tpu.memory_space<vmem>>) semaphore(%arg13 : memref<!tpu.dma_semaphore, #tpu.memory_space<semaphore_mem>>)
      %dma_start3A_179 = arith.constant 64 : i32
      %dma_start3A_180 = arith.constant 0 : i32
      %dma_start3A_181 = tpu.memref_slice %arg10[%dma_start3A_179, %dma_start3A_180] : memref<128x128xf32, #tpu.memory_space<vmem>> -> memref<64x128xf32, #tpu.memory_space<vmem>>
      %dma_start3A_182 = arith.constant 64 : i32
      %dma_start3A_183 = tpu.memref_slice %arg7[%add3A_169, %dma_start3A_182] : memref<40x128xi32, #tpu.memory_space<vmem>> -> memref<1x64xi32, #tpu.memory_space<vmem>>
      %dma_start3A_184 = tpu.memref_squeeze %dma_start3A_183 : memref<1x64xi32, #tpu.memory_space<vmem>> -> memref<64xi32, #tpu.memory_space<vmem>>
      %dma_start3A_185 = arith.constant 0 : i32
      %dma_start3A_186 = arith.constant 0 : i32
      %dma_start3A_187 = tpu.memref_slice %arg2[%dma_start3A_185, %dma_start3A_186] : memref<10240x128xf32, #tpu.memory_space<hbm>> -> memref<10240x128xf32, #tpu.memory_space<hbm>>
      tpu.enqueue_indirect_dma source(%dma_start3A_187 : memref<10240x128xf32, #tpu.memory_space<hbm>>) target(%dma_start3A_181 : memref<64x128xf32, #tpu.memory_space<vmem>>) offsets(%dma_start3A_184 : memref<64xi32, #tpu.memory_space<vmem>>) semaphore(%arg13 : memref<!tpu.dma_semaphore, #tpu.memory_space<semaphore_mem>>)
      "tpu.region"() ({
        %run_scoped3A = tpu.sem_alloc : memref<!tpu.dma_semaphore, #tpu.memory_space<semaphore_mem>>
        %dma_start3A_231 = arith.constant 0 : i32
        %dma_start3A_232 = tpu.memref_slice %arg8[%mul3A_149, %dma_start3A_231] : memref<40x128xi32, #tpu.memory_space<vmem>> -> memref<1x128xi32, #tpu.memory_space<vmem>>
        %dma_start3A_233 = tpu.memref_squeeze %dma_start3A_232 : memref<1x128xi32, #tpu.memory_space<vmem>> -> memref<128xi32, #tpu.memory_space<vmem>>
        %dma_start3A_234 = arith.constant 0 : i32
        %dma_start3A_235 = arith.constant 0 : i32
        %dma_start3A_236 = tpu.memref_slice %arg11[%dma_start3A_234, %dma_start3A_235] : memref<10240x128xf32, #tpu.memory_space<vmem_shared>> -> memref<10240x128xf32, #tpu.memory_space<vmem_shared>>
        tpu.enqueue_indirect_dma source(%arg9 : memref<128x128xf32, #tpu.memory_space<vmem>>) target(%dma_start3A_236 : memref<10240x128xf32, #tpu.memory_space<vmem_shared>>) offsets(%dma_start3A_233 : memref<128xi32, #tpu.memory_space<vmem>>) semaphore(%run_scoped3A : memref<!tpu.dma_semaphore, #tpu.memory_space<semaphore_mem>>) {add = true}
        %dma_wait3A_237 = arith.constant 0 : i32
        %dma_wait3A_238 = tpu.memref_slice %arg8[%mul3A_149, %dma_wait3A_237] : memref<40x128xi32, #tpu.memory_space<vmem>> -> memref<1x128xi32, #tpu.memory_space<vmem>>
        %dma_wait3A_239 = tpu.memref_squeeze %dma_wait3A_238 : memref<1x128xi32, #tpu.memory_space<vmem>> -> memref<128xi32, #tpu.memory_space<vmem>>
        %dma_wait3A_240 = arith.constant 0 : i32
        %dma_wait3A_241 = arith.constant 0 : i32
        %dma_wait3A_242 = tpu.memref_slice %arg11[%dma_wait3A_240, %dma_wait3A_241] : memref<10240x128xf32, #tpu.memory_space<vmem_shared>> -> memref<10240x128xf32, #tpu.memory_space<vmem_shared>>
        tpu.wait_indirect_dma semaphore(%run_scoped3A : memref<!tpu.dma_semaphore, #tpu.memory_space<semaphore_mem>>) src(%arg9 : memref<128x128xf32, #tpu.memory_space<vmem>>) dst(%dma_wait3A_242 : memref<10240x128xf32, #tpu.memory_space<vmem_shared>>)
        tpu.yield
      }) : () -> ()
      %add3A_188 = arith.constant 2 : i32
      %add3A_189 = arith.addi %mul3A_149, %add3A_188 : i32
      %min3A = arith.constant 38 : i32
      %min3A_190 = arith.minsi %add3A_189, %min3A : i32
      %dma_start3A_191 = arith.constant 0 : i32
      %dma_start3A_192 = arith.constant 0 : i32
      %dma_start3A_193 = tpu.memref_slice %arg9[%dma_start3A_191, %dma_start3A_192] : memref<128x128xf32, #tpu.memory_space<vmem>> -> memref<64x128xf32, #tpu.memory_space<vmem>>
      %dma_start3A_194 = arith.constant 0 : i32
      %dma_start3A_195 = tpu.memref_slice %arg7[%min3A_190, %dma_start3A_194] : memref<40x128xi32, #tpu.memory_space<vmem>> -> memref<1x64xi32, #tpu.memory_space<vmem>>
      %dma_start3A_196 = tpu.memref_squeeze %dma_start3A_195 : memref<1x64xi32, #tpu.memory_space<vmem>> -> memref<64xi32, #tpu.memory_space<vmem>>
      %dma_start3A_197 = arith.constant 0 : i32
      %dma_start3A_198 = arith.constant 0 : i32
      %dma_start3A_199 = tpu.memref_slice %arg2[%dma_start3A_197, %dma_start3A_198] : memref<10240x128xf32, #tpu.memory_space<hbm>> -> memref<10240x128xf32, #tpu.memory_space<hbm>>
      tpu.enqueue_indirect_dma source(%dma_start3A_199 : memref<10240x128xf32, #tpu.memory_space<hbm>>) target(%dma_start3A_193 : memref<64x128xf32, #tpu.memory_space<vmem>>) offsets(%dma_start3A_196 : memref<64xi32, #tpu.memory_space<vmem>>) semaphore(%arg12 : memref<!tpu.dma_semaphore, #tpu.memory_space<semaphore_mem>>)
      %dma_start3A_200 = arith.constant 64 : i32
      %dma_start3A_201 = arith.constant 0 : i32
      %dma_start3A_202 = tpu.memref_slice %arg9[%dma_start3A_200, %dma_start3A_201] : memref<128x128xf32, #tpu.memory_space<vmem>> -> memref<64x128xf32, #tpu.memory_space<vmem>>
      %dma_start3A_203 = arith.constant 64 : i32
      %dma_start3A_204 = tpu.memref_slice %arg7[%min3A_190, %dma_start3A_203] : memref<40x128xi32, #tpu.memory_space<vmem>> -> memref<1x64xi32, #tpu.memory_space<vmem>>
      %dma_start3A_205 = tpu.memref_squeeze %dma_start3A_204 : memref<1x64xi32, #tpu.memory_space<vmem>> -> memref<64xi32, #tpu.memory_space<vmem>>
      %dma_start3A_206 = arith.constant 0 : i32
      %dma_start3A_207 = arith.constant 0 : i32
      %dma_start3A_208 = tpu.memref_slice %arg2[%dma_start3A_206, %dma_start3A_207] : memref<10240x128xf32, #tpu.memory_space<hbm>> -> memref<10240x128xf32, #tpu.memory_space<hbm>>
      tpu.enqueue_indirect_dma source(%dma_start3A_208 : memref<10240x128xf32, #tpu.memory_space<hbm>>) target(%dma_start3A_202 : memref<64x128xf32, #tpu.memory_space<vmem>>) offsets(%dma_start3A_205 : memref<64xi32, #tpu.memory_space<vmem>>) semaphore(%arg12 : memref<!tpu.dma_semaphore, #tpu.memory_space<semaphore_mem>>)
      %add3A_209 = arith.constant 1 : i32
      %add3A_210 = arith.addi %mul3A_149, %add3A_209 : i32
      %dma_wait3A_211 = arith.constant 0 : i32
      %dma_wait3A_212 = arith.constant 0 : i32
      %dma_wait3A_213 = tpu.memref_slice %arg10[%dma_wait3A_211, %dma_wait3A_212] : memref<128x128xf32, #tpu.memory_space<vmem>> -> memref<64x128xf32, #tpu.memory_space<vmem>>
      %dma_wait3A_214 = arith.constant 0 : i32
      %dma_wait3A_215 = tpu.memref_slice %arg7[%add3A_210, %dma_wait3A_214] : memref<40x128xi32, #tpu.memory_space<vmem>> -> memref<1x64xi32, #tpu.memory_space<vmem>>
      %dma_wait3A_216 = tpu.memref_squeeze %dma_wait3A_215 : memref<1x64xi32, #tpu.memory_space<vmem>> -> memref<64xi32, #tpu.memory_space<vmem>>
      %dma_wait3A_217 = arith.constant 0 : i32
      %dma_wait3A_218 = arith.constant 0 : i32
      %dma_wait3A_219 = tpu.memref_slice %arg2[%dma_wait3A_217, %dma_wait3A_218] : memref<10240x128xf32, #tpu.memory_space<hbm>> -> memref<10240x128xf32, #tpu.memory_space<hbm>>
      tpu.wait_indirect_dma semaphore(%arg13 : memref<!tpu.dma_semaphore, #tpu.memory_space<semaphore_mem>>) src(%dma_wait3A_219 : memref<10240x128xf32, #tpu.memory_space<hbm>>) dst(%dma_wait3A_213 : memref<64x128xf32, #tpu.memory_space<vmem>>)
      %dma_wait3A_220 = arith.constant 64 : i32
      %dma_wait3A_221 = arith.constant 0 : i32
      %dma_wait3A_222 = tpu.memref_slice %arg10[%dma_wait3A_220, %dma_wait3A_221] : memref<128x128xf32, #tpu.memory_space<vmem>> -> memref<64x128xf32, #tpu.memory_space<vmem>>
      %dma_wait3A_223 = arith.constant 64 : i32
      %dma_wait3A_224 = tpu.memref_slice %arg7[%add3A_210, %dma_wait3A_223] : memref<40x128xi32, #tpu.memory_space<vmem>> -> memref<1x64xi32, #tpu.memory_space<vmem>>
      %dma_wait3A_225 = tpu.memref_squeeze %dma_wait3A_224 : memref<1x64xi32, #tpu.memory_space<vmem>> -> memref<64xi32, #tpu.memory_space<vmem>>
      %dma_wait3A_226 = arith.constant 0 : i32
      %dma_wait3A_227 = arith.constant 0 : i32
      %dma_wait3A_228 = tpu.memref_slice %arg2[%dma_wait3A_226, %dma_wait3A_227] : memref<10240x128xf32, #tpu.memory_space<hbm>> -> memref<10240x128xf32, #tpu.memory_space<hbm>>
      tpu.wait_indirect_dma semaphore(%arg13 : memref<!tpu.dma_semaphore, #tpu.memory_space<semaphore_mem>>) src(%dma_wait3A_228 : memref<10240x128xf32, #tpu.memory_space<hbm>>) dst(%dma_wait3A_222 : memref<64x128xf32, #tpu.memory_space<vmem>>)
      %add3A_229 = arith.constant 1 : i32
      %add3A_230 = arith.addi %mul3A_149, %add3A_229 : i32
      "tpu.region"() ({
        %run_scoped3A = tpu.sem_alloc : memref<!tpu.dma_semaphore, #tpu.memory_space<semaphore_mem>>
        %dma_start3A_231 = arith.constant 0 : i32
        %dma_start3A_232 = tpu.memref_slice %arg8[%add3A_230, %dma_start3A_231] : memref<40x128xi32, #tpu.memory_space<vmem>> -> memref<1x128xi32, #tpu.memory_space<vmem>>
        %dma_start3A_233 = tpu.memref_squeeze %dma_start3A_232 : memref<1x128xi32, #tpu.memory_space<vmem>> -> memref<128xi32, #tpu.memory_space<vmem>>
        %dma_start3A_234 = arith.constant 0 : i32
        %dma_start3A_235 = arith.constant 0 : i32
        %dma_start3A_236 = tpu.memref_slice %arg11[%dma_start3A_234, %dma_start3A_235] : memref<10240x128xf32, #tpu.memory_space<vmem_shared>> -> memref<10240x128xf32, #tpu.memory_space<vmem_shared>>
        tpu.enqueue_indirect_dma source(%arg10 : memref<128x128xf32, #tpu.memory_space<vmem>>) target(%dma_start3A_236 : memref<10240x128xf32, #tpu.memory_space<vmem_shared>>) offsets(%dma_start3A_233 : memref<128xi32, #tpu.memory_space<vmem>>) semaphore(%run_scoped3A : memref<!tpu.dma_semaphore, #tpu.memory_space<semaphore_mem>>) {add = true}
        %dma_wait3A_237 = arith.constant 0 : i32
        %dma_wait3A_238 = tpu.memref_slice %arg8[%add3A_230, %dma_wait3A_237] : memref<40x128xi32, #tpu.memory_space<vmem>> -> memref<1x128xi32, #tpu.memory_space<vmem>>
        %dma_wait3A_239 = tpu.memref_squeeze %dma_wait3A_238 : memref<1x128xi32, #tpu.memory_space<vmem>> -> memref<128xi32, #tpu.memory_space<vmem>>
        %dma_wait3A_240 = arith.constant 0 : i32
        %dma_wait3A_241 = arith.constant 0 : i32
        %dma_wait3A_242 = tpu.memref_slice %arg11[%dma_wait3A_240, %dma_wait3A_241] : memref<10240x128xf32, #tpu.memory_space<vmem_shared>> -> memref<10240x128xf32, #tpu.memory_space<vmem_shared>>
        tpu.wait_indirect_dma semaphore(%run_scoped3A : memref<!tpu.dma_semaphore, #tpu.memory_space<semaphore_mem>>) src(%arg10 : memref<128x128xf32, #tpu.memory_space<vmem>>) dst(%dma_wait3A_242 : memref<10240x128xf32, #tpu.memory_space<vmem_shared>>)
        tpu.yield
      }) : () -> ()
    }
    %scan3A_75 = arith.constant 20 : i32
    %dma_wait3A_76 = arith.constant 38 : i32
    %dma_wait3A_77 = arith.constant 0 : i32
    %dma_wait3A_78 = arith.constant 0 : i32
    %dma_wait3A_79 = tpu.memref_slice %arg9[%dma_wait3A_77, %dma_wait3A_78] : memref<128x128xf32, #tpu.memory_space<vmem>> -> memref<64x128xf32, #tpu.memory_space<vmem>>
    %dma_wait3A_80 = arith.constant 0 : i32
    %dma_wait3A_81 = tpu.memref_slice %arg7[%dma_wait3A_76, %dma_wait3A_80] : memref<40x128xi32, #tpu.memory_space<vmem>> -> memref<1x64xi32, #tpu.memory_space<vmem>>
    %dma_wait3A_82 = tpu.memref_squeeze %dma_wait3A_81 : memref<1x64xi32, #tpu.memory_space<vmem>> -> memref<64xi32, #tpu.memory_space<vmem>>
    %dma_wait3A_83 = arith.constant 0 : i32
    %dma_wait3A_84 = arith.constant 0 : i32
    %dma_wait3A_85 = tpu.memref_slice %arg2[%dma_wait3A_83, %dma_wait3A_84] : memref<10240x128xf32, #tpu.memory_space<hbm>> -> memref<10240x128xf32, #tpu.memory_space<hbm>>
    tpu.wait_indirect_dma semaphore(%arg12 : memref<!tpu.dma_semaphore, #tpu.memory_space<semaphore_mem>>) src(%dma_wait3A_85 : memref<10240x128xf32, #tpu.memory_space<hbm>>) dst(%dma_wait3A_79 : memref<64x128xf32, #tpu.memory_space<vmem>>)
    %dma_wait3A_86 = arith.constant 38 : i32
    %dma_wait3A_87 = arith.constant 64 : i32
    %dma_wait3A_88 = arith.constant 0 : i32
    %dma_wait3A_89 = tpu.memref_slice %arg9[%dma_wait3A_87, %dma_wait3A_88] : memref<128x128xf32, #tpu.memory_space<vmem>> -> memref<64x128xf32, #tpu.memory_space<vmem>>
    %dma_wait3A_90 = arith.constant 64 : i32
    %dma_wait3A_91 = tpu.memref_slice %arg7[%dma_wait3A_86, %dma_wait3A_90] : memref<40x128xi32, #tpu.memory_space<vmem>> -> memref<1x64xi32, #tpu.memory_space<vmem>>
    %dma_wait3A_92 = tpu.memref_squeeze %dma_wait3A_91 : memref<1x64xi32, #tpu.memory_space<vmem>> -> memref<64xi32, #tpu.memory_space<vmem>>
    %dma_wait3A_93 = arith.constant 0 : i32
    %dma_wait3A_94 = arith.constant 0 : i32
    %dma_wait3A_95 = tpu.memref_slice %arg2[%dma_wait3A_93, %dma_wait3A_94] : memref<10240x128xf32, #tpu.memory_space<hbm>> -> memref<10240x128xf32, #tpu.memory_space<hbm>>
    tpu.wait_indirect_dma semaphore(%arg12 : memref<!tpu.dma_semaphore, #tpu.memory_space<semaphore_mem>>) src(%dma_wait3A_95 : memref<10240x128xf32, #tpu.memory_space<hbm>>) dst(%dma_wait3A_89 : memref<64x128xf32, #tpu.memory_space<vmem>>)
    "tpu.region"() ({
      %run_scoped3A = tpu.sem_alloc : memref<!tpu.dma_semaphore, #tpu.memory_space<semaphore_mem>>
      %dma_start3A_147 = arith.constant 40 : i32
      %dma_start3A_148 = arith.constant 0 : i32
      %dma_start3A_149 = tpu.memref_slice %arg3[%add3A, %dma_start3A_147, %dma_start3A_148] : memref<32x80x128xi32, #tpu.memory_space<hbm>> -> memref<1x40x128xi32, #tpu.memory_space<hbm>>
      %dma_start3A_150 = tpu.memref_squeeze %dma_start3A_149 : memref<1x40x128xi32, #tpu.memory_space<hbm>> -> memref<40x128xi32, #tpu.memory_space<hbm>>
      %dma_start3A_151 = arith.constant 40 : i32
      %dma_start3A_152 = arith.constant 0 : i32
      %dma_start3A_153 = tpu.memref_slice %arg3[%add3A, %dma_start3A_151, %dma_start3A_152] : memref<32x80x128xi32, #tpu.memory_space<hbm>> -> memref<1x40x128xi32, #tpu.memory_space<hbm>>
      %dma_start3A_154 = tpu.memref_squeeze %dma_start3A_153 : memref<1x40x128xi32, #tpu.memory_space<hbm>> -> memref<40x128xi32, #tpu.memory_space<hbm>>
      tpu.enqueue_dma source(%dma_start3A_154 : memref<40x128xi32, #tpu.memory_space<hbm>>) target(%arg7 : memref<40x128xi32, #tpu.memory_space<vmem>>) target_semaphore(%run_scoped3A : memref<!tpu.dma_semaphore, #tpu.memory_space<semaphore_mem>>)
      %dma_wait3A_155 = arith.constant 40 : i32
      %dma_wait3A_156 = arith.constant 0 : i32
      %dma_wait3A_157 = tpu.memref_slice %arg3[%add3A, %dma_wait3A_155, %dma_wait3A_156] : memref<32x80x128xi32, #tpu.memory_space<hbm>> -> memref<1x40x128xi32, #tpu.memory_space<hbm>>
      %dma_wait3A_158 = tpu.memref_squeeze %dma_wait3A_157 : memref<1x40x128xi32, #tpu.memory_space<hbm>> -> memref<40x128xi32, #tpu.memory_space<hbm>>
      %dma_wait3A_159 = arith.constant 40 : i32
      %dma_wait3A_160 = arith.constant 0 : i32
      %dma_wait3A_161 = tpu.memref_slice %arg3[%add3A, %dma_wait3A_159, %dma_wait3A_160] : memref<32x80x128xi32, #tpu.memory_space<hbm>> -> memref<1x40x128xi32, #tpu.memory_space<hbm>>
      %dma_wait3A_162 = tpu.memref_squeeze %dma_wait3A_161 : memref<1x40x128xi32, #tpu.memory_space<hbm>> -> memref<40x128xi32, #tpu.memory_space<hbm>>
      tpu.wait_dma2 semaphore(%run_scoped3A : memref<!tpu.dma_semaphore, #tpu.memory_space<semaphore_mem>>) src(%dma_wait3A_162 : memref<40x128xi32, #tpu.memory_space<hbm>>) dst(%arg7 : memref<40x128xi32, #tpu.memory_space<vmem>>)
      tpu.yield
    }) : () -> ()
    "tpu.region"() ({
      %run_scoped3A = tpu.sem_alloc : memref<!tpu.dma_semaphore, #tpu.memory_space<semaphore_mem>>
      %dma_start3A_147 = arith.constant 40 : i32
      %dma_start3A_148 = arith.constant 0 : i32
      %dma_start3A_149 = tpu.memref_slice %arg4[%add3A, %dma_start3A_147, %dma_start3A_148] : memref<32x80x128xi32, #tpu.memory_space<hbm>> -> memref<1x40x128xi32, #tpu.memory_space<hbm>>
      %dma_start3A_150 = tpu.memref_squeeze %dma_start3A_149 : memref<1x40x128xi32, #tpu.memory_space<hbm>> -> memref<40x128xi32, #tpu.memory_space<hbm>>
      %dma_start3A_151 = arith.constant 40 : i32
      %dma_start3A_152 = arith.constant 0 : i32
      %dma_start3A_153 = tpu.memref_slice %arg4[%add3A, %dma_start3A_151, %dma_start3A_152] : memref<32x80x128xi32, #tpu.memory_space<hbm>> -> memref<1x40x128xi32, #tpu.memory_space<hbm>>
      %dma_start3A_154 = tpu.memref_squeeze %dma_start3A_153 : memref<1x40x128xi32, #tpu.memory_space<hbm>> -> memref<40x128xi32, #tpu.memory_space<hbm>>
      tpu.enqueue_dma source(%dma_start3A_154 : memref<40x128xi32, #tpu.memory_space<hbm>>) target(%arg8 : memref<40x128xi32, #tpu.memory_space<vmem>>) target_semaphore(%run_scoped3A : memref<!tpu.dma_semaphore, #tpu.memory_space<semaphore_mem>>)
      %dma_wait3A_155 = arith.constant 40 : i32
      %dma_wait3A_156 = arith.constant 0 : i32
      %dma_wait3A_157 = tpu.memref_slice %arg4[%add3A, %dma_wait3A_155, %dma_wait3A_156] : memref<32x80x128xi32, #tpu.memory_space<hbm>> -> memref<1x40x128xi32, #tpu.memory_space<hbm>>
      %dma_wait3A_158 = tpu.memref_squeeze %dma_wait3A_157 : memref<1x40x128xi32, #tpu.memory_space<hbm>> -> memref<40x128xi32, #tpu.memory_space<hbm>>
      %dma_wait3A_159 = arith.constant 40 : i32
      %dma_wait3A_160 = arith.constant 0 : i32
      %dma_wait3A_161 = tpu.memref_slice %arg4[%add3A, %dma_wait3A_159, %dma_wait3A_160] : memref<32x80x128xi32, #tpu.memory_space<hbm>> -> memref<1x40x128xi32, #tpu.memory_space<hbm>>
      %dma_wait3A_162 = tpu.memref_squeeze %dma_wait3A_161 : memref<1x40x128xi32, #tpu.memory_space<hbm>> -> memref<40x128xi32, #tpu.memory_space<hbm>>
      tpu.wait_dma2 semaphore(%run_scoped3A : memref<!tpu.dma_semaphore, #tpu.memory_space<semaphore_mem>>) src(%dma_wait3A_162 : memref<40x128xi32, #tpu.memory_space<hbm>>) dst(%arg8 : memref<40x128xi32, #tpu.memory_space<vmem>>)
      tpu.yield
    }) : () -> ()
    %dma_start3A_96 = arith.constant 0 : i32
    %dma_start3A_97 = arith.constant 0 : i32
    %dma_start3A_98 = arith.constant 0 : i32
    %dma_start3A_99 = tpu.memref_slice %arg9[%dma_start3A_97, %dma_start3A_98] : memref<128x128xf32, #tpu.memory_space<vmem>> -> memref<64x128xf32, #tpu.memory_space<vmem>>
    %dma_start3A_100 = arith.constant 0 : i32
    %dma_start3A_101 = tpu.memref_slice %arg7[%dma_start3A_96, %dma_start3A_100] : memref<40x128xi32, #tpu.memory_space<vmem>> -> memref<1x64xi32, #tpu.memory_space<vmem>>
    %dma_start3A_102 = tpu.memref_squeeze %dma_start3A_101 : memref<1x64xi32, #tpu.memory_space<vmem>> -> memref<64xi32, #tpu.memory_space<vmem>>
    %dma_start3A_103 = arith.constant 0 : i32
    %dma_start3A_104 = arith.constant 0 : i32
    %dma_start3A_105 = tpu.memref_slice %arg2[%dma_start3A_103, %dma_start3A_104] : memref<10240x128xf32, #tpu.memory_space<hbm>> -> memref<10240x128xf32, #tpu.memory_space<hbm>>
    tpu.enqueue_indirect_dma source(%dma_start3A_105 : memref<10240x128xf32, #tpu.memory_space<hbm>>) target(%dma_start3A_99 : memref<64x128xf32, #tpu.memory_space<vmem>>) offsets(%dma_start3A_102 : memref<64xi32, #tpu.memory_space<vmem>>) semaphore(%arg12 : memref<!tpu.dma_semaphore, #tpu.memory_space<semaphore_mem>>)
    %dma_start3A_106 = arith.constant 0 : i32
    %dma_start3A_107 = arith.constant 64 : i32
    %dma_start3A_108 = arith.constant 0 : i32
    %dma_start3A_109 = tpu.memref_slice %arg9[%dma_start3A_107, %dma_start3A_108] : memref<128x128xf32, #tpu.memory_space<vmem>> -> memref<64x128xf32, #tpu.memory_space<vmem>>
    %dma_start3A_110 = arith.constant 64 : i32
    %dma_start3A_111 = tpu.memref_slice %arg7[%dma_start3A_106, %dma_start3A_110] : memref<40x128xi32, #tpu.memory_space<vmem>> -> memref<1x64xi32, #tpu.memory_space<vmem>>
    %dma_start3A_112 = tpu.memref_squeeze %dma_start3A_111 : memref<1x64xi32, #tpu.memory_space<vmem>> -> memref<64xi32, #tpu.memory_space<vmem>>
    %dma_start3A_113 = arith.constant 0 : i32
    %dma_start3A_114 = arith.constant 0 : i32
    %dma_start3A_115 = tpu.memref_slice %arg2[%dma_start3A_113, %dma_start3A_114] : memref<10240x128xf32, #tpu.memory_space<hbm>> -> memref<10240x128xf32, #tpu.memory_space<hbm>>
    tpu.enqueue_indirect_dma source(%dma_start3A_115 : memref<10240x128xf32, #tpu.memory_space<hbm>>) target(%dma_start3A_109 : memref<64x128xf32, #tpu.memory_space<vmem>>) offsets(%dma_start3A_112 : memref<64xi32, #tpu.memory_space<vmem>>) semaphore(%arg12 : memref<!tpu.dma_semaphore, #tpu.memory_space<semaphore_mem>>)
    %scan3A_116 = arith.constant 0 : i32
    %scan3A_117 = arith.constant 0 : i32
    %scan3A_118 = arith.constant 20 : i32
    %scan3A_119 = arith.addi %scan3A_117, %scan3A_118 : i32
    %scan3A_120 = arith.constant 1 : i32
    scf.for %scan3A_147 = %scan3A_117 to %scan3A_119 step %scan3A_120  : i32 {
      %mul3A_148 = arith.constant 2 : i32
      %mul3A_149 = arith.muli %mul3A_148, %scan3A_147 : i32
      %dma_wait3A_150 = arith.constant 0 : i32
      %dma_wait3A_151 = arith.constant 0 : i32
      %dma_wait3A_152 = tpu.memref_slice %arg9[%dma_wait3A_150, %dma_wait3A_151] : memref<128x128xf32, #tpu.memory_space<vmem>> -> memref<64x128xf32, #tpu.memory_space<vmem>>
      %dma_wait3A_153 = arith.constant 0 : i32
      %dma_wait3A_154 = tpu.memref_slice %arg7[%mul3A_149, %dma_wait3A_153] : memref<40x128xi32, #tpu.memory_space<vmem>> -> memref<1x64xi32, #tpu.memory_space<vmem>>
      %dma_wait3A_155 = tpu.memref_squeeze %dma_wait3A_154 : memref<1x64xi32, #tpu.memory_space<vmem>> -> memref<64xi32, #tpu.memory_space<vmem>>
      %dma_wait3A_156 = arith.constant 0 : i32
      %dma_wait3A_157 = arith.constant 0 : i32
      %dma_wait3A_158 = tpu.memref_slice %arg2[%dma_wait3A_156, %dma_wait3A_157] : memref<10240x128xf32, #tpu.memory_space<hbm>> -> memref<10240x128xf32, #tpu.memory_space<hbm>>
      tpu.wait_indirect_dma semaphore(%arg12 : memref<!tpu.dma_semaphore, #tpu.memory_space<semaphore_mem>>) src(%dma_wait3A_158 : memref<10240x128xf32, #tpu.memory_space<hbm>>) dst(%dma_wait3A_152 : memref<64x128xf32, #tpu.memory_space<vmem>>)
      %dma_wait3A_159 = arith.constant 64 : i32
      %dma_wait3A_160 = arith.constant 0 : i32
      %dma_wait3A_161 = tpu.memref_slice %arg9[%dma_wait3A_159, %dma_wait3A_160] : memref<128x128xf32, #tpu.memory_space<vmem>> -> memref<64x128xf32, #tpu.memory_space<vmem>>
      %dma_wait3A_162 = arith.constant 64 : i32
      %dma_wait3A_163 = tpu.memref_slice %arg7[%mul3A_149, %dma_wait3A_162] : memref<40x128xi32, #tpu.memory_space<vmem>> -> memref<1x64xi32, #tpu.memory_space<vmem>>
      %dma_wait3A_164 = tpu.memref_squeeze %dma_wait3A_163 : memref<1x64xi32, #tpu.memory_space<vmem>> -> memref<64xi32, #tpu.memory_space<vmem>>
      %dma_wait3A_165 = arith.constant 0 : i32
      %dma_wait3A_166 = arith.constant 0 : i32
      %dma_wait3A_167 = tpu.memref_slice %arg2[%dma_wait3A_165, %dma_wait3A_166] : memref<10240x128xf32, #tpu.memory_space<hbm>> -> memref<10240x128xf32, #tpu.memory_space<hbm>>
      tpu.wait_indirect_dma semaphore(%arg12 : memref<!tpu.dma_semaphore, #tpu.memory_space<semaphore_mem>>) src(%dma_wait3A_167 : memref<10240x128xf32, #tpu.memory_space<hbm>>) dst(%dma_wait3A_161 : memref<64x128xf32, #tpu.memory_space<vmem>>)
      %add3A_168 = arith.constant 1 : i32
      %add3A_169 = arith.addi %mul3A_149, %add3A_168 : i32
      %dma_start3A_170 = arith.constant 0 : i32
      %dma_start3A_171 = arith.constant 0 : i32
      %dma_start3A_172 = tpu.memref_slice %arg10[%dma_start3A_170, %dma_start3A_171] : memref<128x128xf32, #tpu.memory_space<vmem>> -> memref<64x128xf32, #tpu.memory_space<vmem>>
      %dma_start3A_173 = arith.constant 0 : i32
      %dma_start3A_174 = tpu.memref_slice %arg7[%add3A_169, %dma_start3A_173] : memref<40x128xi32, #tpu.memory_space<vmem>> -> memref<1x64xi32, #tpu.memory_space<vmem>>
      %dma_start3A_175 = tpu.memref_squeeze %dma_start3A_174 : memref<1x64xi32, #tpu.memory_space<vmem>> -> memref<64xi32, #tpu.memory_space<vmem>>
      %dma_start3A_176 = arith.constant 0 : i32
      %dma_start3A_177 = arith.constant 0 : i32
      %dma_start3A_178 = tpu.memref_slice %arg2[%dma_start3A_176, %dma_start3A_177] : memref<10240x128xf32, #tpu.memory_space<hbm>> -> memref<10240x128xf32, #tpu.memory_space<hbm>>
      tpu.enqueue_indirect_dma source(%dma_start3A_178 : memref<10240x128xf32, #tpu.memory_space<hbm>>) target(%dma_start3A_172 : memref<64x128xf32, #tpu.memory_space<vmem>>) offsets(%dma_start3A_175 : memref<64xi32, #tpu.memory_space<vmem>>) semaphore(%arg13 : memref<!tpu.dma_semaphore, #tpu.memory_space<semaphore_mem>>)
      %dma_start3A_179 = arith.constant 64 : i32
      %dma_start3A_180 = arith.constant 0 : i32
      %dma_start3A_181 = tpu.memref_slice %arg10[%dma_start3A_179, %dma_start3A_180] : memref<128x128xf32, #tpu.memory_space<vmem>> -> memref<64x128xf32, #tpu.memory_space<vmem>>
      %dma_start3A_182 = arith.constant 64 : i32
      %dma_start3A_183 = tpu.memref_slice %arg7[%add3A_169, %dma_start3A_182] : memref<40x128xi32, #tpu.memory_space<vmem>> -> memref<1x64xi32, #tpu.memory_space<vmem>>
      %dma_start3A_184 = tpu.memref_squeeze %dma_start3A_183 : memref<1x64xi32, #tpu.memory_space<vmem>> -> memref<64xi32, #tpu.memory_space<vmem>>
      %dma_start3A_185 = arith.constant 0 : i32
      %dma_start3A_186 = arith.constant 0 : i32
      %dma_start3A_187 = tpu.memref_slice %arg2[%dma_start3A_185, %dma_start3A_186] : memref<10240x128xf32, #tpu.memory_space<hbm>> -> memref<10240x128xf32, #tpu.memory_space<hbm>>
      tpu.enqueue_indirect_dma source(%dma_start3A_187 : memref<10240x128xf32, #tpu.memory_space<hbm>>) target(%dma_start3A_181 : memref<64x128xf32, #tpu.memory_space<vmem>>) offsets(%dma_start3A_184 : memref<64xi32, #tpu.memory_space<vmem>>) semaphore(%arg13 : memref<!tpu.dma_semaphore, #tpu.memory_space<semaphore_mem>>)
      "tpu.region"() ({
        %run_scoped3A = tpu.sem_alloc : memref<!tpu.dma_semaphore, #tpu.memory_space<semaphore_mem>>
        %dma_start3A_231 = arith.constant 0 : i32
        %dma_start3A_232 = tpu.memref_slice %arg8[%mul3A_149, %dma_start3A_231] : memref<40x128xi32, #tpu.memory_space<vmem>> -> memref<1x128xi32, #tpu.memory_space<vmem>>
        %dma_start3A_233 = tpu.memref_squeeze %dma_start3A_232 : memref<1x128xi32, #tpu.memory_space<vmem>> -> memref<128xi32, #tpu.memory_space<vmem>>
        %dma_start3A_234 = arith.constant 0 : i32
        %dma_start3A_235 = arith.constant 0 : i32
        %dma_start3A_236 = tpu.memref_slice %arg11[%dma_start3A_234, %dma_start3A_235] : memref<10240x128xf32, #tpu.memory_space<vmem_shared>> -> memref<10240x128xf32, #tpu.memory_space<vmem_shared>>
        tpu.enqueue_indirect_dma source(%arg9 : memref<128x128xf32, #tpu.memory_space<vmem>>) target(%dma_start3A_236 : memref<10240x128xf32, #tpu.memory_space<vmem_shared>>) offsets(%dma_start3A_233 : memref<128xi32, #tpu.memory_space<vmem>>) semaphore(%run_scoped3A : memref<!tpu.dma_semaphore, #tpu.memory_space<semaphore_mem>>) {add = true}
        %dma_wait3A_237 = arith.constant 0 : i32
        %dma_wait3A_238 = tpu.memref_slice %arg8[%mul3A_149, %dma_wait3A_237] : memref<40x128xi32, #tpu.memory_space<vmem>> -> memref<1x128xi32, #tpu.memory_space<vmem>>
        %dma_wait3A_239 = tpu.memref_squeeze %dma_wait3A_238 : memref<1x128xi32, #tpu.memory_space<vmem>> -> memref<128xi32, #tpu.memory_space<vmem>>
        %dma_wait3A_240 = arith.constant 0 : i32
        %dma_wait3A_241 = arith.constant 0 : i32
        %dma_wait3A_242 = tpu.memref_slice %arg11[%dma_wait3A_240, %dma_wait3A_241] : memref<10240x128xf32, #tpu.memory_space<vmem_shared>> -> memref<10240x128xf32, #tpu.memory_space<vmem_shared>>
        tpu.wait_indirect_dma semaphore(%run_scoped3A : memref<!tpu.dma_semaphore, #tpu.memory_space<semaphore_mem>>) src(%arg9 : memref<128x128xf32, #tpu.memory_space<vmem>>) dst(%dma_wait3A_242 : memref<10240x128xf32, #tpu.memory_space<vmem_shared>>)
        tpu.yield
      }) : () -> ()
      %add3A_188 = arith.constant 2 : i32
      %add3A_189 = arith.addi %mul3A_149, %add3A_188 : i32
      %min3A = arith.constant 38 : i32
      %min3A_190 = arith.minsi %add3A_189, %min3A : i32
      %dma_start3A_191 = arith.constant 0 : i32
      %dma_start3A_192 = arith.constant 0 : i32
      %dma_start3A_193 = tpu.memref_slice %arg9[%dma_start3A_191, %dma_start3A_192] : memref<128x128xf32, #tpu.memory_space<vmem>> -> memref<64x128xf32, #tpu.memory_space<vmem>>
      %dma_start3A_194 = arith.constant 0 : i32
      %dma_start3A_195 = tpu.memref_slice %arg7[%min3A_190, %dma_start3A_194] : memref<40x128xi32, #tpu.memory_space<vmem>> -> memref<1x64xi32, #tpu.memory_space<vmem>>
      %dma_start3A_196 = tpu.memref_squeeze %dma_start3A_195 : memref<1x64xi32, #tpu.memory_space<vmem>> -> memref<64xi32, #tpu.memory_space<vmem>>
      %dma_start3A_197 = arith.constant 0 : i32
      %dma_start3A_198 = arith.constant 0 : i32
      %dma_start3A_199 = tpu.memref_slice %arg2[%dma_start3A_197, %dma_start3A_198] : memref<10240x128xf32, #tpu.memory_space<hbm>> -> memref<10240x128xf32, #tpu.memory_space<hbm>>
      tpu.enqueue_indirect_dma source(%dma_start3A_199 : memref<10240x128xf32, #tpu.memory_space<hbm>>) target(%dma_start3A_193 : memref<64x128xf32, #tpu.memory_space<vmem>>) offsets(%dma_start3A_196 : memref<64xi32, #tpu.memory_space<vmem>>) semaphore(%arg12 : memref<!tpu.dma_semaphore, #tpu.memory_space<semaphore_mem>>)
      %dma_start3A_200 = arith.constant 64 : i32
      %dma_start3A_201 = arith.constant 0 : i32
      %dma_start3A_202 = tpu.memref_slice %arg9[%dma_start3A_200, %dma_start3A_201] : memref<128x128xf32, #tpu.memory_space<vmem>> -> memref<64x128xf32, #tpu.memory_space<vmem>>
      %dma_start3A_203 = arith.constant 64 : i32
      %dma_start3A_204 = tpu.memref_slice %arg7[%min3A_190, %dma_start3A_203] : memref<40x128xi32, #tpu.memory_space<vmem>> -> memref<1x64xi32, #tpu.memory_space<vmem>>
      %dma_start3A_205 = tpu.memref_squeeze %dma_start3A_204 : memref<1x64xi32, #tpu.memory_space<vmem>> -> memref<64xi32, #tpu.memory_space<vmem>>
      %dma_start3A_206 = arith.constant 0 : i32
      %dma_start3A_207 = arith.constant 0 : i32
      %dma_start3A_208 = tpu.memref_slice %arg2[%dma_start3A_206, %dma_start3A_207] : memref<10240x128xf32, #tpu.memory_space<hbm>> -> memref<10240x128xf32, #tpu.memory_space<hbm>>
      tpu.enqueue_indirect_dma source(%dma_start3A_208 : memref<10240x128xf32, #tpu.memory_space<hbm>>) target(%dma_start3A_202 : memref<64x128xf32, #tpu.memory_space<vmem>>) offsets(%dma_start3A_205 : memref<64xi32, #tpu.memory_space<vmem>>) semaphore(%arg12 : memref<!tpu.dma_semaphore, #tpu.memory_space<semaphore_mem>>)
      %add3A_209 = arith.constant 1 : i32
      %add3A_210 = arith.addi %mul3A_149, %add3A_209 : i32
      %dma_wait3A_211 = arith.constant 0 : i32
      %dma_wait3A_212 = arith.constant 0 : i32
      %dma_wait3A_213 = tpu.memref_slice %arg10[%dma_wait3A_211, %dma_wait3A_212] : memref<128x128xf32, #tpu.memory_space<vmem>> -> memref<64x128xf32, #tpu.memory_space<vmem>>
      %dma_wait3A_214 = arith.constant 0 : i32
      %dma_wait3A_215 = tpu.memref_slice %arg7[%add3A_210, %dma_wait3A_214] : memref<40x128xi32, #tpu.memory_space<vmem>> -> memref<1x64xi32, #tpu.memory_space<vmem>>
      %dma_wait3A_216 = tpu.memref_squeeze %dma_wait3A_215 : memref<1x64xi32, #tpu.memory_space<vmem>> -> memref<64xi32, #tpu.memory_space<vmem>>
      %dma_wait3A_217 = arith.constant 0 : i32
      %dma_wait3A_218 = arith.constant 0 : i32
      %dma_wait3A_219 = tpu.memref_slice %arg2[%dma_wait3A_217, %dma_wait3A_218] : memref<10240x128xf32, #tpu.memory_space<hbm>> -> memref<10240x128xf32, #tpu.memory_space<hbm>>
      tpu.wait_indirect_dma semaphore(%arg13 : memref<!tpu.dma_semaphore, #tpu.memory_space<semaphore_mem>>) src(%dma_wait3A_219 : memref<10240x128xf32, #tpu.memory_space<hbm>>) dst(%dma_wait3A_213 : memref<64x128xf32, #tpu.memory_space<vmem>>)
      %dma_wait3A_220 = arith.constant 64 : i32
      %dma_wait3A_221 = arith.constant 0 : i32
      %dma_wait3A_222 = tpu.memref_slice %arg10[%dma_wait3A_220, %dma_wait3A_221] : memref<128x128xf32, #tpu.memory_space<vmem>> -> memref<64x128xf32, #tpu.memory_space<vmem>>
      %dma_wait3A_223 = arith.constant 64 : i32
      %dma_wait3A_224 = tpu.memref_slice %arg7[%add3A_210, %dma_wait3A_223] : memref<40x128xi32, #tpu.memory_space<vmem>> -> memref<1x64xi32, #tpu.memory_space<vmem>>
      %dma_wait3A_225 = tpu.memref_squeeze %dma_wait3A_224 : memref<1x64xi32, #tpu.memory_space<vmem>> -> memref<64xi32, #tpu.memory_space<vmem>>
      %dma_wait3A_226 = arith.constant 0 : i32
      %dma_wait3A_227 = arith.constant 0 : i32
      %dma_wait3A_228 = tpu.memref_slice %arg2[%dma_wait3A_226, %dma_wait3A_227] : memref<10240x128xf32, #tpu.memory_space<hbm>> -> memref<10240x128xf32, #tpu.memory_space<hbm>>
      tpu.wait_indirect_dma semaphore(%arg13 : memref<!tpu.dma_semaphore, #tpu.memory_space<semaphore_mem>>) src(%dma_wait3A_228 : memref<10240x128xf32, #tpu.memory_space<hbm>>) dst(%dma_wait3A_222 : memref<64x128xf32, #tpu.memory_space<vmem>>)
      %add3A_229 = arith.constant 1 : i32
      %add3A_230 = arith.addi %mul3A_149, %add3A_229 : i32
      "tpu.region"() ({
        %run_scoped3A = tpu.sem_alloc : memref<!tpu.dma_semaphore, #tpu.memory_space<semaphore_mem>>
        %dma_start3A_231 = arith.constant 0 : i32
        %dma_start3A_232 = tpu.memref_slice %arg8[%add3A_230, %dma_start3A_231] : memref<40x128xi32, #tpu.memory_space<vmem>> -> memref<1x128xi32, #tpu.memory_space<vmem>>
        %dma_start3A_233 = tpu.memref_squeeze %dma_start3A_232 : memref<1x128xi32, #tpu.memory_space<vmem>> -> memref<128xi32, #tpu.memory_space<vmem>>
        %dma_start3A_234 = arith.constant 0 : i32
        %dma_start3A_235 = arith.constant 0 : i32
        %dma_start3A_236 = tpu.memref_slice %arg11[%dma_start3A_234, %dma_start3A_235] : memref<10240x128xf32, #tpu.memory_space<vmem_shared>> -> memref<10240x128xf32, #tpu.memory_space<vmem_shared>>
        tpu.enqueue_indirect_dma source(%arg10 : memref<128x128xf32, #tpu.memory_space<vmem>>) target(%dma_start3A_236 : memref<10240x128xf32, #tpu.memory_space<vmem_shared>>) offsets(%dma_start3A_233 : memref<128xi32, #tpu.memory_space<vmem>>) semaphore(%run_scoped3A : memref<!tpu.dma_semaphore, #tpu.memory_space<semaphore_mem>>) {add = true}
        %dma_wait3A_237 = arith.constant 0 : i32
        %dma_wait3A_238 = tpu.memref_slice %arg8[%add3A_230, %dma_wait3A_237] : memref<40x128xi32, #tpu.memory_space<vmem>> -> memref<1x128xi32, #tpu.memory_space<vmem>>
        %dma_wait3A_239 = tpu.memref_squeeze %dma_wait3A_238 : memref<1x128xi32, #tpu.memory_space<vmem>> -> memref<128xi32, #tpu.memory_space<vmem>>
        %dma_wait3A_240 = arith.constant 0 : i32
        %dma_wait3A_241 = arith.constant 0 : i32
        %dma_wait3A_242 = tpu.memref_slice %arg11[%dma_wait3A_240, %dma_wait3A_241] : memref<10240x128xf32, #tpu.memory_space<vmem_shared>> -> memref<10240x128xf32, #tpu.memory_space<vmem_shared>>
        tpu.wait_indirect_dma semaphore(%run_scoped3A : memref<!tpu.dma_semaphore, #tpu.memory_space<semaphore_mem>>) src(%arg10 : memref<128x128xf32, #tpu.memory_space<vmem>>) dst(%dma_wait3A_242 : memref<10240x128xf32, #tpu.memory_space<vmem_shared>>)
        tpu.yield
      }) : () -> ()
    }
    %scan3A_121 = arith.constant 20 : i32
    %dma_wait3A_122 = arith.constant 38 : i32
    %dma_wait3A_123 = arith.constant 0 : i32
    %dma_wait3A_124 = arith.constant 0 : i32
    %dma_wait3A_125 = tpu.memref_slice %arg9[%dma_wait3A_123, %dma_wait3A_124] : memref<128x128xf32, #tpu.memory_space<vmem>> -> memref<64x128xf32, #tpu.memory_space<vmem>>
    %dma_wait3A_126 = arith.constant 0 : i32
    %dma_wait3A_127 = tpu.memref_slice %arg7[%dma_wait3A_122, %dma_wait3A_126] : memref<40x128xi32, #tpu.memory_space<vmem>> -> memref<1x64xi32, #tpu.memory_space<vmem>>
    %dma_wait3A_128 = tpu.memref_squeeze %dma_wait3A_127 : memref<1x64xi32, #tpu.memory_space<vmem>> -> memref<64xi32, #tpu.memory_space<vmem>>
    %dma_wait3A_129 = arith.constant 0 : i32
    %dma_wait3A_130 = arith.constant 0 : i32
    %dma_wait3A_131 = tpu.memref_slice %arg2[%dma_wait3A_129, %dma_wait3A_130] : memref<10240x128xf32, #tpu.memory_space<hbm>> -> memref<10240x128xf32, #tpu.memory_space<hbm>>
    tpu.wait_indirect_dma semaphore(%arg12 : memref<!tpu.dma_semaphore, #tpu.memory_space<semaphore_mem>>) src(%dma_wait3A_131 : memref<10240x128xf32, #tpu.memory_space<hbm>>) dst(%dma_wait3A_125 : memref<64x128xf32, #tpu.memory_space<vmem>>)
    %dma_wait3A_132 = arith.constant 38 : i32
    %dma_wait3A_133 = arith.constant 64 : i32
    %dma_wait3A_134 = arith.constant 0 : i32
    %dma_wait3A_135 = tpu.memref_slice %arg9[%dma_wait3A_133, %dma_wait3A_134] : memref<128x128xf32, #tpu.memory_space<vmem>> -> memref<64x128xf32, #tpu.memory_space<vmem>>
    %dma_wait3A_136 = arith.constant 64 : i32
    %dma_wait3A_137 = tpu.memref_slice %arg7[%dma_wait3A_132, %dma_wait3A_136] : memref<40x128xi32, #tpu.memory_space<vmem>> -> memref<1x64xi32, #tpu.memory_space<vmem>>
    %dma_wait3A_138 = tpu.memref_squeeze %dma_wait3A_137 : memref<1x64xi32, #tpu.memory_space<vmem>> -> memref<64xi32, #tpu.memory_space<vmem>>
    %dma_wait3A_139 = arith.constant 0 : i32
    %dma_wait3A_140 = arith.constant 0 : i32
    %dma_wait3A_141 = tpu.memref_slice %arg2[%dma_wait3A_139, %dma_wait3A_140] : memref<10240x128xf32, #tpu.memory_space<hbm>> -> memref<10240x128xf32, #tpu.memory_space<hbm>>
    tpu.wait_indirect_dma semaphore(%arg12 : memref<!tpu.dma_semaphore, #tpu.memory_space<semaphore_mem>>) src(%dma_wait3A_141 : memref<10240x128xf32, #tpu.memory_space<hbm>>) dst(%dma_wait3A_135 : memref<64x128xf32, #tpu.memory_space<vmem>>)
    %barrier3A_142 = arith.constant 0 : index
    tpu.barrier barrier_id(%barrier3A_142)
    %mul3A_143 = arith.constant 640 : i32
    %mul3A_144 = arith.muli %arg1, %mul3A_143 : i32
    %mul3A_145 = arith.constant 640 : i32
    %mul3A_146 = arith.muli %arg1, %mul3A_145 : i32
    "tpu.region"() ({
      %run_scoped3A = tpu.sem_alloc : memref<!tpu.dma_semaphore, #tpu.memory_space<semaphore_mem>>
      %dma_start3A_147 = arith.constant 0 : i32
      %dma_start3A_148 = tpu.memref_slice %arg6[%arg0, %mul3A_146, %dma_start3A_147] : memref<2x10240x128xf32, #tpu.memory_space<hbm>> -> memref<1x640x128xf32, #tpu.memory_space<hbm>>
      %dma_start3A_149 = tpu.memref_squeeze %dma_start3A_148 : memref<1x640x128xf32, #tpu.memory_space<hbm>> -> memref<640x128xf32, #tpu.memory_space<hbm>>
      %dma_start3A_150 = arith.constant 0 : i32
      %dma_start3A_151 = tpu.memref_slice %arg11[%mul3A_144, %dma_start3A_150] : memref<10240x128xf32, #tpu.memory_space<vmem_shared>> -> memref<640x128xf32, #tpu.memory_space<vmem_shared>>
      tpu.enqueue_dma source(%dma_start3A_151 : memref<640x128xf32, #tpu.memory_space<vmem_shared>>) target(%dma_start3A_149 : memref<640x128xf32, #tpu.memory_space<hbm>>) target_semaphore(%run_scoped3A : memref<!tpu.dma_semaphore, #tpu.memory_space<semaphore_mem>>)
      %dma_wait3A_152 = arith.constant 0 : i32
      %dma_wait3A_153 = tpu.memref_slice %arg6[%arg0, %mul3A_146, %dma_wait3A_152] : memref<2x10240x128xf32, #tpu.memory_space<hbm>> -> memref<1x640x128xf32, #tpu.memory_space<hbm>>
      %dma_wait3A_154 = tpu.memref_squeeze %dma_wait3A_153 : memref<1x640x128xf32, #tpu.memory_space<hbm>> -> memref<640x128xf32, #tpu.memory_space<hbm>>
      %dma_wait3A_155 = arith.constant 0 : i32
      %dma_wait3A_156 = tpu.memref_slice %arg11[%mul3A_144, %dma_wait3A_155] : memref<10240x128xf32, #tpu.memory_space<vmem_shared>> -> memref<640x128xf32, #tpu.memory_space<vmem_shared>>
      tpu.wait_dma2 semaphore(%run_scoped3A : memref<!tpu.dma_semaphore, #tpu.memory_space<semaphore_mem>>) src(%dma_wait3A_156 : memref<640x128xf32, #tpu.memory_space<vmem_shared>>) dst(%dma_wait3A_154 : memref<640x128xf32, #tpu.memory_space<hbm>>)
      tpu.yield
    }) : () -> ()
    return
  }
}

#map = affine_map<(d0, d1) -> (0, 0)>
#map1 = affine_map<(d0, d1) -> (0, 0, 0)>
module attributes {stable_mosaic.version = 14 : i64} {
  func.func @layer_kernel(%arg0: i32, %arg1: i32, %arg2: memref<10240x128xf32, #tpu.memory_space<hbm>>, %arg3: memref<32x80x128xi32, #tpu.memory_space<hbm>>, %arg4: memref<32x80x128xi32, #tpu.memory_space<hbm>>, %arg5: memref<128x128xf32, #tpu.memory_space<hbm>>, %arg6: memref<2x10240x128xf32, #tpu.memory_space<hbm>>, %arg7: memref<40x128xi32, #tpu.memory_space<vmem>>, %arg8: memref<40x128xi32, #tpu.memory_space<vmem>>, %arg9: memref<128x128xf32, #tpu.memory_space<vmem>>, %arg10: memref<128x128xf32, #tpu.memory_space<vmem>>, %arg11: memref<10240x128xf32, #tpu.memory_space<vmem_shared>>, %arg12: memref<!tpu.dma_semaphore, #tpu.memory_space<semaphore_mem>>, %arg13: memref<!tpu.dma_semaphore, #tpu.memory_space<semaphore_mem>>) attributes {dimension_semantics = [#tpu.dimension_semantics<core_parallel>, #tpu.dimension_semantics<subcore_parallel>], iteration_bounds = array<i64: 2, 16>, scalar_prefetch = 0 : i64, scratch_operands = 7 : i64, tpu.core_type = #tpu.core_type<sc_vector_subcore>, window_params = [{transform_indices = #map}, {transform_indices = #map1}, {transform_indices = #map1}, {transform_indices = #map}, {transform_indices = #map1}]} {
    %mul3A = arith.constant 16 : i32
    %mul3A_0 = arith.muli %arg0, %mul3A : i32
    %add3A = arith.addi %mul3A_0, %arg1 : i32
    %dma_start3A = arith.constant 0 : i32
    %dma_start3A_1 = arith.constant 0 : i32
    %dma_start3A_2 = tpu.memref_slice %arg3[%add3A, %dma_start3A, %dma_start3A_1] : memref<32x80x128xi32, #tpu.memory_space<hbm>> -> memref<1x40x128xi32, #tpu.memory_space<hbm>>
    %dma_start3A_3 = tpu.memref_squeeze %dma_start3A_2 : memref<1x40x128xi32, #tpu.memory_space<hbm>> -> memref<40x128xi32, #tpu.memory_space<hbm>>
    %dma_start3A_4 = arith.constant 0 : i32
    %dma_start3A_5 = arith.constant 0 : i32
    %dma_start3A_6 = tpu.memref_slice %arg3[%add3A, %dma_start3A_4, %dma_start3A_5] : memref<32x80x128xi32, #tpu.memory_space<hbm>> -> memref<1x40x128xi32, #tpu.memory_space<hbm>>
    %dma_start3A_7 = tpu.memref_squeeze %dma_start3A_6 : memref<1x40x128xi32, #tpu.memory_space<hbm>> -> memref<40x128xi32, #tpu.memory_space<hbm>>
    tpu.enqueue_dma source(%dma_start3A_7 : memref<40x128xi32, #tpu.memory_space<hbm>>) target(%arg7 : memref<40x128xi32, #tpu.memory_space<vmem>>) target_semaphore(%arg12 : memref<!tpu.dma_semaphore, #tpu.memory_space<semaphore_mem>>)
    %dma_start3A_8 = arith.constant 0 : i32
    %dma_start3A_9 = arith.constant 0 : i32
    %dma_start3A_10 = tpu.memref_slice %arg4[%add3A, %dma_start3A_8, %dma_start3A_9] : memref<32x80x128xi32, #tpu.memory_space<hbm>> -> memref<1x40x128xi32, #tpu.memory_space<hbm>>
    %dma_start3A_11 = tpu.memref_squeeze %dma_start3A_10 : memref<1x40x128xi32, #tpu.memory_space<hbm>> -> memref<40x128xi32, #tpu.memory_space<hbm>>
    %dma_start3A_12 = arith.constant 0 : i32
    %dma_start3A_13 = arith.constant 0 : i32
    %dma_start3A_14 = tpu.memref_slice %arg4[%add3A, %dma_start3A_12, %dma_start3A_13] : memref<32x80x128xi32, #tpu.memory_space<hbm>> -> memref<1x40x128xi32, #tpu.memory_space<hbm>>
    %dma_start3A_15 = tpu.memref_squeeze %dma_start3A_14 : memref<1x40x128xi32, #tpu.memory_space<hbm>> -> memref<40x128xi32, #tpu.memory_space<hbm>>
    tpu.enqueue_dma source(%dma_start3A_15 : memref<40x128xi32, #tpu.memory_space<hbm>>) target(%arg8 : memref<40x128xi32, #tpu.memory_space<vmem>>) target_semaphore(%arg13 : memref<!tpu.dma_semaphore, #tpu.memory_space<semaphore_mem>>)
    "tpu.region"() ({
      %run_scoped3A = tpu.sem_alloc : memref<!tpu.dma_semaphore, #tpu.memory_space<semaphore_mem>>
      tpu.enqueue_dma source(%arg5 : memref<128x128xf32, #tpu.memory_space<hbm>>) target(%arg10 : memref<128x128xf32, #tpu.memory_space<vmem>>) target_semaphore(%run_scoped3A : memref<!tpu.dma_semaphore, #tpu.memory_space<semaphore_mem>>)
      tpu.wait_dma2 semaphore(%run_scoped3A : memref<!tpu.dma_semaphore, #tpu.memory_space<semaphore_mem>>) src(%arg5 : memref<128x128xf32, #tpu.memory_space<hbm>>) dst(%arg10 : memref<128x128xf32, #tpu.memory_space<vmem>>)
      tpu.yield
    }) : () -> ()
    %mul3A_16 = arith.constant 640 : i32
    %mul3A_17 = arith.muli %arg1, %mul3A_16 : i32
    %add3A_18 = arith.constant 0 : i32
    %add3A_19 = arith.addi %mul3A_17, %add3A_18 : i32
    "tpu.region"() ({
      %run_scoped3A = tpu.sem_alloc : memref<!tpu.dma_semaphore, #tpu.memory_space<semaphore_mem>>
      %dma_start3A_147 = arith.constant 0 : i32
      %dma_start3A_148 = tpu.memref_slice %arg11[%add3A_19, %dma_start3A_147] : memref<10240x128xf32, #tpu.memory_space<vmem_shared>> -> memref<128x128xf32, #tpu.memory_space<vmem_shared>>
      %dma_start3A_149 = arith.constant 0 : i32
      %dma_start3A_150 = tpu.memref_slice %arg11[%add3A_19, %dma_start3A_149] : memref<10240x128xf32, #tpu.memory_space<vmem_shared>> -> memref<128x128xf32, #tpu.memory_space<vmem_shared>>
      tpu.enqueue_dma source(%arg10 : memref<128x128xf32, #tpu.memory_space<vmem>>) target(%dma_start3A_150 : memref<128x128xf32, #tpu.memory_space<vmem_shared>>) target_semaphore(%run_scoped3A : memref<!tpu.dma_semaphore, #tpu.memory_space<semaphore_mem>>)
      %dma_wait3A_151 = arith.constant 0 : i32
      %dma_wait3A_152 = tpu.memref_slice %arg11[%add3A_19, %dma_wait3A_151] : memref<10240x128xf32, #tpu.memory_space<vmem_shared>> -> memref<128x128xf32, #tpu.memory_space<vmem_shared>>
      %dma_wait3A_153 = arith.constant 0 : i32
      %dma_wait3A_154 = tpu.memref_slice %arg11[%add3A_19, %dma_wait3A_153] : memref<10240x128xf32, #tpu.memory_space<vmem_shared>> -> memref<128x128xf32, #tpu.memory_space<vmem_shared>>
      tpu.wait_dma2 semaphore(%run_scoped3A : memref<!tpu.dma_semaphore, #tpu.memory_space<semaphore_mem>>) src(%arg10 : memref<128x128xf32, #tpu.memory_space<vmem>>) dst(%dma_wait3A_154 : memref<128x128xf32, #tpu.memory_space<vmem_shared>>)
      tpu.yield
    }) : () -> ()
    %mul3A_20 = arith.constant 640 : i32
    %mul3A_21 = arith.muli %arg1, %mul3A_20 : i32
    %add3A_22 = arith.constant 128 : i32
    %add3A_23 = arith.addi %mul3A_21, %add3A_22 : i32
    "tpu.region"() ({
      %run_scoped3A = tpu.sem_alloc : memref<!tpu.dma_semaphore, #tpu.memory_space<semaphore_mem>>
      %dma_start3A_147 = arith.constant 0 : i32
      %dma_start3A_148 = tpu.memref_slice %arg11[%add3A_23, %dma_start3A_147] : memref<10240x128xf32, #tpu.memory_space<vmem_shared>> -> memref<128x128xf32, #tpu.memory_space<vmem_shared>>
      %dma_start3A_149 = arith.constant 0 : i32
      %dma_start3A_150 = tpu.memref_slice %arg11[%add3A_23, %dma_start3A_149] : memref<10240x128xf32, #tpu.memory_space<vmem_shared>> -> memref<128x128xf32, #tpu.memory_space<vmem_shared>>
      tpu.enqueue_dma source(%arg10 : memref<128x128xf32, #tpu.memory_space<vmem>>) target(%dma_start3A_150 : memref<128x128xf32, #tpu.memory_space<vmem_shared>>) target_semaphore(%run_scoped3A : memref<!tpu.dma_semaphore, #tpu.memory_space<semaphore_mem>>)
      %dma_wait3A_151 = arith.constant 0 : i32
      %dma_wait3A_152 = tpu.memref_slice %arg11[%add3A_23, %dma_wait3A_151] : memref<10240x128xf32, #tpu.memory_space<vmem_shared>> -> memref<128x128xf32, #tpu.memory_space<vmem_shared>>
      %dma_wait3A_153 = arith.constant 0 : i32
      %dma_wait3A_154 = tpu.memref_slice %arg11[%add3A_23, %dma_wait3A_153] : memref<10240x128xf32, #tpu.memory_space<vmem_shared>> -> memref<128x128xf32, #tpu.memory_space<vmem_shared>>
      tpu.wait_dma2 semaphore(%run_scoped3A : memref<!tpu.dma_semaphore, #tpu.memory_space<semaphore_mem>>) src(%arg10 : memref<128x128xf32, #tpu.memory_space<vmem>>) dst(%dma_wait3A_154 : memref<128x128xf32, #tpu.memory_space<vmem_shared>>)
      tpu.yield
    }) : () -> ()
    %mul3A_24 = arith.constant 640 : i32
    %mul3A_25 = arith.muli %arg1, %mul3A_24 : i32
    %add3A_26 = arith.constant 256 : i32
    %add3A_27 = arith.addi %mul3A_25, %add3A_26 : i32
    "tpu.region"() ({
      %run_scoped3A = tpu.sem_alloc : memref<!tpu.dma_semaphore, #tpu.memory_space<semaphore_mem>>
      %dma_start3A_147 = arith.constant 0 : i32
      %dma_start3A_148 = tpu.memref_slice %arg11[%add3A_27, %dma_start3A_147] : memref<10240x128xf32, #tpu.memory_space<vmem_shared>> -> memref<128x128xf32, #tpu.memory_space<vmem_shared>>
      %dma_start3A_149 = arith.constant 0 : i32
      %dma_start3A_150 = tpu.memref_slice %arg11[%add3A_27, %dma_start3A_149] : memref<10240x128xf32, #tpu.memory_space<vmem_shared>> -> memref<128x128xf32, #tpu.memory_space<vmem_shared>>
      tpu.enqueue_dma source(%arg10 : memref<128x128xf32, #tpu.memory_space<vmem>>) target(%dma_start3A_150 : memref<128x128xf32, #tpu.memory_space<vmem_shared>>) target_semaphore(%run_scoped3A : memref<!tpu.dma_semaphore, #tpu.memory_space<semaphore_mem>>)
      %dma_wait3A_151 = arith.constant 0 : i32
      %dma_wait3A_152 = tpu.memref_slice %arg11[%add3A_27, %dma_wait3A_151] : memref<10240x128xf32, #tpu.memory_space<vmem_shared>> -> memref<128x128xf32, #tpu.memory_space<vmem_shared>>
      %dma_wait3A_153 = arith.constant 0 : i32
      %dma_wait3A_154 = tpu.memref_slice %arg11[%add3A_27, %dma_wait3A_153] : memref<10240x128xf32, #tpu.memory_space<vmem_shared>> -> memref<128x128xf32, #tpu.memory_space<vmem_shared>>
      tpu.wait_dma2 semaphore(%run_scoped3A : memref<!tpu.dma_semaphore, #tpu.memory_space<semaphore_mem>>) src(%arg10 : memref<128x128xf32, #tpu.memory_space<vmem>>) dst(%dma_wait3A_154 : memref<128x128xf32, #tpu.memory_space<vmem_shared>>)
      tpu.yield
    }) : () -> ()
    %mul3A_28 = arith.constant 640 : i32
    %mul3A_29 = arith.muli %arg1, %mul3A_28 : i32
    %add3A_30 = arith.constant 384 : i32
    %add3A_31 = arith.addi %mul3A_29, %add3A_30 : i32
    "tpu.region"() ({
      %run_scoped3A = tpu.sem_alloc : memref<!tpu.dma_semaphore, #tpu.memory_space<semaphore_mem>>
      %dma_start3A_147 = arith.constant 0 : i32
      %dma_start3A_148 = tpu.memref_slice %arg11[%add3A_31, %dma_start3A_147] : memref<10240x128xf32, #tpu.memory_space<vmem_shared>> -> memref<128x128xf32, #tpu.memory_space<vmem_shared>>
      %dma_start3A_149 = arith.constant 0 : i32
      %dma_start3A_150 = tpu.memref_slice %arg11[%add3A_31, %dma_start3A_149] : memref<10240x128xf32, #tpu.memory_space<vmem_shared>> -> memref<128x128xf32, #tpu.memory_space<vmem_shared>>
      tpu.enqueue_dma source(%arg10 : memref<128x128xf32, #tpu.memory_space<vmem>>) target(%dma_start3A_150 : memref<128x128xf32, #tpu.memory_space<vmem_shared>>) target_semaphore(%run_scoped3A : memref<!tpu.dma_semaphore, #tpu.memory_space<semaphore_mem>>)
      %dma_wait3A_151 = arith.constant 0 : i32
      %dma_wait3A_152 = tpu.memref_slice %arg11[%add3A_31, %dma_wait3A_151] : memref<10240x128xf32, #tpu.memory_space<vmem_shared>> -> memref<128x128xf32, #tpu.memory_space<vmem_shared>>
      %dma_wait3A_153 = arith.constant 0 : i32
      %dma_wait3A_154 = tpu.memref_slice %arg11[%add3A_31, %dma_wait3A_153] : memref<10240x128xf32, #tpu.memory_space<vmem_shared>> -> memref<128x128xf32, #tpu.memory_space<vmem_shared>>
      tpu.wait_dma2 semaphore(%run_scoped3A : memref<!tpu.dma_semaphore, #tpu.memory_space<semaphore_mem>>) src(%arg10 : memref<128x128xf32, #tpu.memory_space<vmem>>) dst(%dma_wait3A_154 : memref<128x128xf32, #tpu.memory_space<vmem_shared>>)
      tpu.yield
    }) : () -> ()
    %mul3A_32 = arith.constant 640 : i32
    %mul3A_33 = arith.muli %arg1, %mul3A_32 : i32
    %add3A_34 = arith.constant 512 : i32
    %add3A_35 = arith.addi %mul3A_33, %add3A_34 : i32
    "tpu.region"() ({
      %run_scoped3A = tpu.sem_alloc : memref<!tpu.dma_semaphore, #tpu.memory_space<semaphore_mem>>
      %dma_start3A_147 = arith.constant 0 : i32
      %dma_start3A_148 = tpu.memref_slice %arg11[%add3A_35, %dma_start3A_147] : memref<10240x128xf32, #tpu.memory_space<vmem_shared>> -> memref<128x128xf32, #tpu.memory_space<vmem_shared>>
      %dma_start3A_149 = arith.constant 0 : i32
      %dma_start3A_150 = tpu.memref_slice %arg11[%add3A_35, %dma_start3A_149] : memref<10240x128xf32, #tpu.memory_space<vmem_shared>> -> memref<128x128xf32, #tpu.memory_space<vmem_shared>>
      tpu.enqueue_dma source(%arg10 : memref<128x128xf32, #tpu.memory_space<vmem>>) target(%dma_start3A_150 : memref<128x128xf32, #tpu.memory_space<vmem_shared>>) target_semaphore(%run_scoped3A : memref<!tpu.dma_semaphore, #tpu.memory_space<semaphore_mem>>)
      %dma_wait3A_151 = arith.constant 0 : i32
      %dma_wait3A_152 = tpu.memref_slice %arg11[%add3A_35, %dma_wait3A_151] : memref<10240x128xf32, #tpu.memory_space<vmem_shared>> -> memref<128x128xf32, #tpu.memory_space<vmem_shared>>
      %dma_wait3A_153 = arith.constant 0 : i32
      %dma_wait3A_154 = tpu.memref_slice %arg11[%add3A_35, %dma_wait3A_153] : memref<10240x128xf32, #tpu.memory_space<vmem_shared>> -> memref<128x128xf32, #tpu.memory_space<vmem_shared>>
      tpu.wait_dma2 semaphore(%run_scoped3A : memref<!tpu.dma_semaphore, #tpu.memory_space<semaphore_mem>>) src(%arg10 : memref<128x128xf32, #tpu.memory_space<vmem>>) dst(%dma_wait3A_154 : memref<128x128xf32, #tpu.memory_space<vmem_shared>>)
      tpu.yield
    }) : () -> ()
    %dma_wait3A = arith.constant 0 : i32
    %dma_wait3A_36 = arith.constant 0 : i32
    %dma_wait3A_37 = tpu.memref_slice %arg3[%add3A, %dma_wait3A, %dma_wait3A_36] : memref<32x80x128xi32, #tpu.memory_space<hbm>> -> memref<1x40x128xi32, #tpu.memory_space<hbm>>
    %dma_wait3A_38 = tpu.memref_squeeze %dma_wait3A_37 : memref<1x40x128xi32, #tpu.memory_space<hbm>> -> memref<40x128xi32, #tpu.memory_space<hbm>>
    %dma_wait3A_39 = arith.constant 0 : i32
    %dma_wait3A_40 = arith.constant 0 : i32
    %dma_wait3A_41 = tpu.memref_slice %arg3[%add3A, %dma_wait3A_39, %dma_wait3A_40] : memref<32x80x128xi32, #tpu.memory_space<hbm>> -> memref<1x40x128xi32, #tpu.memory_space<hbm>>
    %dma_wait3A_42 = tpu.memref_squeeze %dma_wait3A_41 : memref<1x40x128xi32, #tpu.memory_space<hbm>> -> memref<40x128xi32, #tpu.memory_space<hbm>>
    tpu.wait_dma2 semaphore(%arg12 : memref<!tpu.dma_semaphore, #tpu.memory_space<semaphore_mem>>) src(%dma_wait3A_42 : memref<40x128xi32, #tpu.memory_space<hbm>>) dst(%arg7 : memref<40x128xi32, #tpu.memory_space<vmem>>)
    %dma_wait3A_43 = arith.constant 0 : i32
    %dma_wait3A_44 = arith.constant 0 : i32
    %dma_wait3A_45 = tpu.memref_slice %arg4[%add3A, %dma_wait3A_43, %dma_wait3A_44] : memref<32x80x128xi32, #tpu.memory_space<hbm>> -> memref<1x40x128xi32, #tpu.memory_space<hbm>>
    %dma_wait3A_46 = tpu.memref_squeeze %dma_wait3A_45 : memref<1x40x128xi32, #tpu.memory_space<hbm>> -> memref<40x128xi32, #tpu.memory_space<hbm>>
    %dma_wait3A_47 = arith.constant 0 : i32
    %dma_wait3A_48 = arith.constant 0 : i32
    %dma_wait3A_49 = tpu.memref_slice %arg4[%add3A, %dma_wait3A_47, %dma_wait3A_48] : memref<32x80x128xi32, #tpu.memory_space<hbm>> -> memref<1x40x128xi32, #tpu.memory_space<hbm>>
    %dma_wait3A_50 = tpu.memref_squeeze %dma_wait3A_49 : memref<1x40x128xi32, #tpu.memory_space<hbm>> -> memref<40x128xi32, #tpu.memory_space<hbm>>
    tpu.wait_dma2 semaphore(%arg13 : memref<!tpu.dma_semaphore, #tpu.memory_space<semaphore_mem>>) src(%dma_wait3A_50 : memref<40x128xi32, #tpu.memory_space<hbm>>) dst(%arg8 : memref<40x128xi32, #tpu.memory_space<vmem>>)
    %barrier3A = arith.constant 0 : index
    tpu.barrier barrier_id(%barrier3A)
    %dma_start3A_51 = arith.constant 0 : i32
    %dma_start3A_52 = arith.constant 0 : i32
    %dma_start3A_53 = arith.constant 0 : i32
    %dma_start3A_54 = tpu.memref_slice %arg9[%dma_start3A_52, %dma_start3A_53] : memref<128x128xf32, #tpu.memory_space<vmem>> -> memref<64x128xf32, #tpu.memory_space<vmem>>
    %dma_start3A_55 = arith.constant 0 : i32
    %dma_start3A_56 = tpu.memref_slice %arg7[%dma_start3A_51, %dma_start3A_55] : memref<40x128xi32, #tpu.memory_space<vmem>> -> memref<1x64xi32, #tpu.memory_space<vmem>>
    %dma_start3A_57 = tpu.memref_squeeze %dma_start3A_56 : memref<1x64xi32, #tpu.memory_space<vmem>> -> memref<64xi32, #tpu.memory_space<vmem>>
    %dma_start3A_58 = arith.constant 0 : i32
    %dma_start3A_59 = arith.constant 0 : i32
    %dma_start3A_60 = tpu.memref_slice %arg2[%dma_start3A_58, %dma_start3A_59] : memref<10240x128xf32, #tpu.memory_space<hbm>> -> memref<10240x128xf32, #tpu.memory_space<hbm>>
    tpu.enqueue_indirect_dma source(%dma_start3A_60 : memref<10240x128xf32, #tpu.memory_space<hbm>>) target(%dma_start3A_54 : memref<64x128xf32, #tpu.memory_space<vmem>>) offsets(%dma_start3A_57 : memref<64xi32, #tpu.memory_space<vmem>>) semaphore(%arg12 : memref<!tpu.dma_semaphore, #tpu.memory_space<semaphore_mem>>)
    %dma_start3A_61 = arith.constant 0 : i32
    %dma_start3A_62 = arith.constant 64 : i32
    %dma_start3A_63 = arith.constant 0 : i32
    %dma_start3A_64 = tpu.memref_slice %arg9[%dma_start3A_62, %dma_start3A_63] : memref<128x128xf32, #tpu.memory_space<vmem>> -> memref<64x128xf32, #tpu.memory_space<vmem>>
    %dma_start3A_65 = arith.constant 64 : i32
    %dma_start3A_66 = tpu.memref_slice %arg7[%dma_start3A_61, %dma_start3A_65] : memref<40x128xi32, #tpu.memory_space<vmem>> -> memref<1x64xi32, #tpu.memory_space<vmem>>
    %dma_start3A_67 = tpu.memref_squeeze %dma_start3A_66 : memref<1x64xi32, #tpu.memory_space<vmem>> -> memref<64xi32, #tpu.memory_space<vmem>>
    %dma_start3A_68 = arith.constant 0 : i32
    %dma_start3A_69 = arith.constant 0 : i32
    %dma_start3A_70 = tpu.memref_slice %arg2[%dma_start3A_68, %dma_start3A_69] : memref<10240x128xf32, #tpu.memory_space<hbm>> -> memref<10240x128xf32, #tpu.memory_space<hbm>>
    tpu.enqueue_indirect_dma source(%dma_start3A_70 : memref<10240x128xf32, #tpu.memory_space<hbm>>) target(%dma_start3A_64 : memref<64x128xf32, #tpu.memory_space<vmem>>) offsets(%dma_start3A_67 : memref<64xi32, #tpu.memory_space<vmem>>) semaphore(%arg12 : memref<!tpu.dma_semaphore, #tpu.memory_space<semaphore_mem>>)
    %scan3A = arith.constant 0 : i32
    %scan3A_71 = arith.constant 0 : i32
    %scan3A_72 = arith.constant 20 : i32
    %scan3A_73 = arith.addi %scan3A_71, %scan3A_72 : i32
    %scan3A_74 = arith.constant 1 : i32
    scf.for %scan3A_147 = %scan3A_71 to %scan3A_73 step %scan3A_74  : i32 {
      %mul3A_148 = arith.constant 2 : i32
      %mul3A_149 = arith.muli %mul3A_148, %scan3A_147 : i32
      %dma_wait3A_150 = arith.constant 0 : i32
      %dma_wait3A_151 = arith.constant 0 : i32
      %dma_wait3A_152 = tpu.memref_slice %arg9[%dma_wait3A_150, %dma_wait3A_151] : memref<128x128xf32, #tpu.memory_space<vmem>> -> memref<64x128xf32, #tpu.memory_space<vmem>>
      %dma_wait3A_153 = arith.constant 0 : i32
      %dma_wait3A_154 = tpu.memref_slice %arg7[%mul3A_149, %dma_wait3A_153] : memref<40x128xi32, #tpu.memory_space<vmem>> -> memref<1x64xi32, #tpu.memory_space<vmem>>
      %dma_wait3A_155 = tpu.memref_squeeze %dma_wait3A_154 : memref<1x64xi32, #tpu.memory_space<vmem>> -> memref<64xi32, #tpu.memory_space<vmem>>
      %dma_wait3A_156 = arith.constant 0 : i32
      %dma_wait3A_157 = arith.constant 0 : i32
      %dma_wait3A_158 = tpu.memref_slice %arg2[%dma_wait3A_156, %dma_wait3A_157] : memref<10240x128xf32, #tpu.memory_space<hbm>> -> memref<10240x128xf32, #tpu.memory_space<hbm>>
      tpu.wait_indirect_dma semaphore(%arg12 : memref<!tpu.dma_semaphore, #tpu.memory_space<semaphore_mem>>) src(%dma_wait3A_158 : memref<10240x128xf32, #tpu.memory_space<hbm>>) dst(%dma_wait3A_152 : memref<64x128xf32, #tpu.memory_space<vmem>>)
      %dma_wait3A_159 = arith.constant 64 : i32
      %dma_wait3A_160 = arith.constant 0 : i32
      %dma_wait3A_161 = tpu.memref_slice %arg9[%dma_wait3A_159, %dma_wait3A_160] : memref<128x128xf32, #tpu.memory_space<vmem>> -> memref<64x128xf32, #tpu.memory_space<vmem>>
      %dma_wait3A_162 = arith.constant 64 : i32
      %dma_wait3A_163 = tpu.memref_slice %arg7[%mul3A_149, %dma_wait3A_162] : memref<40x128xi32, #tpu.memory_space<vmem>> -> memref<1x64xi32, #tpu.memory_space<vmem>>
      %dma_wait3A_164 = tpu.memref_squeeze %dma_wait3A_163 : memref<1x64xi32, #tpu.memory_space<vmem>> -> memref<64xi32, #tpu.memory_space<vmem>>
      %dma_wait3A_165 = arith.constant 0 : i32
      %dma_wait3A_166 = arith.constant 0 : i32
      %dma_wait3A_167 = tpu.memref_slice %arg2[%dma_wait3A_165, %dma_wait3A_166] : memref<10240x128xf32, #tpu.memory_space<hbm>> -> memref<10240x128xf32, #tpu.memory_space<hbm>>
      tpu.wait_indirect_dma semaphore(%arg12 : memref<!tpu.dma_semaphore, #tpu.memory_space<semaphore_mem>>) src(%dma_wait3A_167 : memref<10240x128xf32, #tpu.memory_space<hbm>>) dst(%dma_wait3A_161 : memref<64x128xf32, #tpu.memory_space<vmem>>)
      %add3A_168 = arith.constant 1 : i32
      %add3A_169 = arith.addi %mul3A_149, %add3A_168 : i32
      %dma_start3A_170 = arith.constant 0 : i32
      %dma_start3A_171 = arith.constant 0 : i32
      %dma_start3A_172 = tpu.memref_slice %arg10[%dma_start3A_170, %dma_start3A_171] : memref<128x128xf32, #tpu.memory_space<vmem>> -> memref<64x128xf32, #tpu.memory_space<vmem>>
      %dma_start3A_173 = arith.constant 0 : i32
      %dma_start3A_174 = tpu.memref_slice %arg7[%add3A_169, %dma_start3A_173] : memref<40x128xi32, #tpu.memory_space<vmem>> -> memref<1x64xi32, #tpu.memory_space<vmem>>
      %dma_start3A_175 = tpu.memref_squeeze %dma_start3A_174 : memref<1x64xi32, #tpu.memory_space<vmem>> -> memref<64xi32, #tpu.memory_space<vmem>>
      %dma_start3A_176 = arith.constant 0 : i32
      %dma_start3A_177 = arith.constant 0 : i32
      %dma_start3A_178 = tpu.memref_slice %arg2[%dma_start3A_176, %dma_start3A_177] : memref<10240x128xf32, #tpu.memory_space<hbm>> -> memref<10240x128xf32, #tpu.memory_space<hbm>>
      tpu.enqueue_indirect_dma source(%dma_start3A_178 : memref<10240x128xf32, #tpu.memory_space<hbm>>) target(%dma_start3A_172 : memref<64x128xf32, #tpu.memory_space<vmem>>) offsets(%dma_start3A_175 : memref<64xi32, #tpu.memory_space<vmem>>) semaphore(%arg13 : memref<!tpu.dma_semaphore, #tpu.memory_space<semaphore_mem>>)
      %dma_start3A_179 = arith.constant 64 : i32
      %dma_start3A_180 = arith.constant 0 : i32
      %dma_start3A_181 = tpu.memref_slice %arg10[%dma_start3A_179, %dma_start3A_180] : memref<128x128xf32, #tpu.memory_space<vmem>> -> memref<64x128xf32, #tpu.memory_space<vmem>>
      %dma_start3A_182 = arith.constant 64 : i32
      %dma_start3A_183 = tpu.memref_slice %arg7[%add3A_169, %dma_start3A_182] : memref<40x128xi32, #tpu.memory_space<vmem>> -> memref<1x64xi32, #tpu.memory_space<vmem>>
      %dma_start3A_184 = tpu.memref_squeeze %dma_start3A_183 : memref<1x64xi32, #tpu.memory_space<vmem>> -> memref<64xi32, #tpu.memory_space<vmem>>
      %dma_start3A_185 = arith.constant 0 : i32
      %dma_start3A_186 = arith.constant 0 : i32
      %dma_start3A_187 = tpu.memref_slice %arg2[%dma_start3A_185, %dma_start3A_186] : memref<10240x128xf32, #tpu.memory_space<hbm>> -> memref<10240x128xf32, #tpu.memory_space<hbm>>
      tpu.enqueue_indirect_dma source(%dma_start3A_187 : memref<10240x128xf32, #tpu.memory_space<hbm>>) target(%dma_start3A_181 : memref<64x128xf32, #tpu.memory_space<vmem>>) offsets(%dma_start3A_184 : memref<64xi32, #tpu.memory_space<vmem>>) semaphore(%arg13 : memref<!tpu.dma_semaphore, #tpu.memory_space<semaphore_mem>>)
      "tpu.region"() ({
        %run_scoped3A = tpu.sem_alloc : memref<!tpu.dma_semaphore, #tpu.memory_space<semaphore_mem>>
        %dma_start3A_231 = arith.constant 0 : i32
        %dma_start3A_232 = tpu.memref_slice %arg8[%mul3A_149, %dma_start3A_231] : memref<40x128xi32, #tpu.memory_space<vmem>> -> memref<1x128xi32, #tpu.memory_space<vmem>>
        %dma_start3A_233 = tpu.memref_squeeze %dma_start3A_232 : memref<1x128xi32, #tpu.memory_space<vmem>> -> memref<128xi32, #tpu.memory_space<vmem>>
        %dma_start3A_234 = arith.constant 0 : i32
        %dma_start3A_235 = arith.constant 0 : i32
        %dma_start3A_236 = tpu.memref_slice %arg11[%dma_start3A_234, %dma_start3A_235] : memref<10240x128xf32, #tpu.memory_space<vmem_shared>> -> memref<10240x128xf32, #tpu.memory_space<vmem_shared>>
        tpu.enqueue_indirect_dma source(%arg9 : memref<128x128xf32, #tpu.memory_space<vmem>>) target(%dma_start3A_236 : memref<10240x128xf32, #tpu.memory_space<vmem_shared>>) offsets(%dma_start3A_233 : memref<128xi32, #tpu.memory_space<vmem>>) semaphore(%run_scoped3A : memref<!tpu.dma_semaphore, #tpu.memory_space<semaphore_mem>>) {add = true}
        %dma_wait3A_237 = arith.constant 0 : i32
        %dma_wait3A_238 = tpu.memref_slice %arg8[%mul3A_149, %dma_wait3A_237] : memref<40x128xi32, #tpu.memory_space<vmem>> -> memref<1x128xi32, #tpu.memory_space<vmem>>
        %dma_wait3A_239 = tpu.memref_squeeze %dma_wait3A_238 : memref<1x128xi32, #tpu.memory_space<vmem>> -> memref<128xi32, #tpu.memory_space<vmem>>
        %dma_wait3A_240 = arith.constant 0 : i32
        %dma_wait3A_241 = arith.constant 0 : i32
        %dma_wait3A_242 = tpu.memref_slice %arg11[%dma_wait3A_240, %dma_wait3A_241] : memref<10240x128xf32, #tpu.memory_space<vmem_shared>> -> memref<10240x128xf32, #tpu.memory_space<vmem_shared>>
        tpu.wait_indirect_dma semaphore(%run_scoped3A : memref<!tpu.dma_semaphore, #tpu.memory_space<semaphore_mem>>) src(%arg9 : memref<128x128xf32, #tpu.memory_space<vmem>>) dst(%dma_wait3A_242 : memref<10240x128xf32, #tpu.memory_space<vmem_shared>>)
        tpu.yield
      }) : () -> ()
      %add3A_188 = arith.constant 2 : i32
      %add3A_189 = arith.addi %mul3A_149, %add3A_188 : i32
      %min3A = arith.constant 38 : i32
      %min3A_190 = arith.minsi %add3A_189, %min3A : i32
      %dma_start3A_191 = arith.constant 0 : i32
      %dma_start3A_192 = arith.constant 0 : i32
      %dma_start3A_193 = tpu.memref_slice %arg9[%dma_start3A_191, %dma_start3A_192] : memref<128x128xf32, #tpu.memory_space<vmem>> -> memref<64x128xf32, #tpu.memory_space<vmem>>
      %dma_start3A_194 = arith.constant 0 : i32
      %dma_start3A_195 = tpu.memref_slice %arg7[%min3A_190, %dma_start3A_194] : memref<40x128xi32, #tpu.memory_space<vmem>> -> memref<1x64xi32, #tpu.memory_space<vmem>>
      %dma_start3A_196 = tpu.memref_squeeze %dma_start3A_195 : memref<1x64xi32, #tpu.memory_space<vmem>> -> memref<64xi32, #tpu.memory_space<vmem>>
      %dma_start3A_197 = arith.constant 0 : i32
      %dma_start3A_198 = arith.constant 0 : i32
      %dma_start3A_199 = tpu.memref_slice %arg2[%dma_start3A_197, %dma_start3A_198] : memref<10240x128xf32, #tpu.memory_space<hbm>> -> memref<10240x128xf32, #tpu.memory_space<hbm>>
      tpu.enqueue_indirect_dma source(%dma_start3A_199 : memref<10240x128xf32, #tpu.memory_space<hbm>>) target(%dma_start3A_193 : memref<64x128xf32, #tpu.memory_space<vmem>>) offsets(%dma_start3A_196 : memref<64xi32, #tpu.memory_space<vmem>>) semaphore(%arg12 : memref<!tpu.dma_semaphore, #tpu.memory_space<semaphore_mem>>)
      %dma_start3A_200 = arith.constant 64 : i32
      %dma_start3A_201 = arith.constant 0 : i32
      %dma_start3A_202 = tpu.memref_slice %arg9[%dma_start3A_200, %dma_start3A_201] : memref<128x128xf32, #tpu.memory_space<vmem>> -> memref<64x128xf32, #tpu.memory_space<vmem>>
      %dma_start3A_203 = arith.constant 64 : i32
      %dma_start3A_204 = tpu.memref_slice %arg7[%min3A_190, %dma_start3A_203] : memref<40x128xi32, #tpu.memory_space<vmem>> -> memref<1x64xi32, #tpu.memory_space<vmem>>
      %dma_start3A_205 = tpu.memref_squeeze %dma_start3A_204 : memref<1x64xi32, #tpu.memory_space<vmem>> -> memref<64xi32, #tpu.memory_space<vmem>>
      %dma_start3A_206 = arith.constant 0 : i32
      %dma_start3A_207 = arith.constant 0 : i32
      %dma_start3A_208 = tpu.memref_slice %arg2[%dma_start3A_206, %dma_start3A_207] : memref<10240x128xf32, #tpu.memory_space<hbm>> -> memref<10240x128xf32, #tpu.memory_space<hbm>>
      tpu.enqueue_indirect_dma source(%dma_start3A_208 : memref<10240x128xf32, #tpu.memory_space<hbm>>) target(%dma_start3A_202 : memref<64x128xf32, #tpu.memory_space<vmem>>) offsets(%dma_start3A_205 : memref<64xi32, #tpu.memory_space<vmem>>) semaphore(%arg12 : memref<!tpu.dma_semaphore, #tpu.memory_space<semaphore_mem>>)
      %add3A_209 = arith.constant 1 : i32
      %add3A_210 = arith.addi %mul3A_149, %add3A_209 : i32
      %dma_wait3A_211 = arith.constant 0 : i32
      %dma_wait3A_212 = arith.constant 0 : i32
      %dma_wait3A_213 = tpu.memref_slice %arg10[%dma_wait3A_211, %dma_wait3A_212] : memref<128x128xf32, #tpu.memory_space<vmem>> -> memref<64x128xf32, #tpu.memory_space<vmem>>
      %dma_wait3A_214 = arith.constant 0 : i32
      %dma_wait3A_215 = tpu.memref_slice %arg7[%add3A_210, %dma_wait3A_214] : memref<40x128xi32, #tpu.memory_space<vmem>> -> memref<1x64xi32, #tpu.memory_space<vmem>>
      %dma_wait3A_216 = tpu.memref_squeeze %dma_wait3A_215 : memref<1x64xi32, #tpu.memory_space<vmem>> -> memref<64xi32, #tpu.memory_space<vmem>>
      %dma_wait3A_217 = arith.constant 0 : i32
      %dma_wait3A_218 = arith.constant 0 : i32
      %dma_wait3A_219 = tpu.memref_slice %arg2[%dma_wait3A_217, %dma_wait3A_218] : memref<10240x128xf32, #tpu.memory_space<hbm>> -> memref<10240x128xf32, #tpu.memory_space<hbm>>
      tpu.wait_indirect_dma semaphore(%arg13 : memref<!tpu.dma_semaphore, #tpu.memory_space<semaphore_mem>>) src(%dma_wait3A_219 : memref<10240x128xf32, #tpu.memory_space<hbm>>) dst(%dma_wait3A_213 : memref<64x128xf32, #tpu.memory_space<vmem>>)
      %dma_wait3A_220 = arith.constant 64 : i32
      %dma_wait3A_221 = arith.constant 0 : i32
      %dma_wait3A_222 = tpu.memref_slice %arg10[%dma_wait3A_220, %dma_wait3A_221] : memref<128x128xf32, #tpu.memory_space<vmem>> -> memref<64x128xf32, #tpu.memory_space<vmem>>
      %dma_wait3A_223 = arith.constant 64 : i32
      %dma_wait3A_224 = tpu.memref_slice %arg7[%add3A_210, %dma_wait3A_223] : memref<40x128xi32, #tpu.memory_space<vmem>> -> memref<1x64xi32, #tpu.memory_space<vmem>>
      %dma_wait3A_225 = tpu.memref_squeeze %dma_wait3A_224 : memref<1x64xi32, #tpu.memory_space<vmem>> -> memref<64xi32, #tpu.memory_space<vmem>>
      %dma_wait3A_226 = arith.constant 0 : i32
      %dma_wait3A_227 = arith.constant 0 : i32
      %dma_wait3A_228 = tpu.memref_slice %arg2[%dma_wait3A_226, %dma_wait3A_227] : memref<10240x128xf32, #tpu.memory_space<hbm>> -> memref<10240x128xf32, #tpu.memory_space<hbm>>
      tpu.wait_indirect_dma semaphore(%arg13 : memref<!tpu.dma_semaphore, #tpu.memory_space<semaphore_mem>>) src(%dma_wait3A_228 : memref<10240x128xf32, #tpu.memory_space<hbm>>) dst(%dma_wait3A_222 : memref<64x128xf32, #tpu.memory_space<vmem>>)
      %add3A_229 = arith.constant 1 : i32
      %add3A_230 = arith.addi %mul3A_149, %add3A_229 : i32
      "tpu.region"() ({
        %run_scoped3A = tpu.sem_alloc : memref<!tpu.dma_semaphore, #tpu.memory_space<semaphore_mem>>
        %dma_start3A_231 = arith.constant 0 : i32
        %dma_start3A_232 = tpu.memref_slice %arg8[%add3A_230, %dma_start3A_231] : memref<40x128xi32, #tpu.memory_space<vmem>> -> memref<1x128xi32, #tpu.memory_space<vmem>>
        %dma_start3A_233 = tpu.memref_squeeze %dma_start3A_232 : memref<1x128xi32, #tpu.memory_space<vmem>> -> memref<128xi32, #tpu.memory_space<vmem>>
        %dma_start3A_234 = arith.constant 0 : i32
        %dma_start3A_235 = arith.constant 0 : i32
        %dma_start3A_236 = tpu.memref_slice %arg11[%dma_start3A_234, %dma_start3A_235] : memref<10240x128xf32, #tpu.memory_space<vmem_shared>> -> memref<10240x128xf32, #tpu.memory_space<vmem_shared>>
        tpu.enqueue_indirect_dma source(%arg10 : memref<128x128xf32, #tpu.memory_space<vmem>>) target(%dma_start3A_236 : memref<10240x128xf32, #tpu.memory_space<vmem_shared>>) offsets(%dma_start3A_233 : memref<128xi32, #tpu.memory_space<vmem>>) semaphore(%run_scoped3A : memref<!tpu.dma_semaphore, #tpu.memory_space<semaphore_mem>>) {add = true}
        %dma_wait3A_237 = arith.constant 0 : i32
        %dma_wait3A_238 = tpu.memref_slice %arg8[%add3A_230, %dma_wait3A_237] : memref<40x128xi32, #tpu.memory_space<vmem>> -> memref<1x128xi32, #tpu.memory_space<vmem>>
        %dma_wait3A_239 = tpu.memref_squeeze %dma_wait3A_238 : memref<1x128xi32, #tpu.memory_space<vmem>> -> memref<128xi32, #tpu.memory_space<vmem>>
        %dma_wait3A_240 = arith.constant 0 : i32
        %dma_wait3A_241 = arith.constant 0 : i32
        %dma_wait3A_242 = tpu.memref_slice %arg11[%dma_wait3A_240, %dma_wait3A_241] : memref<10240x128xf32, #tpu.memory_space<vmem_shared>> -> memref<10240x128xf32, #tpu.memory_space<vmem_shared>>
        tpu.wait_indirect_dma semaphore(%run_scoped3A : memref<!tpu.dma_semaphore, #tpu.memory_space<semaphore_mem>>) src(%arg10 : memref<128x128xf32, #tpu.memory_space<vmem>>) dst(%dma_wait3A_242 : memref<10240x128xf32, #tpu.memory_space<vmem_shared>>)
        tpu.yield
      }) : () -> ()
    }
    %scan3A_75 = arith.constant 20 : i32
    %dma_wait3A_76 = arith.constant 38 : i32
    %dma_wait3A_77 = arith.constant 0 : i32
    %dma_wait3A_78 = arith.constant 0 : i32
    %dma_wait3A_79 = tpu.memref_slice %arg9[%dma_wait3A_77, %dma_wait3A_78] : memref<128x128xf32, #tpu.memory_space<vmem>> -> memref<64x128xf32, #tpu.memory_space<vmem>>
    %dma_wait3A_80 = arith.constant 0 : i32
    %dma_wait3A_81 = tpu.memref_slice %arg7[%dma_wait3A_76, %dma_wait3A_80] : memref<40x128xi32, #tpu.memory_space<vmem>> -> memref<1x64xi32, #tpu.memory_space<vmem>>
    %dma_wait3A_82 = tpu.memref_squeeze %dma_wait3A_81 : memref<1x64xi32, #tpu.memory_space<vmem>> -> memref<64xi32, #tpu.memory_space<vmem>>
    %dma_wait3A_83 = arith.constant 0 : i32
    %dma_wait3A_84 = arith.constant 0 : i32
    %dma_wait3A_85 = tpu.memref_slice %arg2[%dma_wait3A_83, %dma_wait3A_84] : memref<10240x128xf32, #tpu.memory_space<hbm>> -> memref<10240x128xf32, #tpu.memory_space<hbm>>
    tpu.wait_indirect_dma semaphore(%arg12 : memref<!tpu.dma_semaphore, #tpu.memory_space<semaphore_mem>>) src(%dma_wait3A_85 : memref<10240x128xf32, #tpu.memory_space<hbm>>) dst(%dma_wait3A_79 : memref<64x128xf32, #tpu.memory_space<vmem>>)
    %dma_wait3A_86 = arith.constant 38 : i32
    %dma_wait3A_87 = arith.constant 64 : i32
    %dma_wait3A_88 = arith.constant 0 : i32
    %dma_wait3A_89 = tpu.memref_slice %arg9[%dma_wait3A_87, %dma_wait3A_88] : memref<128x128xf32, #tpu.memory_space<vmem>> -> memref<64x128xf32, #tpu.memory_space<vmem>>
    %dma_wait3A_90 = arith.constant 64 : i32
    %dma_wait3A_91 = tpu.memref_slice %arg7[%dma_wait3A_86, %dma_wait3A_90] : memref<40x128xi32, #tpu.memory_space<vmem>> -> memref<1x64xi32, #tpu.memory_space<vmem>>
    %dma_wait3A_92 = tpu.memref_squeeze %dma_wait3A_91 : memref<1x64xi32, #tpu.memory_space<vmem>> -> memref<64xi32, #tpu.memory_space<vmem>>
    %dma_wait3A_93 = arith.constant 0 : i32
    %dma_wait3A_94 = arith.constant 0 : i32
    %dma_wait3A_95 = tpu.memref_slice %arg2[%dma_wait3A_93, %dma_wait3A_94] : memref<10240x128xf32, #tpu.memory_space<hbm>> -> memref<10240x128xf32, #tpu.memory_space<hbm>>
    tpu.wait_indirect_dma semaphore(%arg12 : memref<!tpu.dma_semaphore, #tpu.memory_space<semaphore_mem>>) src(%dma_wait3A_95 : memref<10240x128xf32, #tpu.memory_space<hbm>>) dst(%dma_wait3A_89 : memref<64x128xf32, #tpu.memory_space<vmem>>)
    "tpu.region"() ({
      %run_scoped3A = tpu.sem_alloc : memref<!tpu.dma_semaphore, #tpu.memory_space<semaphore_mem>>
      %dma_start3A_147 = arith.constant 40 : i32
      %dma_start3A_148 = arith.constant 0 : i32
      %dma_start3A_149 = tpu.memref_slice %arg3[%add3A, %dma_start3A_147, %dma_start3A_148] : memref<32x80x128xi32, #tpu.memory_space<hbm>> -> memref<1x40x128xi32, #tpu.memory_space<hbm>>
      %dma_start3A_150 = tpu.memref_squeeze %dma_start3A_149 : memref<1x40x128xi32, #tpu.memory_space<hbm>> -> memref<40x128xi32, #tpu.memory_space<hbm>>
      %dma_start3A_151 = arith.constant 40 : i32
      %dma_start3A_152 = arith.constant 0 : i32
      %dma_start3A_153 = tpu.memref_slice %arg3[%add3A, %dma_start3A_151, %dma_start3A_152] : memref<32x80x128xi32, #tpu.memory_space<hbm>> -> memref<1x40x128xi32, #tpu.memory_space<hbm>>
      %dma_start3A_154 = tpu.memref_squeeze %dma_start3A_153 : memref<1x40x128xi32, #tpu.memory_space<hbm>> -> memref<40x128xi32, #tpu.memory_space<hbm>>
      tpu.enqueue_dma source(%dma_start3A_154 : memref<40x128xi32, #tpu.memory_space<hbm>>) target(%arg7 : memref<40x128xi32, #tpu.memory_space<vmem>>) target_semaphore(%run_scoped3A : memref<!tpu.dma_semaphore, #tpu.memory_space<semaphore_mem>>)
      %dma_wait3A_155 = arith.constant 40 : i32
      %dma_wait3A_156 = arith.constant 0 : i32
      %dma_wait3A_157 = tpu.memref_slice %arg3[%add3A, %dma_wait3A_155, %dma_wait3A_156] : memref<32x80x128xi32, #tpu.memory_space<hbm>> -> memref<1x40x128xi32, #tpu.memory_space<hbm>>
      %dma_wait3A_158 = tpu.memref_squeeze %dma_wait3A_157 : memref<1x40x128xi32, #tpu.memory_space<hbm>> -> memref<40x128xi32, #tpu.memory_space<hbm>>
      %dma_wait3A_159 = arith.constant 40 : i32
      %dma_wait3A_160 = arith.constant 0 : i32
      %dma_wait3A_161 = tpu.memref_slice %arg3[%add3A, %dma_wait3A_159, %dma_wait3A_160] : memref<32x80x128xi32, #tpu.memory_space<hbm>> -> memref<1x40x128xi32, #tpu.memory_space<hbm>>
      %dma_wait3A_162 = tpu.memref_squeeze %dma_wait3A_161 : memref<1x40x128xi32, #tpu.memory_space<hbm>> -> memref<40x128xi32, #tpu.memory_space<hbm>>
      tpu.wait_dma2 semaphore(%run_scoped3A : memref<!tpu.dma_semaphore, #tpu.memory_space<semaphore_mem>>) src(%dma_wait3A_162 : memref<40x128xi32, #tpu.memory_space<hbm>>) dst(%arg7 : memref<40x128xi32, #tpu.memory_space<vmem>>)
      tpu.yield
    }) : () -> ()
    "tpu.region"() ({
      %run_scoped3A = tpu.sem_alloc : memref<!tpu.dma_semaphore, #tpu.memory_space<semaphore_mem>>
      %dma_start3A_147 = arith.constant 40 : i32
      %dma_start3A_148 = arith.constant 0 : i32
      %dma_start3A_149 = tpu.memref_slice %arg4[%add3A, %dma_start3A_147, %dma_start3A_148] : memref<32x80x128xi32, #tpu.memory_space<hbm>> -> memref<1x40x128xi32, #tpu.memory_space<hbm>>
      %dma_start3A_150 = tpu.memref_squeeze %dma_start3A_149 : memref<1x40x128xi32, #tpu.memory_space<hbm>> -> memref<40x128xi32, #tpu.memory_space<hbm>>
      %dma_start3A_151 = arith.constant 40 : i32
      %dma_start3A_152 = arith.constant 0 : i32
      %dma_start3A_153 = tpu.memref_slice %arg4[%add3A, %dma_start3A_151, %dma_start3A_152] : memref<32x80x128xi32, #tpu.memory_space<hbm>> -> memref<1x40x128xi32, #tpu.memory_space<hbm>>
      %dma_start3A_154 = tpu.memref_squeeze %dma_start3A_153 : memref<1x40x128xi32, #tpu.memory_space<hbm>> -> memref<40x128xi32, #tpu.memory_space<hbm>>
      tpu.enqueue_dma source(%dma_start3A_154 : memref<40x128xi32, #tpu.memory_space<hbm>>) target(%arg8 : memref<40x128xi32, #tpu.memory_space<vmem>>) target_semaphore(%run_scoped3A : memref<!tpu.dma_semaphore, #tpu.memory_space<semaphore_mem>>)
      %dma_wait3A_155 = arith.constant 40 : i32
      %dma_wait3A_156 = arith.constant 0 : i32
      %dma_wait3A_157 = tpu.memref_slice %arg4[%add3A, %dma_wait3A_155, %dma_wait3A_156] : memref<32x80x128xi32, #tpu.memory_space<hbm>> -> memref<1x40x128xi32, #tpu.memory_space<hbm>>
      %dma_wait3A_158 = tpu.memref_squeeze %dma_wait3A_157 : memref<1x40x128xi32, #tpu.memory_space<hbm>> -> memref<40x128xi32, #tpu.memory_space<hbm>>
      %dma_wait3A_159 = arith.constant 40 : i32
      %dma_wait3A_160 = arith.constant 0 : i32
      %dma_wait3A_161 = tpu.memref_slice %arg4[%add3A, %dma_wait3A_159, %dma_wait3A_160] : memref<32x80x128xi32, #tpu.memory_space<hbm>> -> memref<1x40x128xi32, #tpu.memory_space<hbm>>
      %dma_wait3A_162 = tpu.memref_squeeze %dma_wait3A_161 : memref<1x40x128xi32, #tpu.memory_space<hbm>> -> memref<40x128xi32, #tpu.memory_space<hbm>>
      tpu.wait_dma2 semaphore(%run_scoped3A : memref<!tpu.dma_semaphore, #tpu.memory_space<semaphore_mem>>) src(%dma_wait3A_162 : memref<40x128xi32, #tpu.memory_space<hbm>>) dst(%arg8 : memref<40x128xi32, #tpu.memory_space<vmem>>)
      tpu.yield
    }) : () -> ()
    %dma_start3A_96 = arith.constant 0 : i32
    %dma_start3A_97 = arith.constant 0 : i32
    %dma_start3A_98 = arith.constant 0 : i32
    %dma_start3A_99 = tpu.memref_slice %arg9[%dma_start3A_97, %dma_start3A_98] : memref<128x128xf32, #tpu.memory_space<vmem>> -> memref<64x128xf32, #tpu.memory_space<vmem>>
    %dma_start3A_100 = arith.constant 0 : i32
    %dma_start3A_101 = tpu.memref_slice %arg7[%dma_start3A_96, %dma_start3A_100] : memref<40x128xi32, #tpu.memory_space<vmem>> -> memref<1x64xi32, #tpu.memory_space<vmem>>
    %dma_start3A_102 = tpu.memref_squeeze %dma_start3A_101 : memref<1x64xi32, #tpu.memory_space<vmem>> -> memref<64xi32, #tpu.memory_space<vmem>>
    %dma_start3A_103 = arith.constant 0 : i32
    %dma_start3A_104 = arith.constant 0 : i32
    %dma_start3A_105 = tpu.memref_slice %arg2[%dma_start3A_103, %dma_start3A_104] : memref<10240x128xf32, #tpu.memory_space<hbm>> -> memref<10240x128xf32, #tpu.memory_space<hbm>>
    tpu.enqueue_indirect_dma source(%dma_start3A_105 : memref<10240x128xf32, #tpu.memory_space<hbm>>) target(%dma_start3A_99 : memref<64x128xf32, #tpu.memory_space<vmem>>) offsets(%dma_start3A_102 : memref<64xi32, #tpu.memory_space<vmem>>) semaphore(%arg12 : memref<!tpu.dma_semaphore, #tpu.memory_space<semaphore_mem>>)
    %dma_start3A_106 = arith.constant 0 : i32
    %dma_start3A_107 = arith.constant 64 : i32
    %dma_start3A_108 = arith.constant 0 : i32
    %dma_start3A_109 = tpu.memref_slice %arg9[%dma_start3A_107, %dma_start3A_108] : memref<128x128xf32, #tpu.memory_space<vmem>> -> memref<64x128xf32, #tpu.memory_space<vmem>>
    %dma_start3A_110 = arith.constant 64 : i32
    %dma_start3A_111 = tpu.memref_slice %arg7[%dma_start3A_106, %dma_start3A_110] : memref<40x128xi32, #tpu.memory_space<vmem>> -> memref<1x64xi32, #tpu.memory_space<vmem>>
    %dma_start3A_112 = tpu.memref_squeeze %dma_start3A_111 : memref<1x64xi32, #tpu.memory_space<vmem>> -> memref<64xi32, #tpu.memory_space<vmem>>
    %dma_start3A_113 = arith.constant 0 : i32
    %dma_start3A_114 = arith.constant 0 : i32
    %dma_start3A_115 = tpu.memref_slice %arg2[%dma_start3A_113, %dma_start3A_114] : memref<10240x128xf32, #tpu.memory_space<hbm>> -> memref<10240x128xf32, #tpu.memory_space<hbm>>
    tpu.enqueue_indirect_dma source(%dma_start3A_115 : memref<10240x128xf32, #tpu.memory_space<hbm>>) target(%dma_start3A_109 : memref<64x128xf32, #tpu.memory_space<vmem>>) offsets(%dma_start3A_112 : memref<64xi32, #tpu.memory_space<vmem>>) semaphore(%arg12 : memref<!tpu.dma_semaphore, #tpu.memory_space<semaphore_mem>>)
    %scan3A_116 = arith.constant 0 : i32
    %scan3A_117 = arith.constant 0 : i32
    %scan3A_118 = arith.constant 20 : i32
    %scan3A_119 = arith.addi %scan3A_117, %scan3A_118 : i32
    %scan3A_120 = arith.constant 1 : i32
    scf.for %scan3A_147 = %scan3A_117 to %scan3A_119 step %scan3A_120  : i32 {
      %mul3A_148 = arith.constant 2 : i32
      %mul3A_149 = arith.muli %mul3A_148, %scan3A_147 : i32
      %dma_wait3A_150 = arith.constant 0 : i32
      %dma_wait3A_151 = arith.constant 0 : i32
      %dma_wait3A_152 = tpu.memref_slice %arg9[%dma_wait3A_150, %dma_wait3A_151] : memref<128x128xf32, #tpu.memory_space<vmem>> -> memref<64x128xf32, #tpu.memory_space<vmem>>
      %dma_wait3A_153 = arith.constant 0 : i32
      %dma_wait3A_154 = tpu.memref_slice %arg7[%mul3A_149, %dma_wait3A_153] : memref<40x128xi32, #tpu.memory_space<vmem>> -> memref<1x64xi32, #tpu.memory_space<vmem>>
      %dma_wait3A_155 = tpu.memref_squeeze %dma_wait3A_154 : memref<1x64xi32, #tpu.memory_space<vmem>> -> memref<64xi32, #tpu.memory_space<vmem>>
      %dma_wait3A_156 = arith.constant 0 : i32
      %dma_wait3A_157 = arith.constant 0 : i32
      %dma_wait3A_158 = tpu.memref_slice %arg2[%dma_wait3A_156, %dma_wait3A_157] : memref<10240x128xf32, #tpu.memory_space<hbm>> -> memref<10240x128xf32, #tpu.memory_space<hbm>>
      tpu.wait_indirect_dma semaphore(%arg12 : memref<!tpu.dma_semaphore, #tpu.memory_space<semaphore_mem>>) src(%dma_wait3A_158 : memref<10240x128xf32, #tpu.memory_space<hbm>>) dst(%dma_wait3A_152 : memref<64x128xf32, #tpu.memory_space<vmem>>)
      %dma_wait3A_159 = arith.constant 64 : i32
      %dma_wait3A_160 = arith.constant 0 : i32
      %dma_wait3A_161 = tpu.memref_slice %arg9[%dma_wait3A_159, %dma_wait3A_160] : memref<128x128xf32, #tpu.memory_space<vmem>> -> memref<64x128xf32, #tpu.memory_space<vmem>>
      %dma_wait3A_162 = arith.constant 64 : i32
      %dma_wait3A_163 = tpu.memref_slice %arg7[%mul3A_149, %dma_wait3A_162] : memref<40x128xi32, #tpu.memory_space<vmem>> -> memref<1x64xi32, #tpu.memory_space<vmem>>
      %dma_wait3A_164 = tpu.memref_squeeze %dma_wait3A_163 : memref<1x64xi32, #tpu.memory_space<vmem>> -> memref<64xi32, #tpu.memory_space<vmem>>
      %dma_wait3A_165 = arith.constant 0 : i32
      %dma_wait3A_166 = arith.constant 0 : i32
      %dma_wait3A_167 = tpu.memref_slice %arg2[%dma_wait3A_165, %dma_wait3A_166] : memref<10240x128xf32, #tpu.memory_space<hbm>> -> memref<10240x128xf32, #tpu.memory_space<hbm>>
      tpu.wait_indirect_dma semaphore(%arg12 : memref<!tpu.dma_semaphore, #tpu.memory_space<semaphore_mem>>) src(%dma_wait3A_167 : memref<10240x128xf32, #tpu.memory_space<hbm>>) dst(%dma_wait3A_161 : memref<64x128xf32, #tpu.memory_space<vmem>>)
      %add3A_168 = arith.constant 1 : i32
      %add3A_169 = arith.addi %mul3A_149, %add3A_168 : i32
      %dma_start3A_170 = arith.constant 0 : i32
      %dma_start3A_171 = arith.constant 0 : i32
      %dma_start3A_172 = tpu.memref_slice %arg10[%dma_start3A_170, %dma_start3A_171] : memref<128x128xf32, #tpu.memory_space<vmem>> -> memref<64x128xf32, #tpu.memory_space<vmem>>
      %dma_start3A_173 = arith.constant 0 : i32
      %dma_start3A_174 = tpu.memref_slice %arg7[%add3A_169, %dma_start3A_173] : memref<40x128xi32, #tpu.memory_space<vmem>> -> memref<1x64xi32, #tpu.memory_space<vmem>>
      %dma_start3A_175 = tpu.memref_squeeze %dma_start3A_174 : memref<1x64xi32, #tpu.memory_space<vmem>> -> memref<64xi32, #tpu.memory_space<vmem>>
      %dma_start3A_176 = arith.constant 0 : i32
      %dma_start3A_177 = arith.constant 0 : i32
      %dma_start3A_178 = tpu.memref_slice %arg2[%dma_start3A_176, %dma_start3A_177] : memref<10240x128xf32, #tpu.memory_space<hbm>> -> memref<10240x128xf32, #tpu.memory_space<hbm>>
      tpu.enqueue_indirect_dma source(%dma_start3A_178 : memref<10240x128xf32, #tpu.memory_space<hbm>>) target(%dma_start3A_172 : memref<64x128xf32, #tpu.memory_space<vmem>>) offsets(%dma_start3A_175 : memref<64xi32, #tpu.memory_space<vmem>>) semaphore(%arg13 : memref<!tpu.dma_semaphore, #tpu.memory_space<semaphore_mem>>)
      %dma_start3A_179 = arith.constant 64 : i32
      %dma_start3A_180 = arith.constant 0 : i32
      %dma_start3A_181 = tpu.memref_slice %arg10[%dma_start3A_179, %dma_start3A_180] : memref<128x128xf32, #tpu.memory_space<vmem>> -> memref<64x128xf32, #tpu.memory_space<vmem>>
      %dma_start3A_182 = arith.constant 64 : i32
      %dma_start3A_183 = tpu.memref_slice %arg7[%add3A_169, %dma_start3A_182] : memref<40x128xi32, #tpu.memory_space<vmem>> -> memref<1x64xi32, #tpu.memory_space<vmem>>
      %dma_start3A_184 = tpu.memref_squeeze %dma_start3A_183 : memref<1x64xi32, #tpu.memory_space<vmem>> -> memref<64xi32, #tpu.memory_space<vmem>>
      %dma_start3A_185 = arith.constant 0 : i32
      %dma_start3A_186 = arith.constant 0 : i32
      %dma_start3A_187 = tpu.memref_slice %arg2[%dma_start3A_185, %dma_start3A_186] : memref<10240x128xf32, #tpu.memory_space<hbm>> -> memref<10240x128xf32, #tpu.memory_space<hbm>>
      tpu.enqueue_indirect_dma source(%dma_start3A_187 : memref<10240x128xf32, #tpu.memory_space<hbm>>) target(%dma_start3A_181 : memref<64x128xf32, #tpu.memory_space<vmem>>) offsets(%dma_start3A_184 : memref<64xi32, #tpu.memory_space<vmem>>) semaphore(%arg13 : memref<!tpu.dma_semaphore, #tpu.memory_space<semaphore_mem>>)
      "tpu.region"() ({
        %run_scoped3A = tpu.sem_alloc : memref<!tpu.dma_semaphore, #tpu.memory_space<semaphore_mem>>
        %dma_start3A_231 = arith.constant 0 : i32
        %dma_start3A_232 = tpu.memref_slice %arg8[%mul3A_149, %dma_start3A_231] : memref<40x128xi32, #tpu.memory_space<vmem>> -> memref<1x128xi32, #tpu.memory_space<vmem>>
        %dma_start3A_233 = tpu.memref_squeeze %dma_start3A_232 : memref<1x128xi32, #tpu.memory_space<vmem>> -> memref<128xi32, #tpu.memory_space<vmem>>
        %dma_start3A_234 = arith.constant 0 : i32
        %dma_start3A_235 = arith.constant 0 : i32
        %dma_start3A_236 = tpu.memref_slice %arg11[%dma_start3A_234, %dma_start3A_235] : memref<10240x128xf32, #tpu.memory_space<vmem_shared>> -> memref<10240x128xf32, #tpu.memory_space<vmem_shared>>
        tpu.enqueue_indirect_dma source(%arg9 : memref<128x128xf32, #tpu.memory_space<vmem>>) target(%dma_start3A_236 : memref<10240x128xf32, #tpu.memory_space<vmem_shared>>) offsets(%dma_start3A_233 : memref<128xi32, #tpu.memory_space<vmem>>) semaphore(%run_scoped3A : memref<!tpu.dma_semaphore, #tpu.memory_space<semaphore_mem>>) {add = true}
        %dma_wait3A_237 = arith.constant 0 : i32
        %dma_wait3A_238 = tpu.memref_slice %arg8[%mul3A_149, %dma_wait3A_237] : memref<40x128xi32, #tpu.memory_space<vmem>> -> memref<1x128xi32, #tpu.memory_space<vmem>>
        %dma_wait3A_239 = tpu.memref_squeeze %dma_wait3A_238 : memref<1x128xi32, #tpu.memory_space<vmem>> -> memref<128xi32, #tpu.memory_space<vmem>>
        %dma_wait3A_240 = arith.constant 0 : i32
        %dma_wait3A_241 = arith.constant 0 : i32
        %dma_wait3A_242 = tpu.memref_slice %arg11[%dma_wait3A_240, %dma_wait3A_241] : memref<10240x128xf32, #tpu.memory_space<vmem_shared>> -> memref<10240x128xf32, #tpu.memory_space<vmem_shared>>
        tpu.wait_indirect_dma semaphore(%run_scoped3A : memref<!tpu.dma_semaphore, #tpu.memory_space<semaphore_mem>>) src(%arg9 : memref<128x128xf32, #tpu.memory_space<vmem>>) dst(%dma_wait3A_242 : memref<10240x128xf32, #tpu.memory_space<vmem_shared>>)
        tpu.yield
      }) : () -> ()
      %add3A_188 = arith.constant 2 : i32
      %add3A_189 = arith.addi %mul3A_149, %add3A_188 : i32
      %min3A = arith.constant 38 : i32
      %min3A_190 = arith.minsi %add3A_189, %min3A : i32
      %dma_start3A_191 = arith.constant 0 : i32
      %dma_start3A_192 = arith.constant 0 : i32
      %dma_start3A_193 = tpu.memref_slice %arg9[%dma_start3A_191, %dma_start3A_192] : memref<128x128xf32, #tpu.memory_space<vmem>> -> memref<64x128xf32, #tpu.memory_space<vmem>>
      %dma_start3A_194 = arith.constant 0 : i32
      %dma_start3A_195 = tpu.memref_slice %arg7[%min3A_190, %dma_start3A_194] : memref<40x128xi32, #tpu.memory_space<vmem>> -> memref<1x64xi32, #tpu.memory_space<vmem>>
      %dma_start3A_196 = tpu.memref_squeeze %dma_start3A_195 : memref<1x64xi32, #tpu.memory_space<vmem>> -> memref<64xi32, #tpu.memory_space<vmem>>
      %dma_start3A_197 = arith.constant 0 : i32
      %dma_start3A_198 = arith.constant 0 : i32
      %dma_start3A_199 = tpu.memref_slice %arg2[%dma_start3A_197, %dma_start3A_198] : memref<10240x128xf32, #tpu.memory_space<hbm>> -> memref<10240x128xf32, #tpu.memory_space<hbm>>
      tpu.enqueue_indirect_dma source(%dma_start3A_199 : memref<10240x128xf32, #tpu.memory_space<hbm>>) target(%dma_start3A_193 : memref<64x128xf32, #tpu.memory_space<vmem>>) offsets(%dma_start3A_196 : memref<64xi32, #tpu.memory_space<vmem>>) semaphore(%arg12 : memref<!tpu.dma_semaphore, #tpu.memory_space<semaphore_mem>>)
      %dma_start3A_200 = arith.constant 64 : i32
      %dma_start3A_201 = arith.constant 0 : i32
      %dma_start3A_202 = tpu.memref_slice %arg9[%dma_start3A_200, %dma_start3A_201] : memref<128x128xf32, #tpu.memory_space<vmem>> -> memref<64x128xf32, #tpu.memory_space<vmem>>
      %dma_start3A_203 = arith.constant 64 : i32
      %dma_start3A_204 = tpu.memref_slice %arg7[%min3A_190, %dma_start3A_203] : memref<40x128xi32, #tpu.memory_space<vmem>> -> memref<1x64xi32, #tpu.memory_space<vmem>>
      %dma_start3A_205 = tpu.memref_squeeze %dma_start3A_204 : memref<1x64xi32, #tpu.memory_space<vmem>> -> memref<64xi32, #tpu.memory_space<vmem>>
      %dma_start3A_206 = arith.constant 0 : i32
      %dma_start3A_207 = arith.constant 0 : i32
      %dma_start3A_208 = tpu.memref_slice %arg2[%dma_start3A_206, %dma_start3A_207] : memref<10240x128xf32, #tpu.memory_space<hbm>> -> memref<10240x128xf32, #tpu.memory_space<hbm>>
      tpu.enqueue_indirect_dma source(%dma_start3A_208 : memref<10240x128xf32, #tpu.memory_space<hbm>>) target(%dma_start3A_202 : memref<64x128xf32, #tpu.memory_space<vmem>>) offsets(%dma_start3A_205 : memref<64xi32, #tpu.memory_space<vmem>>) semaphore(%arg12 : memref<!tpu.dma_semaphore, #tpu.memory_space<semaphore_mem>>)
      %add3A_209 = arith.constant 1 : i32
      %add3A_210 = arith.addi %mul3A_149, %add3A_209 : i32
      %dma_wait3A_211 = arith.constant 0 : i32
      %dma_wait3A_212 = arith.constant 0 : i32
      %dma_wait3A_213 = tpu.memref_slice %arg10[%dma_wait3A_211, %dma_wait3A_212] : memref<128x128xf32, #tpu.memory_space<vmem>> -> memref<64x128xf32, #tpu.memory_space<vmem>>
      %dma_wait3A_214 = arith.constant 0 : i32
      %dma_wait3A_215 = tpu.memref_slice %arg7[%add3A_210, %dma_wait3A_214] : memref<40x128xi32, #tpu.memory_space<vmem>> -> memref<1x64xi32, #tpu.memory_space<vmem>>
      %dma_wait3A_216 = tpu.memref_squeeze %dma_wait3A_215 : memref<1x64xi32, #tpu.memory_space<vmem>> -> memref<64xi32, #tpu.memory_space<vmem>>
      %dma_wait3A_217 = arith.constant 0 : i32
      %dma_wait3A_218 = arith.constant 0 : i32
      %dma_wait3A_219 = tpu.memref_slice %arg2[%dma_wait3A_217, %dma_wait3A_218] : memref<10240x128xf32, #tpu.memory_space<hbm>> -> memref<10240x128xf32, #tpu.memory_space<hbm>>
      tpu.wait_indirect_dma semaphore(%arg13 : memref<!tpu.dma_semaphore, #tpu.memory_space<semaphore_mem>>) src(%dma_wait3A_219 : memref<10240x128xf32, #tpu.memory_space<hbm>>) dst(%dma_wait3A_213 : memref<64x128xf32, #tpu.memory_space<vmem>>)
      %dma_wait3A_220 = arith.constant 64 : i32
      %dma_wait3A_221 = arith.constant 0 : i32
      %dma_wait3A_222 = tpu.memref_slice %arg10[%dma_wait3A_220, %dma_wait3A_221] : memref<128x128xf32, #tpu.memory_space<vmem>> -> memref<64x128xf32, #tpu.memory_space<vmem>>
      %dma_wait3A_223 = arith.constant 64 : i32
      %dma_wait3A_224 = tpu.memref_slice %arg7[%add3A_210, %dma_wait3A_223] : memref<40x128xi32, #tpu.memory_space<vmem>> -> memref<1x64xi32, #tpu.memory_space<vmem>>
      %dma_wait3A_225 = tpu.memref_squeeze %dma_wait3A_224 : memref<1x64xi32, #tpu.memory_space<vmem>> -> memref<64xi32, #tpu.memory_space<vmem>>
      %dma_wait3A_226 = arith.constant 0 : i32
      %dma_wait3A_227 = arith.constant 0 : i32
      %dma_wait3A_228 = tpu.memref_slice %arg2[%dma_wait3A_226, %dma_wait3A_227] : memref<10240x128xf32, #tpu.memory_space<hbm>> -> memref<10240x128xf32, #tpu.memory_space<hbm>>
      tpu.wait_indirect_dma semaphore(%arg13 : memref<!tpu.dma_semaphore, #tpu.memory_space<semaphore_mem>>) src(%dma_wait3A_228 : memref<10240x128xf32, #tpu.memory_space<hbm>>) dst(%dma_wait3A_222 : memref<64x128xf32, #tpu.memory_space<vmem>>)
      %add3A_229 = arith.constant 1 : i32
      %add3A_230 = arith.addi %mul3A_149, %add3A_229 : i32
      "tpu.region"() ({
        %run_scoped3A = tpu.sem_alloc : memref<!tpu.dma_semaphore, #tpu.memory_space<semaphore_mem>>
        %dma_start3A_231 = arith.constant 0 : i32
        %dma_start3A_232 = tpu.memref_slice %arg8[%add3A_230, %dma_start3A_231] : memref<40x128xi32, #tpu.memory_space<vmem>> -> memref<1x128xi32, #tpu.memory_space<vmem>>
        %dma_start3A_233 = tpu.memref_squeeze %dma_start3A_232 : memref<1x128xi32, #tpu.memory_space<vmem>> -> memref<128xi32, #tpu.memory_space<vmem>>
        %dma_start3A_234 = arith.constant 0 : i32
        %dma_start3A_235 = arith.constant 0 : i32
        %dma_start3A_236 = tpu.memref_slice %arg11[%dma_start3A_234, %dma_start3A_235] : memref<10240x128xf32, #tpu.memory_space<vmem_shared>> -> memref<10240x128xf32, #tpu.memory_space<vmem_shared>>
        tpu.enqueue_indirect_dma source(%arg10 : memref<128x128xf32, #tpu.memory_space<vmem>>) target(%dma_start3A_236 : memref<10240x128xf32, #tpu.memory_space<vmem_shared>>) offsets(%dma_start3A_233 : memref<128xi32, #tpu.memory_space<vmem>>) semaphore(%run_scoped3A : memref<!tpu.dma_semaphore, #tpu.memory_space<semaphore_mem>>) {add = true}
        %dma_wait3A_237 = arith.constant 0 : i32
        %dma_wait3A_238 = tpu.memref_slice %arg8[%add3A_230, %dma_wait3A_237] : memref<40x128xi32, #tpu.memory_space<vmem>> -> memref<1x128xi32, #tpu.memory_space<vmem>>
        %dma_wait3A_239 = tpu.memref_squeeze %dma_wait3A_238 : memref<1x128xi32, #tpu.memory_space<vmem>> -> memref<128xi32, #tpu.memory_space<vmem>>
        %dma_wait3A_240 = arith.constant 0 : i32
        %dma_wait3A_241 = arith.constant 0 : i32
        %dma_wait3A_242 = tpu.memref_slice %arg11[%dma_wait3A_240, %dma_wait3A_241] : memref<10240x128xf32, #tpu.memory_space<vmem_shared>> -> memref<10240x128xf32, #tpu.memory_space<vmem_shared>>
        tpu.wait_indirect_dma semaphore(%run_scoped3A : memref<!tpu.dma_semaphore, #tpu.memory_space<semaphore_mem>>) src(%arg10 : memref<128x128xf32, #tpu.memory_space<vmem>>) dst(%dma_wait3A_242 : memref<10240x128xf32, #tpu.memory_space<vmem_shared>>)
        tpu.yield
      }) : () -> ()
    }
    %scan3A_121 = arith.constant 20 : i32
    %dma_wait3A_122 = arith.constant 38 : i32
    %dma_wait3A_123 = arith.constant 0 : i32
    %dma_wait3A_124 = arith.constant 0 : i32
    %dma_wait3A_125 = tpu.memref_slice %arg9[%dma_wait3A_123, %dma_wait3A_124] : memref<128x128xf32, #tpu.memory_space<vmem>> -> memref<64x128xf32, #tpu.memory_space<vmem>>
    %dma_wait3A_126 = arith.constant 0 : i32
    %dma_wait3A_127 = tpu.memref_slice %arg7[%dma_wait3A_122, %dma_wait3A_126] : memref<40x128xi32, #tpu.memory_space<vmem>> -> memref<1x64xi32, #tpu.memory_space<vmem>>
    %dma_wait3A_128 = tpu.memref_squeeze %dma_wait3A_127 : memref<1x64xi32, #tpu.memory_space<vmem>> -> memref<64xi32, #tpu.memory_space<vmem>>
    %dma_wait3A_129 = arith.constant 0 : i32
    %dma_wait3A_130 = arith.constant 0 : i32
    %dma_wait3A_131 = tpu.memref_slice %arg2[%dma_wait3A_129, %dma_wait3A_130] : memref<10240x128xf32, #tpu.memory_space<hbm>> -> memref<10240x128xf32, #tpu.memory_space<hbm>>
    tpu.wait_indirect_dma semaphore(%arg12 : memref<!tpu.dma_semaphore, #tpu.memory_space<semaphore_mem>>) src(%dma_wait3A_131 : memref<10240x128xf32, #tpu.memory_space<hbm>>) dst(%dma_wait3A_125 : memref<64x128xf32, #tpu.memory_space<vmem>>)
    %dma_wait3A_132 = arith.constant 38 : i32
    %dma_wait3A_133 = arith.constant 64 : i32
    %dma_wait3A_134 = arith.constant 0 : i32
    %dma_wait3A_135 = tpu.memref_slice %arg9[%dma_wait3A_133, %dma_wait3A_134] : memref<128x128xf32, #tpu.memory_space<vmem>> -> memref<64x128xf32, #tpu.memory_space<vmem>>
    %dma_wait3A_136 = arith.constant 64 : i32
    %dma_wait3A_137 = tpu.memref_slice %arg7[%dma_wait3A_132, %dma_wait3A_136] : memref<40x128xi32, #tpu.memory_space<vmem>> -> memref<1x64xi32, #tpu.memory_space<vmem>>
    %dma_wait3A_138 = tpu.memref_squeeze %dma_wait3A_137 : memref<1x64xi32, #tpu.memory_space<vmem>> -> memref<64xi32, #tpu.memory_space<vmem>>
    %dma_wait3A_139 = arith.constant 0 : i32
    %dma_wait3A_140 = arith.constant 0 : i32
    %dma_wait3A_141 = tpu.memref_slice %arg2[%dma_wait3A_139, %dma_wait3A_140] : memref<10240x128xf32, #tpu.memory_space<hbm>> -> memref<10240x128xf32, #tpu.memory_space<hbm>>
    tpu.wait_indirect_dma semaphore(%arg12 : memref<!tpu.dma_semaphore, #tpu.memory_space<semaphore_mem>>) src(%dma_wait3A_141 : memref<10240x128xf32, #tpu.memory_space<hbm>>) dst(%dma_wait3A_135 : memref<64x128xf32, #tpu.memory_space<vmem>>)
    %barrier3A_142 = arith.constant 0 : index
    tpu.barrier barrier_id(%barrier3A_142)
    %mul3A_143 = arith.constant 640 : i32
    %mul3A_144 = arith.muli %arg1, %mul3A_143 : i32
    %mul3A_145 = arith.constant 640 : i32
    %mul3A_146 = arith.muli %arg1, %mul3A_145 : i32
    "tpu.region"() ({
      %run_scoped3A = tpu.sem_alloc : memref<!tpu.dma_semaphore, #tpu.memory_space<semaphore_mem>>
      %dma_start3A_147 = arith.constant 0 : i32
      %dma_start3A_148 = tpu.memref_slice %arg6[%arg0, %mul3A_146, %dma_start3A_147] : memref<2x10240x128xf32, #tpu.memory_space<hbm>> -> memref<1x640x128xf32, #tpu.memory_space<hbm>>
      %dma_start3A_149 = tpu.memref_squeeze %dma_start3A_148 : memref<1x640x128xf32, #tpu.memory_space<hbm>> -> memref<640x128xf32, #tpu.memory_space<hbm>>
      %dma_start3A_150 = arith.constant 0 : i32
      %dma_start3A_151 = tpu.memref_slice %arg11[%mul3A_144, %dma_start3A_150] : memref<10240x128xf32, #tpu.memory_space<vmem_shared>> -> memref<640x128xf32, #tpu.memory_space<vmem_shared>>
      tpu.enqueue_dma source(%dma_start3A_151 : memref<640x128xf32, #tpu.memory_space<vmem_shared>>) target(%dma_start3A_149 : memref<640x128xf32, #tpu.memory_space<hbm>>) target_semaphore(%run_scoped3A : memref<!tpu.dma_semaphore, #tpu.memory_space<semaphore_mem>>)
      %dma_wait3A_152 = arith.constant 0 : i32
      %dma_wait3A_153 = tpu.memref_slice %arg6[%arg0, %mul3A_146, %dma_wait3A_152] : memref<2x10240x128xf32, #tpu.memory_space<hbm>> -> memref<1x640x128xf32, #tpu.memory_space<hbm>>
      %dma_wait3A_154 = tpu.memref_squeeze %dma_wait3A_153 : memref<1x640x128xf32, #tpu.memory_space<hbm>> -> memref<640x128xf32, #tpu.memory_space<hbm>>
      %dma_wait3A_155 = arith.constant 0 : i32
      %dma_wait3A_156 = tpu.memref_slice %arg11[%mul3A_144, %dma_wait3A_155] : memref<10240x128xf32, #tpu.memory_space<vmem_shared>> -> memref<640x128xf32, #tpu.memory_space<vmem_shared>>
      tpu.wait_dma2 semaphore(%run_scoped3A : memref<!tpu.dma_semaphore, #tpu.memory_space<semaphore_mem>>) src(%dma_wait3A_156 : memref<640x128xf32, #tpu.memory_space<vmem_shared>>) dst(%dma_wait3A_154 : memref<640x128xf32, #tpu.memory_space<hbm>>)
      tpu.yield
    }) : () -> ()
    return
  }
}

module attributes {stable_mosaic.version = 14 : i64} {
  func.func @body(%arg0: i32, %arg1: memref<1024xi32, #tpu.memory_space<vmem>>, %arg2: memref<1024xi32, #tpu.memory_space<vmem>>, %arg3: memref<2x1024x128xf32, #tpu.memory_space<vmem>>, %arg4: memref<64x128xf32, #tpu.memory_space<vmem>>, %arg5: memref<64x128xf32, #tpu.memory_space<vmem>>, %arg6: memref<1024x128xf32, #tpu.memory_space<vmem>>, %arg7: memref<1024xf32, #tpu.memory_space<vmem>>, %arg8: memref<1024xf32, #tpu.memory_space<vmem>>) attributes {dimension_semantics = [#tpu.dimension_semantics<arbitrary>], iteration_bounds = array<i64: 10>, scalar_prefetch = 0 : i64, scratch_operands = 0 : i64, tpu.core_type = #tpu.core_type<tc>, window_params = [{transform_indices = @transform_0, window_bounds = array<i64: 1024>}, {transform_indices = @transform_1, window_bounds = array<i64: 1024>}, {transform_indices = @transform_2, window_bounds = array<i64: 2, 1024, 128>}, {pipeline_mode = #tpu.pipeline_mode<synchronous>, transform_indices = @transform_3, window_bounds = array<i64: 64, 128>}, {pipeline_mode = #tpu.pipeline_mode<synchronous>, transform_indices = @transform_4, window_bounds = array<i64: 64, 128>}, {transform_indices = @transform_5, window_bounds = array<i64: 1024, 128>}, {transform_indices = @transform_6, window_bounds = array<i64: 1024>}, {transform_indices = @transform_7, window_bounds = array<i64: 1024>}]} {
    %iota3A = tpu.iota {dimensions = array<i32: 1>} : vector<1024x64xi32>
    %get3A = arith.constant 0 : index
    %get3A_0 = vector.load %arg1[%get3A] : memref<1024xi32, #tpu.memory_space<vmem>>, vector<1024xi32>
    %broadcast_in_dim3A = vector.shape_cast %get3A_0 : vector<1024xi32> to vector<1024x1xi32>
    %eq3A = vector.broadcast %broadcast_in_dim3A : vector<1024x1xi32> to vector<1024x64xi32>
    %eq3A_1 = arith.cmpi eq, %eq3A, %iota3A : vector<1024x64xi32>
    %convert_element_type3A = arith.extui %eq3A_1 : vector<1024x64xi1> to vector<1024x64xi32>
    %convert_element_type3A_2 = arith.sitofp %convert_element_type3A : vector<1024x64xi32> to vector<1024x64xf32>
    %get3A_3 = arith.constant 0 : index
    %get3A_4 = vector.load %arg2[%get3A_3] : memref<1024xi32, #tpu.memory_space<vmem>>, vector<1024xi32>
    %broadcast_in_dim3A_5 = vector.shape_cast %get3A_4 : vector<1024xi32> to vector<1024x1xi32>
    %eq3A_6 = vector.broadcast %broadcast_in_dim3A_5 : vector<1024x1xi32> to vector<1024x64xi32>
    %eq3A_7 = arith.cmpi eq, %eq3A_6, %iota3A : vector<1024x64xi32>
    %convert_element_type3A_8 = arith.extui %eq3A_7 : vector<1024x64xi1> to vector<1024x64xi32>
    %convert_element_type3A_9 = arith.sitofp %convert_element_type3A_8 : vector<1024x64xi32> to vector<1024x64xf32>
    %get3A_10 = arith.constant 0 : index
    %get3A_11 = arith.constant 0 : index
    %get3A_12 = vector.load %arg4[%get3A_10, %get3A_11] : memref<64x128xf32, #tpu.memory_space<vmem>>, vector<64x128xf32>
    %dot_general3A = arith.constant dense<0.000000e+00> : vector<1024x128xf32>
    %dot_general3A_13 = tpu.matmul %convert_element_type3A_2, %get3A_12, %dot_general3A {dimension_numbers = #tpu.dot_dimension_numbers<[1], [0], [0], [1], [0, 0, 1, 1], [], []>, precision = #tpu.contract_precision<fp32>, transpose_lhs_hint = false} : vector<1024x64xf32>, vector<64x128xf32>, vector<1024x128xf32> -> vector<1024x128xf32>
    %get3A_14 = arith.constant 0 : index
    %get3A_15 = arith.constant 0 : index
    %get3A_16 = vector.load %arg5[%get3A_14, %get3A_15] : memref<64x128xf32, #tpu.memory_space<vmem>>, vector<64x128xf32>
    %dot_general3A_17 = arith.constant dense<0.000000e+00> : vector<1024x128xf32>
    %dot_general3A_18 = tpu.matmul %convert_element_type3A_9, %get3A_16, %dot_general3A_17 {dimension_numbers = #tpu.dot_dimension_numbers<[1], [0], [0], [1], [0, 0, 1, 1], [], []>, precision = #tpu.contract_precision<fp32>, transpose_lhs_hint = false} : vector<1024x64xf32>, vector<64x128xf32>, vector<1024x128xf32> -> vector<1024x128xf32>
    %add3A = arith.addf %dot_general3A_13, %dot_general3A_18 : vector<1024x128xf32>
    %get3A_19 = arith.constant 0 : index
    %get3A_20 = arith.constant 0 : index
    %get3A_21 = arith.constant 0 : index
    %get3A_22 = vector.load %arg3[%get3A_19, %get3A_20, %get3A_21] : memref<2x1024x128xf32, #tpu.memory_space<vmem>>, vector<1x1024x1xf32>
    %get3A_23 = vector.shape_cast %get3A_22 : vector<1x1024x1xf32> to vector<1024x1xf32>
    %get3A_24 = arith.constant 1 : index
    %get3A_25 = arith.constant 0 : index
    %get3A_26 = arith.constant 0 : index
    %get3A_27 = vector.load %arg3[%get3A_24, %get3A_25, %get3A_26] : memref<2x1024x128xf32, #tpu.memory_space<vmem>>, vector<1x1024x1xf32>
    %get3A_28 = vector.shape_cast %get3A_27 : vector<1x1024x1xf32> to vector<1024x1xf32>
    %add3A_29 = arith.addf %get3A_23, %get3A_28 : vector<1024x1xf32>
    %max3A = arith.constant 1.000000e+00 : f32
    %max3A_30 = vector.broadcast %max3A : f32 to vector<1024x1xf32>
    %max3A_31 = arith.maximumf %add3A_29, %max3A_30 : vector<1024x1xf32>
    %rsqrt3A = math.rsqrt %max3A_31 : vector<1024x1xf32>
    %mul3A = vector.broadcast %rsqrt3A : vector<1024x1xf32> to vector<1024x128xf32>
    %mul3A_32 = arith.mulf %add3A, %mul3A : vector<1024x128xf32>
    %swap3A = arith.constant 0 : index
    %swap3A_33 = arith.constant 0 : index
    %swap3A_34 = vector.load %arg6[%swap3A, %swap3A_33] : memref<1024x128xf32, #tpu.memory_space<vmem>>, vector<1024x128xf32>
    tpu.vector_store %arg6[%swap3A, %swap3A_33], %mul3A_32 {strides = array<i32>} : memref<1024x128xf32, #tpu.memory_space<vmem>>, vector<1024x128xf32>,
    %squeeze3A = vector.shape_cast %rsqrt3A : vector<1024x1xf32> to vector<1024xf32>
    %swap3A_35 = arith.constant 0 : index
    %swap3A_36 = vector.load %arg7[%swap3A_35] : memref<1024xf32, #tpu.memory_space<vmem>>, vector<1024xf32>
    tpu.vector_store %arg7[%swap3A_35], %squeeze3A {strides = array<i32>} : memref<1024xf32, #tpu.memory_space<vmem>>, vector<1024xf32>,
    %sqrt3A = math.sqrt %max3A_31 : vector<1024x1xf32>
    %squeeze3A_37 = vector.shape_cast %sqrt3A : vector<1024x1xf32> to vector<1024xf32>
    %swap3A_38 = arith.constant 0 : index
    %swap3A_39 = vector.load %arg8[%swap3A_38] : memref<1024xf32, #tpu.memory_space<vmem>>, vector<1024xf32>
    tpu.vector_store %arg8[%swap3A_38], %squeeze3A_37 {strides = array<i32>} : memref<1024xf32, #tpu.memory_space<vmem>>, vector<1024xf32>,
    return
  }
  func.func @transform_0(%arg0: i32) -> i32 {
    %c0_i32 = arith.constant 0 : i32
    return %arg0 : i32
  }
  func.func @transform_1(%arg0: i32) -> i32 {
    %c0_i32 = arith.constant 0 : i32
    return %arg0 : i32
  }
  func.func @transform_2(%arg0: i32) -> (i32, i32, i32) {
    %c0_i32 = arith.constant 0 : i32
    %c0_i32_0 = arith.constant 0 : i32
    %c0_i32_1 = arith.constant 0 : i32
    return %c0_i32, %arg0, %c0_i32_0 : i32, i32, i32
  }
  func.func @transform_3(%arg0: i32) -> (i32, i32) {
    %c0_i32 = arith.constant 0 : i32
    %c0_i32_0 = arith.constant 0 : i32
    %c0_i32_1 = arith.constant 0 : i32
    return %c0_i32, %c0_i32_0 : i32, i32
  }
  func.func @transform_4(%arg0: i32) -> (i32, i32) {
    %c0_i32 = arith.constant 0 : i32
    %c0_i32_0 = arith.constant 0 : i32
    %c0_i32_1 = arith.constant 0 : i32
    return %c0_i32, %c0_i32_0 : i32, i32
  }
  func.func @transform_5(%arg0: i32) -> (i32, i32) {
    %c0_i32 = arith.constant 0 : i32
    %c0_i32_0 = arith.constant 0 : i32
    return %arg0, %c0_i32 : i32, i32
  }
  func.func @transform_6(%arg0: i32) -> i32 {
    %c0_i32 = arith.constant 0 : i32
    return %arg0 : i32
  }
  func.func @transform_7(%arg0: i32) -> i32 {
    %c0_i32 = arith.constant 0 : i32
    return %arg0 : i32
  }
}

module attributes {stable_mosaic.version = 14 : i64} {
  func.func @body(%arg0: i32, %arg1: memref<2x1024x128xf32, #tpu.memory_space<vmem>>, %arg2: memref<1024x128xf32, #tpu.memory_space<vmem>>, %arg3: memref<1024xf32, #tpu.memory_space<vmem>>, %arg4: memref<1024xf32, #tpu.memory_space<vmem>>, %arg5: memref<128x128xf32, #tpu.memory_space<vmem>>, %arg6: memref<128xf32, #tpu.memory_space<vmem>>, %arg7: memref<128xf32, #tpu.memory_space<vmem>>, %arg8: memref<128xf32, #tpu.memory_space<vmem>>, %arg9: memref<1024x128xf32, #tpu.memory_space<vmem>>) attributes {dimension_semantics = [#tpu.dimension_semantics<arbitrary>], iteration_bounds = array<i64: 10>, scalar_prefetch = 0 : i64, scratch_operands = 0 : i64, tpu.core_type = #tpu.core_type<tc>, window_params = [{transform_indices = @transform_0, window_bounds = array<i64: 2, 1024, 128>}, {transform_indices = @transform_1, window_bounds = array<i64: 1024, 128>}, {transform_indices = @transform_2, window_bounds = array<i64: 1024>}, {transform_indices = @transform_3, window_bounds = array<i64: 1024>}, {pipeline_mode = #tpu.pipeline_mode<synchronous>, transform_indices = @transform_4, window_bounds = array<i64: 128, 128>}, {pipeline_mode = #tpu.pipeline_mode<synchronous>, transform_indices = @transform_5, window_bounds = array<i64: 128>}, {pipeline_mode = #tpu.pipeline_mode<synchronous>, transform_indices = @transform_6, window_bounds = array<i64: 128>}, {pipeline_mode = #tpu.pipeline_mode<synchronous>, transform_indices = @transform_7, window_bounds = array<i64: 128>}, {transform_indices = @transform_8, window_bounds = array<i64: 1024, 128>}]} {
    %get3A = arith.constant 0 : index
    %get3A_0 = vector.load %arg3[%get3A] : memref<1024xf32, #tpu.memory_space<vmem>>, vector<1024xf32>
    %broadcast_in_dim3A = vector.shape_cast %get3A_0 : vector<1024xf32> to vector<1024x1xf32>
    %get3A_1 = arith.constant 0 : index
    %get3A_2 = arith.constant 0 : index
    %get3A_3 = arith.constant 0 : index
    %get3A_4 = vector.load %arg1[%get3A_1, %get3A_2, %get3A_3] : memref<2x1024x128xf32, #tpu.memory_space<vmem>>, vector<1x1024x128xf32>
    %get3A_5 = vector.shape_cast %get3A_4 : vector<1x1024x128xf32> to vector<1024x128xf32>
    %get3A_6 = arith.constant 1 : index
    %get3A_7 = arith.constant 0 : index
    %get3A_8 = arith.constant 0 : index
    %get3A_9 = vector.load %arg1[%get3A_6, %get3A_7, %get3A_8] : memref<2x1024x128xf32, #tpu.memory_space<vmem>>, vector<1x1024x128xf32>
    %get3A_10 = vector.shape_cast %get3A_9 : vector<1x1024x128xf32> to vector<1024x128xf32>
    %add3A = arith.addf %get3A_5, %get3A_10 : vector<1024x128xf32>
    %mul3A = vector.broadcast %broadcast_in_dim3A : vector<1024x1xf32> to vector<1024x128xf32>
    %mul3A_11 = arith.mulf %add3A, %mul3A : vector<1024x128xf32>
    %get3A_12 = arith.constant 0 : index
    %get3A_13 = arith.constant 0 : index
    %get3A_14 = vector.load %arg5[%get3A_12, %get3A_13] : memref<128x128xf32, #tpu.memory_space<vmem>>, vector<128x128xf32>
    %dot_general3A = arith.constant dense<0.000000e+00> : vector<1024x128xf32>
    %dot_general3A_15 = tpu.matmul %mul3A_11, %get3A_14, %dot_general3A {dimension_numbers = #tpu.dot_dimension_numbers<[1], [0], [0], [1], [0, 0, 1, 1], [], []>, precision = #tpu.contract_precision<fp32>, transpose_lhs_hint = false} : vector<1024x128xf32>, vector<128x128xf32>, vector<1024x128xf32> -> vector<1024x128xf32>
    %get3A_16 = arith.constant 0 : index
    %get3A_17 = vector.load %arg6[%get3A_16] : memref<128xf32, #tpu.memory_space<vmem>>, vector<128xf32>
    %broadcast_in_dim3A_18 = vector.shape_cast %get3A_17 : vector<128xf32> to vector<1x128xf32>
    %add3A_19 = vector.broadcast %broadcast_in_dim3A_18 : vector<1x128xf32> to vector<1024x128xf32>
    %add3A_20 = arith.addf %dot_general3A_15, %add3A_19 : vector<1024x128xf32>
    %max3A = arith.constant 0.000000e+00 : f32
    %max3A_21 = vector.broadcast %max3A : f32 to vector<1024x128xf32>
    %max3A_22 = arith.maximumf %add3A_20, %max3A_21 : vector<1024x128xf32>
    %get3A_23 = arith.constant 0 : index
    %get3A_24 = arith.constant 0 : index
    %get3A_25 = vector.load %arg2[%get3A_23, %get3A_24] : memref<1024x128xf32, #tpu.memory_space<vmem>>, vector<1024x128xf32>
    %get3A_26 = arith.constant 0 : index
    %get3A_27 = vector.load %arg4[%get3A_26] : memref<1024xf32, #tpu.memory_space<vmem>>, vector<1024xf32>
    %broadcast_in_dim3A_28 = vector.shape_cast %get3A_27 : vector<1024xf32> to vector<1024x1xf32>
    %mul3A_29 = vector.broadcast %broadcast_in_dim3A_28 : vector<1024x1xf32> to vector<1024x128xf32>
    %mul3A_30 = arith.mulf %get3A_25, %mul3A_29 : vector<1024x128xf32>
    %add3A_31 = arith.addf %mul3A_30, %max3A_22 : vector<1024x128xf32>
    %reduce_sum3A = arith.constant dense<0.000000e+00> : vector<1024xf32>
    %reduce_sum3A_32 = vector.multi_reduction <add>, %add3A_31, %reduce_sum3A [1] : vector<1024x128xf32> to vector<1024xf32>
    %broadcast_in_dim3A_33 = vector.shape_cast %reduce_sum3A_32 : vector<1024xf32> to vector<1024x1xf32>
    %div3A = arith.constant 1.280000e+02 : f32
    %div3A_34 = vector.broadcast %div3A : f32 to vector<1024x1xf32>
    %div3A_35 = arith.divf %broadcast_in_dim3A_33, %div3A_34 : vector<1024x1xf32>
    %sub3A = vector.broadcast %div3A_35 : vector<1024x1xf32> to vector<1024x128xf32>
    %sub3A_36 = arith.subf %add3A_31, %sub3A : vector<1024x128xf32>
    %mul3A_37 = arith.mulf %sub3A_36, %sub3A_36 : vector<1024x128xf32>
    %reduce_sum3A_38 = arith.constant dense<0.000000e+00> : vector<1024xf32>
    %reduce_sum3A_39 = vector.multi_reduction <add>, %mul3A_37, %reduce_sum3A_38 [1] : vector<1024x128xf32> to vector<1024xf32>
    %broadcast_in_dim3A_40 = vector.shape_cast %reduce_sum3A_39 : vector<1024xf32> to vector<1024x1xf32>
    %div3A_41 = arith.constant 1.280000e+02 : f32
    %div3A_42 = vector.broadcast %div3A_41 : f32 to vector<1024x1xf32>
    %div3A_43 = arith.divf %broadcast_in_dim3A_40, %div3A_42 : vector<1024x1xf32>
    %add3A_44 = arith.constant 9.99999974E-6 : f32
    %add3A_45 = vector.broadcast %add3A_44 : f32 to vector<1024x1xf32>
    %add3A_46 = arith.addf %div3A_43, %add3A_45 : vector<1024x1xf32>
    %rsqrt3A = math.rsqrt %add3A_46 : vector<1024x1xf32>
    %mul3A_47 = vector.broadcast %rsqrt3A : vector<1024x1xf32> to vector<1024x128xf32>
    %mul3A_48 = arith.mulf %sub3A_36, %mul3A_47 : vector<1024x128xf32>
    %get3A_49 = arith.constant 0 : index
    %get3A_50 = vector.load %arg7[%get3A_49] : memref<128xf32, #tpu.memory_space<vmem>>, vector<128xf32>
    %broadcast_in_dim3A_51 = vector.shape_cast %get3A_50 : vector<128xf32> to vector<1x128xf32>
    %mul3A_52 = vector.broadcast %broadcast_in_dim3A_51 : vector<1x128xf32> to vector<1024x128xf32>
    %mul3A_53 = arith.mulf %mul3A_48, %mul3A_52 : vector<1024x128xf32>
    %get3A_54 = arith.constant 0 : index
    %get3A_55 = vector.load %arg8[%get3A_54] : memref<128xf32, #tpu.memory_space<vmem>>, vector<128xf32>
    %broadcast_in_dim3A_56 = vector.shape_cast %get3A_55 : vector<128xf32> to vector<1x128xf32>
    %add3A_57 = vector.broadcast %broadcast_in_dim3A_56 : vector<1x128xf32> to vector<1024x128xf32>
    %add3A_58 = arith.addf %mul3A_53, %add3A_57 : vector<1024x128xf32>
    %mul3A_59 = vector.broadcast %broadcast_in_dim3A : vector<1024x1xf32> to vector<1024x128xf32>
    %mul3A_60 = arith.mulf %add3A_58, %mul3A_59 : vector<1024x128xf32>
    %swap3A = arith.constant 0 : index
    %swap3A_61 = arith.constant 0 : index
    %swap3A_62 = vector.load %arg9[%swap3A, %swap3A_61] : memref<1024x128xf32, #tpu.memory_space<vmem>>, vector<1024x128xf32>
    tpu.vector_store %arg9[%swap3A, %swap3A_61], %mul3A_60 {strides = array<i32>} : memref<1024x128xf32, #tpu.memory_space<vmem>>, vector<1024x128xf32>,
    return
  }
  func.func @transform_0(%arg0: i32) -> (i32, i32, i32) {
    %c0_i32 = arith.constant 0 : i32
    %c0_i32_0 = arith.constant 0 : i32
    %c0_i32_1 = arith.constant 0 : i32
    return %c0_i32, %arg0, %c0_i32_0 : i32, i32, i32
  }
  func.func @transform_1(%arg0: i32) -> (i32, i32) {
    %c0_i32 = arith.constant 0 : i32
    %c0_i32_0 = arith.constant 0 : i32
    return %arg0, %c0_i32 : i32, i32
  }
  func.func @transform_2(%arg0: i32) -> i32 {
    %c0_i32 = arith.constant 0 : i32
    return %arg0 : i32
  }
  func.func @transform_3(%arg0: i32) -> i32 {
    %c0_i32 = arith.constant 0 : i32
    return %arg0 : i32
  }
  func.func @transform_4(%arg0: i32) -> (i32, i32) {
    %c0_i32 = arith.constant 0 : i32
    %c0_i32_0 = arith.constant 0 : i32
    %c0_i32_1 = arith.constant 0 : i32
    return %c0_i32, %c0_i32_0 : i32, i32
  }
  func.func @transform_5(%arg0: i32) -> i32 {
    %c0_i32 = arith.constant 0 : i32
    %c0_i32_0 = arith.constant 0 : i32
    return %c0_i32 : i32
  }
  func.func @transform_6(%arg0: i32) -> i32 {
    %c0_i32 = arith.constant 0 : i32
    %c0_i32_0 = arith.constant 0 : i32
    return %c0_i32 : i32
  }
  func.func @transform_7(%arg0: i32) -> i32 {
    %c0_i32 = arith.constant 0 : i32
    %c0_i32_0 = arith.constant 0 : i32
    return %c0_i32 : i32
  }
  func.func @transform_8(%arg0: i32) -> (i32, i32) {
    %c0_i32 = arith.constant 0 : i32
    %c0_i32_0 = arith.constant 0 : i32
    return %arg0, %c0_i32 : i32, i32
  }
}

module attributes {stable_mosaic.version = 14 : i64} {
  func.func @body(%arg0: i32, %arg1: memref<2x1024x128xf32, #tpu.memory_space<vmem>>, %arg2: memref<1024x128xf32, #tpu.memory_space<vmem>>, %arg3: memref<1024xf32, #tpu.memory_space<vmem>>, %arg4: memref<1024xf32, #tpu.memory_space<vmem>>, %arg5: memref<128x128xf32, #tpu.memory_space<vmem>>, %arg6: memref<128xf32, #tpu.memory_space<vmem>>, %arg7: memref<128xf32, #tpu.memory_space<vmem>>, %arg8: memref<128xf32, #tpu.memory_space<vmem>>, %arg9: memref<128x32xf32, #tpu.memory_space<vmem>>, %arg10: memref<32xf32, #tpu.memory_space<vmem>>, %arg11: memref<1024xf32, #tpu.memory_space<vmem>>, %arg12: memref<1024x32xf32, #tpu.memory_space<vmem>>) attributes {dimension_semantics = [#tpu.dimension_semantics<arbitrary>], iteration_bounds = array<i64: 10>, scalar_prefetch = 0 : i64, scratch_operands = 0 : i64, tpu.core_type = #tpu.core_type<tc>, window_params = [{transform_indices = @transform_0, window_bounds = array<i64: 2, 1024, 128>}, {transform_indices = @transform_1, window_bounds = array<i64: 1024, 128>}, {transform_indices = @transform_2, window_bounds = array<i64: 1024>}, {transform_indices = @transform_3, window_bounds = array<i64: 1024>}, {pipeline_mode = #tpu.pipeline_mode<synchronous>, transform_indices = @transform_4, window_bounds = array<i64: 128, 128>}, {pipeline_mode = #tpu.pipeline_mode<synchronous>, transform_indices = @transform_5, window_bounds = array<i64: 128>}, {pipeline_mode = #tpu.pipeline_mode<synchronous>, transform_indices = @transform_6, window_bounds = array<i64: 128>}, {pipeline_mode = #tpu.pipeline_mode<synchronous>, transform_indices = @transform_7, window_bounds = array<i64: 128>}, {pipeline_mode = #tpu.pipeline_mode<synchronous>, transform_indices = @transform_8, window_bounds = array<i64: 128, 32>}, {pipeline_mode = #tpu.pipeline_mode<synchronous>, transform_indices = @transform_9, window_bounds = array<i64: 32>}, {transform_indices = @transform_10, window_bounds = array<i64: 1024>}, {transform_indices = @transform_11, window_bounds = array<i64: 1024, 32>}]} {
    %get3A = arith.constant 0 : index
    %get3A_0 = vector.load %arg3[%get3A] : memref<1024xf32, #tpu.memory_space<vmem>>, vector<1024xf32>
    %broadcast_in_dim3A = vector.shape_cast %get3A_0 : vector<1024xf32> to vector<1024x1xf32>
    %get3A_1 = arith.constant 0 : index
    %get3A_2 = arith.constant 0 : index
    %get3A_3 = arith.constant 0 : index
    %get3A_4 = vector.load %arg1[%get3A_1, %get3A_2, %get3A_3] : memref<2x1024x128xf32, #tpu.memory_space<vmem>>, vector<1x1024x128xf32>
    %get3A_5 = vector.shape_cast %get3A_4 : vector<1x1024x128xf32> to vector<1024x128xf32>
    %get3A_6 = arith.constant 1 : index
    %get3A_7 = arith.constant 0 : index
    %get3A_8 = arith.constant 0 : index
    %get3A_9 = vector.load %arg1[%get3A_6, %get3A_7, %get3A_8] : memref<2x1024x128xf32, #tpu.memory_space<vmem>>, vector<1x1024x128xf32>
    %get3A_10 = vector.shape_cast %get3A_9 : vector<1x1024x128xf32> to vector<1024x128xf32>
    %add3A = arith.addf %get3A_5, %get3A_10 : vector<1024x128xf32>
    %mul3A = vector.broadcast %broadcast_in_dim3A : vector<1024x1xf32> to vector<1024x128xf32>
    %mul3A_11 = arith.mulf %add3A, %mul3A : vector<1024x128xf32>
    %get3A_12 = arith.constant 0 : index
    %get3A_13 = arith.constant 0 : index
    %get3A_14 = vector.load %arg5[%get3A_12, %get3A_13] : memref<128x128xf32, #tpu.memory_space<vmem>>, vector<128x128xf32>
    %dot_general3A = arith.constant dense<0.000000e+00> : vector<1024x128xf32>
    %dot_general3A_15 = tpu.matmul %mul3A_11, %get3A_14, %dot_general3A {dimension_numbers = #tpu.dot_dimension_numbers<[1], [0], [0], [1], [0, 0, 1, 1], [], []>, precision = #tpu.contract_precision<fp32>, transpose_lhs_hint = false} : vector<1024x128xf32>, vector<128x128xf32>, vector<1024x128xf32> -> vector<1024x128xf32>
    %get3A_16 = arith.constant 0 : index
    %get3A_17 = vector.load %arg6[%get3A_16] : memref<128xf32, #tpu.memory_space<vmem>>, vector<128xf32>
    %broadcast_in_dim3A_18 = vector.shape_cast %get3A_17 : vector<128xf32> to vector<1x128xf32>
    %add3A_19 = vector.broadcast %broadcast_in_dim3A_18 : vector<1x128xf32> to vector<1024x128xf32>
    %add3A_20 = arith.addf %dot_general3A_15, %add3A_19 : vector<1024x128xf32>
    %max3A = arith.constant 0.000000e+00 : f32
    %max3A_21 = vector.broadcast %max3A : f32 to vector<1024x128xf32>
    %max3A_22 = arith.maximumf %add3A_20, %max3A_21 : vector<1024x128xf32>
    %get3A_23 = arith.constant 0 : index
    %get3A_24 = arith.constant 0 : index
    %get3A_25 = vector.load %arg2[%get3A_23, %get3A_24] : memref<1024x128xf32, #tpu.memory_space<vmem>>, vector<1024x128xf32>
    %get3A_26 = arith.constant 0 : index
    %get3A_27 = vector.load %arg4[%get3A_26] : memref<1024xf32, #tpu.memory_space<vmem>>, vector<1024xf32>
    %broadcast_in_dim3A_28 = vector.shape_cast %get3A_27 : vector<1024xf32> to vector<1024x1xf32>
    %mul3A_29 = vector.broadcast %broadcast_in_dim3A_28 : vector<1024x1xf32> to vector<1024x128xf32>
    %mul3A_30 = arith.mulf %get3A_25, %mul3A_29 : vector<1024x128xf32>
    %add3A_31 = arith.addf %mul3A_30, %max3A_22 : vector<1024x128xf32>
    %reduce_sum3A = arith.constant dense<0.000000e+00> : vector<1024xf32>
    %reduce_sum3A_32 = vector.multi_reduction <add>, %add3A_31, %reduce_sum3A [1] : vector<1024x128xf32> to vector<1024xf32>
    %broadcast_in_dim3A_33 = vector.shape_cast %reduce_sum3A_32 : vector<1024xf32> to vector<1024x1xf32>
    %div3A = arith.constant 1.280000e+02 : f32
    %div3A_34 = vector.broadcast %div3A : f32 to vector<1024x1xf32>
    %div3A_35 = arith.divf %broadcast_in_dim3A_33, %div3A_34 : vector<1024x1xf32>
    %sub3A = vector.broadcast %div3A_35 : vector<1024x1xf32> to vector<1024x128xf32>
    %sub3A_36 = arith.subf %add3A_31, %sub3A : vector<1024x128xf32>
    %mul3A_37 = arith.mulf %sub3A_36, %sub3A_36 : vector<1024x128xf32>
    %reduce_sum3A_38 = arith.constant dense<0.000000e+00> : vector<1024xf32>
    %reduce_sum3A_39 = vector.multi_reduction <add>, %mul3A_37, %reduce_sum3A_38 [1] : vector<1024x128xf32> to vector<1024xf32>
    %broadcast_in_dim3A_40 = vector.shape_cast %reduce_sum3A_39 : vector<1024xf32> to vector<1024x1xf32>
    %div3A_41 = arith.constant 1.280000e+02 : f32
    %div3A_42 = vector.broadcast %div3A_41 : f32 to vector<1024x1xf32>
    %div3A_43 = arith.divf %broadcast_in_dim3A_40, %div3A_42 : vector<1024x1xf32>
    %add3A_44 = arith.constant 9.99999974E-6 : f32
    %add3A_45 = vector.broadcast %add3A_44 : f32 to vector<1024x1xf32>
    %add3A_46 = arith.addf %div3A_43, %add3A_45 : vector<1024x1xf32>
    %rsqrt3A = math.rsqrt %add3A_46 : vector<1024x1xf32>
    %mul3A_47 = vector.broadcast %rsqrt3A : vector<1024x1xf32> to vector<1024x128xf32>
    %mul3A_48 = arith.mulf %sub3A_36, %mul3A_47 : vector<1024x128xf32>
    %get3A_49 = arith.constant 0 : index
    %get3A_50 = vector.load %arg7[%get3A_49] : memref<128xf32, #tpu.memory_space<vmem>>, vector<128xf32>
    %broadcast_in_dim3A_51 = vector.shape_cast %get3A_50 : vector<128xf32> to vector<1x128xf32>
    %mul3A_52 = vector.broadcast %broadcast_in_dim3A_51 : vector<1x128xf32> to vector<1024x128xf32>
    %mul3A_53 = arith.mulf %mul3A_48, %mul3A_52 : vector<1024x128xf32>
    %get3A_54 = arith.constant 0 : index
    %get3A_55 = vector.load %arg8[%get3A_54] : memref<128xf32, #tpu.memory_space<vmem>>, vector<128xf32>
    %broadcast_in_dim3A_56 = vector.shape_cast %get3A_55 : vector<128xf32> to vector<1x128xf32>
    %add3A_57 = vector.broadcast %broadcast_in_dim3A_56 : vector<1x128xf32> to vector<1024x128xf32>
    %add3A_58 = arith.addf %mul3A_53, %add3A_57 : vector<1024x128xf32>
    %get3A_59 = arith.constant 0 : index
    %get3A_60 = arith.constant 0 : index
    %get3A_61 = vector.load %arg9[%get3A_59, %get3A_60] : memref<128x32xf32, #tpu.memory_space<vmem>>, vector<128x32xf32>
    %dot_general3A_62 = arith.constant dense<0.000000e+00> : vector<1024x32xf32>
    %dot_general3A_63 = tpu.matmul %add3A_58, %get3A_61, %dot_general3A_62 {dimension_numbers = #tpu.dot_dimension_numbers<[1], [0], [0], [1], [0, 0, 1, 1], [], []>, precision = #tpu.contract_precision<fp32>, transpose_lhs_hint = false} : vector<1024x128xf32>, vector<128x32xf32>, vector<1024x32xf32> -> vector<1024x32xf32>
    %get3A_64 = arith.constant 0 : index
    %get3A_65 = vector.load %arg10[%get3A_64] : memref<32xf32, #tpu.memory_space<vmem>>, vector<32xf32>
    %broadcast_in_dim3A_66 = vector.shape_cast %get3A_65 : vector<32xf32> to vector<1x32xf32>
    %add3A_67 = vector.broadcast %broadcast_in_dim3A_66 : vector<1x32xf32> to vector<1024x32xf32>
    %add3A_68 = arith.addf %dot_general3A_63, %add3A_67 : vector<1024x32xf32>
    %get3A_69 = arith.constant 0 : index
    %get3A_70 = vector.load %arg11[%get3A_69] : memref<1024xf32, #tpu.memory_space<vmem>>, vector<1024xf32>
    %broadcast_in_dim3A_71 = vector.shape_cast %get3A_70 : vector<1024xf32> to vector<1024x1xf32>
    %mul3A_72 = vector.broadcast %broadcast_in_dim3A_71 : vector<1024x1xf32> to vector<1024x32xf32>
    %mul3A_73 = arith.mulf %add3A_68, %mul3A_72 : vector<1024x32xf32>
    %swap3A = arith.constant 0 : index
    %swap3A_74 = arith.constant 0 : index
    %swap3A_75 = vector.load %arg12[%swap3A, %swap3A_74] : memref<1024x32xf32, #tpu.memory_space<vmem>>, vector<1024x32xf32>
    tpu.vector_store %arg12[%swap3A, %swap3A_74], %mul3A_73 {strides = array<i32>} : memref<1024x32xf32, #tpu.memory_space<vmem>>, vector<1024x32xf32>,
    return
  }
  func.func @transform_0(%arg0: i32) -> (i32, i32, i32) {
    %c0_i32 = arith.constant 0 : i32
    %c0_i32_0 = arith.constant 0 : i32
    %c0_i32_1 = arith.constant 0 : i32
    return %c0_i32, %arg0, %c0_i32_0 : i32, i32, i32
  }
  func.func @transform_1(%arg0: i32) -> (i32, i32) {
    %c0_i32 = arith.constant 0 : i32
    %c0_i32_0 = arith.constant 0 : i32
    return %arg0, %c0_i32 : i32, i32
  }
  func.func @transform_2(%arg0: i32) -> i32 {
    %c0_i32 = arith.constant 0 : i32
    return %arg0 : i32
  }
  func.func @transform_3(%arg0: i32) -> i32 {
    %c0_i32 = arith.constant 0 : i32
    return %arg0 : i32
  }
  func.func @transform_4(%arg0: i32) -> (i32, i32) {
    %c0_i32 = arith.constant 0 : i32
    %c0_i32_0 = arith.constant 0 : i32
    %c0_i32_1 = arith.constant 0 : i32
    return %c0_i32, %c0_i32_0 : i32, i32
  }
  func.func @transform_5(%arg0: i32) -> i32 {
    %c0_i32 = arith.constant 0 : i32
    %c0_i32_0 = arith.constant 0 : i32
    return %c0_i32 : i32
  }
  func.func @transform_6(%arg0: i32) -> i32 {
    %c0_i32 = arith.constant 0 : i32
    %c0_i32_0 = arith.constant 0 : i32
    return %c0_i32 : i32
  }
  func.func @transform_7(%arg0: i32) -> i32 {
    %c0_i32 = arith.constant 0 : i32
    %c0_i32_0 = arith.constant 0 : i32
    return %c0_i32 : i32
  }
  func.func @transform_8(%arg0: i32) -> (i32, i32) {
    %c0_i32 = arith.constant 0 : i32
    %c0_i32_0 = arith.constant 0 : i32
    %c0_i32_1 = arith.constant 0 : i32
    return %c0_i32, %c0_i32_0 : i32, i32
  }
  func.func @transform_9(%arg0: i32) -> i32 {
    %c0_i32 = arith.constant 0 : i32
    %c0_i32_0 = arith.constant 0 : i32
    return %c0_i32 : i32
  }
  func.func @transform_10(%arg0: i32) -> i32 {
    %c0_i32 = arith.constant 0 : i32
    return %arg0 : i32
  }
  func.func @transform_11(%arg0: i32) -> (i32, i32) {
    %c0_i32 = arith.constant 0 : i32
    %c0_i32_0 = arith.constant 0 : i32
    return %arg0, %c0_i32 : i32, i32
  }
}

</mosaic_0001>

<sc_bundles>
// kernel: kernel.12.cloned.1.call-start
scs
__scs_entry_jumppad:
0x0: {  	(pc) =	sbr.rel $0x88, $3  }
0x1: {  	(tag) =	ssettag $0x0;
	lr =	simm.s32 $0x1  }
0x2: {  	[smem:$0x3F96] =	sst lr;
	_ =	strace $0xD0000000  }
0x3: {  	_ = 	snop  }
0x4: {  	_ = 	snop  }
0x5: {  	_ = 	snop  }
0x6: {  	_ = 	snop  }
0x7: {  	_ = 	snop  }
__scs_overlays_trampoline_lowered:
0x8: {  	[smem:$0x3FA5] =	sst s0  }
0x9: {  	[smem:$0x3FA6] =	sst s1  }
0xa: {  	[smem:$0x3FA7] =	sst s2  }
0xb: {  	[smem:$0x3FA8] =	sst s3  }
0xc: {  	[smem:$0x3FA9] =	sst s4  }
0xd: {  	[smem:$0x3FAA] =	sst s5  }
0xe: {  	[smem:$0x3FAB] =	sst s6  }
0xf: {  	[smem:$0x3FAC] =	sst s7  }
0x10: {  	[smem:$0x3FAD] =	sst s8  }
0x11: {  	[smem:$0x3FAE] =	sst s9;
	s0 =	simm.s32 @!p0 $0x0  }
0x12: {  	s1 =	sld [smem:$0x3F94];
	s0 =	simm.s32 @p0 $0x1  }
0x13: {  	[smem:$0x3FAF] =	sst s0;
	s0 =	simm.s32 @!p1 $0x0  }
0x14: {  	s2 =	sld [smem:$0x3F93];
	s0 =	simm.s32 @p1 $0x1  }
0x15: {  	[smem:$0x3FB0] =	sst s0;
	s0 =	simm.s32 @!p2 $0x0  }
0x16: {  	s3 =	sld [smem:$0x3FDB];
	s0 =	simm.s32 @p2 $0x1  }
0x17: {  	s4 =	simm.s32 $0x1BF5;
	[smem:$0x3FB2] =	sst s0  }
0x18: {  	s0 =	sld [smem:$0x3F95];
	_ =	swait.ge [sflag:s4], $0x0  }
0x19: {  	s7 =	sld [smem:$0x3F96]  }
0x1a: {  	s8 =	sadd.s32 $0xFFFFE003, lr  }
0x1b: {  	s9 =	sadd.s32 $0xFFFFFEF7, lr;
	s5 =	simm.s32 $0xFFFFFFFF;
	p2 =	slt.u32 s8, $0xFFFFF086  }
0x1c: {  	p1 =	slt.u32 s9, $0xF7A;
	s5 =	simm.s32 @!p2 $0x0  }
0x1d: {  	s5 =	simm.s32 @p1 $0x1;
	p0 =	seq.s32 s7, s2  }
0x1e: {  	s7 =	smul.u32 @!p0 $0xF7A, s2;
	p2 =	seq.s32 @!p0 s5, $0x0  }
0x1f: {  	s9 =	smul.u32 $0xF7A, s1;
	s8 =	simm.s32 @!p0 $0x1BF5;
	p2 =	por !p2, p0  }
0x20: {  	[sflag:s8] =	ssyncset.s32 @!p0 $0xFFFFF086;
	s6 =	sadd.s32 @!p0 s3, s7;
	s7 =	simm.s32 @!p0 $0x108  }
0x21: {  	s3 =	sadd.s32 s3, s9;
	s6 =	sadd.s32 @!p0 $0x88, s6;
	s7 =	simm.s32 @p2 $0x1082  }
0x22: {  	[simem:s7], [sflag:s8] =	dma.local @!p0 [hbm:s6], $0xF7A  }
0x23: {  	s9 =	sor.u32 $0xD0000000, s2;
	s6 =	simm.s32 $0x108;
	_ =	swait.ge @!p0 [sflag:s8], $0x0  }
0x24: {  	s3 =	sadd.s32 $0x88, s3;
	s6 =	simm.s32 @!p1 $0x1082;
	[sflag:s4] =	ssyncset.s32 $0xFFFFF086  }
0x25: {  	[simem:s6], [sflag:s4] =	dma.local [hbm:s3], $0xF7A  }
0x26: {  	[smem:$0x3F96] =	sst s1;
	(tag) =	ssettag s2;
	_ =	strace s9  }
0x27: {  	s1 =	sld [smem:$0x3FA6]  }
0x28: {  	s2 =	sld [smem:$0x3FA7]  }
0x29: {  	s4 =	sld [smem:$0x3FA9]  }
0x2a: {  	p0 =	seq.s32 s5, $0x0;
	s5 =	sld [smem:$0x3FAA]  }
0x2b: {  	s6 =	sld [smem:$0x3FAB]  }
0x2c: {  	s7 =	sld [smem:$0x3FAC]  }
0x2d: {  	s3 =	simm.s32 $0x108;
	s8 =	sld [smem:$0x3FAD]  }
0x2e: {  	s3 =	simm.s32 @!p0 $0x1082;
	s9 =	sld [smem:$0x3FAE]  }
0x2f: {  	lr =	sadd.s32 s0, s3;
	s0 =	sld [smem:$0x3FA5]  }
0x30: {  	s3 =	sld [smem:$0x3FA8]  }
0x31: {  	[smem:$0x3FB1] =	sst s10  }
0x32: {  	s10 =	sld [smem:$0x3FAF];
	_ =	sdelay $0x3  }
0x33: {  	p0 =	seq.s32 s10, $0x1;
	s10 =	sld [smem:$0x3FB1];
	_ =	sdelay $0x3  }
0x34: {  	[smem:$0x3FB1] =	sst s10  }
0x35: {  	s10 =	sld [smem:$0x3FB0];
	_ =	sdelay $0x3  }
0x36: {  	p1 =	seq.s32 s10, $0x1;
	s10 =	sld [smem:$0x3FB1];
	_ =	sdelay $0x3  }
0x37: {  	[smem:$0x3FB1] =	sst s10  }
0x38: {  	s10 =	sld [smem:$0x3FB2]  }
0x39: {  	_ = 	snop;
	(pc) =	sbr.ind lr, $3  }
0x3a: {  	_ = 	snop  }
0x3b: {  	_ = 	snop  }
0x3c: {  	p2 =	seq.s32 s10, $0x1;
	s10 =	sld [smem:$0x3FB1]  }
0x3d: {  	_ =	shalt  }
0x3e: {  	_ =	shalt  }
0x3f: {  	_ =	shalt  }
0x40: {  	_ =	shalt  }
0x41: {  	_ =	shalt  }
0x42: {  	_ =	shalt  }
0x43: {  	_ =	shalt  }
0x44: {  	_ =	shalt  }
0x45: {  	_ =	shalt  }
0x46: {  	_ =	shalt  }
0x47: {  	_ =	shalt  }
0x48: {  	_ =	shalt  }
0x49: {  	_ =	shalt  }
0x4a: {  	_ =	shalt  }
0x4b: {  	_ =	shalt  }
0x4c: {  	_ =	shalt  }
0x4d: {  	_ =	shalt  }
0x4e: {  	_ =	shalt  }
0x4f: {  	_ =	shalt  }
0x50: {  	_ =	shalt  }
0x51: {  	_ =	shalt  }
0x52: {  	_ =	shalt  }
0x53: {  	_ =	shalt  }
0x54: {  	_ =	shalt  }
0x55: {  	_ =	shalt  }
0x56: {  	_ =	shalt  }
0x57: {  	_ =	shalt  }
0x58: {  	_ =	shalt  }
0x59: {  	_ =	shalt  }
0x5a: {  	_ =	shalt  }
0x5b: {  	_ =	shalt  }
0x5c: {  	_ =	shalt  }
0x5d: {  	_ =	shalt  }
0x5e: {  	_ =	shalt  }
0x5f: {  	_ =	shalt  }
0x60: {  	_ =	shalt  }
0x61: {  	_ =	shalt  }
0x62: {  	_ =	shalt  }
0x63: {  	_ =	shalt  }
0x64: {  	_ =	shalt  }
0x65: {  	_ =	shalt  }
0x66: {  	_ =	shalt  }
0x67: {  	_ =	shalt  }
0x68: {  	_ =	shalt  }
0x69: {  	_ =	shalt  }
0x6a: {  	_ =	shalt  }
0x6b: {  	_ =	shalt  }
0x6c: {  	_ =	shalt  }
0x6d: {  	_ =	shalt  }
0x6e: {  	_ =	shalt  }
0x6f: {  	_ =	shalt  }
0x70: {  	_ =	shalt  }
0x71: {  	_ =	shalt  }
0x72: {  	_ =	shalt  }
0x73: {  	_ =	shalt  }
0x74: {  	_ =	shalt  }
0x75: {  	_ =	shalt  }
0x76: {  	_ =	shalt  }
0x77: {  	_ =	shalt  }
0x78: {  	_ =	shalt  }
0x79: {  	_ =	shalt  }
0x7a: {  	_ =	shalt  }
0x7b: {  	_ =	shalt  }
0x7c: {  	_ =	shalt  }
0x7d: {  	_ =	shalt  }
0x7e: {  	_ =	shalt  }
0x7f: {  	_ =	shalt  }
0x80: {  	_ =	shalt  }
0x81: {  	_ =	shalt  }
0x82: {  	_ =	shalt  }
0x83: {  	_ =	shalt  }
0x84: {  	_ =	shalt  }
0x85: {  	_ =	shalt  }
0x86: {  	_ =	shalt  }
0x87: {  	_ =	shalt  }
.Lfunc_end0:
.L_simem_size_0:
called_computation_lowered:
.L_overlay_start_0:
0x88: {  	s2 =	sld [smem:$0x3FD9]  }
0x89: {  	s3 =	sld [smem:$0x3FFE];
	_ =	sdelay $0x1  }
0x8a: {  	s1 =	srdreg.scid  }
0x8b: {  	s0 =	sand.u32 $0x1, s1  }
0x8c: {  	s17 =	sshll.u32 s0, $0xA;
	s2 =	sadd.s32 s3, s2  }
0x8d: {  	s2 =	sadd.s32 s2, s17  }
0x8e: {  	[smem:$0x3FBD] =	sst s2  }
0x8f: {  	_ = 	snop  }
0x90: {  	s2 =	sld [smem:$0x3FD0];
	(tm) =	ssettm $0x1  }
0x91: {  	s18 =	sld [smem:$0x3FFB];
	_ =	sdelay $0x3  }
0x92: {  	_ =	strace s18  }
0x93: {  	s3 =	sld [smem:$0x3FFC];
	_ =	sdelay $0x3  }
0x94: {  	_ =	strace s3  }
0x95: {  	s3 =	sld [smem:$0x3FFD];
	_ =	sdelay $0x3  }
0x96: {  	_ =	strace s3  }
0x97: {  	_ =	strace $0x8FFFFFFF  }
0x98: {  	s19 =	sld [smem:$0x3FDB];
	_ =	sdelay $0x1  }
0x99: {  	s4 =	simm.s32 $_scs_section_size  }
0x9a: {  	s5 =	simm.s32 $_size__tile_overlayer_lowered;
	s6 =	simm.s32 $_tile_overlayer_lowered  }
0x9b: {  	s22 =	simm.s32 $0x1BFF;
	s21 =	sshll.u32 s6, $0x1;
	s3 =	sadd.s32 s4, s19  }
0x9c: {  	s7 =	simm.s32 $0x0;
	s20 =	sshll.u32 s5, $0x1;
	s5 =	sadd.s32 s21, s3  }
0x9d: {  	[timem:s7], [sflag:s22] =	dma.local [hbm:s5], s20  }
0x9e: {  	_ =	swait.ge [sflag:s22], s20  }
0x9f: {  	s4 =	ssub.s32 $0x0, s20;
	[sflag:s22] =	ssyncset.done $0x0  }
0xa0: {  	[sflag:s22] =	ssyncadd.s32 s4;
	_ =	sdelay $0x1  }
0xa1: {  	s23 =	simm.s32 $0x1B8B  }
0xa2: {  	_ =	swait.ge [sflag:s23], $0x1  }
0xa3: {  	[sflag:s23] =	ssyncset.done $0x0  }
0xa4: {  	s25 =	simm.s32 $0x1B8E;
	s24 =	sld [smem:$0x3FFE];
	[sflag:s23] =	ssyncadd.s32 $0xFFFFFFFF  }
0xa5: {  	s26 =	simm.s32 $execute0_lowered;
	[smem:$0x3FD2] =	sst s25  }
0xa6: {  	s5 =	sshll.u32 s26, $0x1;
	_ =	strace $0x80000046;
	[dreg:$0x1] =	wrdreg $0xFFFFFFFF  }
0xa7: {  	s28 =	simm.s32 $_size_execute0_lowered;
	s3 =	sadd.s32 s3, s5;
	[dreg:$0x0] =	wrdreg $0x0  }
0xa8: {  	s5 =	sshll.u32 s28, $0x1;
	[dreg:$0x2] =	wrdreg s3  }
0xa9: {  	[dreg:$0x3] =	wrdreg s5  }
0xaa: {  	[dreg:$0x4] =	wrdreg $0xC0  }
0xab: {  	_ =	task [dreg:s7], $0x5FFFF  }
0xac: {  	[dreg:$0x1] =	wrdreg $0xFFFFFFFF  }
0xad: {  	[dreg:$0x0] =	wrdreg $0x60  }
0xae: {  	[dreg:$0x2] =	wrdreg s24  }
0xaf: {  	[dreg:$0x3] =	wrdreg s2  }
0xb0: {  	[dreg:$0x4] =	wrdreg $0x68000  }
0xb1: {  	[dreg:$0x5] =	wrdreg $0x9  }
0xb2: {  	_ =	task.clear_ibuf [dreg:s7], $0x6FFFF;
	_ =	strace $0x90000046  }
0xb3: {  	s29 =	simm.s32 $0x9;
	_ =	strace $0x80000048  }
0xb4: {  	_ =	swait.ge [sflag:s29], $0x1  }
0xb5: {  	[sflag:s29] =	ssyncadd.s32 $0xFFFFFFFF  }
0xb6: {  	_ =	strace $0x90000048  }
0xb7: {  	_ =	sfence  }
0xb8: {  	s30 =	sld [smem:$0x0];
	_ =	sdelay $0x2  }
0xb9: {  	s31 =	sshll.u32 s1, $0xD;
	s1 =	sshrl.u32 s1, $0x2  }
0xba: {  	s3 =	sand.u32 $0x4000, s31;
	s1 =	sadd.s32 s1, s30  }
0xbb: {  	s0 =	sor.u32 s3, s0;
	s1 =	sshll.u32 s1, $0x11  }
0xbc: {  	s0 =	sor.u32 s1, s0  }
0xbd: {  	s0 =	sadd.s32 $0x8F2B, s0  }
0xbe: {  	[sflag:s0] =	ssyncadd.remote.s32 $0x1  }
0xbf: {  	_ =	sfence.sel $0xFFFF  }
0xc0: {  	[dreg:$0x0] =	wrdreg $0xFFFFFFFF;
	(pc) =	sbr.abs _section_cstart, $3  }
0xc1: {  	[dreg:$0x1] =	wrdreg $0xFFFFFFFF  }
0xc2: {  	_ =	task.clear_ibuf [dreg:s7], $0x2FFFF;
	_ =	strace $0x9FFFFFFF  }
0xc3: {  	(tm) =	ssettm $0x7FFFFFFF  }
tec
execute0_lowered:
.L_overlay_start_1:
0x0: {  	(tag) =	ssettag $0x1  }
0x1: {  	s7 =	rddreg [dreg:$0x0]  }
0x2: {  	s2 =	rddreg [dreg:$0x1]  }
0x3: {  	s0 =	srdreg.scid;
	s3 =	rddreg [dreg:$0x2];
	s4 =	simm.s32 $0x0  }
0x4: {  	s14 =	simm.s32 $0x2800;
	s15 =	simm.s32 $0x2;
	s6 =	sand.u32 $0x1, s0  }
0x5: {  	s16 =	simm.s32 $0x80;
	s0 =	stileid.u32;
	s8 =	smul.u32 $0x140000, s6  }
0x6: {  	s17 =	simm.s32 $0x1;
	s20 =	simm.s32 $0x0;
	s9 =	smul.u32 $0x14000, s0  }
0x7: {  	[smem:$0x7FF] =	sst s4;
	s1 =	sshll.u32 s6, $0x4;
	s10 =	smul.u32 $0x50000, s0  }
0x8: {  	s6 =	ssub.s32 $0x2, s6;
	s18 =	sshll.u32 s0, $0x6;
	s1 =	sor.u32 s0, s1  }
0x9: {  	s31 =	sshrl.u32 s6, $0x1;
	s18 =	sor.u32 $0x1C02, s18;
	s5 =	smul.u32 $0x500, s1  }
0xa: {  	s1 =	rddreg [dreg:$0x3];
	_ =	strace $0x80000047;
	s8 =	sadd.s32 s9, s8  }
0xb: {  	s10 =	sshrl.u32 s10, $0x2;
	s13 =	ssub.s32 s6, s31;
	s8 =	sshrl.u32 s8, $0x3  }
0xc: {  	s6 =	sadd.s32 s10, s3;
	s13 =	smax.u32 s13, $0x1;
	s11 =	sadd.s32 s5, s7  }
0xd: {  	s5 =	sadd.s32 $0x18C00, s7;
	s12 =	sadd.s32 s8, s7;
	s7 =	sadd.s32 $0x4000, s6  }
0xe: {  	s8 =	sadd.s32 $0x8000, s6;
	s9 =	sadd.s32 $0xC000, s6;
	s10 =	sadd.s32 $0x10000, s6  }
0xf: {  	s19 =	sshrl.u32 s6, $0x3;
	s11 =	sadd.s32 $0x4C00, s11;
	s12 =	sadd.s32 $0x19400, s12  }
.LBB2_1:
0x10: {  	[tilespmem:s14], [sflag:$0x2] =	stream.linear.gather [hbm4b:s5+s4], $0x4000, $0x38;
	[tilespmem:$0x1A800] =	vst v63  }
0x11: {  	_ =	swait.ge [sflag:s15], $0x4000  }
0x12: {  	[sflag:s15] =	ssyncset.done $0x0  }
0x13: {  	[sflag:s15] =	ssyncadd.s32 $0xFFFFC000  }
0x14: {  	[spmem:s6] =	stream.linear.scatter [tilespmem:s14], [sflag:$0x2], $0x4000, $0x38;
	[tilespmem:$0x1A800] =	vst v63  }
0x15: {  	_ =	swait.ge [sflag:s15], $0x4000  }
0x16: {  	[sflag:s15] =	ssyncset.done $0x0  }
0x17: {  	[sflag:s15] =	ssyncadd.s32 $0xFFFFC000  }
0x18: {  	[spmem:s7] =	stream.linear.scatter [tilespmem:s14], [sflag:$0x2], $0x4000, $0x38;
	[tilespmem:$0x1A800] =	vst v63  }
0x19: {  	_ =	swait.ge [sflag:s15], $0x4000  }
0x1a: {  	[sflag:s15] =	ssyncset.done $0x0  }
0x1b: {  	[sflag:s15] =	ssyncadd.s32 $0xFFFFC000  }
0x1c: {  	[spmem:s8] =	stream.linear.scatter [tilespmem:s14], [sflag:$0x2], $0x4000, $0x38;
	[tilespmem:$0x1A800] =	vst v63  }
0x1d: {  	_ =	swait.ge [sflag:s15], $0x4000  }
0x1e: {  	[sflag:s15] =	ssyncset.done $0x0  }
0x1f: {  	[sflag:s15] =	ssyncadd.s32 $0xFFFFC000  }
0x20: {  	[spmem:s9] =	stream.linear.scatter [tilespmem:s14], [sflag:$0x2], $0x4000, $0x38;
	[tilespmem:$0x1A800] =	vst v63  }
0x21: {  	_ =	swait.ge [sflag:s15], $0x4000  }
0x22: {  	[sflag:s15] =	ssyncset.done $0x0  }
0x23: {  	[sflag:s15] =	ssyncadd.s32 $0xFFFFC000  }
0x24: {  	[spmem:s10] =	stream.linear.scatter [tilespmem:s14], [sflag:$0x2], $0x4000, $0x38;
	[tilespmem:$0x1A800] =	vst v63  }
0x25: {  	_ =	swait.ge [sflag:s15], $0x4000  }
0x26: {  	[sflag:s15] =	ssyncset.done $0x0  }
0x27: {  	[sflag:s15] =	ssyncadd.s32 $0xFFFFC000  }
0x28: {  	[tilespmem:s4], [sflag:$0x2] =	stream.linear.gather [hbm4b:s11+s4], $0x2800, $0x38;
	[tilespmem:$0x1A800] =	vst v63  }
0x29: {  	_ =	swait.ge [sflag:s15], $0x2800  }
0x2a: {  	[sflag:s15] =	ssyncset.done $0x0  }
0x2b: {  	[sflag:s15] =	ssyncadd.s32 $0xFFFFD800  }
0x2c: {  	[tilespmem:s14], [sflag:$0x2] =	stream.linear.gather [hbm4b:s2+s4], $0x4000, $0x38;
	[tilespmem:$0x1A800] =	vst v63  }
0x2d: {  	_ =	swait.ge [sflag:s15], $0x4000  }
0x2e: {  	[sflag:s15] =	ssyncset.done $0x0  }
0x2f: {  	[sflag:s15] =	ssyncadd.s32 $0xFFFFC000  }
0x30: {  	[bflag:$0x0] =	sbarrier.arrive $0xFFFF  }
0x31: {  	[spmem:s3] =	stream.indirect.scatter.add.f32 [tilespmem:s14], [sflag:$0x1], $0x80, s4, s16, $0xb8;
	[tilespmem:$0x1A800] =	vst v63  }
0x32: {  	s21 =	simm.s32 $0x80  }
0x33: {  	[spmem:s3] =	stream.indirect.scatter.add.f32 [tilespmem:s14], [sflag:$0x1], $0x80, s21, s16, $0xb8;
	[tilespmem:$0x1A800] =	vst v63  }
0x34: {  	_ =	swait.ge [sflag:s17], $0x4000  }
0x35: {  	s21 =	simm.s32 $0x400;
	[sflag:s17] =	ssyncset.done $0x0  }
.LBB2_2:
0x36: {  	s22 =	sshra.s32 s21, $0x2;
	[sflag:s17] =	ssyncadd.s32 $0xFFFFC000;
	p0 =	sne.s32 s21, $0x9E00  }
0x37: {  	[spmem:s3] =	stream.indirect.scatter.add.f32 [tilespmem:s14], [sflag:$0x1], $0x80, s22, s16, $0xb8;
	[tilespmem:$0x1A800] =	vst v63  }
.Ltmp0:
0x38: {  	_ = 	snop;
	(pc) =	sbr.rel @p0 .LBB2_2-.Ltmp0, $4  }
0x39: {  	_ = 	snop  }
0x3a: {  	s21 =	sadd.s32 $0x200, s21  }
0x3b: {  	_ =	swait.ge [sflag:s17], $0x4000  }
0x3c: {  	[sflag:s17] =	ssyncset.done $0x0  }
0x3d: {  	[sflag:s17] =	ssyncadd.s32 $0xFFFFC000  }
0x3e: {  	_ =	swait.ge [sflag:s17], $0x4000  }
0x3f: {  	s20 =	sadd.s32 $0x1, s20;
	[sflag:s17] =	ssyncset.done $0x0  }
0x40: {  	p0 =	sne.s32 s20, s13;
	[sflag:s17] =	ssyncadd.s32 $0xFFFFC000  }
.Ltmp1:
0x41: {  	[bflag:$0x0] =	sbarrier.arrive $0xFFFF;
	(pc) =	sbr.rel @p0 .LBB2_1-.Ltmp1, $4  }
0x42: {  	[hbm:s12], [sflag:s18] =	dma.local [spmem:s19], $0x2800  }
0x43: {  	_ =	swait.ge [sflag:s15], $0x2800  }
0x44: {  	[sflag:s15] =	ssyncset.done $0x0  }
0x45: {  	[sflag:s15] =	ssyncadd.s32 $0xFFFFD800  }
0x46: {  	_ =	sfence.sel $0x180000  }
0x47: {  	[bflag:$0x0] =	sbarrier.arrive $0xFFFF  }
0x48: {  	p0 =	sne.s32 s0, $0x0;
	_ =	strace $0x90000047  }
0x49: {  	s0 =	sadd.s32 @!p0 $0x100000, s1;
	[bflag:$0x2] =	sbarrier.arrive $0xFFFF  }
0x4a: {  	[sflag:s0] =	ssyncadd.tile.s32 @!p0 $0x1;
	_ =	shalt  }
.Lfunc_end2:
_tile_overlayer_lowered:
.L_overlay_start_2:
0x4b: {  	(tag) =	ssettag $0x2  }
0x4c: {  	s0 =	rddreg [dreg:$0x0];
	s2 =	stileid.u32  }
0x4d: {  	s1 =	rddreg [dreg:$0x1];
	p0 =	sne.s32 s2, $0x0  }
0x4e: {  	s3 =	rddreg [dreg:$0x2];
	[bflag:$0x3] =	sbarrier.arrive $0xFFFF;
	s2 =	simm.s32 @!p0 $0x1C02  }
0x4f: {  	[timem:s3], [sflag:s2] =	dma.local @!p0 [hbm:s0], s1  }
0x50: {  	s0 =	simm.s32 @!p0 $0x2  }
0x51: {  	_ =	swait.ge @!p0 [sflag:s0], s1  }
0x52: {  	s1 =	ssub.s32 @!p0 $0x0, s1;
	[sflag:s0] =	ssyncset.done @!p0 $0x0  }
0x53: {  	[sflag:s0] =	ssyncadd.s32 @!p0 s1  }
0x54: {  	[bflag:$0x3] =	sbarrier.arrive $0xFFFF  }
0x55: {  	_ =	shalt  }

// kernel: kernel.15.cloned.1.call-start
scs
__scs_entry_jumppad:
0x0: {  	(pc) =	sbr.rel $0x88, $3  }
0x1: {  	(tag) =	ssettag $0x0;
	lr =	simm.s32 $0x1  }
0x2: {  	[smem:$0x3F96] =	sst lr;
	_ =	strace $0xD0000000  }
0x3: {  	_ = 	snop  }
0x4: {  	_ = 	snop  }
0x5: {  	_ = 	snop  }
0x6: {  	_ = 	snop  }
0x7: {  	_ = 	snop  }
__scs_overlays_trampoline_lowered:
0x8: {  	[smem:$0x3FA5] =	sst s0  }
0x9: {  	[smem:$0x3FA6] =	sst s1  }
0xa: {  	[smem:$0x3FA7] =	sst s2  }
0xb: {  	[smem:$0x3FA8] =	sst s3  }
0xc: {  	[smem:$0x3FA9] =	sst s4  }
0xd: {  	[smem:$0x3FAA] =	sst s5  }
0xe: {  	[smem:$0x3FAB] =	sst s6  }
0xf: {  	[smem:$0x3FAC] =	sst s7  }
0x10: {  	[smem:$0x3FAD] =	sst s8  }
0x11: {  	[smem:$0x3FAE] =	sst s9;
	s0 =	simm.s32 @!p0 $0x0  }
0x12: {  	s1 =	sld [smem:$0x3F94];
	s0 =	simm.s32 @p0 $0x1  }
0x13: {  	[smem:$0x3FAF] =	sst s0;
	s0 =	simm.s32 @!p1 $0x0  }
0x14: {  	s2 =	sld [smem:$0x3F93];
	s0 =	simm.s32 @p1 $0x1  }
0x15: {  	[smem:$0x3FB0] =	sst s0;
	s0 =	simm.s32 @!p2 $0x0  }
0x16: {  	s3 =	sld [smem:$0x3FDB];
	s0 =	simm.s32 @p2 $0x1  }
0x17: {  	s4 =	simm.s32 $0x1BF5;
	[smem:$0x3FB2] =	sst s0  }
0x18: {  	s0 =	sld [smem:$0x3F95];
	_ =	swait.ge [sflag:s4], $0x0  }
0x19: {  	s7 =	sld [smem:$0x3F96]  }
0x1a: {  	s8 =	sadd.s32 $0xFFFFE003, lr  }
0x1b: {  	s9 =	sadd.s32 $0xFFFFFEF7, lr;
	s5 =	simm.s32 $0xFFFFFFFF;
	p2 =	slt.u32 s8, $0xFFFFF086  }
0x1c: {  	p1 =	slt.u32 s9, $0xF7A;
	s5 =	simm.s32 @!p2 $0x0  }
0x1d: {  	s5 =	simm.s32 @p1 $0x1;
	p0 =	seq.s32 s7, s2  }
0x1e: {  	s7 =	smul.u32 @!p0 $0xF7A, s2;
	p2 =	seq.s32 @!p0 s5, $0x0  }
0x1f: {  	s9 =	smul.u32 $0xF7A, s1;
	s8 =	simm.s32 @!p0 $0x1BF5;
	p2 =	por !p2, p0  }
0x20: {  	[sflag:s8] =	ssyncset.s32 @!p0 $0xFFFFF086;
	s6 =	sadd.s32 @!p0 s3, s7;
	s7 =	simm.s32 @!p0 $0x108  }
0x21: {  	s3 =	sadd.s32 s3, s9;
	s6 =	sadd.s32 @!p0 $0x88, s6;
	s7 =	simm.s32 @p2 $0x1082  }
0x22: {  	[simem:s7], [sflag:s8] =	dma.local @!p0 [hbm:s6], $0xF7A  }
0x23: {  	s9 =	sor.u32 $0xD0000000, s2;
	s6 =	simm.s32 $0x108;
	_ =	swait.ge @!p0 [sflag:s8], $0x0  }
0x24: {  	s3 =	sadd.s32 $0x88, s3;
	s6 =	simm.s32 @!p1 $0x1082;
	[sflag:s4] =	ssyncset.s32 $0xFFFFF086  }
0x25: {  	[simem:s6], [sflag:s4] =	dma.local [hbm:s3], $0xF7A  }
0x26: {  	[smem:$0x3F96] =	sst s1;
	(tag) =	ssettag s2;
	_ =	strace s9  }
0x27: {  	s1 =	sld [smem:$0x3FA6]  }
0x28: {  	s2 =	sld [smem:$0x3FA7]  }
0x29: {  	s4 =	sld [smem:$0x3FA9]  }
0x2a: {  	p0 =	seq.s32 s5, $0x0;
	s5 =	sld [smem:$0x3FAA]  }
0x2b: {  	s6 =	sld [smem:$0x3FAB]  }
0x2c: {  	s7 =	sld [smem:$0x3FAC]  }
0x2d: {  	s3 =	simm.s32 $0x108;
	s8 =	sld [smem:$0x3FAD]  }
0x2e: {  	s3 =	simm.s32 @!p0 $0x1082;
	s9 =	sld [smem:$0x3FAE]  }
0x2f: {  	lr =	sadd.s32 s0, s3;
	s0 =	sld [smem:$0x3FA5]  }
0x30: {  	s3 =	sld [smem:$0x3FA8]  }
0x31: {  	[smem:$0x3FB1] =	sst s10  }
0x32: {  	s10 =	sld [smem:$0x3FAF];
	_ =	sdelay $0x3  }
0x33: {  	p0 =	seq.s32 s10, $0x1;
	s10 =	sld [smem:$0x3FB1];
	_ =	sdelay $0x3  }
0x34: {  	[smem:$0x3FB1] =	sst s10  }
0x35: {  	s10 =	sld [smem:$0x3FB0];
	_ =	sdelay $0x3  }
0x36: {  	p1 =	seq.s32 s10, $0x1;
	s10 =	sld [smem:$0x3FB1];
	_ =	sdelay $0x3  }
0x37: {  	[smem:$0x3FB1] =	sst s10  }
0x38: {  	s10 =	sld [smem:$0x3FB2]  }
0x39: {  	_ = 	snop;
	(pc) =	sbr.ind lr, $3  }
0x3a: {  	_ = 	snop  }
0x3b: {  	_ = 	snop  }
0x3c: {  	p2 =	seq.s32 s10, $0x1;
	s10 =	sld [smem:$0x3FB1]  }
0x3d: {  	_ =	shalt  }
0x3e: {  	_ =	shalt  }
0x3f: {  	_ =	shalt  }
0x40: {  	_ =	shalt  }
0x41: {  	_ =	shalt  }
0x42: {  	_ =	shalt  }
0x43: {  	_ =	shalt  }
0x44: {  	_ =	shalt  }
0x45: {  	_ =	shalt  }
0x46: {  	_ =	shalt  }
0x47: {  	_ =	shalt  }
0x48: {  	_ =	shalt  }
0x49: {  	_ =	shalt  }
0x4a: {  	_ =	shalt  }
0x4b: {  	_ =	shalt  }
0x4c: {  	_ =	shalt  }
0x4d: {  	_ =	shalt  }
0x4e: {  	_ =	shalt  }
0x4f: {  	_ =	shalt  }
0x50: {  	_ =	shalt  }
0x51: {  	_ =	shalt  }
0x52: {  	_ =	shalt  }
0x53: {  	_ =	shalt  }
0x54: {  	_ =	shalt  }
0x55: {  	_ =	shalt  }
0x56: {  	_ =	shalt  }
0x57: {  	_ =	shalt  }
0x58: {  	_ =	shalt  }
0x59: {  	_ =	shalt  }
0x5a: {  	_ =	shalt  }
0x5b: {  	_ =	shalt  }
0x5c: {  	_ =	shalt  }
0x5d: {  	_ =	shalt  }
0x5e: {  	_ =	shalt  }
0x5f: {  	_ =	shalt  }
0x60: {  	_ =	shalt  }
0x61: {  	_ =	shalt  }
0x62: {  	_ =	shalt  }
0x63: {  	_ =	shalt  }
0x64: {  	_ =	shalt  }
0x65: {  	_ =	shalt  }
0x66: {  	_ =	shalt  }
0x67: {  	_ =	shalt  }
0x68: {  	_ =	shalt  }
0x69: {  	_ =	shalt  }
0x6a: {  	_ =	shalt  }
0x6b: {  	_ =	shalt  }
0x6c: {  	_ =	shalt  }
0x6d: {  	_ =	shalt  }
0x6e: {  	_ =	shalt  }
0x6f: {  	_ =	shalt  }
0x70: {  	_ =	shalt  }
0x71: {  	_ =	shalt  }
0x72: {  	_ =	shalt  }
0x73: {  	_ =	shalt  }
0x74: {  	_ =	shalt  }
0x75: {  	_ =	shalt  }
0x76: {  	_ =	shalt  }
0x77: {  	_ =	shalt  }
0x78: {  	_ =	shalt  }
0x79: {  	_ =	shalt  }
0x7a: {  	_ =	shalt  }
0x7b: {  	_ =	shalt  }
0x7c: {  	_ =	shalt  }
0x7d: {  	_ =	shalt  }
0x7e: {  	_ =	shalt  }
0x7f: {  	_ =	shalt  }
0x80: {  	_ =	shalt  }
0x81: {  	_ =	shalt  }
0x82: {  	_ =	shalt  }
0x83: {  	_ =	shalt  }
0x84: {  	_ =	shalt  }
0x85: {  	_ =	shalt  }
0x86: {  	_ =	shalt  }
0x87: {  	_ =	shalt  }
.Lfunc_end0:
.L_simem_size_0:
called_computation.1_lowered:
.L_overlay_start_0:
0x88: {  	s2 =	sld [smem:$0x3FD9]  }
0x89: {  	s3 =	sld [smem:$0x3FFE];
	_ =	sdelay $0x1  }
0x8a: {  	s1 =	srdreg.scid  }
0x8b: {  	s0 =	sand.u32 $0x1, s1  }
0x8c: {  	s16 =	sshll.u32 s0, $0xA;
	s2 =	sadd.s32 s3, s2  }
0x8d: {  	s2 =	sadd.s32 s2, s16  }
0x8e: {  	[smem:$0x3FBD] =	sst s2  }
0x8f: {  	_ = 	snop  }
0x90: {  	(tm) =	ssettm $0x1  }
0x91: {  	s17 =	sld [smem:$0x3FFB];
	_ =	sdelay $0x3  }
0x92: {  	_ =	strace s17  }
0x93: {  	s2 =	sld [smem:$0x3FFC];
	_ =	sdelay $0x3  }
0x94: {  	_ =	strace s2  }
0x95: {  	s2 =	sld [smem:$0x3FFD];
	_ =	sdelay $0x3  }
0x96: {  	_ =	strace s2  }
0x97: {  	_ =	strace $0x8FFFFFFF  }
0x98: {  	s18 =	sld [smem:$0x3FDB];
	_ =	sdelay $0x1  }
0x99: {  	s19 =	simm.s32 $_scs_section_size  }
0x9a: {  	s4 =	simm.s32 $_size__tile_overlayer_lowered;
	s5 =	simm.s32 $_tile_overlayer_lowered  }
0x9b: {  	s22 =	simm.s32 $0x1BFF;
	s21 =	sshll.u32 s5, $0x1;
	s2 =	sadd.s32 s19, s18  }
0x9c: {  	s6 =	simm.s32 $0x0;
	s20 =	sshll.u32 s4, $0x1;
	s4 =	sadd.s32 s21, s2  }
0x9d: {  	[timem:s6], [sflag:s22] =	dma.local [hbm:s4], s20  }
0x9e: {  	_ =	swait.ge [sflag:s22], s20  }
0x9f: {  	s3 =	ssub.s32 $0x0, s20;
	[sflag:s22] =	ssyncset.done $0x0  }
0xa0: {  	[sflag:s22] =	ssyncadd.s32 s3;
	_ =	sdelay $0x1  }
0xa1: {  	s23 =	simm.s32 $0x1B8B  }
0xa2: {  	_ =	swait.ge [sflag:s23], $0x1  }
0xa3: {  	[sflag:s23] =	ssyncset.done $0x0  }
0xa4: {  	s25 =	simm.s32 $0x1B8E;
	s24 =	sld [smem:$0x3FFE];
	[sflag:s23] =	ssyncadd.s32 $0xFFFFFFFF  }
0xa5: {  	s26 =	simm.s32 $execute0_lowered;
	[smem:$0x3FD2] =	sst s25  }
0xa6: {  	s4 =	sshll.u32 s26, $0x1;
	_ =	strace $0x80000049;
	[dreg:$0x1] =	wrdreg $0xFFFFFFFF  }
0xa7: {  	s28 =	simm.s32 $_size_execute0_lowered;
	s2 =	sadd.s32 s2, s4;
	[dreg:$0x0] =	wrdreg $0x0  }
0xa8: {  	s4 =	sshll.u32 s28, $0x1;
	[dreg:$0x2] =	wrdreg s2  }
0xa9: {  	[dreg:$0x3] =	wrdreg s4  }
0xaa: {  	[dreg:$0x4] =	wrdreg $0xC0  }
0xab: {  	_ =	task [dreg:s6], $0x5FFFF  }
0xac: {  	[dreg:$0x1] =	wrdreg $0xFFFFFFFF  }
0xad: {  	[dreg:$0x0] =	wrdreg $0x60  }
0xae: {  	[dreg:$0x2] =	wrdreg s24  }
0xaf: {  	[dreg:$0x3] =	wrdreg $0xA8000  }
0xb0: {  	[dreg:$0x4] =	wrdreg $0x9  }
0xb1: {  	_ =	task.clear_ibuf [dreg:s6], $0x5FFFF;
	_ =	strace $0x90000049  }
0xb2: {  	s29 =	simm.s32 $0x9;
	_ =	strace $0x8000004B  }
0xb3: {  	_ =	swait.ge [sflag:s29], $0x1  }
0xb4: {  	[sflag:s29] =	ssyncadd.s32 $0xFFFFFFFF  }
0xb5: {  	_ =	strace $0x9000004B  }
0xb6: {  	_ =	sfence  }
0xb7: {  	s30 =	sld [smem:$0x0];
	_ =	sdelay $0x2  }
0xb8: {  	s31 =	sshll.u32 s1, $0xD;
	s1 =	sshrl.u32 s1, $0x2  }
0xb9: {  	s3 =	sand.u32 $0x4000, s31;
	s1 =	sadd.s32 s1, s30  }
0xba: {  	s0 =	sor.u32 s3, s0;
	s1 =	sshll.u32 s1, $0x11  }
0xbb: {  	s0 =	sor.u32 s1, s0  }
0xbc: {  	s0 =	sadd.s32 $0x8F2B, s0  }
0xbd: {  	[sflag:s0] =	ssyncadd.remote.s32 $0x1  }
0xbe: {  	_ =	sfence.sel $0xFFFF  }
0xbf: {  	[dreg:$0x0] =	wrdreg $0xFFFFFFFF;
	(pc) =	sbr.abs _section_cstart, $3  }
0xc0: {  	[dreg:$0x1] =	wrdreg $0xFFFFFFFF  }
0xc1: {  	_ =	task.clear_ibuf [dreg:s6], $0x2FFFF;
	_ =	strace $0x9FFFFFFF  }
0xc2: {  	(tm) =	ssettm $0x7FFFFFFF  }
0xc3: {  	_ =	shalt  }
tec
execute0_lowered:
.L_overlay_start_1:
0x0: {  	(tag) =	ssettag $0x1  }
0x1: {  	s6 =	rddreg [dreg:$0x0]  }
0x2: {  	s1 =	rddreg [dreg:$0x1];
	s2 =	simm.s32 $0x0  }
0x3: {  	s3 =	srdreg.scid;
	s18 =	simm.s32 $0x3;
	s19 =	simm.s32 $0x1  }
0x4: {  	s20 =	simm.s32 $0x2;
	s21 =	simm.s32 $0x40;
	s22 =	simm.s32 $0x2800  }
0x5: {  	s23 =	simm.s32 $0x4800;
	s24 =	simm.s32 $0x8800;
	s25 =	simm.s32 $0x80  }
0x6: {  	s26 =	simm.s32 $0x0;
	[smem:$0x7FF] =	sst s2;
	s7 =	sand.u32 $0x1, s3  }
0x7: {  	s3 =	stileid.u32;
	s4 =	sadd.s32 $0x19400, s6;
	s13 =	sadd.s32 $0xEC00, s6  }
0x8: {  	s14 =	sadd.s32 $0x4C00, s6;
	s5 =	sadd.s32 $0x18C00, s6;
	s8 =	smul.u32 $0x140000, s7  }
0x9: {  	_ =	strace $0x8000004A;
	s9 =	smul.u32 $0x14000, s3;
	s10 =	sshll.u32 s7, $0x4  }
0xa: {  	s29 =	smul.u32 $0x50000, s3;
	s7 =	ssub.s32 $0x2, s7;
	s28 =	sor.u32 s3, s10  }
0xb: {  	s30 =	sshrl.u32 s7, $0x1;
	s8 =	sadd.s32 s9, s8;
	s9 =	smul.u32 $0x2800, s28  }
0xc: {  	s31 =	sshrl.u32 s29, $0x2;
	s16 =	ssub.s32 s7, s30;
	s8 =	sshrl.u32 s8, $0x3  }
0xd: {  	s16 =	smax.u32 s16, $0x1;
	s15 =	sadd.s32 s8, s6;
	s12 =	sshrl.u32 s9, $0x3  }
0xe: {  	s6 =	sadd.s32 s31, s1;
	s7 =	sadd.s32 s13, s12;
	s8 =	sadd.s32 s14, s12  }
0xf: {  	s9 =	sadd.s32 $0x4000, s6;
	s10 =	sadd.s32 $0x8000, s6;
	s11 =	sadd.s32 $0xC000, s6  }
0x10: {  	s17 =	sadd.s32 $0x280, s12;
	s12 =	sadd.s32 $0x10000, s6;
	s15 =	sadd.s32 $0x41400, s15  }
0x11: {  	s13 =	sadd.s32 s13, s17;
	s14 =	sadd.s32 s14, s17;
	s17 =	simm.s32 $0x6800  }
.LBB2_1:
0x12: {  	[tilespmem:s2], [sflag:$0x1] =	stream.linear.gather [hbm4b:s7+s2], $0x1400, $0x38;
	[tilespmem:$0x1E800] =	vst v63  }
0x13: {  	s28 =	simm.s32 $0x1400  }
0x14: {  	[tilespmem:s28], [sflag:$0x2] =	stream.linear.gather [hbm4b:s8+s2], $0x1400, $0x38;
	[tilespmem:$0x1E800] =	vst v63  }
0x15: {  	_ = 	snop  }
0x16: {  	[tilespmem:s17], [sflag:$0x3] =	stream.linear.gather [hbm4b:s5+s2], $0x4000, $0x38;
	[tilespmem:$0x1E800] =	vst v63  }
0x17: {  	_ =	swait.ge [sflag:s18], $0x4000  }
0x18: {  	[sflag:s18] =	ssyncset.done $0x0  }
0x19: {  	[sflag:s18] =	ssyncadd.s32 $0xFFFFC000  }
0x1a: {  	[spmem:s6] =	stream.linear.scatter [tilespmem:s17], [sflag:$0x3], $0x4000, $0x38;
	[tilespmem:$0x1E800] =	vst v63  }
0x1b: {  	_ =	swait.ge [sflag:s18], $0x4000  }
0x1c: {  	[sflag:s18] =	ssyncset.done $0x0  }
0x1d: {  	[sflag:s18] =	ssyncadd.s32 $0xFFFFC000  }
0x1e: {  	[spmem:s9] =	stream.linear.scatter [tilespmem:s17], [sflag:$0x3], $0x4000, $0x38;
	[tilespmem:$0x1E800] =	vst v63  }
0x1f: {  	_ =	swait.ge [sflag:s18], $0x4000  }
0x20: {  	[sflag:s18] =	ssyncset.done $0x0  }
0x21: {  	[sflag:s18] =	ssyncadd.s32 $0xFFFFC000  }
0x22: {  	[spmem:s10] =	stream.linear.scatter [tilespmem:s17], [sflag:$0x3], $0x4000, $0x38;
	[tilespmem:$0x1E800] =	vst v63  }
0x23: {  	_ =	swait.ge [sflag:s18], $0x4000  }
0x24: {  	[sflag:s18] =	ssyncset.done $0x0  }
0x25: {  	[sflag:s18] =	ssyncadd.s32 $0xFFFFC000  }
0x26: {  	[spmem:s11] =	stream.linear.scatter [tilespmem:s17], [sflag:$0x3], $0x4000, $0x38;
	[tilespmem:$0x1E800] =	vst v63  }
0x27: {  	_ =	swait.ge [sflag:s18], $0x4000  }
0x28: {  	[sflag:s18] =	ssyncset.done $0x0  }
0x29: {  	[sflag:s18] =	ssyncadd.s32 $0xFFFFC000  }
0x2a: {  	[spmem:s12] =	stream.linear.scatter [tilespmem:s17], [sflag:$0x3], $0x4000, $0x38;
	[tilespmem:$0x1E800] =	vst v63  }
0x2b: {  	_ =	swait.ge [sflag:s18], $0x4000  }
0x2c: {  	[sflag:s18] =	ssyncset.done $0x0  }
0x2d: {  	[sflag:s18] =	ssyncadd.s32 $0xFFFFC000  }
0x2e: {  	_ =	swait.ge [sflag:s19], $0x1400  }
0x2f: {  	[sflag:s19] =	ssyncset.done $0x0  }
0x30: {  	[sflag:s19] =	ssyncadd.s32 $0xFFFFEC00  }
0x31: {  	_ =	swait.ge [sflag:s20], $0x1400  }
0x32: {  	[sflag:s20] =	ssyncset.done $0x0  }
0x33: {  	[sflag:s20] =	ssyncadd.s32 $0xFFFFEC00  }
0x34: {  	[bflag:$0x0] =	sbarrier.arrive $0xFFFF  }
0x35: {  	[tilespmem:s22], [sflag:$0x1] =	stream.indirect.gather [hbm4b:s4+s21], $0x80, s2, s21, $0xb8;
	[tilespmem:$0x1E800] =	vst v63  }
0x36: {  	_ = 	snop  }
0x37: {  	[tilespmem:s23], [sflag:$0x1] =	stream.indirect.gather [hbm4b:s4+s21], $0x80, s21, s21, $0xb8;
	[tilespmem:$0x1E800] =	vst v63  }
0x38: {  	_ =	swait.ge [sflag:s19], $0x2000  }
0x39: {  	[sflag:s19] =	ssyncset.done $0x0  }
0x3a: {  	[sflag:s19] =	ssyncadd.s32 $0xFFFFE000  }
0x3b: {  	_ =	swait.ge [sflag:s19], $0x2000  }
0x3c: {  	[sflag:s19] =	ssyncset.done $0x0  }
0x3d: {  	s29 =	simm.s32 $0x80;
	[sflag:s19] =	ssyncadd.s32 $0xFFFFE000  }
0x3e: {  	[tilespmem:s17], [sflag:$0x2] =	stream.indirect.gather [hbm4b:s4+s21], $0x80, s29, s21, $0xb8;
	[tilespmem:$0x1E800] =	vst v63  }
0x3f: {  	s29 =	simm.s32 $0xC0  }
0x40: {  	[tilespmem:s24], [sflag:$0x2] =	stream.indirect.gather [hbm4b:s4+s21], $0x80, s29, s21, $0xb8;
	[tilespmem:$0x1E800] =	vst v63  }
0x41: {  	_ = 	snop  }
0x42: {  	[spmem:s1] =	stream.indirect.scatter.add.f32 [tilespmem:s22], [sflag:$0x3], $0x80, s28, s25, $0xb8;
	[tilespmem:$0x1E800] =	vst v63  }
0x43: {  	s30 =	smin.u32 s2, $0x24;
	_ =	swait.ge [sflag:s18], $0x4000  }
0x44: {  	s30 =	sshll.u32 s30, $0x7;
	[sflag:s18] =	ssyncset.done $0x0  }
0x45: {  	s31 =	sadd.s32 $0x100, s30;
	[sflag:s18] =	ssyncadd.s32 $0xFFFFC000  }
0x46: {  	[tilespmem:s22], [sflag:$0x1] =	stream.indirect.gather [hbm4b:s4+s21], $0x80, s31, s21, $0xb8;
	[tilespmem:$0x1E800] =	vst v63  }
0x47: {  	s30 =	sadd.s32 $0x140, s30  }
0x48: {  	[tilespmem:s23], [sflag:$0x1] =	stream.indirect.gather [hbm4b:s4+s21], $0x80, s30, s21, $0xb8;
	[tilespmem:$0x1E800] =	vst v63  }
0x49: {  	_ =	swait.ge [sflag:s20], $0x2000  }
0x4a: {  	[sflag:s20] =	ssyncset.done $0x0  }
0x4b: {  	[sflag:s20] =	ssyncadd.s32 $0xFFFFE000  }
0x4c: {  	_ =	swait.ge [sflag:s20], $0x2000  }
0x4d: {  	[sflag:s20] =	ssyncset.done $0x0  }
0x4e: {  	s30 =	simm.s32 $0x1480;
	[sflag:s20] =	ssyncadd.s32 $0xFFFFE000  }
0x4f: {  	[spmem:s1] =	stream.indirect.scatter.add.f32 [tilespmem:s17], [sflag:$0x3], $0x80, s30, s25, $0xb8;
	[tilespmem:$0x1E800] =	vst v63  }
0x50: {  	_ =	swait.ge [sflag:s18], $0x4000  }
0x51: {  	s30 =	simm.s32 $0x2;
	[sflag:s18] =	ssyncset.done $0x0  }
.LBB2_2:
0x52: {  	[sflag:s18] =	ssyncadd.s32 $0xFFFFC000  }
0x53: {  	s28 =	sadd.s32 $0x100, s28;
	s29 =	sadd.s32 $0x100, s29;
	s31 =	smov.u32 s30  }
0x54: {  	p0 =	sne.s32 s30, $0x26;
	s30 =	sadd.s32 $0x2, s30;
	_ =	swait.ge [sflag:s19], $0x2000  }
0x55: {  	[sflag:s19] =	ssyncset.done $0x0  }
0x56: {  	[sflag:s19] =	ssyncadd.s32 $0xFFFFE000  }
0x57: {  	_ =	swait.ge [sflag:s19], $0x2000  }
0x58: {  	[sflag:s19] =	ssyncset.done $0x0  }
0x59: {  	s0 =	sadd.s32 $0xFFFFFFC0, s29;
	[sflag:s19] =	ssyncadd.s32 $0xFFFFE000  }
0x5a: {  	[tilespmem:s17], [sflag:$0x2] =	stream.indirect.gather [hbm4b:s4+s21], $0x80, s0, s21, $0xb8;
	[tilespmem:$0x1E800] =	vst v63  }
0x5b: {  	_ = 	snop  }
0x5c: {  	[tilespmem:s24], [sflag:$0x2] =	stream.indirect.gather [hbm4b:s4+s21], $0x80, s29, s21, $0xb8;
	[tilespmem:$0x1E800] =	vst v63  }
0x5d: {  	_ = 	snop  }
0x5e: {  	[spmem:s1] =	stream.indirect.scatter.add.f32 [tilespmem:s22], [sflag:$0x3], $0x80, s28, s25, $0xb8;
	[tilespmem:$0x1E800] =	vst v63  }
0x5f: {  	s0 =	smin.u32 s31, $0x24;
	_ =	swait.ge [sflag:s18], $0x4000  }
0x60: {  	s0 =	sshll.u32 s0, $0x7;
	[sflag:s18] =	ssyncset.done $0x0  }
0x61: {  	s31 =	sadd.s32 $0x100, s0;
	[sflag:s18] =	ssyncadd.s32 $0xFFFFC000  }
0x62: {  	[tilespmem:s22], [sflag:$0x1] =	stream.indirect.gather [hbm4b:s4+s21], $0x80, s31, s21, $0xb8;
	[tilespmem:$0x1E800] =	vst v63  }
0x63: {  	s0 =	sadd.s32 $0x140, s0  }
0x64: {  	[tilespmem:s23], [sflag:$0x1] =	stream.indirect.gather [hbm4b:s4+s21], $0x80, s0, s21, $0xb8;
	[tilespmem:$0x1E800] =	vst v63  }
0x65: {  	_ =	swait.ge [sflag:s20], $0x2000  }
0x66: {  	[sflag:s20] =	ssyncset.done $0x0  }
0x67: {  	[sflag:s20] =	ssyncadd.s32 $0xFFFFE000  }
0x68: {  	_ =	swait.ge [sflag:s20], $0x2000  }
.Ltmp0:
0x69: {  	[sflag:s20] =	ssyncset.done $0x0;
	(pc) =	sbr.rel @p0 .LBB2_2-.Ltmp0, $4  }
0x6a: {  	s0 =	sadd.s32 $0x80, s28;
	[sflag:s20] =	ssyncadd.s32 $0xFFFFE000  }
0x6b: {  	[spmem:s1] =	stream.indirect.scatter.add.f32 [tilespmem:s17], [sflag:$0x3], $0x80, s0, s25, $0xb8;
	[tilespmem:$0x1E800] =	vst v63  }
0x6c: {  	_ =	swait.ge [sflag:s18], $0x4000  }
0x6d: {  	[sflag:s18] =	ssyncset.done $0x0  }
0x6e: {  	[sflag:s18] =	ssyncadd.s32 $0xFFFFC000  }
0x6f: {  	_ =	swait.ge [sflag:s19], $0x2000  }
0x70: {  	[sflag:s19] =	ssyncset.done $0x0  }
0x71: {  	[sflag:s19] =	ssyncadd.s32 $0xFFFFE000  }
0x72: {  	_ =	swait.ge [sflag:s19], $0x2000  }
0x73: {  	[sflag:s19] =	ssyncset.done $0x0  }
0x74: {  	s0 =	simm.s32 $0x0;
	[sflag:s19] =	ssyncadd.s32 $0xFFFFE000  }
0x75: {  	[tilespmem:s0], [sflag:$0x3] =	stream.linear.gather [hbm4b:s13+s0], $0x1400, $0x38;
	[tilespmem:$0x1E800] =	vst v63  }
0x76: {  	_ =	swait.ge [sflag:s18], $0x1400  }
0x77: {  	[sflag:s18] =	ssyncset.done $0x0  }
0x78: {  	s28 =	simm.s32 $0x1400;
	[sflag:s18] =	ssyncadd.s32 $0xFFFFEC00  }
0x79: {  	[tilespmem:s28], [sflag:$0x3] =	stream.linear.gather [hbm4b:s14+s0], $0x1400, $0x38;
	[tilespmem:$0x1E800] =	vst v63  }
0x7a: {  	_ =	swait.ge [sflag:s18], $0x1400  }
0x7b: {  	[sflag:s18] =	ssyncset.done $0x0  }
0x7c: {  	[sflag:s18] =	ssyncadd.s32 $0xFFFFEC00  }
0x7d: {  	[tilespmem:s22], [sflag:$0x1] =	stream.indirect.gather [hbm4b:s4+s21], $0x80, s0, s21, $0xb8;
	[tilespmem:$0x1E800] =	vst v63  }
0x7e: {  	_ = 	snop  }
0x7f: {  	[tilespmem:s23], [sflag:$0x1] =	stream.indirect.gather [hbm4b:s4+s21], $0x80, s21, s21, $0xb8;
	[tilespmem:$0x1E800] =	vst v63  }
0x80: {  	_ =	swait.ge [sflag:s19], $0x2000  }
0x81: {  	[sflag:s19] =	ssyncset.done $0x0  }
0x82: {  	[sflag:s19] =	ssyncadd.s32 $0xFFFFE000  }
0x83: {  	_ =	swait.ge [sflag:s19], $0x2000  }
0x84: {  	[sflag:s19] =	ssyncset.done $0x0  }
0x85: {  	s29 =	simm.s32 $0x80;
	[sflag:s19] =	ssyncadd.s32 $0xFFFFE000  }
0x86: {  	[tilespmem:s17], [sflag:$0x2] =	stream.indirect.gather [hbm4b:s4+s21], $0x80, s29, s21, $0xb8;
	[tilespmem:$0x1E800] =	vst v63  }
0x87: {  	s29 =	simm.s32 $0xC0  }
0x88: {  	[tilespmem:s24], [sflag:$0x2] =	stream.indirect.gather [hbm4b:s4+s21], $0x80, s29, s21, $0xb8;
	[tilespmem:$0x1E800] =	vst v63  }
0x89: {  	_ = 	snop  }
0x8a: {  	[spmem:s1] =	stream.indirect.scatter.add.f32 [tilespmem:s22], [sflag:$0x3], $0x80, s28, s25, $0xb8;
	[tilespmem:$0x1E800] =	vst v63  }
0x8b: {  	s0 =	smin.u32 s0, $0x24;
	_ =	swait.ge [sflag:s18], $0x4000  }
0x8c: {  	s0 =	sshll.u32 s0, $0x7;
	[sflag:s18] =	ssyncset.done $0x0  }
0x8d: {  	s30 =	sadd.s32 $0x100, s0;
	[sflag:s18] =	ssyncadd.s32 $0xFFFFC000  }
0x8e: {  	[tilespmem:s22], [sflag:$0x1] =	stream.indirect.gather [hbm4b:s4+s21], $0x80, s30, s21, $0xb8;
	[tilespmem:$0x1E800] =	vst v63  }
0x8f: {  	s0 =	sadd.s32 $0x140, s0  }
0x90: {  	[tilespmem:s23], [sflag:$0x1] =	stream.indirect.gather [hbm4b:s4+s21], $0x80, s0, s21, $0xb8;
	[tilespmem:$0x1E800] =	vst v63  }
0x91: {  	_ =	swait.ge [sflag:s20], $0x2000  }
0x92: {  	[sflag:s20] =	ssyncset.done $0x0  }
0x93: {  	[sflag:s20] =	ssyncadd.s32 $0xFFFFE000  }
0x94: {  	_ =	swait.ge [sflag:s20], $0x2000  }
0x95: {  	[sflag:s20] =	ssyncset.done $0x0  }
0x96: {  	s31 =	simm.s32 $0x1480;
	[sflag:s20] =	ssyncadd.s32 $0xFFFFE000  }
0x97: {  	[spmem:s1] =	stream.indirect.scatter.add.f32 [tilespmem:s17], [sflag:$0x3], $0x80, s31, s25, $0xb8;
	[tilespmem:$0x1E800] =	vst v63  }
0x98: {  	_ =	swait.ge [sflag:s18], $0x4000  }
0x99: {  	s30 =	simm.s32 $0x2;
	[sflag:s18] =	ssyncset.done $0x0  }
.LBB2_4:
0x9a: {  	[sflag:s18] =	ssyncadd.s32 $0xFFFFC000  }
0x9b: {  	s28 =	sadd.s32 $0x100, s28;
	s29 =	sadd.s32 $0x100, s29;
	s0 =	smov.u32 s30  }
0x9c: {  	p0 =	sne.s32 s30, $0x26;
	s30 =	sadd.s32 $0x2, s30;
	_ =	swait.ge [sflag:s19], $0x2000  }
0x9d: {  	[sflag:s19] =	ssyncset.done $0x0  }
0x9e: {  	[sflag:s19] =	ssyncadd.s32 $0xFFFFE000  }
0x9f: {  	_ =	swait.ge [sflag:s19], $0x2000  }
0xa0: {  	[sflag:s19] =	ssyncset.done $0x0  }
0xa1: {  	s31 =	sadd.s32 $0xFFFFFFC0, s29;
	[sflag:s19] =	ssyncadd.s32 $0xFFFFE000  }
0xa2: {  	[tilespmem:s17], [sflag:$0x2] =	stream.indirect.gather [hbm4b:s4+s21], $0x80, s31, s21, $0xb8;
	[tilespmem:$0x1E800] =	vst v63  }
0xa3: {  	_ = 	snop  }
0xa4: {  	[tilespmem:s24], [sflag:$0x2] =	stream.indirect.gather [hbm4b:s4+s21], $0x80, s29, s21, $0xb8;
	[tilespmem:$0x1E800] =	vst v63  }
0xa5: {  	_ = 	snop  }
0xa6: {  	[spmem:s1] =	stream.indirect.scatter.add.f32 [tilespmem:s22], [sflag:$0x3], $0x80, s28, s25, $0xb8;
	[tilespmem:$0x1E800] =	vst v63  }
0xa7: {  	s0 =	smin.u32 s0, $0x24;
	_ =	swait.ge [sflag:s18], $0x4000  }
0xa8: {  	s0 =	sshll.u32 s0, $0x7;
	[sflag:s18] =	ssyncset.done $0x0  }
0xa9: {  	s31 =	sadd.s32 $0x100, s0;
	[sflag:s18] =	ssyncadd.s32 $0xFFFFC000  }
0xaa: {  	[tilespmem:s22], [sflag:$0x1] =	stream.indirect.gather [hbm4b:s4+s21], $0x80, s31, s21, $0xb8;
	[tilespmem:$0x1E800] =	vst v63  }
0xab: {  	s0 =	sadd.s32 $0x140, s0  }
0xac: {  	[tilespmem:s23], [sflag:$0x1] =	stream.indirect.gather [hbm4b:s4+s21], $0x80, s0, s21, $0xb8;
	[tilespmem:$0x1E800] =	vst v63  }
0xad: {  	_ =	swait.ge [sflag:s20], $0x2000  }
0xae: {  	[sflag:s20] =	ssyncset.done $0x0  }
0xaf: {  	[sflag:s20] =	ssyncadd.s32 $0xFFFFE000  }
0xb0: {  	_ =	swait.ge [sflag:s20], $0x2000  }
.Ltmp1:
0xb1: {  	[sflag:s20] =	ssyncset.done $0x0;
	(pc) =	sbr.rel @p0 .LBB2_4-.Ltmp1, $4  }
0xb2: {  	s0 =	sadd.s32 $0x80, s28;
	[sflag:s20] =	ssyncadd.s32 $0xFFFFE000  }
0xb3: {  	[spmem:s1] =	stream.indirect.scatter.add.f32 [tilespmem:s17], [sflag:$0x3], $0x80, s0, s25, $0xb8;
	[tilespmem:$0x1E800] =	vst v63  }
0xb4: {  	_ =	swait.ge [sflag:s18], $0x4000  }
0xb5: {  	[sflag:s18] =	ssyncset.done $0x0  }
0xb6: {  	[sflag:s18] =	ssyncadd.s32 $0xFFFFC000  }
0xb7: {  	_ =	swait.ge [sflag:s19], $0x2000  }
0xb8: {  	[sflag:s19] =	ssyncset.done $0x0  }
0xb9: {  	[sflag:s19] =	ssyncadd.s32 $0xFFFFE000  }
0xba: {  	_ =	swait.ge [sflag:s19], $0x2000  }
0xbb: {  	s0 =	sshll.u32 s3, $0x6;
	s26 =	sadd.s32 $0x1, s26;
	[sflag:s19] =	ssyncset.done $0x0  }
0xbc: {  	s28 =	sshrl.u32 s6, $0x3;
	p0 =	sne.s32 s26, s16;
	[sflag:s19] =	ssyncadd.s32 $0xFFFFE000  }
.Ltmp2:
0xbd: {  	s0 =	sor.u32 $0x1C03, s0;
	[bflag:$0x0] =	sbarrier.arrive $0xFFFF;
	(pc) =	sbr.rel @p0 .LBB2_1-.Ltmp2, $4  }
0xbe: {  	[hbm:s15], [sflag:s0] =	dma.local [spmem:s28], $0x2800  }
0xbf: {  	_ =	swait.ge [sflag:s18], $0x2800  }
0xc0: {  	[sflag:s18] =	ssyncset.done $0x0  }
0xc1: {  	[sflag:s18] =	ssyncadd.s32 $0xFFFFD800  }
0xc2: {  	_ =	sfence.sel $0x180000  }
0xc3: {  	[bflag:$0x0] =	sbarrier.arrive $0xFFFF  }
0xc4: {  	_ =	strace $0x9000004A  }
0xc5: {  	[bflag:$0x2] =	sbarrier.arrive $0xFFFF  }
0xc6: {  	p0 =	sne.s32 s3, $0x0;
	s0 =	rddreg [dreg:$0x2]  }
0xc7: {  	s0 =	sadd.s32 @!p0 $0x100000, s0  }
0xc8: {  	[sflag:s0] =	ssyncadd.tile.s32 @!p0 $0x1;
	_ =	shalt  }
.Lfunc_end2:
_tile_overlayer_lowered:
.L_overlay_start_2:
0xc9: {  	(tag) =	ssettag $0x2  }
0xca: {  	s0 =	rddreg [dreg:$0x0];
	s2 =	stileid.u32  }
0xcb: {  	s1 =	rddreg [dreg:$0x1];
	p0 =	sne.s32 s2, $0x0  }
0xcc: {  	s3 =	rddreg [dreg:$0x2];
	[bflag:$0x3] =	sbarrier.arrive $0xFFFF;
	s2 =	simm.s32 @!p0 $0x1C03  }
0xcd: {  	[timem:s3], [sflag:s2] =	dma.local @!p0 [hbm:s0], s1  }
0xce: {  	s0 =	simm.s32 @!p0 $0x3  }
0xcf: {  	_ =	swait.ge @!p0 [sflag:s0], s1  }
0xd0: {  	s1 =	ssub.s32 @!p0 $0x0, s1;
	[sflag:s0] =	ssyncset.done @!p0 $0x0  }
0xd1: {  	[sflag:s0] =	ssyncadd.s32 @!p0 s1  }
0xd2: {  	[bflag:$0x3] =	sbarrier.arrive $0xFFFF  }
0xd3: {  	_ =	shalt  }

// kernel: kernel.18.cloned.1.call-start
scs
__scs_entry_jumppad:
0x0: {  	(pc) =	sbr.rel $0x88, $3  }
0x1: {  	(tag) =	ssettag $0x0;
	lr =	simm.s32 $0x1  }
0x2: {  	[smem:$0x3F96] =	sst lr;
	_ =	strace $0xD0000000  }
0x3: {  	_ = 	snop  }
0x4: {  	_ = 	snop  }
0x5: {  	_ = 	snop  }
0x6: {  	_ = 	snop  }
0x7: {  	_ = 	snop  }
__scs_overlays_trampoline_lowered:
0x8: {  	[smem:$0x3FA5] =	sst s0  }
0x9: {  	[smem:$0x3FA6] =	sst s1  }
0xa: {  	[smem:$0x3FA7] =	sst s2  }
0xb: {  	[smem:$0x3FA8] =	sst s3  }
0xc: {  	[smem:$0x3FA9] =	sst s4  }
0xd: {  	[smem:$0x3FAA] =	sst s5  }
0xe: {  	[smem:$0x3FAB] =	sst s6  }
0xf: {  	[smem:$0x3FAC] =	sst s7  }
0x10: {  	[smem:$0x3FAD] =	sst s8  }
0x11: {  	[smem:$0x3FAE] =	sst s9;
	s0 =	simm.s32 @!p0 $0x0  }
0x12: {  	s1 =	sld [smem:$0x3F94];
	s0 =	simm.s32 @p0 $0x1  }
0x13: {  	[smem:$0x3FAF] =	sst s0;
	s0 =	simm.s32 @!p1 $0x0  }
0x14: {  	s2 =	sld [smem:$0x3F93];
	s0 =	simm.s32 @p1 $0x1  }
0x15: {  	[smem:$0x3FB0] =	sst s0;
	s0 =	simm.s32 @!p2 $0x0  }
0x16: {  	s3 =	sld [smem:$0x3FDB];
	s0 =	simm.s32 @p2 $0x1  }
0x17: {  	s4 =	simm.s32 $0x1BF5;
	[smem:$0x3FB2] =	sst s0  }
0x18: {  	s0 =	sld [smem:$0x3F95];
	_ =	swait.ge [sflag:s4], $0x0  }
0x19: {  	s7 =	sld [smem:$0x3F96]  }
0x1a: {  	s8 =	sadd.s32 $0xFFFFE003, lr  }
0x1b: {  	s9 =	sadd.s32 $0xFFFFFEF7, lr;
	s5 =	simm.s32 $0xFFFFFFFF;
	p2 =	slt.u32 s8, $0xFFFFF086  }
0x1c: {  	p1 =	slt.u32 s9, $0xF7A;
	s5 =	simm.s32 @!p2 $0x0  }
0x1d: {  	s5 =	simm.s32 @p1 $0x1;
	p0 =	seq.s32 s7, s2  }
0x1e: {  	s7 =	smul.u32 @!p0 $0xF7A, s2;
	p2 =	seq.s32 @!p0 s5, $0x0  }
0x1f: {  	s9 =	smul.u32 $0xF7A, s1;
	s8 =	simm.s32 @!p0 $0x1BF5;
	p2 =	por !p2, p0  }
0x20: {  	[sflag:s8] =	ssyncset.s32 @!p0 $0xFFFFF086;
	s6 =	sadd.s32 @!p0 s3, s7;
	s7 =	simm.s32 @!p0 $0x108  }
0x21: {  	s3 =	sadd.s32 s3, s9;
	s6 =	sadd.s32 @!p0 $0x88, s6;
	s7 =	simm.s32 @p2 $0x1082  }
0x22: {  	[simem:s7], [sflag:s8] =	dma.local @!p0 [hbm:s6], $0xF7A  }
0x23: {  	s9 =	sor.u32 $0xD0000000, s2;
	s6 =	simm.s32 $0x108;
	_ =	swait.ge @!p0 [sflag:s8], $0x0  }
0x24: {  	s3 =	sadd.s32 $0x88, s3;
	s6 =	simm.s32 @!p1 $0x1082;
	[sflag:s4] =	ssyncset.s32 $0xFFFFF086  }
0x25: {  	[simem:s6], [sflag:s4] =	dma.local [hbm:s3], $0xF7A  }
0x26: {  	[smem:$0x3F96] =	sst s1;
	(tag) =	ssettag s2;
	_ =	strace s9  }
0x27: {  	s1 =	sld [smem:$0x3FA6]  }
0x28: {  	s2 =	sld [smem:$0x3FA7]  }
0x29: {  	s4 =	sld [smem:$0x3FA9]  }
0x2a: {  	p0 =	seq.s32 s5, $0x0;
	s5 =	sld [smem:$0x3FAA]  }
0x2b: {  	s6 =	sld [smem:$0x3FAB]  }
0x2c: {  	s7 =	sld [smem:$0x3FAC]  }
0x2d: {  	s3 =	simm.s32 $0x108;
	s8 =	sld [smem:$0x3FAD]  }
0x2e: {  	s3 =	simm.s32 @!p0 $0x1082;
	s9 =	sld [smem:$0x3FAE]  }
0x2f: {  	lr =	sadd.s32 s0, s3;
	s0 =	sld [smem:$0x3FA5]  }
0x30: {  	s3 =	sld [smem:$0x3FA8]  }
0x31: {  	[smem:$0x3FB1] =	sst s10  }
0x32: {  	s10 =	sld [smem:$0x3FAF];
	_ =	sdelay $0x3  }
0x33: {  	p0 =	seq.s32 s10, $0x1;
	s10 =	sld [smem:$0x3FB1];
	_ =	sdelay $0x3  }
0x34: {  	[smem:$0x3FB1] =	sst s10  }
0x35: {  	s10 =	sld [smem:$0x3FB0];
	_ =	sdelay $0x3  }
0x36: {  	p1 =	seq.s32 s10, $0x1;
	s10 =	sld [smem:$0x3FB1];
	_ =	sdelay $0x3  }
0x37: {  	[smem:$0x3FB1] =	sst s10  }
0x38: {  	s10 =	sld [smem:$0x3FB2]  }
0x39: {  	_ = 	snop;
	(pc) =	sbr.ind lr, $3  }
0x3a: {  	_ = 	snop  }
0x3b: {  	_ = 	snop  }
0x3c: {  	p2 =	seq.s32 s10, $0x1;
	s10 =	sld [smem:$0x3FB1]  }
0x3d: {  	_ =	shalt  }
0x3e: {  	_ =	shalt  }
0x3f: {  	_ =	shalt  }
0x40: {  	_ =	shalt  }
0x41: {  	_ =	shalt  }
0x42: {  	_ =	shalt  }
0x43: {  	_ =	shalt  }
0x44: {  	_ =	shalt  }
0x45: {  	_ =	shalt  }
0x46: {  	_ =	shalt  }
0x47: {  	_ =	shalt  }
0x48: {  	_ =	shalt  }
0x49: {  	_ =	shalt  }
0x4a: {  	_ =	shalt  }
0x4b: {  	_ =	shalt  }
0x4c: {  	_ =	shalt  }
0x4d: {  	_ =	shalt  }
0x4e: {  	_ =	shalt  }
0x4f: {  	_ =	shalt  }
0x50: {  	_ =	shalt  }
0x51: {  	_ =	shalt  }
0x52: {  	_ =	shalt  }
0x53: {  	_ =	shalt  }
0x54: {  	_ =	shalt  }
0x55: {  	_ =	shalt  }
0x56: {  	_ =	shalt  }
0x57: {  	_ =	shalt  }
0x58: {  	_ =	shalt  }
0x59: {  	_ =	shalt  }
0x5a: {  	_ =	shalt  }
0x5b: {  	_ =	shalt  }
0x5c: {  	_ =	shalt  }
0x5d: {  	_ =	shalt  }
0x5e: {  	_ =	shalt  }
0x5f: {  	_ =	shalt  }
0x60: {  	_ =	shalt  }
0x61: {  	_ =	shalt  }
0x62: {  	_ =	shalt  }
0x63: {  	_ =	shalt  }
0x64: {  	_ =	shalt  }
0x65: {  	_ =	shalt  }
0x66: {  	_ =	shalt  }
0x67: {  	_ =	shalt  }
0x68: {  	_ =	shalt  }
0x69: {  	_ =	shalt  }
0x6a: {  	_ =	shalt  }
0x6b: {  	_ =	shalt  }
0x6c: {  	_ =	shalt  }
0x6d: {  	_ =	shalt  }
0x6e: {  	_ =	shalt  }
0x6f: {  	_ =	shalt  }
0x70: {  	_ =	shalt  }
0x71: {  	_ =	shalt  }
0x72: {  	_ =	shalt  }
0x73: {  	_ =	shalt  }
0x74: {  	_ =	shalt  }
0x75: {  	_ =	shalt  }
0x76: {  	_ =	shalt  }
0x77: {  	_ =	shalt  }
0x78: {  	_ =	shalt  }
0x79: {  	_ =	shalt  }
0x7a: {  	_ =	shalt  }
0x7b: {  	_ =	shalt  }
0x7c: {  	_ =	shalt  }
0x7d: {  	_ =	shalt  }
0x7e: {  	_ =	shalt  }
0x7f: {  	_ =	shalt  }
0x80: {  	_ =	shalt  }
0x81: {  	_ =	shalt  }
0x82: {  	_ =	shalt  }
0x83: {  	_ =	shalt  }
0x84: {  	_ =	shalt  }
0x85: {  	_ =	shalt  }
0x86: {  	_ =	shalt  }
0x87: {  	_ =	shalt  }
.Lfunc_end0:
.L_simem_size_0:
called_computation.2_lowered:
.L_overlay_start_0:
0x88: {  	s2 =	sld [smem:$0x3FD9]  }
0x89: {  	s3 =	sld [smem:$0x3FFE];
	_ =	sdelay $0x1  }
0x8a: {  	s1 =	srdreg.scid  }
0x8b: {  	s0 =	sand.u32 $0x1, s1  }
0x8c: {  	s16 =	sshll.u32 s0, $0xA;
	s2 =	sadd.s32 s3, s2  }
0x8d: {  	s2 =	sadd.s32 s2, s16  }
0x8e: {  	[smem:$0x3FBD] =	sst s2  }
0x8f: {  	_ = 	snop  }
0x90: {  	(tm) =	ssettm $0x1  }
0x91: {  	s17 =	sld [smem:$0x3FFB];
	_ =	sdelay $0x3  }
0x92: {  	_ =	strace s17  }
0x93: {  	s2 =	sld [smem:$0x3FFC];
	_ =	sdelay $0x3  }
0x94: {  	_ =	strace s2  }
0x95: {  	s2 =	sld [smem:$0x3FFD];
	_ =	sdelay $0x3  }
0x96: {  	_ =	strace s2  }
0x97: {  	_ =	strace $0x8FFFFFFF  }
0x98: {  	s18 =	sld [smem:$0x3FDB];
	_ =	sdelay $0x1  }
0x99: {  	s19 =	simm.s32 $_scs_section_size  }
0x9a: {  	s4 =	simm.s32 $_size__tile_overlayer_lowered;
	s5 =	simm.s32 $_tile_overlayer_lowered  }
0x9b: {  	s22 =	simm.s32 $0x1BFF;
	s21 =	sshll.u32 s5, $0x1;
	s2 =	sadd.s32 s19, s18  }
0x9c: {  	s6 =	simm.s32 $0x0;
	s20 =	sshll.u32 s4, $0x1;
	s4 =	sadd.s32 s21, s2  }
0x9d: {  	[timem:s6], [sflag:s22] =	dma.local [hbm:s4], s20  }
0x9e: {  	_ =	swait.ge [sflag:s22], s20  }
0x9f: {  	s3 =	ssub.s32 $0x0, s20;
	[sflag:s22] =	ssyncset.done $0x0  }
0xa0: {  	[sflag:s22] =	ssyncadd.s32 s3;
	_ =	sdelay $0x1  }
0xa1: {  	s23 =	simm.s32 $0x1B8B  }
0xa2: {  	_ =	swait.ge [sflag:s23], $0x1  }
0xa3: {  	[sflag:s23] =	ssyncset.done $0x0  }
0xa4: {  	s25 =	simm.s32 $0x1B8E;
	s24 =	sld [smem:$0x3FFE];
	[sflag:s23] =	ssyncadd.s32 $0xFFFFFFFF  }
0xa5: {  	s26 =	simm.s32 $execute0_lowered;
	[smem:$0x3FD2] =	sst s25  }
0xa6: {  	s4 =	sshll.u32 s26, $0x1;
	_ =	strace $0x8000004C;
	[dreg:$0x1] =	wrdreg $0xFFFFFFFF  }
0xa7: {  	s28 =	simm.s32 $_size_execute0_lowered;
	s2 =	sadd.s32 s2, s4;
	[dreg:$0x0] =	wrdreg $0x0  }
0xa8: {  	s4 =	sshll.u32 s28, $0x1;
	[dreg:$0x2] =	wrdreg s2  }
0xa9: {  	[dreg:$0x3] =	wrdreg s4  }
0xaa: {  	[dreg:$0x4] =	wrdreg $0xC0  }
0xab: {  	_ =	task [dreg:s6], $0x5FFFF  }
0xac: {  	[dreg:$0x1] =	wrdreg $0xFFFFFFFF  }
0xad: {  	[dreg:$0x0] =	wrdreg $0x60  }
0xae: {  	[dreg:$0x2] =	wrdreg s24  }
0xaf: {  	[dreg:$0x3] =	wrdreg $0xA8000  }
0xb0: {  	[dreg:$0x4] =	wrdreg $0x9  }
0xb1: {  	_ =	task.clear_ibuf [dreg:s6], $0x5FFFF;
	_ =	strace $0x9000004C  }
0xb2: {  	s29 =	simm.s32 $0x9;
	_ =	strace $0x8000004E  }
0xb3: {  	_ =	swait.ge [sflag:s29], $0x1  }
0xb4: {  	[sflag:s29] =	ssyncadd.s32 $0xFFFFFFFF  }
0xb5: {  	_ =	strace $0x9000004E  }
0xb6: {  	_ =	sfence  }
0xb7: {  	s30 =	sld [smem:$0x0];
	_ =	sdelay $0x2  }
0xb8: {  	s31 =	sshll.u32 s1, $0xD;
	s1 =	sshrl.u32 s1, $0x2  }
0xb9: {  	s3 =	sand.u32 $0x4000, s31;
	s1 =	sadd.s32 s1, s30  }
0xba: {  	s0 =	sor.u32 s3, s0;
	s1 =	sshll.u32 s1, $0x11  }
0xbb: {  	s0 =	sor.u32 s1, s0  }
0xbc: {  	s0 =	sadd.s32 $0x8F2B, s0  }
0xbd: {  	[sflag:s0] =	ssyncadd.remote.s32 $0x1  }
0xbe: {  	_ =	sfence.sel $0xFFFF  }
0xbf: {  	[dreg:$0x0] =	wrdreg $0xFFFFFFFF;
	(pc) =	sbr.abs _section_cstart, $3  }
0xc0: {  	[dreg:$0x1] =	wrdreg $0xFFFFFFFF  }
0xc1: {  	_ =	task.clear_ibuf [dreg:s6], $0x2FFFF;
	_ =	strace $0x9FFFFFFF  }
0xc2: {  	(tm) =	ssettm $0x7FFFFFFF  }
0xc3: {  	_ =	shalt  }
tec
execute0_lowered:
.L_overlay_start_1:
0x0: {  	(tag) =	ssettag $0x1  }
0x1: {  	s6 =	rddreg [dreg:$0x0]  }
0x2: {  	s1 =	rddreg [dreg:$0x1];
	s2 =	simm.s32 $0x0  }
0x3: {  	s3 =	srdreg.scid;
	s18 =	simm.s32 $0x3;
	s19 =	simm.s32 $0x1  }
0x4: {  	s20 =	simm.s32 $0x2;
	s21 =	simm.s32 $0x40;
	s22 =	simm.s32 $0x2800  }
0x5: {  	s23 =	simm.s32 $0x4800;
	s24 =	simm.s32 $0x8800;
	s25 =	simm.s32 $0x80  }
0x6: {  	s26 =	simm.s32 $0x0;
	[smem:$0x7FF] =	sst s2;
	s7 =	sand.u32 $0x1, s3  }
0x7: {  	s3 =	stileid.u32;
	s4 =	sadd.s32 $0x19400, s6;
	s13 =	sadd.s32 $0xEC00, s6  }
0x8: {  	s14 =	sadd.s32 $0x4C00, s6;
	s5 =	sadd.s32 $0x18C00, s6;
	s8 =	smul.u32 $0x140000, s7  }
0x9: {  	_ =	strace $0x8000004D;
	s9 =	smul.u32 $0x14000, s3;
	s10 =	sshll.u32 s7, $0x4  }
0xa: {  	s29 =	smul.u32 $0x50000, s3;
	s7 =	ssub.s32 $0x2, s7;
	s28 =	sor.u32 s3, s10  }
0xb: {  	s30 =	sshrl.u32 s7, $0x1;
	s8 =	sadd.s32 s9, s8;
	s9 =	smul.u32 $0x2800, s28  }
0xc: {  	s31 =	sshrl.u32 s29, $0x2;
	s16 =	ssub.s32 s7, s30;
	s8 =	sshrl.u32 s8, $0x3  }
0xd: {  	s16 =	smax.u32 s16, $0x1;
	s15 =	sadd.s32 s8, s6;
	s12 =	sshrl.u32 s9, $0x3  }
0xe: {  	s6 =	sadd.s32 s31, s1;
	s7 =	sadd.s32 s13, s12;
	s8 =	sadd.s32 s14, s12  }
0xf: {  	s9 =	sadd.s32 $0x4000, s6;
	s10 =	sadd.s32 $0x8000, s6;
	s11 =	sadd.s32 $0xC000, s6  }
0x10: {  	s17 =	sadd.s32 $0x280, s12;
	s12 =	sadd.s32 $0x10000, s6;
	s15 =	sadd.s32 $0x41400, s15  }
0x11: {  	s13 =	sadd.s32 s13, s17;
	s14 =	sadd.s32 s14, s17;
	s17 =	simm.s32 $0x6800  }
.LBB2_1:
0x12: {  	[tilespmem:s2], [sflag:$0x1] =	stream.linear.gather [hbm4b:s7+s2], $0x1400, $0x38;
	[tilespmem:$0x1E800] =	vst v63  }
0x13: {  	s28 =	simm.s32 $0x1400  }
0x14: {  	[tilespmem:s28], [sflag:$0x2] =	stream.linear.gather [hbm4b:s8+s2], $0x1400, $0x38;
	[tilespmem:$0x1E800] =	vst v63  }
0x15: {  	_ = 	snop  }
0x16: {  	[tilespmem:s17], [sflag:$0x3] =	stream.linear.gather [hbm4b:s5+s2], $0x4000, $0x38;
	[tilespmem:$0x1E800] =	vst v63  }
0x17: {  	_ =	swait.ge [sflag:s18], $0x4000  }
0x18: {  	[sflag:s18] =	ssyncset.done $0x0  }
0x19: {  	[sflag:s18] =	ssyncadd.s32 $0xFFFFC000  }
0x1a: {  	[spmem:s6] =	stream.linear.scatter [tilespmem:s17], [sflag:$0x3], $0x4000, $0x38;
	[tilespmem:$0x1E800] =	vst v63  }
0x1b: {  	_ =	swait.ge [sflag:s18], $0x4000  }
0x1c: {  	[sflag:s18] =	ssyncset.done $0x0  }
0x1d: {  	[sflag:s18] =	ssyncadd.s32 $0xFFFFC000  }
0x1e: {  	[spmem:s9] =	stream.linear.scatter [tilespmem:s17], [sflag:$0x3], $0x4000, $0x38;
	[tilespmem:$0x1E800] =	vst v63  }
0x1f: {  	_ =	swait.ge [sflag:s18], $0x4000  }
0x20: {  	[sflag:s18] =	ssyncset.done $0x0  }
0x21: {  	[sflag:s18] =	ssyncadd.s32 $0xFFFFC000  }
0x22: {  	[spmem:s10] =	stream.linear.scatter [tilespmem:s17], [sflag:$0x3], $0x4000, $0x38;
	[tilespmem:$0x1E800] =	vst v63  }
0x23: {  	_ =	swait.ge [sflag:s18], $0x4000  }
0x24: {  	[sflag:s18] =	ssyncset.done $0x0  }
0x25: {  	[sflag:s18] =	ssyncadd.s32 $0xFFFFC000  }
0x26: {  	[spmem:s11] =	stream.linear.scatter [tilespmem:s17], [sflag:$0x3], $0x4000, $0x38;
	[tilespmem:$0x1E800] =	vst v63  }
0x27: {  	_ =	swait.ge [sflag:s18], $0x4000  }
0x28: {  	[sflag:s18] =	ssyncset.done $0x0  }
0x29: {  	[sflag:s18] =	ssyncadd.s32 $0xFFFFC000  }
0x2a: {  	[spmem:s12] =	stream.linear.scatter [tilespmem:s17], [sflag:$0x3], $0x4000, $0x38;
	[tilespmem:$0x1E800] =	vst v63  }
0x2b: {  	_ =	swait.ge [sflag:s18], $0x4000  }
0x2c: {  	[sflag:s18] =	ssyncset.done $0x0  }
0x2d: {  	[sflag:s18] =	ssyncadd.s32 $0xFFFFC000  }
0x2e: {  	_ =	swait.ge [sflag:s19], $0x1400  }
0x2f: {  	[sflag:s19] =	ssyncset.done $0x0  }
0x30: {  	[sflag:s19] =	ssyncadd.s32 $0xFFFFEC00  }
0x31: {  	_ =	swait.ge [sflag:s20], $0x1400  }
0x32: {  	[sflag:s20] =	ssyncset.done $0x0  }
0x33: {  	[sflag:s20] =	ssyncadd.s32 $0xFFFFEC00  }
0x34: {  	[bflag:$0x0] =	sbarrier.arrive $0xFFFF  }
0x35: {  	[tilespmem:s22], [sflag:$0x1] =	stream.indirect.gather [hbm4b:s4+s21], $0x80, s2, s21, $0xb8;
	[tilespmem:$0x1E800] =	vst v63  }
0x36: {  	_ = 	snop  }
0x37: {  	[tilespmem:s23], [sflag:$0x1] =	stream.indirect.gather [hbm4b:s4+s21], $0x80, s21, s21, $0xb8;
	[tilespmem:$0x1E800] =	vst v63  }
0x38: {  	_ =	swait.ge [sflag:s19], $0x2000  }
0x39: {  	[sflag:s19] =	ssyncset.done $0x0  }
0x3a: {  	[sflag:s19] =	ssyncadd.s32 $0xFFFFE000  }
0x3b: {  	_ =	swait.ge [sflag:s19], $0x2000  }
0x3c: {  	[sflag:s19] =	ssyncset.done $0x0  }
0x3d: {  	s29 =	simm.s32 $0x80;
	[sflag:s19] =	ssyncadd.s32 $0xFFFFE000  }
0x3e: {  	[tilespmem:s17], [sflag:$0x2] =	stream.indirect.gather [hbm4b:s4+s21], $0x80, s29, s21, $0xb8;
	[tilespmem:$0x1E800] =	vst v63  }
0x3f: {  	s29 =	simm.s32 $0xC0  }
0x40: {  	[tilespmem:s24], [sflag:$0x2] =	stream.indirect.gather [hbm4b:s4+s21], $0x80, s29, s21, $0xb8;
	[tilespmem:$0x1E800] =	vst v63  }
0x41: {  	_ = 	snop  }
0x42: {  	[spmem:s1] =	stream.indirect.scatter.add.f32 [tilespmem:s22], [sflag:$0x3], $0x80, s28, s25, $0xb8;
	[tilespmem:$0x1E800] =	vst v63  }
0x43: {  	s30 =	smin.u32 s2, $0x24;
	_ =	swait.ge [sflag:s18], $0x4000  }
0x44: {  	s30 =	sshll.u32 s30, $0x7;
	[sflag:s18] =	ssyncset.done $0x0  }
0x45: {  	s31 =	sadd.s32 $0x100, s30;
	[sflag:s18] =	ssyncadd.s32 $0xFFFFC000  }
0x46: {  	[tilespmem:s22], [sflag:$0x1] =	stream.indirect.gather [hbm4b:s4+s21], $0x80, s31, s21, $0xb8;
	[tilespmem:$0x1E800] =	vst v63  }
0x47: {  	s30 =	sadd.s32 $0x140, s30  }
0x48: {  	[tilespmem:s23], [sflag:$0x1] =	stream.indirect.gather [hbm4b:s4+s21], $0x80, s30, s21, $0xb8;
	[tilespmem:$0x1E800] =	vst v63  }
0x49: {  	_ =	swait.ge [sflag:s20], $0x2000  }
0x4a: {  	[sflag:s20] =	ssyncset.done $0x0  }
0x4b: {  	[sflag:s20] =	ssyncadd.s32 $0xFFFFE000  }
0x4c: {  	_ =	swait.ge [sflag:s20], $0x2000  }
0x4d: {  	[sflag:s20] =	ssyncset.done $0x0  }
0x4e: {  	s30 =	simm.s32 $0x1480;
	[sflag:s20] =	ssyncadd.s32 $0xFFFFE000  }
0x4f: {  	[spmem:s1] =	stream.indirect.scatter.add.f32 [tilespmem:s17], [sflag:$0x3], $0x80, s30, s25, $0xb8;
	[tilespmem:$0x1E800] =	vst v63  }
0x50: {  	_ =	swait.ge [sflag:s18], $0x4000  }
0x51: {  	s30 =	simm.s32 $0x2;
	[sflag:s18] =	ssyncset.done $0x0  }
.LBB2_2:
0x52: {  	[sflag:s18] =	ssyncadd.s32 $0xFFFFC000  }
0x53: {  	s28 =	sadd.s32 $0x100, s28;
	s29 =	sadd.s32 $0x100, s29;
	s31 =	smov.u32 s30  }
0x54: {  	p0 =	sne.s32 s30, $0x26;
	s30 =	sadd.s32 $0x2, s30;
	_ =	swait.ge [sflag:s19], $0x2000  }
0x55: {  	[sflag:s19] =	ssyncset.done $0x0  }
0x56: {  	[sflag:s19] =	ssyncadd.s32 $0xFFFFE000  }
0x57: {  	_ =	swait.ge [sflag:s19], $0x2000  }
0x58: {  	[sflag:s19] =	ssyncset.done $0x0  }
0x59: {  	s0 =	sadd.s32 $0xFFFFFFC0, s29;
	[sflag:s19] =	ssyncadd.s32 $0xFFFFE000  }
0x5a: {  	[tilespmem:s17], [sflag:$0x2] =	stream.indirect.gather [hbm4b:s4+s21], $0x80, s0, s21, $0xb8;
	[tilespmem:$0x1E800] =	vst v63  }
0x5b: {  	_ = 	snop  }
0x5c: {  	[tilespmem:s24], [sflag:$0x2] =	stream.indirect.gather [hbm4b:s4+s21], $0x80, s29, s21, $0xb8;
	[tilespmem:$0x1E800] =	vst v63  }
0x5d: {  	_ = 	snop  }
0x5e: {  	[spmem:s1] =	stream.indirect.scatter.add.f32 [tilespmem:s22], [sflag:$0x3], $0x80, s28, s25, $0xb8;
	[tilespmem:$0x1E800] =	vst v63  }
0x5f: {  	s0 =	smin.u32 s31, $0x24;
	_ =	swait.ge [sflag:s18], $0x4000  }
0x60: {  	s0 =	sshll.u32 s0, $0x7;
	[sflag:s18] =	ssyncset.done $0x0  }
0x61: {  	s31 =	sadd.s32 $0x100, s0;
	[sflag:s18] =	ssyncadd.s32 $0xFFFFC000  }
0x62: {  	[tilespmem:s22], [sflag:$0x1] =	stream.indirect.gather [hbm4b:s4+s21], $0x80, s31, s21, $0xb8;
	[tilespmem:$0x1E800] =	vst v63  }
0x63: {  	s0 =	sadd.s32 $0x140, s0  }
0x64: {  	[tilespmem:s23], [sflag:$0x1] =	stream.indirect.gather [hbm4b:s4+s21], $0x80, s0, s21, $0xb8;
	[tilespmem:$0x1E800] =	vst v63  }
0x65: {  	_ =	swait.ge [sflag:s20], $0x2000  }
0x66: {  	[sflag:s20] =	ssyncset.done $0x0  }
0x67: {  	[sflag:s20] =	ssyncadd.s32 $0xFFFFE000  }
0x68: {  	_ =	swait.ge [sflag:s20], $0x2000  }
.Ltmp0:
0x69: {  	[sflag:s20] =	ssyncset.done $0x0;
	(pc) =	sbr.rel @p0 .LBB2_2-.Ltmp0, $4  }
0x6a: {  	s0 =	sadd.s32 $0x80, s28;
	[sflag:s20] =	ssyncadd.s32 $0xFFFFE000  }
0x6b: {  	[spmem:s1] =	stream.indirect.scatter.add.f32 [tilespmem:s17], [sflag:$0x3], $0x80, s0, s25, $0xb8;
	[tilespmem:$0x1E800] =	vst v63  }
0x6c: {  	_ =	swait.ge [sflag:s18], $0x4000  }
0x6d: {  	[sflag:s18] =	ssyncset.done $0x0  }
0x6e: {  	[sflag:s18] =	ssyncadd.s32 $0xFFFFC000  }
0x6f: {  	_ =	swait.ge [sflag:s19], $0x2000  }
0x70: {  	[sflag:s19] =	ssyncset.done $0x0  }
0x71: {  	[sflag:s19] =	ssyncadd.s32 $0xFFFFE000  }
0x72: {  	_ =	swait.ge [sflag:s19], $0x2000  }
0x73: {  	[sflag:s19] =	ssyncset.done $0x0  }
0x74: {  	s0 =	simm.s32 $0x0;
	[sflag:s19] =	ssyncadd.s32 $0xFFFFE000  }
0x75: {  	[tilespmem:s0], [sflag:$0x3] =	stream.linear.gather [hbm4b:s13+s0], $0x1400, $0x38;
	[tilespmem:$0x1E800] =	vst v63  }
0x76: {  	_ =	swait.ge [sflag:s18], $0x1400  }
0x77: {  	[sflag:s18] =	ssyncset.done $0x0  }
0x78: {  	s28 =	simm.s32 $0x1400;
	[sflag:s18] =	ssyncadd.s32 $0xFFFFEC00  }
0x79: {  	[tilespmem:s28], [sflag:$0x3] =	stream.linear.gather [hbm4b:s14+s0], $0x1400, $0x38;
	[tilespmem:$0x1E800] =	vst v63  }
0x7a: {  	_ =	swait.ge [sflag:s18], $0x1400  }
0x7b: {  	[sflag:s18] =	ssyncset.done $0x0  }
0x7c: {  	[sflag:s18] =	ssyncadd.s32 $0xFFFFEC00  }
0x7d: {  	[tilespmem:s22], [sflag:$0x1] =	stream.indirect.gather [hbm4b:s4+s21], $0x80, s0, s21, $0xb8;
	[tilespmem:$0x1E800] =	vst v63  }
0x7e: {  	_ = 	snop  }
0x7f: {  	[tilespmem:s23], [sflag:$0x1] =	stream.indirect.gather [hbm4b:s4+s21], $0x80, s21, s21, $0xb8;
	[tilespmem:$0x1E800] =	vst v63  }
0x80: {  	_ =	swait.ge [sflag:s19], $0x2000  }
0x81: {  	[sflag:s19] =	ssyncset.done $0x0  }
0x82: {  	[sflag:s19] =	ssyncadd.s32 $0xFFFFE000  }
0x83: {  	_ =	swait.ge [sflag:s19], $0x2000  }
0x84: {  	[sflag:s19] =	ssyncset.done $0x0  }
0x85: {  	s29 =	simm.s32 $0x80;
	[sflag:s19] =	ssyncadd.s32 $0xFFFFE000  }
0x86: {  	[tilespmem:s17], [sflag:$0x2] =	stream.indirect.gather [hbm4b:s4+s21], $0x80, s29, s21, $0xb8;
	[tilespmem:$0x1E800] =	vst v63  }
0x87: {  	s29 =	simm.s32 $0xC0  }
0x88: {  	[tilespmem:s24], [sflag:$0x2] =	stream.indirect.gather [hbm4b:s4+s21], $0x80, s29, s21, $0xb8;
	[tilespmem:$0x1E800] =	vst v63  }
0x89: {  	_ = 	snop  }
0x8a: {  	[spmem:s1] =	stream.indirect.scatter.add.f32 [tilespmem:s22], [sflag:$0x3], $0x80, s28, s25, $0xb8;
	[tilespmem:$0x1E800] =	vst v63  }
0x8b: {  	s0 =	smin.u32 s0, $0x24;
	_ =	swait.ge [sflag:s18], $0x4000  }
0x8c: {  	s0 =	sshll.u32 s0, $0x7;
	[sflag:s18] =	ssyncset.done $0x0  }
0x8d: {  	s30 =	sadd.s32 $0x100, s0;
	[sflag:s18] =	ssyncadd.s32 $0xFFFFC000  }
0x8e: {  	[tilespmem:s22], [sflag:$0x1] =	stream.indirect.gather [hbm4b:s4+s21], $0x80, s30, s21, $0xb8;
	[tilespmem:$0x1E800] =	vst v63  }
0x8f: {  	s0 =	sadd.s32 $0x140, s0  }
0x90: {  	[tilespmem:s23], [sflag:$0x1] =	stream.indirect.gather [hbm4b:s4+s21], $0x80, s0, s21, $0xb8;
	[tilespmem:$0x1E800] =	vst v63  }
0x91: {  	_ =	swait.ge [sflag:s20], $0x2000  }
0x92: {  	[sflag:s20] =	ssyncset.done $0x0  }
0x93: {  	[sflag:s20] =	ssyncadd.s32 $0xFFFFE000  }
0x94: {  	_ =	swait.ge [sflag:s20], $0x2000  }
0x95: {  	[sflag:s20] =	ssyncset.done $0x0  }
0x96: {  	s31 =	simm.s32 $0x1480;
	[sflag:s20] =	ssyncadd.s32 $0xFFFFE000  }
0x97: {  	[spmem:s1] =	stream.indirect.scatter.add.f32 [tilespmem:s17], [sflag:$0x3], $0x80, s31, s25, $0xb8;
	[tilespmem:$0x1E800] =	vst v63  }
0x98: {  	_ =	swait.ge [sflag:s18], $0x4000  }
0x99: {  	s30 =	simm.s32 $0x2;
	[sflag:s18] =	ssyncset.done $0x0  }
.LBB2_4:
0x9a: {  	[sflag:s18] =	ssyncadd.s32 $0xFFFFC000  }
0x9b: {  	s28 =	sadd.s32 $0x100, s28;
	s29 =	sadd.s32 $0x100, s29;
	s0 =	smov.u32 s30  }
0x9c: {  	p0 =	sne.s32 s30, $0x26;
	s30 =	sadd.s32 $0x2, s30;
	_ =	swait.ge [sflag:s19], $0x2000  }
0x9d: {  	[sflag:s19] =	ssyncset.done $0x0  }
0x9e: {  	[sflag:s19] =	ssyncadd.s32 $0xFFFFE000  }
0x9f: {  	_ =	swait.ge [sflag:s19], $0x2000  }
0xa0: {  	[sflag:s19] =	ssyncset.done $0x0  }
0xa1: {  	s31 =	sadd.s32 $0xFFFFFFC0, s29;
	[sflag:s19] =	ssyncadd.s32 $0xFFFFE000  }
0xa2: {  	[tilespmem:s17], [sflag:$0x2] =	stream.indirect.gather [hbm4b:s4+s21], $0x80, s31, s21, $0xb8;
	[tilespmem:$0x1E800] =	vst v63  }
0xa3: {  	_ = 	snop  }
0xa4: {  	[tilespmem:s24], [sflag:$0x2] =	stream.indirect.gather [hbm4b:s4+s21], $0x80, s29, s21, $0xb8;
	[tilespmem:$0x1E800] =	vst v63  }
0xa5: {  	_ = 	snop  }
0xa6: {  	[spmem:s1] =	stream.indirect.scatter.add.f32 [tilespmem:s22], [sflag:$0x3], $0x80, s28, s25, $0xb8;
	[tilespmem:$0x1E800] =	vst v63  }
0xa7: {  	s0 =	smin.u32 s0, $0x24;
	_ =	swait.ge [sflag:s18], $0x4000  }
0xa8: {  	s0 =	sshll.u32 s0, $0x7;
	[sflag:s18] =	ssyncset.done $0x0  }
0xa9: {  	s31 =	sadd.s32 $0x100, s0;
	[sflag:s18] =	ssyncadd.s32 $0xFFFFC000  }
0xaa: {  	[tilespmem:s22], [sflag:$0x1] =	stream.indirect.gather [hbm4b:s4+s21], $0x80, s31, s21, $0xb8;
	[tilespmem:$0x1E800] =	vst v63  }
0xab: {  	s0 =	sadd.s32 $0x140, s0  }
0xac: {  	[tilespmem:s23], [sflag:$0x1] =	stream.indirect.gather [hbm4b:s4+s21], $0x80, s0, s21, $0xb8;
	[tilespmem:$0x1E800] =	vst v63  }
0xad: {  	_ =	swait.ge [sflag:s20], $0x2000  }
0xae: {  	[sflag:s20] =	ssyncset.done $0x0  }
0xaf: {  	[sflag:s20] =	ssyncadd.s32 $0xFFFFE000  }
0xb0: {  	_ =	swait.ge [sflag:s20], $0x2000  }
.Ltmp1:
0xb1: {  	[sflag:s20] =	ssyncset.done $0x0;
	(pc) =	sbr.rel @p0 .LBB2_4-.Ltmp1, $4  }
0xb2: {  	s0 =	sadd.s32 $0x80, s28;
	[sflag:s20] =	ssyncadd.s32 $0xFFFFE000  }
0xb3: {  	[spmem:s1] =	stream.indirect.scatter.add.f32 [tilespmem:s17], [sflag:$0x3], $0x80, s0, s25, $0xb8;
	[tilespmem:$0x1E800] =	vst v63  }
0xb4: {  	_ =	swait.ge [sflag:s18], $0x4000  }
0xb5: {  	[sflag:s18] =	ssyncset.done $0x0  }
0xb6: {  	[sflag:s18] =	ssyncadd.s32 $0xFFFFC000  }
0xb7: {  	_ =	swait.ge [sflag:s19], $0x2000  }
0xb8: {  	[sflag:s19] =	ssyncset.done $0x0  }
0xb9: {  	[sflag:s19] =	ssyncadd.s32 $0xFFFFE000  }
0xba: {  	_ =	swait.ge [sflag:s19], $0x2000  }
0xbb: {  	s0 =	sshll.u32 s3, $0x6;
	s26 =	sadd.s32 $0x1, s26;
	[sflag:s19] =	ssyncset.done $0x0  }
0xbc: {  	s28 =	sshrl.u32 s6, $0x3;
	p0 =	sne.s32 s26, s16;
	[sflag:s19] =	ssyncadd.s32 $0xFFFFE000  }
.Ltmp2:
0xbd: {  	s0 =	sor.u32 $0x1C03, s0;
	[bflag:$0x0] =	sbarrier.arrive $0xFFFF;
	(pc) =	sbr.rel @p0 .LBB2_1-.Ltmp2, $4  }
0xbe: {  	[hbm:s15], [sflag:s0] =	dma.local [spmem:s28], $0x2800  }
0xbf: {  	_ =	swait.ge [sflag:s18], $0x2800  }
0xc0: {  	[sflag:s18] =	ssyncset.done $0x0  }
0xc1: {  	[sflag:s18] =	ssyncadd.s32 $0xFFFFD800  }
0xc2: {  	_ =	sfence.sel $0x180000  }
0xc3: {  	[bflag:$0x0] =	sbarrier.arrive $0xFFFF  }
0xc4: {  	_ =	strace $0x9000004D  }
0xc5: {  	[bflag:$0x2] =	sbarrier.arrive $0xFFFF  }
0xc6: {  	p0 =	sne.s32 s3, $0x0;
	s0 =	rddreg [dreg:$0x2]  }
0xc7: {  	s0 =	sadd.s32 @!p0 $0x100000, s0  }
0xc8: {  	[sflag:s0] =	ssyncadd.tile.s32 @!p0 $0x1;
	_ =	shalt  }
.Lfunc_end2:
_tile_overlayer_lowered:
.L_overlay_start_2:
0xc9: {  	(tag) =	ssettag $0x2  }
0xca: {  	s0 =	rddreg [dreg:$0x0];
	s2 =	stileid.u32  }
0xcb: {  	s1 =	rddreg [dreg:$0x1];
	p0 =	sne.s32 s2, $0x0  }
0xcc: {  	s3 =	rddreg [dreg:$0x2];
	[bflag:$0x3] =	sbarrier.arrive $0xFFFF;
	s2 =	simm.s32 @!p0 $0x1C03  }
0xcd: {  	[timem:s3], [sflag:s2] =	dma.local @!p0 [hbm:s0], s1  }
0xce: {  	s0 =	simm.s32 @!p0 $0x3  }
0xcf: {  	_ =	swait.ge @!p0 [sflag:s0], s1  }
0xd0: {  	s1 =	ssub.s32 @!p0 $0x0, s1;
	[sflag:s0] =	ssyncset.done @!p0 $0x0  }
0xd1: {  	[sflag:s0] =	ssyncadd.s32 @!p0 s1  }
0xd2: {  	[bflag:$0x3] =	sbarrier.arrive $0xFFFF  }
0xd3: {  	_ =	shalt  }

// kernel: kernel.21.cloned.1.call-start
scs
__scs_entry_jumppad:
0x0: {  	(pc) =	sbr.rel $0x88, $3  }
0x1: {  	(tag) =	ssettag $0x0;
	lr =	simm.s32 $0x1  }
0x2: {  	[smem:$0x3F96] =	sst lr;
	_ =	strace $0xD0000000  }
0x3: {  	_ = 	snop  }
0x4: {  	_ = 	snop  }
0x5: {  	_ = 	snop  }
0x6: {  	_ = 	snop  }
0x7: {  	_ = 	snop  }
__scs_overlays_trampoline_lowered:
0x8: {  	[smem:$0x3FA5] =	sst s0  }
0x9: {  	[smem:$0x3FA6] =	sst s1  }
0xa: {  	[smem:$0x3FA7] =	sst s2  }
0xb: {  	[smem:$0x3FA8] =	sst s3  }
0xc: {  	[smem:$0x3FA9] =	sst s4  }
0xd: {  	[smem:$0x3FAA] =	sst s5  }
0xe: {  	[smem:$0x3FAB] =	sst s6  }
0xf: {  	[smem:$0x3FAC] =	sst s7  }
0x10: {  	[smem:$0x3FAD] =	sst s8  }
0x11: {  	[smem:$0x3FAE] =	sst s9;
	s0 =	simm.s32 @!p0 $0x0  }
0x12: {  	s1 =	sld [smem:$0x3F94];
	s0 =	simm.s32 @p0 $0x1  }
0x13: {  	[smem:$0x3FAF] =	sst s0;
	s0 =	simm.s32 @!p1 $0x0  }
0x14: {  	s2 =	sld [smem:$0x3F93];
	s0 =	simm.s32 @p1 $0x1  }
0x15: {  	[smem:$0x3FB0] =	sst s0;
	s0 =	simm.s32 @!p2 $0x0  }
0x16: {  	s3 =	sld [smem:$0x3FDB];
	s0 =	simm.s32 @p2 $0x1  }
0x17: {  	s4 =	simm.s32 $0x1BF5;
	[smem:$0x3FB2] =	sst s0  }
0x18: {  	s0 =	sld [smem:$0x3F95];
	_ =	swait.ge [sflag:s4], $0x0  }
0x19: {  	s7 =	sld [smem:$0x3F96]  }
0x1a: {  	s8 =	sadd.s32 $0xFFFFE003, lr  }
0x1b: {  	s9 =	sadd.s32 $0xFFFFFEF7, lr;
	s5 =	simm.s32 $0xFFFFFFFF;
	p2 =	slt.u32 s8, $0xFFFFF086  }
0x1c: {  	p1 =	slt.u32 s9, $0xF7A;
	s5 =	simm.s32 @!p2 $0x0  }
0x1d: {  	s5 =	simm.s32 @p1 $0x1;
	p0 =	seq.s32 s7, s2  }
0x1e: {  	s7 =	smul.u32 @!p0 $0xF7A, s2;
	p2 =	seq.s32 @!p0 s5, $0x0  }
0x1f: {  	s9 =	smul.u32 $0xF7A, s1;
	s8 =	simm.s32 @!p0 $0x1BF5;
	p2 =	por !p2, p0  }
0x20: {  	[sflag:s8] =	ssyncset.s32 @!p0 $0xFFFFF086;
	s6 =	sadd.s32 @!p0 s3, s7;
	s7 =	simm.s32 @!p0 $0x108  }
0x21: {  	s3 =	sadd.s32 s3, s9;
	s6 =	sadd.s32 @!p0 $0x88, s6;
	s7 =	simm.s32 @p2 $0x1082  }
0x22: {  	[simem:s7], [sflag:s8] =	dma.local @!p0 [hbm:s6], $0xF7A  }
0x23: {  	s9 =	sor.u32 $0xD0000000, s2;
	s6 =	simm.s32 $0x108;
	_ =	swait.ge @!p0 [sflag:s8], $0x0  }
0x24: {  	s3 =	sadd.s32 $0x88, s3;
	s6 =	simm.s32 @!p1 $0x1082;
	[sflag:s4] =	ssyncset.s32 $0xFFFFF086  }
0x25: {  	[simem:s6], [sflag:s4] =	dma.local [hbm:s3], $0xF7A  }
0x26: {  	[smem:$0x3F96] =	sst s1;
	(tag) =	ssettag s2;
	_ =	strace s9  }
0x27: {  	s1 =	sld [smem:$0x3FA6]  }
0x28: {  	s2 =	sld [smem:$0x3FA7]  }
0x29: {  	s4 =	sld [smem:$0x3FA9]  }
0x2a: {  	p0 =	seq.s32 s5, $0x0;
	s5 =	sld [smem:$0x3FAA]  }
0x2b: {  	s6 =	sld [smem:$0x3FAB]  }
0x2c: {  	s7 =	sld [smem:$0x3FAC]  }
0x2d: {  	s3 =	simm.s32 $0x108;
	s8 =	sld [smem:$0x3FAD]  }
0x2e: {  	s3 =	simm.s32 @!p0 $0x1082;
	s9 =	sld [smem:$0x3FAE]  }
0x2f: {  	lr =	sadd.s32 s0, s3;
	s0 =	sld [smem:$0x3FA5]  }
0x30: {  	s3 =	sld [smem:$0x3FA8]  }
0x31: {  	[smem:$0x3FB1] =	sst s10  }
0x32: {  	s10 =	sld [smem:$0x3FAF];
	_ =	sdelay $0x3  }
0x33: {  	p0 =	seq.s32 s10, $0x1;
	s10 =	sld [smem:$0x3FB1];
	_ =	sdelay $0x3  }
0x34: {  	[smem:$0x3FB1] =	sst s10  }
0x35: {  	s10 =	sld [smem:$0x3FB0];
	_ =	sdelay $0x3  }
0x36: {  	p1 =	seq.s32 s10, $0x1;
	s10 =	sld [smem:$0x3FB1];
	_ =	sdelay $0x3  }
0x37: {  	[smem:$0x3FB1] =	sst s10  }
0x38: {  	s10 =	sld [smem:$0x3FB2]  }
0x39: {  	_ = 	snop;
	(pc) =	sbr.ind lr, $3  }
0x3a: {  	_ = 	snop  }
0x3b: {  	_ = 	snop  }
0x3c: {  	p2 =	seq.s32 s10, $0x1;
	s10 =	sld [smem:$0x3FB1]  }
0x3d: {  	_ =	shalt  }
0x3e: {  	_ =	shalt  }
0x3f: {  	_ =	shalt  }
0x40: {  	_ =	shalt  }
0x41: {  	_ =	shalt  }
0x42: {  	_ =	shalt  }
0x43: {  	_ =	shalt  }
0x44: {  	_ =	shalt  }
0x45: {  	_ =	shalt  }
0x46: {  	_ =	shalt  }
0x47: {  	_ =	shalt  }
0x48: {  	_ =	shalt  }
0x49: {  	_ =	shalt  }
0x4a: {  	_ =	shalt  }
0x4b: {  	_ =	shalt  }
0x4c: {  	_ =	shalt  }
0x4d: {  	_ =	shalt  }
0x4e: {  	_ =	shalt  }
0x4f: {  	_ =	shalt  }
0x50: {  	_ =	shalt  }
0x51: {  	_ =	shalt  }
0x52: {  	_ =	shalt  }
0x53: {  	_ =	shalt  }
0x54: {  	_ =	shalt  }
0x55: {  	_ =	shalt  }
0x56: {  	_ =	shalt  }
0x57: {  	_ =	shalt  }
0x58: {  	_ =	shalt  }
0x59: {  	_ =	shalt  }
0x5a: {  	_ =	shalt  }
0x5b: {  	_ =	shalt  }
0x5c: {  	_ =	shalt  }
0x5d: {  	_ =	shalt  }
0x5e: {  	_ =	shalt  }
0x5f: {  	_ =	shalt  }
0x60: {  	_ =	shalt  }
0x61: {  	_ =	shalt  }
0x62: {  	_ =	shalt  }
0x63: {  	_ =	shalt  }
0x64: {  	_ =	shalt  }
0x65: {  	_ =	shalt  }
0x66: {  	_ =	shalt  }
0x67: {  	_ =	shalt  }
0x68: {  	_ =	shalt  }
0x69: {  	_ =	shalt  }
0x6a: {  	_ =	shalt  }
0x6b: {  	_ =	shalt  }
0x6c: {  	_ =	shalt  }
0x6d: {  	_ =	shalt  }
0x6e: {  	_ =	shalt  }
0x6f: {  	_ =	shalt  }
0x70: {  	_ =	shalt  }
0x71: {  	_ =	shalt  }
0x72: {  	_ =	shalt  }
0x73: {  	_ =	shalt  }
0x74: {  	_ =	shalt  }
0x75: {  	_ =	shalt  }
0x76: {  	_ =	shalt  }
0x77: {  	_ =	shalt  }
0x78: {  	_ =	shalt  }
0x79: {  	_ =	shalt  }
0x7a: {  	_ =	shalt  }
0x7b: {  	_ =	shalt  }
0x7c: {  	_ =	shalt  }
0x7d: {  	_ =	shalt  }
0x7e: {  	_ =	shalt  }
0x7f: {  	_ =	shalt  }
0x80: {  	_ =	shalt  }
0x81: {  	_ =	shalt  }
0x82: {  	_ =	shalt  }
0x83: {  	_ =	shalt  }
0x84: {  	_ =	shalt  }
0x85: {  	_ =	shalt  }
0x86: {  	_ =	shalt  }
0x87: {  	_ =	shalt  }
.Lfunc_end0:
.L_simem_size_0:
called_computation.3_lowered:
.L_overlay_start_0:
0x88: {  	s2 =	sld [smem:$0x3FD9]  }
0x89: {  	s3 =	sld [smem:$0x3FFE];
	_ =	sdelay $0x1  }
0x8a: {  	s1 =	srdreg.scid  }
0x8b: {  	s0 =	sand.u32 $0x1, s1  }
0x8c: {  	s16 =	sshll.u32 s0, $0xA;
	s2 =	sadd.s32 s3, s2  }
0x8d: {  	s2 =	sadd.s32 s2, s16  }
0x8e: {  	[smem:$0x3FBD] =	sst s2  }
0x8f: {  	_ = 	snop  }
0x90: {  	(tm) =	ssettm $0x1  }
0x91: {  	s17 =	sld [smem:$0x3FFB];
	_ =	sdelay $0x3  }
0x92: {  	_ =	strace s17  }
0x93: {  	s2 =	sld [smem:$0x3FFC];
	_ =	sdelay $0x3  }
0x94: {  	_ =	strace s2  }
0x95: {  	s2 =	sld [smem:$0x3FFD];
	_ =	sdelay $0x3  }
0x96: {  	_ =	strace s2  }
0x97: {  	_ =	strace $0x8FFFFFFF  }
0x98: {  	s18 =	sld [smem:$0x3FDB];
	_ =	sdelay $0x1  }
0x99: {  	s19 =	simm.s32 $_scs_section_size  }
0x9a: {  	s4 =	simm.s32 $_size__tile_overlayer_lowered;
	s5 =	simm.s32 $_tile_overlayer_lowered  }
0x9b: {  	s22 =	simm.s32 $0x1BFF;
	s21 =	sshll.u32 s5, $0x1;
	s2 =	sadd.s32 s19, s18  }
0x9c: {  	s6 =	simm.s32 $0x0;
	s20 =	sshll.u32 s4, $0x1;
	s4 =	sadd.s32 s21, s2  }
0x9d: {  	[timem:s6], [sflag:s22] =	dma.local [hbm:s4], s20  }
0x9e: {  	_ =	swait.ge [sflag:s22], s20  }
0x9f: {  	s3 =	ssub.s32 $0x0, s20;
	[sflag:s22] =	ssyncset.done $0x0  }
0xa0: {  	[sflag:s22] =	ssyncadd.s32 s3;
	_ =	sdelay $0x1  }
0xa1: {  	s23 =	simm.s32 $0x1B8B  }
0xa2: {  	_ =	swait.ge [sflag:s23], $0x1  }
0xa3: {  	[sflag:s23] =	ssyncset.done $0x0  }
0xa4: {  	s25 =	simm.s32 $0x1B8E;
	s24 =	sld [smem:$0x3FFE];
	[sflag:s23] =	ssyncadd.s32 $0xFFFFFFFF  }
0xa5: {  	s26 =	simm.s32 $execute0_lowered;
	[smem:$0x3FD2] =	sst s25  }
0xa6: {  	s4 =	sshll.u32 s26, $0x1;
	_ =	strace $0x8000004F;
	[dreg:$0x1] =	wrdreg $0xFFFFFFFF  }
0xa7: {  	s28 =	simm.s32 $_size_execute0_lowered;
	s2 =	sadd.s32 s2, s4;
	[dreg:$0x0] =	wrdreg $0x0  }
0xa8: {  	s4 =	sshll.u32 s28, $0x1;
	[dreg:$0x2] =	wrdreg s2  }
0xa9: {  	[dreg:$0x3] =	wrdreg s4  }
0xaa: {  	[dreg:$0x4] =	wrdreg $0xC0  }
0xab: {  	_ =	task [dreg:s6], $0x5FFFF  }
0xac: {  	[dreg:$0x1] =	wrdreg $0xFFFFFFFF  }
0xad: {  	[dreg:$0x0] =	wrdreg $0x60  }
0xae: {  	[dreg:$0x2] =	wrdreg s24  }
0xaf: {  	[dreg:$0x3] =	wrdreg $0xA8000  }
0xb0: {  	[dreg:$0x4] =	wrdreg $0x9  }
0xb1: {  	_ =	task.clear_ibuf [dreg:s6], $0x5FFFF;
	_ =	strace $0x9000004F  }
0xb2: {  	s29 =	simm.s32 $0x9;
	_ =	strace $0x80000051  }
0xb3: {  	_ =	swait.ge [sflag:s29], $0x1  }
0xb4: {  	[sflag:s29] =	ssyncadd.s32 $0xFFFFFFFF  }
0xb5: {  	_ =	strace $0x90000051  }
0xb6: {  	_ =	sfence  }
0xb7: {  	s30 =	sld [smem:$0x0];
	_ =	sdelay $0x2  }
0xb8: {  	s31 =	sshll.u32 s1, $0xD;
	s1 =	sshrl.u32 s1, $0x2  }
0xb9: {  	s3 =	sand.u32 $0x4000, s31;
	s1 =	sadd.s32 s1, s30  }
0xba: {  	s0 =	sor.u32 s3, s0;
	s1 =	sshll.u32 s1, $0x11  }
0xbb: {  	s0 =	sor.u32 s1, s0  }
0xbc: {  	s0 =	sadd.s32 $0x8F2B, s0  }
0xbd: {  	[sflag:s0] =	ssyncadd.remote.s32 $0x1  }
0xbe: {  	_ =	sfence.sel $0xFFFF  }
0xbf: {  	[dreg:$0x0] =	wrdreg $0xFFFFFFFF;
	(pc) =	sbr.abs _section_cstart, $3  }
0xc0: {  	[dreg:$0x1] =	wrdreg $0xFFFFFFFF  }
0xc1: {  	_ =	task.clear_ibuf [dreg:s6], $0x2FFFF;
	_ =	strace $0x9FFFFFFF  }
0xc2: {  	(tm) =	ssettm $0x7FFFFFFF  }
0xc3: {  	_ =	shalt  }
tec
execute0_lowered:
.L_overlay_start_1:
0x0: {  	(tag) =	ssettag $0x1  }
0x1: {  	s6 =	rddreg [dreg:$0x0]  }
0x2: {  	s1 =	rddreg [dreg:$0x1];
	s2 =	simm.s32 $0x0  }
0x3: {  	s3 =	srdreg.scid;
	s18 =	simm.s32 $0x3;
	s19 =	simm.s32 $0x1  }
0x4: {  	s20 =	simm.s32 $0x2;
	s21 =	simm.s32 $0x40;
	s22 =	simm.s32 $0x2800  }
0x5: {  	s23 =	simm.s32 $0x4800;
	s24 =	simm.s32 $0x8800;
	s25 =	simm.s32 $0x80  }
0x6: {  	s26 =	simm.s32 $0x0;
	[smem:$0x7FF] =	sst s2;
	s7 =	sand.u32 $0x1, s3  }
0x7: {  	s3 =	stileid.u32;
	s4 =	sadd.s32 $0x19400, s6;
	s13 =	sadd.s32 $0xEC00, s6  }
0x8: {  	s14 =	sadd.s32 $0x4C00, s6;
	s5 =	sadd.s32 $0x18C00, s6;
	s8 =	smul.u32 $0x140000, s7  }
0x9: {  	_ =	strace $0x80000050;
	s9 =	smul.u32 $0x14000, s3;
	s10 =	sshll.u32 s7, $0x4  }
0xa: {  	s29 =	smul.u32 $0x50000, s3;
	s7 =	ssub.s32 $0x2, s7;
	s28 =	sor.u32 s3, s10  }
0xb: {  	s30 =	sshrl.u32 s7, $0x1;
	s8 =	sadd.s32 s9, s8;
	s9 =	smul.u32 $0x2800, s28  }
0xc: {  	s31 =	sshrl.u32 s29, $0x2;
	s16 =	ssub.s32 s7, s30;
	s8 =	sshrl.u32 s8, $0x3  }
0xd: {  	s16 =	smax.u32 s16, $0x1;
	s15 =	sadd.s32 s8, s6;
	s12 =	sshrl.u32 s9, $0x3  }
0xe: {  	s6 =	sadd.s32 s31, s1;
	s7 =	sadd.s32 s13, s12;
	s8 =	sadd.s32 s14, s12  }
0xf: {  	s9 =	sadd.s32 $0x4000, s6;
	s10 =	sadd.s32 $0x8000, s6;
	s11 =	sadd.s32 $0xC000, s6  }
0x10: {  	s17 =	sadd.s32 $0x280, s12;
	s12 =	sadd.s32 $0x10000, s6;
	s15 =	sadd.s32 $0x41400, s15  }
0x11: {  	s13 =	sadd.s32 s13, s17;
	s14 =	sadd.s32 s14, s17;
	s17 =	simm.s32 $0x6800  }
.LBB2_1:
0x12: {  	[tilespmem:s2], [sflag:$0x1] =	stream.linear.gather [hbm4b:s7+s2], $0x1400, $0x38;
	[tilespmem:$0x1E800] =	vst v63  }
0x13: {  	s28 =	simm.s32 $0x1400  }
0x14: {  	[tilespmem:s28], [sflag:$0x2] =	stream.linear.gather [hbm4b:s8+s2], $0x1400, $0x38;
	[tilespmem:$0x1E800] =	vst v63  }
0x15: {  	_ = 	snop  }
0x16: {  	[tilespmem:s17], [sflag:$0x3] =	stream.linear.gather [hbm4b:s5+s2], $0x4000, $0x38;
	[tilespmem:$0x1E800] =	vst v63  }
0x17: {  	_ =	swait.ge [sflag:s18], $0x4000  }
0x18: {  	[sflag:s18] =	ssyncset.done $0x0  }
0x19: {  	[sflag:s18] =	ssyncadd.s32 $0xFFFFC000  }
0x1a: {  	[spmem:s6] =	stream.linear.scatter [tilespmem:s17], [sflag:$0x3], $0x4000, $0x38;
	[tilespmem:$0x1E800] =	vst v63  }
0x1b: {  	_ =	swait.ge [sflag:s18], $0x4000  }
0x1c: {  	[sflag:s18] =	ssyncset.done $0x0  }
0x1d: {  	[sflag:s18] =	ssyncadd.s32 $0xFFFFC000  }
0x1e: {  	[spmem:s9] =	stream.linear.scatter [tilespmem:s17], [sflag:$0x3], $0x4000, $0x38;
	[tilespmem:$0x1E800] =	vst v63  }
0x1f: {  	_ =	swait.ge [sflag:s18], $0x4000  }
0x20: {  	[sflag:s18] =	ssyncset.done $0x0  }
0x21: {  	[sflag:s18] =	ssyncadd.s32 $0xFFFFC000  }
0x22: {  	[spmem:s10] =	stream.linear.scatter [tilespmem:s17], [sflag:$0x3], $0x4000, $0x38;
	[tilespmem:$0x1E800] =	vst v63  }
0x23: {  	_ =	swait.ge [sflag:s18], $0x4000  }
0x24: {  	[sflag:s18] =	ssyncset.done $0x0  }
0x25: {  	[sflag:s18] =	ssyncadd.s32 $0xFFFFC000  }
0x26: {  	[spmem:s11] =	stream.linear.scatter [tilespmem:s17], [sflag:$0x3], $0x4000, $0x38;
	[tilespmem:$0x1E800] =	vst v63  }
0x27: {  	_ =	swait.ge [sflag:s18], $0x4000  }
0x28: {  	[sflag:s18] =	ssyncset.done $0x0  }
0x29: {  	[sflag:s18] =	ssyncadd.s32 $0xFFFFC000  }
0x2a: {  	[spmem:s12] =	stream.linear.scatter [tilespmem:s17], [sflag:$0x3], $0x4000, $0x38;
	[tilespmem:$0x1E800] =	vst v63  }
0x2b: {  	_ =	swait.ge [sflag:s18], $0x4000  }
0x2c: {  	[sflag:s18] =	ssyncset.done $0x0  }
0x2d: {  	[sflag:s18] =	ssyncadd.s32 $0xFFFFC000  }
0x2e: {  	_ =	swait.ge [sflag:s19], $0x1400  }
0x2f: {  	[sflag:s19] =	ssyncset.done $0x0  }
0x30: {  	[sflag:s19] =	ssyncadd.s32 $0xFFFFEC00  }
0x31: {  	_ =	swait.ge [sflag:s20], $0x1400  }
0x32: {  	[sflag:s20] =	ssyncset.done $0x0  }
0x33: {  	[sflag:s20] =	ssyncadd.s32 $0xFFFFEC00  }
0x34: {  	[bflag:$0x0] =	sbarrier.arrive $0xFFFF  }
0x35: {  	[tilespmem:s22], [sflag:$0x1] =	stream.indirect.gather [hbm4b:s4+s21], $0x80, s2, s21, $0xb8;
	[tilespmem:$0x1E800] =	vst v63  }
0x36: {  	_ = 	snop  }
0x37: {  	[tilespmem:s23], [sflag:$0x1] =	stream.indirect.gather [hbm4b:s4+s21], $0x80, s21, s21, $0xb8;
	[tilespmem:$0x1E800] =	vst v63  }
0x38: {  	_ =	swait.ge [sflag:s19], $0x2000  }
0x39: {  	[sflag:s19] =	ssyncset.done $0x0  }
0x3a: {  	[sflag:s19] =	ssyncadd.s32 $0xFFFFE000  }
0x3b: {  	_ =	swait.ge [sflag:s19], $0x2000  }
0x3c: {  	[sflag:s19] =	ssyncset.done $0x0  }
0x3d: {  	s29 =	simm.s32 $0x80;
	[sflag:s19] =	ssyncadd.s32 $0xFFFFE000  }
0x3e: {  	[tilespmem:s17], [sflag:$0x2] =	stream.indirect.gather [hbm4b:s4+s21], $0x80, s29, s21, $0xb8;
	[tilespmem:$0x1E800] =	vst v63  }
0x3f: {  	s29 =	simm.s32 $0xC0  }
0x40: {  	[tilespmem:s24], [sflag:$0x2] =	stream.indirect.gather [hbm4b:s4+s21], $0x80, s29, s21, $0xb8;
	[tilespmem:$0x1E800] =	vst v63  }
0x41: {  	_ = 	snop  }
0x42: {  	[spmem:s1] =	stream.indirect.scatter.add.f32 [tilespmem:s22], [sflag:$0x3], $0x80, s28, s25, $0xb8;
	[tilespmem:$0x1E800] =	vst v63  }
0x43: {  	s30 =	smin.u32 s2, $0x24;
	_ =	swait.ge [sflag:s18], $0x4000  }
0x44: {  	s30 =	sshll.u32 s30, $0x7;
	[sflag:s18] =	ssyncset.done $0x0  }
0x45: {  	s31 =	sadd.s32 $0x100, s30;
	[sflag:s18] =	ssyncadd.s32 $0xFFFFC000  }
0x46: {  	[tilespmem:s22], [sflag:$0x1] =	stream.indirect.gather [hbm4b:s4+s21], $0x80, s31, s21, $0xb8;
	[tilespmem:$0x1E800] =	vst v63  }
0x47: {  	s30 =	sadd.s32 $0x140, s30  }
0x48: {  	[tilespmem:s23], [sflag:$0x1] =	stream.indirect.gather [hbm4b:s4+s21], $0x80, s30, s21, $0xb8;
	[tilespmem:$0x1E800] =	vst v63  }
0x49: {  	_ =	swait.ge [sflag:s20], $0x2000  }
0x4a: {  	[sflag:s20] =	ssyncset.done $0x0  }
0x4b: {  	[sflag:s20] =	ssyncadd.s32 $0xFFFFE000  }
0x4c: {  	_ =	swait.ge [sflag:s20], $0x2000  }
0x4d: {  	[sflag:s20] =	ssyncset.done $0x0  }
0x4e: {  	s30 =	simm.s32 $0x1480;
	[sflag:s20] =	ssyncadd.s32 $0xFFFFE000  }
0x4f: {  	[spmem:s1] =	stream.indirect.scatter.add.f32 [tilespmem:s17], [sflag:$0x3], $0x80, s30, s25, $0xb8;
	[tilespmem:$0x1E800] =	vst v63  }
0x50: {  	_ =	swait.ge [sflag:s18], $0x4000  }
0x51: {  	s30 =	simm.s32 $0x2;
	[sflag:s18] =	ssyncset.done $0x0  }
.LBB2_2:
0x52: {  	[sflag:s18] =	ssyncadd.s32 $0xFFFFC000  }
0x53: {  	s28 =	sadd.s32 $0x100, s28;
	s29 =	sadd.s32 $0x100, s29;
	s31 =	smov.u32 s30  }
0x54: {  	p0 =	sne.s32 s30, $0x26;
	s30 =	sadd.s32 $0x2, s30;
	_ =	swait.ge [sflag:s19], $0x2000  }
0x55: {  	[sflag:s19] =	ssyncset.done $0x0  }
0x56: {  	[sflag:s19] =	ssyncadd.s32 $0xFFFFE000  }
0x57: {  	_ =	swait.ge [sflag:s19], $0x2000  }
0x58: {  	[sflag:s19] =	ssyncset.done $0x0  }
0x59: {  	s0 =	sadd.s32 $0xFFFFFFC0, s29;
	[sflag:s19] =	ssyncadd.s32 $0xFFFFE000  }
0x5a: {  	[tilespmem:s17], [sflag:$0x2] =	stream.indirect.gather [hbm4b:s4+s21], $0x80, s0, s21, $0xb8;
	[tilespmem:$0x1E800] =	vst v63  }
0x5b: {  	_ = 	snop  }
0x5c: {  	[tilespmem:s24], [sflag:$0x2] =	stream.indirect.gather [hbm4b:s4+s21], $0x80, s29, s21, $0xb8;
	[tilespmem:$0x1E800] =	vst v63  }
0x5d: {  	_ = 	snop  }
0x5e: {  	[spmem:s1] =	stream.indirect.scatter.add.f32 [tilespmem:s22], [sflag:$0x3], $0x80, s28, s25, $0xb8;
	[tilespmem:$0x1E800] =	vst v63  }
0x5f: {  	s0 =	smin.u32 s31, $0x24;
	_ =	swait.ge [sflag:s18], $0x4000  }
0x60: {  	s0 =	sshll.u32 s0, $0x7;
	[sflag:s18] =	ssyncset.done $0x0  }
0x61: {  	s31 =	sadd.s32 $0x100, s0;
	[sflag:s18] =	ssyncadd.s32 $0xFFFFC000  }
0x62: {  	[tilespmem:s22], [sflag:$0x1] =	stream.indirect.gather [hbm4b:s4+s21], $0x80, s31, s21, $0xb8;
	[tilespmem:$0x1E800] =	vst v63  }
0x63: {  	s0 =	sadd.s32 $0x140, s0  }
0x64: {  	[tilespmem:s23], [sflag:$0x1] =	stream.indirect.gather [hbm4b:s4+s21], $0x80, s0, s21, $0xb8;
	[tilespmem:$0x1E800] =	vst v63  }
0x65: {  	_ =	swait.ge [sflag:s20], $0x2000  }
0x66: {  	[sflag:s20] =	ssyncset.done $0x0  }
0x67: {  	[sflag:s20] =	ssyncadd.s32 $0xFFFFE000  }
0x68: {  	_ =	swait.ge [sflag:s20], $0x2000  }
.Ltmp0:
0x69: {  	[sflag:s20] =	ssyncset.done $0x0;
	(pc) =	sbr.rel @p0 .LBB2_2-.Ltmp0, $4  }
0x6a: {  	s0 =	sadd.s32 $0x80, s28;
	[sflag:s20] =	ssyncadd.s32 $0xFFFFE000  }
0x6b: {  	[spmem:s1] =	stream.indirect.scatter.add.f32 [tilespmem:s17], [sflag:$0x3], $0x80, s0, s25, $0xb8;
	[tilespmem:$0x1E800] =	vst v63  }
0x6c: {  	_ =	swait.ge [sflag:s18], $0x4000  }
0x6d: {  	[sflag:s18] =	ssyncset.done $0x0  }
0x6e: {  	[sflag:s18] =	ssyncadd.s32 $0xFFFFC000  }
0x6f: {  	_ =	swait.ge [sflag:s19], $0x2000  }
0x70: {  	[sflag:s19] =	ssyncset.done $0x0  }
0x71: {  	[sflag:s19] =	ssyncadd.s32 $0xFFFFE000  }
0x72: {  	_ =	swait.ge [sflag:s19], $0x2000  }
0x73: {  	[sflag:s19] =	ssyncset.done $0x0  }
0x74: {  	s0 =	simm.s32 $0x0;
	[sflag:s19] =	ssyncadd.s32 $0xFFFFE000  }
0x75: {  	[tilespmem:s0], [sflag:$0x3] =	stream.linear.gather [hbm4b:s13+s0], $0x1400, $0x38;
	[tilespmem:$0x1E800] =	vst v63  }
0x76: {  	_ =	swait.ge [sflag:s18], $0x1400  }
0x77: {  	[sflag:s18] =	ssyncset.done $0x0  }
0x78: {  	s28 =	simm.s32 $0x1400;
	[sflag:s18] =	ssyncadd.s32 $0xFFFFEC00  }
0x79: {  	[tilespmem:s28], [sflag:$0x3] =	stream.linear.gather [hbm4b:s14+s0], $0x1400, $0x38;
	[tilespmem:$0x1E800] =	vst v63  }
0x7a: {  	_ =	swait.ge [sflag:s18], $0x1400  }
0x7b: {  	[sflag:s18] =	ssyncset.done $0x0  }
0x7c: {  	[sflag:s18] =	ssyncadd.s32 $0xFFFFEC00  }
0x7d: {  	[tilespmem:s22], [sflag:$0x1] =	stream.indirect.gather [hbm4b:s4+s21], $0x80, s0, s21, $0xb8;
	[tilespmem:$0x1E800] =	vst v63  }
0x7e: {  	_ = 	snop  }
0x7f: {  	[tilespmem:s23], [sflag:$0x1] =	stream.indirect.gather [hbm4b:s4+s21], $0x80, s21, s21, $0xb8;
	[tilespmem:$0x1E800] =	vst v63  }
0x80: {  	_ =	swait.ge [sflag:s19], $0x2000  }
0x81: {  	[sflag:s19] =	ssyncset.done $0x0  }
0x82: {  	[sflag:s19] =	ssyncadd.s32 $0xFFFFE000  }
0x83: {  	_ =	swait.ge [sflag:s19], $0x2000  }
0x84: {  	[sflag:s19] =	ssyncset.done $0x0  }
0x85: {  	s29 =	simm.s32 $0x80;
	[sflag:s19] =	ssyncadd.s32 $0xFFFFE000  }
0x86: {  	[tilespmem:s17], [sflag:$0x2] =	stream.indirect.gather [hbm4b:s4+s21], $0x80, s29, s21, $0xb8;
	[tilespmem:$0x1E800] =	vst v63  }
0x87: {  	s29 =	simm.s32 $0xC0  }
0x88: {  	[tilespmem:s24], [sflag:$0x2] =	stream.indirect.gather [hbm4b:s4+s21], $0x80, s29, s21, $0xb8;
	[tilespmem:$0x1E800] =	vst v63  }
0x89: {  	_ = 	snop  }
0x8a: {  	[spmem:s1] =	stream.indirect.scatter.add.f32 [tilespmem:s22], [sflag:$0x3], $0x80, s28, s25, $0xb8;
	[tilespmem:$0x1E800] =	vst v63  }
0x8b: {  	s0 =	smin.u32 s0, $0x24;
	_ =	swait.ge [sflag:s18], $0x4000  }
0x8c: {  	s0 =	sshll.u32 s0, $0x7;
	[sflag:s18] =	ssyncset.done $0x0  }
0x8d: {  	s30 =	sadd.s32 $0x100, s0;
	[sflag:s18] =	ssyncadd.s32 $0xFFFFC000  }
0x8e: {  	[tilespmem:s22], [sflag:$0x1] =	stream.indirect.gather [hbm4b:s4+s21], $0x80, s30, s21, $0xb8;
	[tilespmem:$0x1E800] =	vst v63  }
0x8f: {  	s0 =	sadd.s32 $0x140, s0  }
0x90: {  	[tilespmem:s23], [sflag:$0x1] =	stream.indirect.gather [hbm4b:s4+s21], $0x80, s0, s21, $0xb8;
	[tilespmem:$0x1E800] =	vst v63  }
0x91: {  	_ =	swait.ge [sflag:s20], $0x2000  }
0x92: {  	[sflag:s20] =	ssyncset.done $0x0  }
0x93: {  	[sflag:s20] =	ssyncadd.s32 $0xFFFFE000  }
0x94: {  	_ =	swait.ge [sflag:s20], $0x2000  }
0x95: {  	[sflag:s20] =	ssyncset.done $0x0  }
0x96: {  	s31 =	simm.s32 $0x1480;
	[sflag:s20] =	ssyncadd.s32 $0xFFFFE000  }
0x97: {  	[spmem:s1] =	stream.indirect.scatter.add.f32 [tilespmem:s17], [sflag:$0x3], $0x80, s31, s25, $0xb8;
	[tilespmem:$0x1E800] =	vst v63  }
0x98: {  	_ =	swait.ge [sflag:s18], $0x4000  }
0x99: {  	s30 =	simm.s32 $0x2;
	[sflag:s18] =	ssyncset.done $0x0  }
.LBB2_4:
0x9a: {  	[sflag:s18] =	ssyncadd.s32 $0xFFFFC000  }
0x9b: {  	s28 =	sadd.s32 $0x100, s28;
	s29 =	sadd.s32 $0x100, s29;
	s0 =	smov.u32 s30  }
0x9c: {  	p0 =	sne.s32 s30, $0x26;
	s30 =	sadd.s32 $0x2, s30;
	_ =	swait.ge [sflag:s19], $0x2000  }
0x9d: {  	[sflag:s19] =	ssyncset.done $0x0  }
0x9e: {  	[sflag:s19] =	ssyncadd.s32 $0xFFFFE000  }
0x9f: {  	_ =	swait.ge [sflag:s19], $0x2000  }
0xa0: {  	[sflag:s19] =	ssyncset.done $0x0  }
0xa1: {  	s31 =	sadd.s32 $0xFFFFFFC0, s29;
	[sflag:s19] =	ssyncadd.s32 $0xFFFFE000  }
0xa2: {  	[tilespmem:s17], [sflag:$0x2] =	stream.indirect.gather [hbm4b:s4+s21], $0x80, s31, s21, $0xb8;
	[tilespmem:$0x1E800] =	vst v63  }
0xa3: {  	_ = 	snop  }
0xa4: {  	[tilespmem:s24], [sflag:$0x2] =	stream.indirect.gather [hbm4b:s4+s21], $0x80, s29, s21, $0xb8;
	[tilespmem:$0x1E800] =	vst v63  }
0xa5: {  	_ = 	snop  }
0xa6: {  	[spmem:s1] =	stream.indirect.scatter.add.f32 [tilespmem:s22], [sflag:$0x3], $0x80, s28, s25, $0xb8;
	[tilespmem:$0x1E800] =	vst v63  }
0xa7: {  	s0 =	smin.u32 s0, $0x24;
	_ =	swait.ge [sflag:s18], $0x4000  }
0xa8: {  	s0 =	sshll.u32 s0, $0x7;
	[sflag:s18] =	ssyncset.done $0x0  }
0xa9: {  	s31 =	sadd.s32 $0x100, s0;
	[sflag:s18] =	ssyncadd.s32 $0xFFFFC000  }
0xaa: {  	[tilespmem:s22], [sflag:$0x1] =	stream.indirect.gather [hbm4b:s4+s21], $0x80, s31, s21, $0xb8;
	[tilespmem:$0x1E800] =	vst v63  }
0xab: {  	s0 =	sadd.s32 $0x140, s0  }
0xac: {  	[tilespmem:s23], [sflag:$0x1] =	stream.indirect.gather [hbm4b:s4+s21], $0x80, s0, s21, $0xb8;
	[tilespmem:$0x1E800] =	vst v63  }
0xad: {  	_ =	swait.ge [sflag:s20], $0x2000  }
0xae: {  	[sflag:s20] =	ssyncset.done $0x0  }
0xaf: {  	[sflag:s20] =	ssyncadd.s32 $0xFFFFE000  }
0xb0: {  	_ =	swait.ge [sflag:s20], $0x2000  }
.Ltmp1:
0xb1: {  	[sflag:s20] =	ssyncset.done $0x0;
	(pc) =	sbr.rel @p0 .LBB2_4-.Ltmp1, $4  }
0xb2: {  	s0 =	sadd.s32 $0x80, s28;
	[sflag:s20] =	ssyncadd.s32 $0xFFFFE000  }
0xb3: {  	[spmem:s1] =	stream.indirect.scatter.add.f32 [tilespmem:s17], [sflag:$0x3], $0x80, s0, s25, $0xb8;
	[tilespmem:$0x1E800] =	vst v63  }
0xb4: {  	_ =	swait.ge [sflag:s18], $0x4000  }
0xb5: {  	[sflag:s18] =	ssyncset.done $0x0  }
0xb6: {  	[sflag:s18] =	ssyncadd.s32 $0xFFFFC000  }
0xb7: {  	_ =	swait.ge [sflag:s19], $0x2000  }
0xb8: {  	[sflag:s19] =	ssyncset.done $0x0  }
0xb9: {  	[sflag:s19] =	ssyncadd.s32 $0xFFFFE000  }
0xba: {  	_ =	swait.ge [sflag:s19], $0x2000  }
0xbb: {  	s0 =	sshll.u32 s3, $0x6;
	s26 =	sadd.s32 $0x1, s26;
	[sflag:s19] =	ssyncset.done $0x0  }
0xbc: {  	s28 =	sshrl.u32 s6, $0x3;
	p0 =	sne.s32 s26, s16;
	[sflag:s19] =	ssyncadd.s32 $0xFFFFE000  }
.Ltmp2:
0xbd: {  	s0 =	sor.u32 $0x1C03, s0;
	[bflag:$0x0] =	sbarrier.arrive $0xFFFF;
	(pc) =	sbr.rel @p0 .LBB2_1-.Ltmp2, $4  }
0xbe: {  	[hbm:s15], [sflag:s0] =	dma.local [spmem:s28], $0x2800  }
0xbf: {  	_ =	swait.ge [sflag:s18], $0x2800  }
0xc0: {  	[sflag:s18] =	ssyncset.done $0x0  }
0xc1: {  	[sflag:s18] =	ssyncadd.s32 $0xFFFFD800  }
0xc2: {  	_ =	sfence.sel $0x180000  }
0xc3: {  	[bflag:$0x0] =	sbarrier.arrive $0xFFFF  }
0xc4: {  	_ =	strace $0x90000050  }
0xc5: {  	[bflag:$0x2] =	sbarrier.arrive $0xFFFF  }
0xc6: {  	p0 =	sne.s32 s3, $0x0;
	s0 =	rddreg [dreg:$0x2]  }
0xc7: {  	s0 =	sadd.s32 @!p0 $0x100000, s0  }
0xc8: {  	[sflag:s0] =	ssyncadd.tile.s32 @!p0 $0x1;
	_ =	shalt  }
.Lfunc_end2:
_tile_overlayer_lowered:
.L_overlay_start_2:
0xc9: {  	(tag) =	ssettag $0x2  }
0xca: {  	s0 =	rddreg [dreg:$0x0];
	s2 =	stileid.u32  }
0xcb: {  	s1 =	rddreg [dreg:$0x1];
	p0 =	sne.s32 s2, $0x0  }
0xcc: {  	s3 =	rddreg [dreg:$0x2];
	[bflag:$0x3] =	sbarrier.arrive $0xFFFF;
	s2 =	simm.s32 @!p0 $0x1C03  }
0xcd: {  	[timem:s3], [sflag:s2] =	dma.local @!p0 [hbm:s0], s1  }
0xce: {  	s0 =	simm.s32 @!p0 $0x3  }
0xcf: {  	_ =	swait.ge @!p0 [sflag:s0], s1  }
0xd0: {  	s1 =	ssub.s32 @!p0 $0x0, s1;
	[sflag:s0] =	ssyncset.done @!p0 $0x0  }
0xd1: {  	[sflag:s0] =	ssyncadd.s32 @!p0 s1  }
0xd2: {  	[bflag:$0x3] =	sbarrier.arrive $0xFFFF  }
0xd3: {  	_ =	shalt  }

// kernel: kernel.24.cloned.1.call-start
scs
__scs_entry_jumppad:
0x0: {  	(pc) =	sbr.rel $0x88, $3  }
0x1: {  	(tag) =	ssettag $0x0;
	lr =	simm.s32 $0x1  }
0x2: {  	[smem:$0x3F96] =	sst lr;
	_ =	strace $0xD0000000  }
0x3: {  	_ = 	snop  }
0x4: {  	_ = 	snop  }
0x5: {  	_ = 	snop  }
0x6: {  	_ = 	snop  }
0x7: {  	_ = 	snop  }
__scs_overlays_trampoline_lowered:
0x8: {  	[smem:$0x3FA5] =	sst s0  }
0x9: {  	[smem:$0x3FA6] =	sst s1  }
0xa: {  	[smem:$0x3FA7] =	sst s2  }
0xb: {  	[smem:$0x3FA8] =	sst s3  }
0xc: {  	[smem:$0x3FA9] =	sst s4  }
0xd: {  	[smem:$0x3FAA] =	sst s5  }
0xe: {  	[smem:$0x3FAB] =	sst s6  }
0xf: {  	[smem:$0x3FAC] =	sst s7  }
0x10: {  	[smem:$0x3FAD] =	sst s8  }
0x11: {  	[smem:$0x3FAE] =	sst s9;
	s0 =	simm.s32 @!p0 $0x0  }
0x12: {  	s1 =	sld [smem:$0x3F94];
	s0 =	simm.s32 @p0 $0x1  }
0x13: {  	[smem:$0x3FAF] =	sst s0;
	s0 =	simm.s32 @!p1 $0x0  }
0x14: {  	s2 =	sld [smem:$0x3F93];
	s0 =	simm.s32 @p1 $0x1  }
0x15: {  	[smem:$0x3FB0] =	sst s0;
	s0 =	simm.s32 @!p2 $0x0  }
0x16: {  	s3 =	sld [smem:$0x3FDB];
	s0 =	simm.s32 @p2 $0x1  }
0x17: {  	s4 =	simm.s32 $0x1BF5;
	[smem:$0x3FB2] =	sst s0  }
0x18: {  	s0 =	sld [smem:$0x3F95];
	_ =	swait.ge [sflag:s4], $0x0  }
0x19: {  	s7 =	sld [smem:$0x3F96]  }
0x1a: {  	s8 =	sadd.s32 $0xFFFFE003, lr  }
0x1b: {  	s9 =	sadd.s32 $0xFFFFFEF7, lr;
	s5 =	simm.s32 $0xFFFFFFFF;
	p2 =	slt.u32 s8, $0xFFFFF086  }
0x1c: {  	p1 =	slt.u32 s9, $0xF7A;
	s5 =	simm.s32 @!p2 $0x0  }
0x1d: {  	s5 =	simm.s32 @p1 $0x1;
	p0 =	seq.s32 s7, s2  }
0x1e: {  	s7 =	smul.u32 @!p0 $0xF7A, s2;
	p2 =	seq.s32 @!p0 s5, $0x0  }
0x1f: {  	s9 =	smul.u32 $0xF7A, s1;
	s8 =	simm.s32 @!p0 $0x1BF5;
	p2 =	por !p2, p0  }
0x20: {  	[sflag:s8] =	ssyncset.s32 @!p0 $0xFFFFF086;
	s6 =	sadd.s32 @!p0 s3, s7;
	s7 =	simm.s32 @!p0 $0x108  }
0x21: {  	s3 =	sadd.s32 s3, s9;
	s6 =	sadd.s32 @!p0 $0x88, s6;
	s7 =	simm.s32 @p2 $0x1082  }
0x22: {  	[simem:s7], [sflag:s8] =	dma.local @!p0 [hbm:s6], $0xF7A  }
0x23: {  	s9 =	sor.u32 $0xD0000000, s2;
	s6 =	simm.s32 $0x108;
	_ =	swait.ge @!p0 [sflag:s8], $0x0  }
0x24: {  	s3 =	sadd.s32 $0x88, s3;
	s6 =	simm.s32 @!p1 $0x1082;
	[sflag:s4] =	ssyncset.s32 $0xFFFFF086  }
0x25: {  	[simem:s6], [sflag:s4] =	dma.local [hbm:s3], $0xF7A  }
0x26: {  	[smem:$0x3F96] =	sst s1;
	(tag) =	ssettag s2;
	_ =	strace s9  }
0x27: {  	s1 =	sld [smem:$0x3FA6]  }
0x28: {  	s2 =	sld [smem:$0x3FA7]  }
0x29: {  	s4 =	sld [smem:$0x3FA9]  }
0x2a: {  	p0 =	seq.s32 s5, $0x0;
	s5 =	sld [smem:$0x3FAA]  }
0x2b: {  	s6 =	sld [smem:$0x3FAB]  }
0x2c: {  	s7 =	sld [smem:$0x3FAC]  }
0x2d: {  	s3 =	simm.s32 $0x108;
	s8 =	sld [smem:$0x3FAD]  }
0x2e: {  	s3 =	simm.s32 @!p0 $0x1082;
	s9 =	sld [smem:$0x3FAE]  }
0x2f: {  	lr =	sadd.s32 s0, s3;
	s0 =	sld [smem:$0x3FA5]  }
0x30: {  	s3 =	sld [smem:$0x3FA8]  }
0x31: {  	[smem:$0x3FB1] =	sst s10  }
0x32: {  	s10 =	sld [smem:$0x3FAF];
	_ =	sdelay $0x3  }
0x33: {  	p0 =	seq.s32 s10, $0x1;
	s10 =	sld [smem:$0x3FB1];
	_ =	sdelay $0x3  }
0x34: {  	[smem:$0x3FB1] =	sst s10  }
0x35: {  	s10 =	sld [smem:$0x3FB0];
	_ =	sdelay $0x3  }
0x36: {  	p1 =	seq.s32 s10, $0x1;
	s10 =	sld [smem:$0x3FB1];
	_ =	sdelay $0x3  }
0x37: {  	[smem:$0x3FB1] =	sst s10  }
0x38: {  	s10 =	sld [smem:$0x3FB2]  }
0x39: {  	_ = 	snop;
	(pc) =	sbr.ind lr, $3  }
0x3a: {  	_ = 	snop  }
0x3b: {  	_ = 	snop  }
0x3c: {  	p2 =	seq.s32 s10, $0x1;
	s10 =	sld [smem:$0x3FB1]  }
0x3d: {  	_ =	shalt  }
0x3e: {  	_ =	shalt  }
0x3f: {  	_ =	shalt  }
0x40: {  	_ =	shalt  }
0x41: {  	_ =	shalt  }
0x42: {  	_ =	shalt  }
0x43: {  	_ =	shalt  }
0x44: {  	_ =	shalt  }
0x45: {  	_ =	shalt  }
0x46: {  	_ =	shalt  }
0x47: {  	_ =	shalt  }
0x48: {  	_ =	shalt  }
0x49: {  	_ =	shalt  }
0x4a: {  	_ =	shalt  }
0x4b: {  	_ =	shalt  }
0x4c: {  	_ =	shalt  }
0x4d: {  	_ =	shalt  }
0x4e: {  	_ =	shalt  }
0x4f: {  	_ =	shalt  }
0x50: {  	_ =	shalt  }
0x51: {  	_ =	shalt  }
0x52: {  	_ =	shalt  }
0x53: {  	_ =	shalt  }
0x54: {  	_ =	shalt  }
0x55: {  	_ =	shalt  }
0x56: {  	_ =	shalt  }
0x57: {  	_ =	shalt  }
0x58: {  	_ =	shalt  }
0x59: {  	_ =	shalt  }
0x5a: {  	_ =	shalt  }
0x5b: {  	_ =	shalt  }
0x5c: {  	_ =	shalt  }
0x5d: {  	_ =	shalt  }
0x5e: {  	_ =	shalt  }
0x5f: {  	_ =	shalt  }
0x60: {  	_ =	shalt  }
0x61: {  	_ =	shalt  }
0x62: {  	_ =	shalt  }
0x63: {  	_ =	shalt  }
0x64: {  	_ =	shalt  }
0x65: {  	_ =	shalt  }
0x66: {  	_ =	shalt  }
0x67: {  	_ =	shalt  }
0x68: {  	_ =	shalt  }
0x69: {  	_ =	shalt  }
0x6a: {  	_ =	shalt  }
0x6b: {  	_ =	shalt  }
0x6c: {  	_ =	shalt  }
0x6d: {  	_ =	shalt  }
0x6e: {  	_ =	shalt  }
0x6f: {  	_ =	shalt  }
0x70: {  	_ =	shalt  }
0x71: {  	_ =	shalt  }
0x72: {  	_ =	shalt  }
0x73: {  	_ =	shalt  }
0x74: {  	_ =	shalt  }
0x75: {  	_ =	shalt  }
0x76: {  	_ =	shalt  }
0x77: {  	_ =	shalt  }
0x78: {  	_ =	shalt  }
0x79: {  	_ =	shalt  }
0x7a: {  	_ =	shalt  }
0x7b: {  	_ =	shalt  }
0x7c: {  	_ =	shalt  }
0x7d: {  	_ =	shalt  }
0x7e: {  	_ =	shalt  }
0x7f: {  	_ =	shalt  }
0x80: {  	_ =	shalt  }
0x81: {  	_ =	shalt  }
0x82: {  	_ =	shalt  }
0x83: {  	_ =	shalt  }
0x84: {  	_ =	shalt  }
0x85: {  	_ =	shalt  }
0x86: {  	_ =	shalt  }
0x87: {  	_ =	shalt  }
.Lfunc_end0:
.L_simem_size_0:
called_computation.4_lowered:
.L_overlay_start_0:
0x88: {  	s2 =	sld [smem:$0x3FD9]  }
0x89: {  	s3 =	sld [smem:$0x3FFE];
	_ =	sdelay $0x1  }
0x8a: {  	s1 =	srdreg.scid  }
0x8b: {  	s0 =	sand.u32 $0x1, s1  }
0x8c: {  	s16 =	sshll.u32 s0, $0xA;
	s2 =	sadd.s32 s3, s2  }
0x8d: {  	s2 =	sadd.s32 s2, s16  }
0x8e: {  	[smem:$0x3FBD] =	sst s2  }
0x8f: {  	_ = 	snop  }
0x90: {  	(tm) =	ssettm $0x1  }
0x91: {  	s17 =	sld [smem:$0x3FFB];
	_ =	sdelay $0x3  }
0x92: {  	_ =	strace s17  }
0x93: {  	s2 =	sld [smem:$0x3FFC];
	_ =	sdelay $0x3  }
0x94: {  	_ =	strace s2  }
0x95: {  	s2 =	sld [smem:$0x3FFD];
	_ =	sdelay $0x3  }
0x96: {  	_ =	strace s2  }
0x97: {  	_ =	strace $0x8FFFFFFF  }
0x98: {  	s18 =	sld [smem:$0x3FDB];
	_ =	sdelay $0x1  }
0x99: {  	s19 =	simm.s32 $_scs_section_size  }
0x9a: {  	s4 =	simm.s32 $_size__tile_overlayer_lowered;
	s5 =	simm.s32 $_tile_overlayer_lowered  }
0x9b: {  	s22 =	simm.s32 $0x1BFF;
	s21 =	sshll.u32 s5, $0x1;
	s2 =	sadd.s32 s19, s18  }
0x9c: {  	s6 =	simm.s32 $0x0;
	s20 =	sshll.u32 s4, $0x1;
	s4 =	sadd.s32 s21, s2  }
0x9d: {  	[timem:s6], [sflag:s22] =	dma.local [hbm:s4], s20  }
0x9e: {  	_ =	swait.ge [sflag:s22], s20  }
0x9f: {  	s3 =	ssub.s32 $0x0, s20;
	[sflag:s22] =	ssyncset.done $0x0  }
0xa0: {  	[sflag:s22] =	ssyncadd.s32 s3;
	_ =	sdelay $0x1  }
0xa1: {  	s23 =	simm.s32 $0x1B8B  }
0xa2: {  	_ =	swait.ge [sflag:s23], $0x1  }
0xa3: {  	[sflag:s23] =	ssyncset.done $0x0  }
0xa4: {  	s25 =	simm.s32 $0x1B8E;
	s24 =	sld [smem:$0x3FFE];
	[sflag:s23] =	ssyncadd.s32 $0xFFFFFFFF  }
0xa5: {  	s26 =	simm.s32 $execute0_lowered;
	[smem:$0x3FD2] =	sst s25  }
0xa6: {  	s4 =	sshll.u32 s26, $0x1;
	_ =	strace $0x80000052;
	[dreg:$0x1] =	wrdreg $0xFFFFFFFF  }
0xa7: {  	s28 =	simm.s32 $_size_execute0_lowered;
	s2 =	sadd.s32 s2, s4;
	[dreg:$0x0] =	wrdreg $0x0  }
0xa8: {  	s4 =	sshll.u32 s28, $0x1;
	[dreg:$0x2] =	wrdreg s2  }
0xa9: {  	[dreg:$0x3] =	wrdreg s4  }
0xaa: {  	[dreg:$0x4] =	wrdreg $0xC0  }
0xab: {  	_ =	task [dreg:s6], $0x5FFFF  }
0xac: {  	[dreg:$0x1] =	wrdreg $0xFFFFFFFF  }
0xad: {  	[dreg:$0x0] =	wrdreg $0x60  }
0xae: {  	[dreg:$0x2] =	wrdreg s24  }
0xaf: {  	[dreg:$0x3] =	wrdreg $0xA8000  }
0xb0: {  	[dreg:$0x4] =	wrdreg $0x9  }
0xb1: {  	_ =	task.clear_ibuf [dreg:s6], $0x5FFFF;
	_ =	strace $0x90000052  }
0xb2: {  	s29 =	simm.s32 $0x9;
	_ =	strace $0x80000054  }
0xb3: {  	_ =	swait.ge [sflag:s29], $0x1  }
0xb4: {  	[sflag:s29] =	ssyncadd.s32 $0xFFFFFFFF  }
0xb5: {  	_ =	strace $0x90000054  }
0xb6: {  	_ =	sfence  }
0xb7: {  	s30 =	sld [smem:$0x0];
	_ =	sdelay $0x2  }
0xb8: {  	s31 =	sshll.u32 s1, $0xD;
	s1 =	sshrl.u32 s1, $0x2  }
0xb9: {  	s3 =	sand.u32 $0x4000, s31;
	s1 =	sadd.s32 s1, s30  }
0xba: {  	s0 =	sor.u32 s3, s0;
	s1 =	sshll.u32 s1, $0x11  }
0xbb: {  	s0 =	sor.u32 s1, s0  }
0xbc: {  	s0 =	sadd.s32 $0x8F2B, s0  }
0xbd: {  	[sflag:s0] =	ssyncadd.remote.s32 $0x1  }
0xbe: {  	_ =	sfence.sel $0xFFFF  }
0xbf: {  	[dreg:$0x0] =	wrdreg $0xFFFFFFFF;
	(pc) =	sbr.abs _section_cstart, $3  }
0xc0: {  	[dreg:$0x1] =	wrdreg $0xFFFFFFFF  }
0xc1: {  	_ =	task.clear_ibuf [dreg:s6], $0x2FFFF;
	_ =	strace $0x9FFFFFFF  }
0xc2: {  	(tm) =	ssettm $0x7FFFFFFF  }
0xc3: {  	_ =	shalt  }
tec
execute0_lowered:
.L_overlay_start_1:
0x0: {  	(tag) =	ssettag $0x1  }
0x1: {  	s6 =	rddreg [dreg:$0x0]  }
0x2: {  	s1 =	rddreg [dreg:$0x1];
	s2 =	simm.s32 $0x0  }
0x3: {  	s3 =	srdreg.scid;
	s18 =	simm.s32 $0x3;
	s19 =	simm.s32 $0x1  }
0x4: {  	s20 =	simm.s32 $0x2;
	s21 =	simm.s32 $0x40;
	s22 =	simm.s32 $0x2800  }
0x5: {  	s23 =	simm.s32 $0x4800;
	s24 =	simm.s32 $0x8800;
	s25 =	simm.s32 $0x80  }
0x6: {  	s26 =	simm.s32 $0x0;
	[smem:$0x7FF] =	sst s2;
	s7 =	sand.u32 $0x1, s3  }
0x7: {  	s3 =	stileid.u32;
	s4 =	sadd.s32 $0x19400, s6;
	s13 =	sadd.s32 $0xEC00, s6  }
0x8: {  	s14 =	sadd.s32 $0x4C00, s6;
	s5 =	sadd.s32 $0x18C00, s6;
	s8 =	smul.u32 $0x140000, s7  }
0x9: {  	_ =	strace $0x80000053;
	s9 =	smul.u32 $0x14000, s3;
	s10 =	sshll.u32 s7, $0x4  }
0xa: {  	s29 =	smul.u32 $0x50000, s3;
	s7 =	ssub.s32 $0x2, s7;
	s28 =	sor.u32 s3, s10  }
0xb: {  	s30 =	sshrl.u32 s7, $0x1;
	s8 =	sadd.s32 s9, s8;
	s9 =	smul.u32 $0x2800, s28  }
0xc: {  	s31 =	sshrl.u32 s29, $0x2;
	s16 =	ssub.s32 s7, s30;
	s8 =	sshrl.u32 s8, $0x3  }
0xd: {  	s16 =	smax.u32 s16, $0x1;
	s15 =	sadd.s32 s8, s6;
	s12 =	sshrl.u32 s9, $0x3  }
0xe: {  	s6 =	sadd.s32 s31, s1;
	s7 =	sadd.s32 s13, s12;
	s8 =	sadd.s32 s14, s12  }
0xf: {  	s9 =	sadd.s32 $0x4000, s6;
	s10 =	sadd.s32 $0x8000, s6;
	s11 =	sadd.s32 $0xC000, s6  }
0x10: {  	s17 =	sadd.s32 $0x280, s12;
	s12 =	sadd.s32 $0x10000, s6;
	s15 =	sadd.s32 $0x41400, s15  }
0x11: {  	s13 =	sadd.s32 s13, s17;
	s14 =	sadd.s32 s14, s17;
	s17 =	simm.s32 $0x6800  }
.LBB2_1:
0x12: {  	[tilespmem:s2], [sflag:$0x1] =	stream.linear.gather [hbm4b:s7+s2], $0x1400, $0x38;
	[tilespmem:$0x1E800] =	vst v63  }
0x13: {  	s28 =	simm.s32 $0x1400  }
0x14: {  	[tilespmem:s28], [sflag:$0x2] =	stream.linear.gather [hbm4b:s8+s2], $0x1400, $0x38;
	[tilespmem:$0x1E800] =	vst v63  }
0x15: {  	_ = 	snop  }
0x16: {  	[tilespmem:s17], [sflag:$0x3] =	stream.linear.gather [hbm4b:s5+s2], $0x4000, $0x38;
	[tilespmem:$0x1E800] =	vst v63  }
0x17: {  	_ =	swait.ge [sflag:s18], $0x4000  }
0x18: {  	[sflag:s18] =	ssyncset.done $0x0  }
0x19: {  	[sflag:s18] =	ssyncadd.s32 $0xFFFFC000  }
0x1a: {  	[spmem:s6] =	stream.linear.scatter [tilespmem:s17], [sflag:$0x3], $0x4000, $0x38;
	[tilespmem:$0x1E800] =	vst v63  }
0x1b: {  	_ =	swait.ge [sflag:s18], $0x4000  }
0x1c: {  	[sflag:s18] =	ssyncset.done $0x0  }
0x1d: {  	[sflag:s18] =	ssyncadd.s32 $0xFFFFC000  }
0x1e: {  	[spmem:s9] =	stream.linear.scatter [tilespmem:s17], [sflag:$0x3], $0x4000, $0x38;
	[tilespmem:$0x1E800] =	vst v63  }
0x1f: {  	_ =	swait.ge [sflag:s18], $0x4000  }
0x20: {  	[sflag:s18] =	ssyncset.done $0x0  }
0x21: {  	[sflag:s18] =	ssyncadd.s32 $0xFFFFC000  }
0x22: {  	[spmem:s10] =	stream.linear.scatter [tilespmem:s17], [sflag:$0x3], $0x4000, $0x38;
	[tilespmem:$0x1E800] =	vst v63  }
0x23: {  	_ =	swait.ge [sflag:s18], $0x4000  }
0x24: {  	[sflag:s18] =	ssyncset.done $0x0  }
0x25: {  	[sflag:s18] =	ssyncadd.s32 $0xFFFFC000  }
0x26: {  	[spmem:s11] =	stream.linear.scatter [tilespmem:s17], [sflag:$0x3], $0x4000, $0x38;
	[tilespmem:$0x1E800] =	vst v63  }
0x27: {  	_ =	swait.ge [sflag:s18], $0x4000  }
0x28: {  	[sflag:s18] =	ssyncset.done $0x0  }
0x29: {  	[sflag:s18] =	ssyncadd.s32 $0xFFFFC000  }
0x2a: {  	[spmem:s12] =	stream.linear.scatter [tilespmem:s17], [sflag:$0x3], $0x4000, $0x38;
	[tilespmem:$0x1E800] =	vst v63  }
0x2b: {  	_ =	swait.ge [sflag:s18], $0x4000  }
0x2c: {  	[sflag:s18] =	ssyncset.done $0x0  }
0x2d: {  	[sflag:s18] =	ssyncadd.s32 $0xFFFFC000  }
0x2e: {  	_ =	swait.ge [sflag:s19], $0x1400  }
0x2f: {  	[sflag:s19] =	ssyncset.done $0x0  }
0x30: {  	[sflag:s19] =	ssyncadd.s32 $0xFFFFEC00  }
0x31: {  	_ =	swait.ge [sflag:s20], $0x1400  }
0x32: {  	[sflag:s20] =	ssyncset.done $0x0  }
0x33: {  	[sflag:s20] =	ssyncadd.s32 $0xFFFFEC00  }
0x34: {  	[bflag:$0x0] =	sbarrier.arrive $0xFFFF  }
0x35: {  	[tilespmem:s22], [sflag:$0x1] =	stream.indirect.gather [hbm4b:s4+s21], $0x80, s2, s21, $0xb8;
	[tilespmem:$0x1E800] =	vst v63  }
0x36: {  	_ = 	snop  }
0x37: {  	[tilespmem:s23], [sflag:$0x1] =	stream.indirect.gather [hbm4b:s4+s21], $0x80, s21, s21, $0xb8;
	[tilespmem:$0x1E800] =	vst v63  }
0x38: {  	_ =	swait.ge [sflag:s19], $0x2000  }
0x39: {  	[sflag:s19] =	ssyncset.done $0x0  }
0x3a: {  	[sflag:s19] =	ssyncadd.s32 $0xFFFFE000  }
0x3b: {  	_ =	swait.ge [sflag:s19], $0x2000  }
0x3c: {  	[sflag:s19] =	ssyncset.done $0x0  }
0x3d: {  	s29 =	simm.s32 $0x80;
	[sflag:s19] =	ssyncadd.s32 $0xFFFFE000  }
0x3e: {  	[tilespmem:s17], [sflag:$0x2] =	stream.indirect.gather [hbm4b:s4+s21], $0x80, s29, s21, $0xb8;
	[tilespmem:$0x1E800] =	vst v63  }
0x3f: {  	s29 =	simm.s32 $0xC0  }
0x40: {  	[tilespmem:s24], [sflag:$0x2] =	stream.indirect.gather [hbm4b:s4+s21], $0x80, s29, s21, $0xb8;
	[tilespmem:$0x1E800] =	vst v63  }
0x41: {  	_ = 	snop  }
0x42: {  	[spmem:s1] =	stream.indirect.scatter.add.f32 [tilespmem:s22], [sflag:$0x3], $0x80, s28, s25, $0xb8;
	[tilespmem:$0x1E800] =	vst v63  }
0x43: {  	s30 =	smin.u32 s2, $0x24;
	_ =	swait.ge [sflag:s18], $0x4000  }
0x44: {  	s30 =	sshll.u32 s30, $0x7;
	[sflag:s18] =	ssyncset.done $0x0  }
0x45: {  	s31 =	sadd.s32 $0x100, s30;
	[sflag:s18] =	ssyncadd.s32 $0xFFFFC000  }
0x46: {  	[tilespmem:s22], [sflag:$0x1] =	stream.indirect.gather [hbm4b:s4+s21], $0x80, s31, s21, $0xb8;
	[tilespmem:$0x1E800] =	vst v63  }
0x47: {  	s30 =	sadd.s32 $0x140, s30  }
0x48: {  	[tilespmem:s23], [sflag:$0x1] =	stream.indirect.gather [hbm4b:s4+s21], $0x80, s30, s21, $0xb8;
	[tilespmem:$0x1E800] =	vst v63  }
0x49: {  	_ =	swait.ge [sflag:s20], $0x2000  }
0x4a: {  	[sflag:s20] =	ssyncset.done $0x0  }
0x4b: {  	[sflag:s20] =	ssyncadd.s32 $0xFFFFE000  }
0x4c: {  	_ =	swait.ge [sflag:s20], $0x2000  }
0x4d: {  	[sflag:s20] =	ssyncset.done $0x0  }
0x4e: {  	s30 =	simm.s32 $0x1480;
	[sflag:s20] =	ssyncadd.s32 $0xFFFFE000  }
0x4f: {  	[spmem:s1] =	stream.indirect.scatter.add.f32 [tilespmem:s17], [sflag:$0x3], $0x80, s30, s25, $0xb8;
	[tilespmem:$0x1E800] =	vst v63  }
0x50: {  	_ =	swait.ge [sflag:s18], $0x4000  }
0x51: {  	s30 =	simm.s32 $0x2;
	[sflag:s18] =	ssyncset.done $0x0  }
.LBB2_2:
0x52: {  	[sflag:s18] =	ssyncadd.s32 $0xFFFFC000  }
0x53: {  	s28 =	sadd.s32 $0x100, s28;
	s29 =	sadd.s32 $0x100, s29;
	s31 =	smov.u32 s30  }
0x54: {  	p0 =	sne.s32 s30, $0x26;
	s30 =	sadd.s32 $0x2, s30;
	_ =	swait.ge [sflag:s19], $0x2000  }
0x55: {  	[sflag:s19] =	ssyncset.done $0x0  }
0x56: {  	[sflag:s19] =	ssyncadd.s32 $0xFFFFE000  }
0x57: {  	_ =	swait.ge [sflag:s19], $0x2000  }
0x58: {  	[sflag:s19] =	ssyncset.done $0x0  }
0x59: {  	s0 =	sadd.s32 $0xFFFFFFC0, s29;
	[sflag:s19] =	ssyncadd.s32 $0xFFFFE000  }
0x5a: {  	[tilespmem:s17], [sflag:$0x2] =	stream.indirect.gather [hbm4b:s4+s21], $0x80, s0, s21, $0xb8;
	[tilespmem:$0x1E800] =	vst v63  }
0x5b: {  	_ = 	snop  }
0x5c: {  	[tilespmem:s24], [sflag:$0x2] =	stream.indirect.gather [hbm4b:s4+s21], $0x80, s29, s21, $0xb8;
	[tilespmem:$0x1E800] =	vst v63  }
0x5d: {  	_ = 	snop  }
0x5e: {  	[spmem:s1] =	stream.indirect.scatter.add.f32 [tilespmem:s22], [sflag:$0x3], $0x80, s28, s25, $0xb8;
	[tilespmem:$0x1E800] =	vst v63  }
0x5f: {  	s0 =	smin.u32 s31, $0x24;
	_ =	swait.ge [sflag:s18], $0x4000  }
0x60: {  	s0 =	sshll.u32 s0, $0x7;
	[sflag:s18] =	ssyncset.done $0x0  }
0x61: {  	s31 =	sadd.s32 $0x100, s0;
	[sflag:s18] =	ssyncadd.s32 $0xFFFFC000  }
0x62: {  	[tilespmem:s22], [sflag:$0x1] =	stream.indirect.gather [hbm4b:s4+s21], $0x80, s31, s21, $0xb8;
	[tilespmem:$0x1E800] =	vst v63  }
0x63: {  	s0 =	sadd.s32 $0x140, s0  }
0x64: {  	[tilespmem:s23], [sflag:$0x1] =	stream.indirect.gather [hbm4b:s4+s21], $0x80, s0, s21, $0xb8;
	[tilespmem:$0x1E800] =	vst v63  }
0x65: {  	_ =	swait.ge [sflag:s20], $0x2000  }
0x66: {  	[sflag:s20] =	ssyncset.done $0x0  }
0x67: {  	[sflag:s20] =	ssyncadd.s32 $0xFFFFE000  }
0x68: {  	_ =	swait.ge [sflag:s20], $0x2000  }
.Ltmp0:
0x69: {  	[sflag:s20] =	ssyncset.done $0x0;
	(pc) =	sbr.rel @p0 .LBB2_2-.Ltmp0, $4  }
0x6a: {  	s0 =	sadd.s32 $0x80, s28;
	[sflag:s20] =	ssyncadd.s32 $0xFFFFE000  }
0x6b: {  	[spmem:s1] =	stream.indirect.scatter.add.f32 [tilespmem:s17], [sflag:$0x3], $0x80, s0, s25, $0xb8;
	[tilespmem:$0x1E800] =	vst v63  }
0x6c: {  	_ =	swait.ge [sflag:s18], $0x4000  }
0x6d: {  	[sflag:s18] =	ssyncset.done $0x0  }
0x6e: {  	[sflag:s18] =	ssyncadd.s32 $0xFFFFC000  }
0x6f: {  	_ =	swait.ge [sflag:s19], $0x2000  }
0x70: {  	[sflag:s19] =	ssyncset.done $0x0  }
0x71: {  	[sflag:s19] =	ssyncadd.s32 $0xFFFFE000  }
0x72: {  	_ =	swait.ge [sflag:s19], $0x2000  }
0x73: {  	[sflag:s19] =	ssyncset.done $0x0  }
0x74: {  	s0 =	simm.s32 $0x0;
	[sflag:s19] =	ssyncadd.s32 $0xFFFFE000  }
0x75: {  	[tilespmem:s0], [sflag:$0x3] =	stream.linear.gather [hbm4b:s13+s0], $0x1400, $0x38;
	[tilespmem:$0x1E800] =	vst v63  }
0x76: {  	_ =	swait.ge [sflag:s18], $0x1400  }
0x77: {  	[sflag:s18] =	ssyncset.done $0x0  }
0x78: {  	s28 =	simm.s32 $0x1400;
	[sflag:s18] =	ssyncadd.s32 $0xFFFFEC00  }
0x79: {  	[tilespmem:s28], [sflag:$0x3] =	stream.linear.gather [hbm4b:s14+s0], $0x1400, $0x38;
	[tilespmem:$0x1E800] =	vst v63  }
0x7a: {  	_ =	swait.ge [sflag:s18], $0x1400  }
0x7b: {  	[sflag:s18] =	ssyncset.done $0x0  }
0x7c: {  	[sflag:s18] =	ssyncadd.s32 $0xFFFFEC00  }
0x7d: {  	[tilespmem:s22], [sflag:$0x1] =	stream.indirect.gather [hbm4b:s4+s21], $0x80, s0, s21, $0xb8;
	[tilespmem:$0x1E800] =	vst v63  }
0x7e: {  	_ = 	snop  }
0x7f: {  	[tilespmem:s23], [sflag:$0x1] =	stream.indirect.gather [hbm4b:s4+s21], $0x80, s21, s21, $0xb8;
	[tilespmem:$0x1E800] =	vst v63  }
0x80: {  	_ =	swait.ge [sflag:s19], $0x2000  }
0x81: {  	[sflag:s19] =	ssyncset.done $0x0  }
0x82: {  	[sflag:s19] =	ssyncadd.s32 $0xFFFFE000  }
0x83: {  	_ =	swait.ge [sflag:s19], $0x2000  }
0x84: {  	[sflag:s19] =	ssyncset.done $0x0  }
0x85: {  	s29 =	simm.s32 $0x80;
	[sflag:s19] =	ssyncadd.s32 $0xFFFFE000  }
0x86: {  	[tilespmem:s17], [sflag:$0x2] =	stream.indirect.gather [hbm4b:s4+s21], $0x80, s29, s21, $0xb8;
	[tilespmem:$0x1E800] =	vst v63  }
0x87: {  	s29 =	simm.s32 $0xC0  }
0x88: {  	[tilespmem:s24], [sflag:$0x2] =	stream.indirect.gather [hbm4b:s4+s21], $0x80, s29, s21, $0xb8;
	[tilespmem:$0x1E800] =	vst v63  }
0x89: {  	_ = 	snop  }
0x8a: {  	[spmem:s1] =	stream.indirect.scatter.add.f32 [tilespmem:s22], [sflag:$0x3], $0x80, s28, s25, $0xb8;
	[tilespmem:$0x1E800] =	vst v63  }
0x8b: {  	s0 =	smin.u32 s0, $0x24;
	_ =	swait.ge [sflag:s18], $0x4000  }
0x8c: {  	s0 =	sshll.u32 s0, $0x7;
	[sflag:s18] =	ssyncset.done $0x0  }
0x8d: {  	s30 =	sadd.s32 $0x100, s0;
	[sflag:s18] =	ssyncadd.s32 $0xFFFFC000  }
0x8e: {  	[tilespmem:s22], [sflag:$0x1] =	stream.indirect.gather [hbm4b:s4+s21], $0x80, s30, s21, $0xb8;
	[tilespmem:$0x1E800] =	vst v63  }
0x8f: {  	s0 =	sadd.s32 $0x140, s0  }
0x90: {  	[tilespmem:s23], [sflag:$0x1] =	stream.indirect.gather [hbm4b:s4+s21], $0x80, s0, s21, $0xb8;
	[tilespmem:$0x1E800] =	vst v63  }
0x91: {  	_ =	swait.ge [sflag:s20], $0x2000  }
0x92: {  	[sflag:s20] =	ssyncset.done $0x0  }
0x93: {  	[sflag:s20] =	ssyncadd.s32 $0xFFFFE000  }
0x94: {  	_ =	swait.ge [sflag:s20], $0x2000  }
0x95: {  	[sflag:s20] =	ssyncset.done $0x0  }
0x96: {  	s31 =	simm.s32 $0x1480;
	[sflag:s20] =	ssyncadd.s32 $0xFFFFE000  }
0x97: {  	[spmem:s1] =	stream.indirect.scatter.add.f32 [tilespmem:s17], [sflag:$0x3], $0x80, s31, s25, $0xb8;
	[tilespmem:$0x1E800] =	vst v63  }
0x98: {  	_ =	swait.ge [sflag:s18], $0x4000  }
0x99: {  	s30 =	simm.s32 $0x2;
	[sflag:s18] =	ssyncset.done $0x0  }
.LBB2_4:
0x9a: {  	[sflag:s18] =	ssyncadd.s32 $0xFFFFC000  }
0x9b: {  	s28 =	sadd.s32 $0x100, s28;
	s29 =	sadd.s32 $0x100, s29;
	s0 =	smov.u32 s30  }
0x9c: {  	p0 =	sne.s32 s30, $0x26;
	s30 =	sadd.s32 $0x2, s30;
	_ =	swait.ge [sflag:s19], $0x2000  }
0x9d: {  	[sflag:s19] =	ssyncset.done $0x0  }
0x9e: {  	[sflag:s19] =	ssyncadd.s32 $0xFFFFE000  }
0x9f: {  	_ =	swait.ge [sflag:s19], $0x2000  }
0xa0: {  	[sflag:s19] =	ssyncset.done $0x0  }
0xa1: {  	s31 =	sadd.s32 $0xFFFFFFC0, s29;
	[sflag:s19] =	ssyncadd.s32 $0xFFFFE000  }
0xa2: {  	[tilespmem:s17], [sflag:$0x2] =	stream.indirect.gather [hbm4b:s4+s21], $0x80, s31, s21, $0xb8;
	[tilespmem:$0x1E800] =	vst v63  }
0xa3: {  	_ = 	snop  }
0xa4: {  	[tilespmem:s24], [sflag:$0x2] =	stream.indirect.gather [hbm4b:s4+s21], $0x80, s29, s21, $0xb8;
	[tilespmem:$0x1E800] =	vst v63  }
0xa5: {  	_ = 	snop  }
0xa6: {  	[spmem:s1] =	stream.indirect.scatter.add.f32 [tilespmem:s22], [sflag:$0x3], $0x80, s28, s25, $0xb8;
	[tilespmem:$0x1E800] =	vst v63  }
0xa7: {  	s0 =	smin.u32 s0, $0x24;
	_ =	swait.ge [sflag:s18], $0x4000  }
0xa8: {  	s0 =	sshll.u32 s0, $0x7;
	[sflag:s18] =	ssyncset.done $0x0  }
0xa9: {  	s31 =	sadd.s32 $0x100, s0;
	[sflag:s18] =	ssyncadd.s32 $0xFFFFC000  }
0xaa: {  	[tilespmem:s22], [sflag:$0x1] =	stream.indirect.gather [hbm4b:s4+s21], $0x80, s31, s21, $0xb8;
	[tilespmem:$0x1E800] =	vst v63  }
0xab: {  	s0 =	sadd.s32 $0x140, s0  }
0xac: {  	[tilespmem:s23], [sflag:$0x1] =	stream.indirect.gather [hbm4b:s4+s21], $0x80, s0, s21, $0xb8;
	[tilespmem:$0x1E800] =	vst v63  }
0xad: {  	_ =	swait.ge [sflag:s20], $0x2000  }
0xae: {  	[sflag:s20] =	ssyncset.done $0x0  }
0xaf: {  	[sflag:s20] =	ssyncadd.s32 $0xFFFFE000  }
0xb0: {  	_ =	swait.ge [sflag:s20], $0x2000  }
.Ltmp1:
0xb1: {  	[sflag:s20] =	ssyncset.done $0x0;
	(pc) =	sbr.rel @p0 .LBB2_4-.Ltmp1, $4  }
0xb2: {  	s0 =	sadd.s32 $0x80, s28;
	[sflag:s20] =	ssyncadd.s32 $0xFFFFE000  }
0xb3: {  	[spmem:s1] =	stream.indirect.scatter.add.f32 [tilespmem:s17], [sflag:$0x3], $0x80, s0, s25, $0xb8;
	[tilespmem:$0x1E800] =	vst v63  }
0xb4: {  	_ =	swait.ge [sflag:s18], $0x4000  }
0xb5: {  	[sflag:s18] =	ssyncset.done $0x0  }
0xb6: {  	[sflag:s18] =	ssyncadd.s32 $0xFFFFC000  }
0xb7: {  	_ =	swait.ge [sflag:s19], $0x2000  }
0xb8: {  	[sflag:s19] =	ssyncset.done $0x0  }
0xb9: {  	[sflag:s19] =	ssyncadd.s32 $0xFFFFE000  }
0xba: {  	_ =	swait.ge [sflag:s19], $0x2000  }
0xbb: {  	s0 =	sshll.u32 s3, $0x6;
	s26 =	sadd.s32 $0x1, s26;
	[sflag:s19] =	ssyncset.done $0x0  }
0xbc: {  	s28 =	sshrl.u32 s6, $0x3;
	p0 =	sne.s32 s26, s16;
	[sflag:s19] =	ssyncadd.s32 $0xFFFFE000  }
.Ltmp2:
0xbd: {  	s0 =	sor.u32 $0x1C03, s0;
	[bflag:$0x0] =	sbarrier.arrive $0xFFFF;
	(pc) =	sbr.rel @p0 .LBB2_1-.Ltmp2, $4  }
0xbe: {  	[hbm:s15], [sflag:s0] =	dma.local [spmem:s28], $0x2800  }
0xbf: {  	_ =	swait.ge [sflag:s18], $0x2800  }
0xc0: {  	[sflag:s18] =	ssyncset.done $0x0  }
0xc1: {  	[sflag:s18] =	ssyncadd.s32 $0xFFFFD800  }
0xc2: {  	_ =	sfence.sel $0x180000  }
0xc3: {  	[bflag:$0x0] =	sbarrier.arrive $0xFFFF  }
0xc4: {  	_ =	strace $0x90000053  }
0xc5: {  	[bflag:$0x2] =	sbarrier.arrive $0xFFFF  }
0xc6: {  	p0 =	sne.s32 s3, $0x0;
	s0 =	rddreg [dreg:$0x2]  }
0xc7: {  	s0 =	sadd.s32 @!p0 $0x100000, s0  }
0xc8: {  	[sflag:s0] =	ssyncadd.tile.s32 @!p0 $0x1;
	_ =	shalt  }
.Lfunc_end2:
_tile_overlayer_lowered:
.L_overlay_start_2:
0xc9: {  	(tag) =	ssettag $0x2  }
0xca: {  	s0 =	rddreg [dreg:$0x0];
	s2 =	stileid.u32  }
0xcb: {  	s1 =	rddreg [dreg:$0x1];
	p0 =	sne.s32 s2, $0x0  }
0xcc: {  	s3 =	rddreg [dreg:$0x2];
	[bflag:$0x3] =	sbarrier.arrive $0xFFFF;
	s2 =	simm.s32 @!p0 $0x1C03  }
0xcd: {  	[timem:s3], [sflag:s2] =	dma.local @!p0 [hbm:s0], s1  }
0xce: {  	s0 =	simm.s32 @!p0 $0x3  }
0xcf: {  	_ =	swait.ge @!p0 [sflag:s0], s1  }
0xd0: {  	s1 =	ssub.s32 @!p0 $0x0, s1;
	[sflag:s0] =	ssyncset.done @!p0 $0x0  }
0xd1: {  	[sflag:s0] =	ssyncadd.s32 @!p0 s1  }
0xd2: {  	[bflag:$0x3] =	sbarrier.arrive $0xFFFF  }
0xd3: {  	_ =	shalt  }

</sc_bundles>
